<compile_context>
chip_gen: v7x
topology: tpu7x:2x2x1
jax: 0.10.2.dev20260603
libtpu: 0.0.44.dev20260713+nightly
codegen_flags: <defaults>
</compile_context>

<pallas_src>
import jax
import jax.numpy as jnp
from jax import lax
from jax.experimental import pallas as pl
from jax.experimental.pallas import tpu as pltpu
from jax.experimental.pallas import tpu_sc as plsc

_N = 10000
_D = 128
_E = 320000
_NP = 10240
_K = 80
_EPS = 1e-5
_NC = 2
_NS = 16
_ROWS = _NP // _NS
_R = 400
_GRID = _N // _R
_LAYERS = 2
_PROT_LEN = 2000


def _sc_mesh():
    return plsc.VectorSubcoreMesh(core_axis_name="c", subcore_axis_name="s")


_PT = _E // (_NC * _NS)
_NB = _PT // _K


def _hist_body(ks, kd, rs, rd, ss, sd, ones1, zeros1, out,
               h0, h1, h2, h3, h4, h5, ones_v,
               i0, i1, i2, i3, i4, i5):
    c = lax.axis_index("c")
    s = lax.axis_index("s")
    hists = (h0, h1, h2, h3, h4, h5)
    arrs = (ks, kd, rs, rd, ss, sd)
    idxs = (i0, i1, i2, i3, i4, i5)

    pltpu.sync_copy(ones1, ones_v)
    base = c * (_E // _NC) + s * _PT
    for a in range(6):
        pltpu.sync_copy(zeros1, hists[a].at[pl.ds(s * _ROWS, _ROWS)])
        pltpu.sync_copy(arrs[a].at[pl.ds(base, _PT)], idxs[a])
    plsc.subcore_barrier()

    def body(b, carry):
        for a in range(6):
            pltpu.sync_copy(
                ones_v, hists[a].at[idxs[a].at[pl.ds(b * _K, _K)]],
                add=True)
        return carry

    lax.fori_loop(0, _NB, body, 0)
    plsc.subcore_barrier()

    for a in range(6):
        pltpu.sync_copy(hists[a].at[pl.ds(s * _ROWS, _ROWS)],
                        out.at[c, a, pl.ds(s * _ROWS, _ROWS)])


def _sc_histograms(ks, kd, rs, rd, ss, sd):
    kern = pl.kernel(
        _hist_body,
        out_type=jax.ShapeDtypeStruct((_NC, 6, _NP), jnp.float32),
        mesh=_sc_mesh(),
        scratch_types=[
            pltpu.VMEM_SHARED((_NP,), jnp.float32),
            pltpu.VMEM_SHARED((_NP,), jnp.float32),
            pltpu.VMEM_SHARED((_NP,), jnp.float32),
            pltpu.VMEM_SHARED((_NP,), jnp.float32),
            pltpu.VMEM_SHARED((_NP,), jnp.float32),
            pltpu.VMEM_SHARED((_NP,), jnp.float32),
            pltpu.VMEM((_K,), jnp.float32),
            pltpu.VMEM((_PT,), jnp.int32),
            pltpu.VMEM((_PT,), jnp.int32),
            pltpu.VMEM((_PT,), jnp.int32),
            pltpu.VMEM((_PT,), jnp.int32),
            pltpu.VMEM((_PT,), jnp.int32),
            pltpu.VMEM((_PT,), jnp.int32),
        ],
    )
    return kern(ks, kd, rs, rd, ss, sd,
                jnp.ones((_K,), jnp.float32),
                jnp.zeros((_ROWS,), jnp.float32))


def _agg_body(z3, ks, kd, rs, rd, ss, sd, zeros128, out,
              acc, r0, r1, sidx, didx, gsem0, gsem1, ssem0, ssem1):
    c = lax.axis_index("c")
    s = lax.axis_index("s")
    arrs = ((ks, kd), (rs, rd), (ss, sd))

    for et in range(3):
        src_arr, dst_arr = arrs[et]
        zc = z3.at[et]

        def gather(b, buf, sem):
            pltpu.async_copy(zc.at[sidx.at[pl.ds(b * _K, _K)]], buf, sem)

        def scatter(b, buf, sem):
            pltpu.async_copy(buf, acc.at[didx.at[pl.ds(b * _K, _K)]],
                             sem, add=True)

        def drain(sem, buf):
            pltpu.make_async_copy(zc.at[pl.ds(0, _K)], buf, sem).wait()

        pltpu.sync_copy(zeros128, acc.at[pl.ds(s * _ROWS, _ROWS)])
        base = c * (_E // _NC) + s * _PT
        pltpu.sync_copy(src_arr.at[pl.ds(base, _PT)], sidx)
        pltpu.sync_copy(dst_arr.at[pl.ds(base, _PT)], didx)
        plsc.subcore_barrier()

        gather(0, r0, gsem0)
        gather(1, r1, gsem1)

        def outer(i, carry):
            a = 2 * i
            drain(gsem0, r0)
            scatter(a, r0, ssem0)
            drain(gsem1, r1)
            scatter(a + 1, r1, ssem1)
            drain(ssem0, r0)

            @pl.when(a + 2 < _NB)
            def _():
                gather(a + 2, r0, gsem0)

            drain(ssem1, r1)

            @pl.when(a + 3 < _NB)
            def _():
                gather(a + 3, r1, gsem1)

            return carry

        lax.fori_loop(0, _NB // 2, outer, 0)
        drain(gsem0, r0)
        scatter(_NB - 1, r0, ssem0)
        drain(ssem0, r0)
        plsc.subcore_barrier()

        pltpu.sync_copy(acc.at[pl.ds(s * _ROWS, _ROWS)],
                        out.at[c, et, pl.ds(s * _ROWS, _ROWS)])
        plsc.subcore_barrier()


def _sc_aggregate(z3, ks, kd, rs, rd, ss, sd):
    kern = pl.kernel(
        _agg_body,
        out_type=jax.ShapeDtypeStruct((_NC, 3, _NP, _D), jnp.float32),
        mesh=_sc_mesh(),
        scratch_types=[
            pltpu.VMEM_SHARED((_NP, _D), jnp.float32),
            pltpu.VMEM((_K, _D), jnp.float32),
            pltpu.VMEM((_K, _D), jnp.float32),
            pltpu.VMEM((_PT,), jnp.int32),
            pltpu.VMEM((_PT,), jnp.int32),
            pltpu.SemaphoreType.DMA,
            pltpu.SemaphoreType.DMA,
            pltpu.SemaphoreType.DMA,
            pltpu.SemaphoreType.DMA,
        ],
    )
    return kern(z3, ks, kd, rs, rd, ss, sd,
                jnp.zeros((_ROWS, _D), jnp.float32))


def _norms_kernel(hist):
    def body(h_ref, o_ref):
        h = h_ref[...]
        deg = h[0] + h[1]
        o_ref[...] = lax.rsqrt(jnp.maximum(deg, 1.0))

    return pl.pallas_call(
        body,
        out_shape=jax.ShapeDtypeStruct((6, _NP), jnp.float32),
    )(hist)


def _z_kernel(h, norms_t, w):
    def body(h_ref, n_ref, w_ref, z_ref):
        hb = h_ref[...]
        for et in range(3):
            ns = n_ref[:, 2 * et:2 * et + 1]
            z_ref[et] = jnp.dot(hb * ns, w_ref[et],
                                precision=lax.Precision.HIGHEST,
                                preferred_element_type=jnp.float32)

    return pl.pallas_call(
        body,
        grid=(_GRID,),
        in_specs=[
            pl.BlockSpec((_R, _D), lambda i: (i, 0)),
            pl.BlockSpec((_R, 6), lambda i: (i, 0)),
            pl.BlockSpec((3, _D, _D), lambda i: (0, 0, 0)),
        ],
        out_specs=pl.BlockSpec((3, _R, _D), lambda i: (0, i, 0)),
        out_shape=jax.ShapeDtypeStruct((3, _N, _D), jnp.float32),
    )(h, norms_t, w)


def _combine_kernel(acc, norms_t, bsum):
    def body(a_ref, n_ref, b_ref, o_ref, st_ref):
        i = pl.program_id(0)
        a = a_ref[...]
        tot = jnp.zeros((_R, _D), jnp.float32)
        for et in range(3):
            nd = n_ref[:, 2 * et + 1:2 * et + 2]
            tot = tot + (a[0, et] + a[1, et]) * nd
        tot = tot + b_ref[...]
        o_ref[...] = tot
        colsum = jnp.sum(tot, axis=0)
        colsq = jnp.sum(tot * tot, axis=0)
        upd = jnp.concatenate(
            [colsum[None], colsq[None], jnp.zeros((6, _D), jnp.float32)], 0)

        @pl.when(i == 0)
        def _():
            st_ref[...] = upd

        @pl.when(i != 0)
        def _():
            st_ref[...] = st_ref[...] + upd

    return pl.pallas_call(
        body,
        grid=(_GRID,),
        in_specs=[
            pl.BlockSpec((_NC, 3, _R, _D), lambda i: (0, 0, i, 0)),
            pl.BlockSpec((_R, 6), lambda i: (i, 0)),
            pl.BlockSpec((1, _D), lambda i: (0, 0)),
        ],
        out_specs=[
            pl.BlockSpec((_R, _D), lambda i: (i, 0)),
            pl.BlockSpec((8, _D), lambda i: (0, 0)),
        ],
        out_shape=[
            jax.ShapeDtypeStruct((_N, _D), jnp.float32),
            jax.ShapeDtypeStruct((8, _D), jnp.float32),
        ],
    )(acc, norms_t, bsum)


def _bnfc_kernel(x, stats, gamma, beta, fcw, fcb):
    def body(x_ref, st_ref, g_ref, be_ref, w_ref, b_ref, o_ref):
        xb = x_ref[...]
        mean = st_ref[0:1, :] * (1.0 / _N)
        ex2 = st_ref[1:2, :] * (1.0 / _N)
        var = ex2 - mean * mean
        xn = (xb - mean) * lax.rsqrt(var + _EPS) * g_ref[...] + be_ref[...]
        r = jnp.maximum(xn, 0.0)
        o_ref[...] = jnp.dot(r, w_ref[...],
                             precision=lax.Precision.HIGHEST,
                             preferred_element_type=jnp.float32) + b_ref[...]

    return pl.pallas_call(
        body,
        grid=(_GRID,),
        in_specs=[
            pl.BlockSpec((_R, _D), lambda i: (i, 0)),
            pl.BlockSpec((8, _D), lambda i: (0, 0)),
            pl.BlockSpec((1, _D), lambda i: (0, 0)),
            pl.BlockSpec((1, _D), lambda i: (0, 0)),
            pl.BlockSpec((_D, _D), lambda i: (0, 0)),
            pl.BlockSpec((1, _D), lambda i: (0, 0)),
        ],
        out_specs=pl.BlockSpec((_R, _D), lambda i: (i, 0)),
        out_shape=jax.ShapeDtypeStruct((_N, _D), jnp.float32),
    )(x, stats, gamma, beta, fcw, fcb)


def kernel(x, edge_knn, edge_rsphere, edge_seq, params):
    ek = edge_knn.astype(jnp.int32)
    er = edge_rsphere.astype(jnp.int32)
    es = edge_seq.astype(jnp.int32)
    ks, kd = ek[0], ek[1]
    rs, rd = er[0], er[1]
    ss, sd = es[0], es[1]

    hist = _sc_histograms(ks, kd, rs, rd, ss, sd)
    norms_t = _norms_kernel(hist).T

    h = x
    for i in range(_LAYERS):
        lp = params["layer%d" % i]
        w = jnp.stack([lp["knn_W"], lp["rsphere_W"], lp["seq_W"]])
        bsum = (lp["knn_b"] + lp["rsphere_b"] + lp["seq_b"]).reshape(1, _D)
        z = _z_kernel(h, norms_t, w)
        acc = _sc_aggregate(z, ks, kd, rs, rd, ss, sd)
        out, stats = _combine_kernel(acc, norms_t, bsum)
        h = _bnfc_kernel(out, stats,
                         lp["bn_gamma"].reshape(1, _D),
                         lp["bn_beta"].reshape(1, _D),
                         lp["fc_W"],
                         lp["fc_b"].reshape(1, _D))
    return h.reshape(-1, _PROT_LEN, _D)

# --- scband reference (transcript-rebuilt; emitter-appended) ---
"""Pipeline reference for scband-protein-gcn-32014686224487 (READ-ONLY COPY).

The authoritative reference and input builder live on the scoring server;
editing this copy changes nothing except your own understanding.
"""

import jax, jax.numpy as jnp
import numpy as np

N = 10000
E = 320000
D = 128
NUM_LAYERS = 2
PROT_LEN = 2000
EPS = 1e-5
ETYPES = ['knn', 'rsphere', 'seq']


def _make_params(key):
    params = {}
    for i in range(NUM_LAYERS):
        lp = {}
        for et in ETYPES:
            key, k1 = jax.random.split(key)
            lp[et + '_W'] = jax.random.normal(k1, (D, D), jnp.float32) * 0.05
            lp[et + '_b'] = jnp.zeros((D,), jnp.float32)
        lp['bn_gamma'] = jnp.ones((D,), jnp.float32)
        lp['bn_beta'] = jnp.zeros((D,), jnp.float32)
        key, k2 = jax.random.split(key)
        lp['fc_W'] = jax.random.normal(k2, (D, D), jnp.float32) * 0.05
        lp['fc_b'] = jnp.zeros((D,), jnp.float32)
        params['layer%d' % i] = lp
    return params


def setup_inputs(seed: int = 0):
    key = jax.random.key(seed)
    k0, k1, k2, k3, k4 = jax.random.split(key, 5)
    x = jax.random.normal(k0, (N, D), jnp.float32)
    edge_knn = jax.random.randint(k1, (2, E), 0, N)
    edge_rsphere = jax.random.randint(k2, (2, E), 0, N)
    edge_seq = jax.random.randint(k3, (2, E), 0, N)
    params = _make_params(k4)
    return {'x': x, 'edge_knn': edge_knn, 'edge_rsphere': edge_rsphere,
            'edge_seq': edge_seq, 'params': params}


def _graph_conv(h, src, dst, W, b):
    # DGL GraphConv with norm='both': D_dst^{-1/2} A D_src^{-1/2} h W + b
    n = h.shape[0]
    deg_out = jnp.zeros((n,), h.dtype).at[src].add(1.0)
    deg_in = jnp.zeros((n,), h.dtype).at[dst].add(1.0)
    norm_src = jax.lax.rsqrt(jnp.maximum(deg_out, 1.0))
    norm_dst = jax.lax.rsqrt(jnp.maximum(deg_in, 1.0))
    hs = h * norm_src[:, None]
    agg = jnp.zeros_like(h).at[dst].add(hs[src])
    agg = agg * norm_dst[:, None]
    return agg @ W + b


def _batch_norm(h, gamma, beta):
    mean = jnp.mean(h, axis=0)
    var = jnp.mean((h - mean) ** 2, axis=0)
    return (h - mean) * jax.lax.rsqrt(var + EPS) * gamma + beta


def _forward(x, edges, params):
    h = x
    for i in range(NUM_LAYERS):
        lp = params['layer%d' % i]
        out = jnp.zeros_like(h)
        for et in ETYPES:
            src = edges[et][0]
            dst = edges[et][1]
            out = out + _graph_conv(h, src, dst, lp[et + '_W'], lp[et + '_b'])
        h = _batch_norm(out, lp['bn_gamma'], lp['bn_beta'])
        h = jax.nn.relu(h)
        h = h @ lp['fc_W'] + lp['fc_b']
    return h.reshape(-1, PROT_LEN, D)


def reference(x, edge_knn, edge_rsphere, edge_seq, params):
    edges = {'knn': edge_knn, 'rsphere': edge_rsphere, 'seq': edge_seq}
    return _forward(x, edges, params)

if __name__ == "__main__":
    import jax
    _d = setup_inputs()
    print(jax.jit(kernel)(*tuple(_d.values())))

</pallas_src>

<mosaic_0001>
#map = affine_map<(d0, d1) -> (0)>
#map1 = affine_map<(d0, d1) -> (0, 0, 0)>
module attributes {stable_mosaic.version = 14 : i64} {
  func.func @_hist_body(%arg0: i32, %arg1: i32, %arg2: memref<320000xi32, #tpu.memory_space<hbm>>, %arg3: memref<320000xi32, #tpu.memory_space<hbm>>, %arg4: memref<320000xi32, #tpu.memory_space<hbm>>, %arg5: memref<320000xi32, #tpu.memory_space<hbm>>, %arg6: memref<320000xi32, #tpu.memory_space<hbm>>, %arg7: memref<320000xi32, #tpu.memory_space<hbm>>, %arg8: memref<80xf32, #tpu.memory_space<hbm>>, %arg9: memref<640xf32, #tpu.memory_space<hbm>>, %arg10: memref<2x6x10240xf32, #tpu.memory_space<hbm>>, %arg11: memref<10240xf32, #tpu.memory_space<vmem_shared>>, %arg12: memref<10240xf32, #tpu.memory_space<vmem_shared>>, %arg13: memref<10240xf32, #tpu.memory_space<vmem_shared>>, %arg14: memref<10240xf32, #tpu.memory_space<vmem_shared>>, %arg15: memref<10240xf32, #tpu.memory_space<vmem_shared>>, %arg16: memref<10240xf32, #tpu.memory_space<vmem_shared>>, %arg17: memref<80xf32, #tpu.memory_space<vmem>>, %arg18: memref<10000xi32, #tpu.memory_space<vmem>>, %arg19: memref<10000xi32, #tpu.memory_space<vmem>>, %arg20: memref<10000xi32, #tpu.memory_space<vmem>>, %arg21: memref<10000xi32, #tpu.memory_space<vmem>>, %arg22: memref<10000xi32, #tpu.memory_space<vmem>>, %arg23: memref<10000xi32, #tpu.memory_space<vmem>>) attributes {dimension_semantics = [#tpu.dimension_semantics<core_parallel>, #tpu.dimension_semantics<subcore_parallel>], iteration_bounds = array<i64: 2, 16>, scalar_prefetch = 0 : i64, scratch_operands = 13 : i64, tpu.core_type = #tpu.core_type<sc_vector_subcore>, window_params = [{transform_indices = #map}, {transform_indices = #map}, {transform_indices = #map}, {transform_indices = #map}, {transform_indices = #map}, {transform_indices = #map}, {transform_indices = #map}, {transform_indices = #map}, {transform_indices = #map1}]} {
    "tpu.region"() ({
      %run_scoped3A_50 = tpu.sem_alloc : memref<!tpu.dma_semaphore, #tpu.memory_space<semaphore_mem>>
      tpu.enqueue_dma source(%arg8 : memref<80xf32, #tpu.memory_space<hbm>>) target(%arg17 : memref<80xf32, #tpu.memory_space<vmem>>) target_semaphore(%run_scoped3A_50 : memref<!tpu.dma_semaphore, #tpu.memory_space<semaphore_mem>>)
      tpu.wait_dma2 semaphore(%run_scoped3A_50 : memref<!tpu.dma_semaphore, #tpu.memory_space<semaphore_mem>>) src(%arg8 : memref<80xf32, #tpu.memory_space<hbm>>) dst(%arg17 : memref<80xf32, #tpu.memory_space<vmem>>)
      tpu.yield
    }) : () -> ()
    %mul3A = arith.constant 160000 : i32
    %mul3A_0 = arith.muli %arg0, %mul3A : i32
    %mul3A_1 = arith.constant 10000 : i32
    %mul3A_2 = arith.muli %arg1, %mul3A_1 : i32
    %add3A = arith.addi %mul3A_0, %mul3A_2 : i32
    %mul3A_3 = arith.constant 640 : i32
    %mul3A_4 = arith.muli %arg1, %mul3A_3 : i32
    "tpu.region"() ({
      %run_scoped3A_50 = tpu.sem_alloc : memref<!tpu.dma_semaphore, #tpu.memory_space<semaphore_mem>>
      %dma_start3A = tpu.memref_slice %arg11[%mul3A_4] : memref<10240xf32, #tpu.memory_space<vmem_shared>> -> memref<640xf32, #tpu.memory_space<vmem_shared>>
      tpu.enqueue_dma source(%arg9 : memref<640xf32, #tpu.memory_space<hbm>>) target(%dma_start3A : memref<640xf32, #tpu.memory_space<vmem_shared>>) target_semaphore(%run_scoped3A_50 : memref<!tpu.dma_semaphore, #tpu.memory_space<semaphore_mem>>)
      %dma_wait3A = tpu.memref_slice %arg11[%mul3A_4] : memref<10240xf32, #tpu.memory_space<vmem_shared>> -> memref<640xf32, #tpu.memory_space<vmem_shared>>
      tpu.wait_dma2 semaphore(%run_scoped3A_50 : memref<!tpu.dma_semaphore, #tpu.memory_space<semaphore_mem>>) src(%arg9 : memref<640xf32, #tpu.memory_space<hbm>>) dst(%dma_wait3A : memref<640xf32, #tpu.memory_space<vmem_shared>>)
      tpu.yield
    }) : () -> ()
    "tpu.region"() ({
      %run_scoped3A_50 = tpu.sem_alloc : memref<!tpu.dma_semaphore, #tpu.memory_space<semaphore_mem>>
      %dma_start3A = tpu.memref_slice %arg2[%add3A] : memref<320000xi32, #tpu.memory_space<hbm>> -> memref<10000xi32, #tpu.memory_space<hbm>>
      %dma_start3A_51 = tpu.memref_slice %arg2[%add3A] : memref<320000xi32, #tpu.memory_space<hbm>> -> memref<10000xi32, #tpu.memory_space<hbm>>
      tpu.enqueue_dma source(%dma_start3A_51 : memref<10000xi32, #tpu.memory_space<hbm>>) target(%arg18 : memref<10000xi32, #tpu.memory_space<vmem>>) target_semaphore(%run_scoped3A_50 : memref<!tpu.dma_semaphore, #tpu.memory_space<semaphore_mem>>)
      %dma_wait3A = tpu.memref_slice %arg2[%add3A] : memref<320000xi32, #tpu.memory_space<hbm>> -> memref<10000xi32, #tpu.memory_space<hbm>>
      %dma_wait3A_52 = tpu.memref_slice %arg2[%add3A] : memref<320000xi32, #tpu.memory_space<hbm>> -> memref<10000xi32, #tpu.memory_space<hbm>>
      tpu.wait_dma2 semaphore(%run_scoped3A_50 : memref<!tpu.dma_semaphore, #tpu.memory_space<semaphore_mem>>) src(%dma_wait3A_52 : memref<10000xi32, #tpu.memory_space<hbm>>) dst(%arg18 : memref<10000xi32, #tpu.memory_space<vmem>>)
      tpu.yield
    }) : () -> ()
    %mul3A_5 = arith.constant 640 : i32
    %mul3A_6 = arith.muli %arg1, %mul3A_5 : i32
    "tpu.region"() ({
      %run_scoped3A_50 = tpu.sem_alloc : memref<!tpu.dma_semaphore, #tpu.memory_space<semaphore_mem>>
      %dma_start3A = tpu.memref_slice %arg12[%mul3A_6] : memref<10240xf32, #tpu.memory_space<vmem_shared>> -> memref<640xf32, #tpu.memory_space<vmem_shared>>
      tpu.enqueue_dma source(%arg9 : memref<640xf32, #tpu.memory_space<hbm>>) target(%dma_start3A : memref<640xf32, #tpu.memory_space<vmem_shared>>) target_semaphore(%run_scoped3A_50 : memref<!tpu.dma_semaphore, #tpu.memory_space<semaphore_mem>>)
      %dma_wait3A = tpu.memref_slice %arg12[%mul3A_6] : memref<10240xf32, #tpu.memory_space<vmem_shared>> -> memref<640xf32, #tpu.memory_space<vmem_shared>>
      tpu.wait_dma2 semaphore(%run_scoped3A_50 : memref<!tpu.dma_semaphore, #tpu.memory_space<semaphore_mem>>) src(%arg9 : memref<640xf32, #tpu.memory_space<hbm>>) dst(%dma_wait3A : memref<640xf32, #tpu.memory_space<vmem_shared>>)
      tpu.yield
    }) : () -> ()
    "tpu.region"() ({
      %run_scoped3A_50 = tpu.sem_alloc : memref<!tpu.dma_semaphore, #tpu.memory_space<semaphore_mem>>
      %dma_start3A = tpu.memref_slice %arg3[%add3A] : memref<320000xi32, #tpu.memory_space<hbm>> -> memref<10000xi32, #tpu.memory_space<hbm>>
      %dma_start3A_51 = tpu.memref_slice %arg3[%add3A] : memref<320000xi32, #tpu.memory_space<hbm>> -> memref<10000xi32, #tpu.memory_space<hbm>>
      tpu.enqueue_dma source(%dma_start3A_51 : memref<10000xi32, #tpu.memory_space<hbm>>) target(%arg19 : memref<10000xi32, #tpu.memory_space<vmem>>) target_semaphore(%run_scoped3A_50 : memref<!tpu.dma_semaphore, #tpu.memory_space<semaphore_mem>>)
      %dma_wait3A = tpu.memref_slice %arg3[%add3A] : memref<320000xi32, #tpu.memory_space<hbm>> -> memref<10000xi32, #tpu.memory_space<hbm>>
      %dma_wait3A_52 = tpu.memref_slice %arg3[%add3A] : memref<320000xi32, #tpu.memory_space<hbm>> -> memref<10000xi32, #tpu.memory_space<hbm>>
      tpu.wait_dma2 semaphore(%run_scoped3A_50 : memref<!tpu.dma_semaphore, #tpu.memory_space<semaphore_mem>>) src(%dma_wait3A_52 : memref<10000xi32, #tpu.memory_space<hbm>>) dst(%arg19 : memref<10000xi32, #tpu.memory_space<vmem>>)
      tpu.yield
    }) : () -> ()
    %mul3A_7 = arith.constant 640 : i32
    %mul3A_8 = arith.muli %arg1, %mul3A_7 : i32
    "tpu.region"() ({
      %run_scoped3A_50 = tpu.sem_alloc : memref<!tpu.dma_semaphore, #tpu.memory_space<semaphore_mem>>
      %dma_start3A = tpu.memref_slice %arg13[%mul3A_8] : memref<10240xf32, #tpu.memory_space<vmem_shared>> -> memref<640xf32, #tpu.memory_space<vmem_shared>>
      tpu.enqueue_dma source(%arg9 : memref<640xf32, #tpu.memory_space<hbm>>) target(%dma_start3A : memref<640xf32, #tpu.memory_space<vmem_shared>>) target_semaphore(%run_scoped3A_50 : memref<!tpu.dma_semaphore, #tpu.memory_space<semaphore_mem>>)
      %dma_wait3A = tpu.memref_slice %arg13[%mul3A_8] : memref<10240xf32, #tpu.memory_space<vmem_shared>> -> memref<640xf32, #tpu.memory_space<vmem_shared>>
      tpu.wait_dma2 semaphore(%run_scoped3A_50 : memref<!tpu.dma_semaphore, #tpu.memory_space<semaphore_mem>>) src(%arg9 : memref<640xf32, #tpu.memory_space<hbm>>) dst(%dma_wait3A : memref<640xf32, #tpu.memory_space<vmem_shared>>)
      tpu.yield
    }) : () -> ()
    "tpu.region"() ({
      %run_scoped3A_50 = tpu.sem_alloc : memref<!tpu.dma_semaphore, #tpu.memory_space<semaphore_mem>>
      %dma_start3A = tpu.memref_slice %arg4[%add3A] : memref<320000xi32, #tpu.memory_space<hbm>> -> memref<10000xi32, #tpu.memory_space<hbm>>
      %dma_start3A_51 = tpu.memref_slice %arg4[%add3A] : memref<320000xi32, #tpu.memory_space<hbm>> -> memref<10000xi32, #tpu.memory_space<hbm>>
      tpu.enqueue_dma source(%dma_start3A_51 : memref<10000xi32, #tpu.memory_space<hbm>>) target(%arg20 : memref<10000xi32, #tpu.memory_space<vmem>>) target_semaphore(%run_scoped3A_50 : memref<!tpu.dma_semaphore, #tpu.memory_space<semaphore_mem>>)
      %dma_wait3A = tpu.memref_slice %arg4[%add3A] : memref<320000xi32, #tpu.memory_space<hbm>> -> memref<10000xi32, #tpu.memory_space<hbm>>
      %dma_wait3A_52 = tpu.memref_slice %arg4[%add3A] : memref<320000xi32, #tpu.memory_space<hbm>> -> memref<10000xi32, #tpu.memory_space<hbm>>
      tpu.wait_dma2 semaphore(%run_scoped3A_50 : memref<!tpu.dma_semaphore, #tpu.memory_space<semaphore_mem>>) src(%dma_wait3A_52 : memref<10000xi32, #tpu.memory_space<hbm>>) dst(%arg20 : memref<10000xi32, #tpu.memory_space<vmem>>)
      tpu.yield
    }) : () -> ()
    %mul3A_9 = arith.constant 640 : i32
    %mul3A_10 = arith.muli %arg1, %mul3A_9 : i32
    "tpu.region"() ({
      %run_scoped3A_50 = tpu.sem_alloc : memref<!tpu.dma_semaphore, #tpu.memory_space<semaphore_mem>>
      %dma_start3A = tpu.memref_slice %arg14[%mul3A_10] : memref<10240xf32, #tpu.memory_space<vmem_shared>> -> memref<640xf32, #tpu.memory_space<vmem_shared>>
      tpu.enqueue_dma source(%arg9 : memref<640xf32, #tpu.memory_space<hbm>>) target(%dma_start3A : memref<640xf32, #tpu.memory_space<vmem_shared>>) target_semaphore(%run_scoped3A_50 : memref<!tpu.dma_semaphore, #tpu.memory_space<semaphore_mem>>)
      %dma_wait3A = tpu.memref_slice %arg14[%mul3A_10] : memref<10240xf32, #tpu.memory_space<vmem_shared>> -> memref<640xf32, #tpu.memory_space<vmem_shared>>
      tpu.wait_dma2 semaphore(%run_scoped3A_50 : memref<!tpu.dma_semaphore, #tpu.memory_space<semaphore_mem>>) src(%arg9 : memref<640xf32, #tpu.memory_space<hbm>>) dst(%dma_wait3A : memref<640xf32, #tpu.memory_space<vmem_shared>>)
      tpu.yield
    }) : () -> ()
    "tpu.region"() ({
      %run_scoped3A_50 = tpu.sem_alloc : memref<!tpu.dma_semaphore, #tpu.memory_space<semaphore_mem>>
      %dma_start3A = tpu.memref_slice %arg5[%add3A] : memref<320000xi32, #tpu.memory_space<hbm>> -> memref<10000xi32, #tpu.memory_space<hbm>>
      %dma_start3A_51 = tpu.memref_slice %arg5[%add3A] : memref<320000xi32, #tpu.memory_space<hbm>> -> memref<10000xi32, #tpu.memory_space<hbm>>
      tpu.enqueue_dma source(%dma_start3A_51 : memref<10000xi32, #tpu.memory_space<hbm>>) target(%arg21 : memref<10000xi32, #tpu.memory_space<vmem>>) target_semaphore(%run_scoped3A_50 : memref<!tpu.dma_semaphore, #tpu.memory_space<semaphore_mem>>)
      %dma_wait3A = tpu.memref_slice %arg5[%add3A] : memref<320000xi32, #tpu.memory_space<hbm>> -> memref<10000xi32, #tpu.memory_space<hbm>>
      %dma_wait3A_52 = tpu.memref_slice %arg5[%add3A] : memref<320000xi32, #tpu.memory_space<hbm>> -> memref<10000xi32, #tpu.memory_space<hbm>>
      tpu.wait_dma2 semaphore(%run_scoped3A_50 : memref<!tpu.dma_semaphore, #tpu.memory_space<semaphore_mem>>) src(%dma_wait3A_52 : memref<10000xi32, #tpu.memory_space<hbm>>) dst(%arg21 : memref<10000xi32, #tpu.memory_space<vmem>>)
      tpu.yield
    }) : () -> ()
    %mul3A_11 = arith.constant 640 : i32
    %mul3A_12 = arith.muli %arg1, %mul3A_11 : i32
    "tpu.region"() ({
      %run_scoped3A_50 = tpu.sem_alloc : memref<!tpu.dma_semaphore, #tpu.memory_space<semaphore_mem>>
      %dma_start3A = tpu.memref_slice %arg15[%mul3A_12] : memref<10240xf32, #tpu.memory_space<vmem_shared>> -> memref<640xf32, #tpu.memory_space<vmem_shared>>
      tpu.enqueue_dma source(%arg9 : memref<640xf32, #tpu.memory_space<hbm>>) target(%dma_start3A : memref<640xf32, #tpu.memory_space<vmem_shared>>) target_semaphore(%run_scoped3A_50 : memref<!tpu.dma_semaphore, #tpu.memory_space<semaphore_mem>>)
      %dma_wait3A = tpu.memref_slice %arg15[%mul3A_12] : memref<10240xf32, #tpu.memory_space<vmem_shared>> -> memref<640xf32, #tpu.memory_space<vmem_shared>>
      tpu.wait_dma2 semaphore(%run_scoped3A_50 : memref<!tpu.dma_semaphore, #tpu.memory_space<semaphore_mem>>) src(%arg9 : memref<640xf32, #tpu.memory_space<hbm>>) dst(%dma_wait3A : memref<640xf32, #tpu.memory_space<vmem_shared>>)
      tpu.yield
    }) : () -> ()
    "tpu.region"() ({
      %run_scoped3A_50 = tpu.sem_alloc : memref<!tpu.dma_semaphore, #tpu.memory_space<semaphore_mem>>
      %dma_start3A = tpu.memref_slice %arg6[%add3A] : memref<320000xi32, #tpu.memory_space<hbm>> -> memref<10000xi32, #tpu.memory_space<hbm>>
      %dma_start3A_51 = tpu.memref_slice %arg6[%add3A] : memref<320000xi32, #tpu.memory_space<hbm>> -> memref<10000xi32, #tpu.memory_space<hbm>>
      tpu.enqueue_dma source(%dma_start3A_51 : memref<10000xi32, #tpu.memory_space<hbm>>) target(%arg22 : memref<10000xi32, #tpu.memory_space<vmem>>) target_semaphore(%run_scoped3A_50 : memref<!tpu.dma_semaphore, #tpu.memory_space<semaphore_mem>>)
      %dma_wait3A = tpu.memref_slice %arg6[%add3A] : memref<320000xi32, #tpu.memory_space<hbm>> -> memref<10000xi32, #tpu.memory_space<hbm>>
      %dma_wait3A_52 = tpu.memref_slice %arg6[%add3A] : memref<320000xi32, #tpu.memory_space<hbm>> -> memref<10000xi32, #tpu.memory_space<hbm>>
      tpu.wait_dma2 semaphore(%run_scoped3A_50 : memref<!tpu.dma_semaphore, #tpu.memory_space<semaphore_mem>>) src(%dma_wait3A_52 : memref<10000xi32, #tpu.memory_space<hbm>>) dst(%arg22 : memref<10000xi32, #tpu.memory_space<vmem>>)
      tpu.yield
    }) : () -> ()
    %mul3A_13 = arith.constant 640 : i32
    %mul3A_14 = arith.muli %arg1, %mul3A_13 : i32
    "tpu.region"() ({
      %run_scoped3A_50 = tpu.sem_alloc : memref<!tpu.dma_semaphore, #tpu.memory_space<semaphore_mem>>
      %dma_start3A = tpu.memref_slice %arg16[%mul3A_14] : memref<10240xf32, #tpu.memory_space<vmem_shared>> -> memref<640xf32, #tpu.memory_space<vmem_shared>>
      tpu.enqueue_dma source(%arg9 : memref<640xf32, #tpu.memory_space<hbm>>) target(%dma_start3A : memref<640xf32, #tpu.memory_space<vmem_shared>>) target_semaphore(%run_scoped3A_50 : memref<!tpu.dma_semaphore, #tpu.memory_space<semaphore_mem>>)
      %dma_wait3A = tpu.memref_slice %arg16[%mul3A_14] : memref<10240xf32, #tpu.memory_space<vmem_shared>> -> memref<640xf32, #tpu.memory_space<vmem_shared>>
      tpu.wait_dma2 semaphore(%run_scoped3A_50 : memref<!tpu.dma_semaphore, #tpu.memory_space<semaphore_mem>>) src(%arg9 : memref<640xf32, #tpu.memory_space<hbm>>) dst(%dma_wait3A : memref<640xf32, #tpu.memory_space<vmem_shared>>)
      tpu.yield
    }) : () -> ()
    "tpu.region"() ({
      %run_scoped3A_50 = tpu.sem_alloc : memref<!tpu.dma_semaphore, #tpu.memory_space<semaphore_mem>>
      %dma_start3A = tpu.memref_slice %arg7[%add3A] : memref<320000xi32, #tpu.memory_space<hbm>> -> memref<10000xi32, #tpu.memory_space<hbm>>
      %dma_start3A_51 = tpu.memref_slice %arg7[%add3A] : memref<320000xi32, #tpu.memory_space<hbm>> -> memref<10000xi32, #tpu.memory_space<hbm>>
      tpu.enqueue_dma source(%dma_start3A_51 : memref<10000xi32, #tpu.memory_space<hbm>>) target(%arg23 : memref<10000xi32, #tpu.memory_space<vmem>>) target_semaphore(%run_scoped3A_50 : memref<!tpu.dma_semaphore, #tpu.memory_space<semaphore_mem>>)
      %dma_wait3A = tpu.memref_slice %arg7[%add3A] : memref<320000xi32, #tpu.memory_space<hbm>> -> memref<10000xi32, #tpu.memory_space<hbm>>
      %dma_wait3A_52 = tpu.memref_slice %arg7[%add3A] : memref<320000xi32, #tpu.memory_space<hbm>> -> memref<10000xi32, #tpu.memory_space<hbm>>
      tpu.wait_dma2 semaphore(%run_scoped3A_50 : memref<!tpu.dma_semaphore, #tpu.memory_space<semaphore_mem>>) src(%dma_wait3A_52 : memref<10000xi32, #tpu.memory_space<hbm>>) dst(%arg23 : memref<10000xi32, #tpu.memory_space<vmem>>)
      tpu.yield
    }) : () -> ()
    %barrier3A = arith.constant 0 : index
    tpu.barrier barrier_id(%barrier3A)
    %scan3A = arith.constant 0 : i32
    %scan3A_15 = arith.constant 0 : i32
    %scan3A_16 = arith.constant 125 : i32
    %scan3A_17 = arith.addi %scan3A_15, %scan3A_16 : i32
    %scan3A_18 = arith.constant 1 : i32
    scf.for %scan3A_50 = %scan3A_15 to %scan3A_17 step %scan3A_18  : i32 {
      %mul3A_51 = arith.constant 80 : i32
      %mul3A_52 = arith.muli %scan3A_50, %mul3A_51 : i32
      "tpu.region"() ({
        %run_scoped3A_63 = tpu.sem_alloc : memref<!tpu.dma_semaphore, #tpu.memory_space<semaphore_mem>>
        %dma_start3A = tpu.memref_slice %arg18[%mul3A_52] : memref<10000xi32, #tpu.memory_space<vmem>> -> memref<80xi32, #tpu.memory_space<vmem>>
        %dma_start3A_64 = arith.constant 0 : i32
        %dma_start3A_65 = tpu.memref_slice %arg11[%dma_start3A_64] : memref<10240xf32, #tpu.memory_space<vmem_shared>> -> memref<10240xf32, #tpu.memory_space<vmem_shared>>
        tpu.enqueue_indirect_dma source(%arg17 : memref<80xf32, #tpu.memory_space<vmem>>) target(%dma_start3A_65 : memref<10240xf32, #tpu.memory_space<vmem_shared>>) offsets(%dma_start3A : memref<80xi32, #tpu.memory_space<vmem>>) semaphore(%run_scoped3A_63 : memref<!tpu.dma_semaphore, #tpu.memory_space<semaphore_mem>>) {add = true}
        %dma_wait3A = tpu.memref_slice %arg18[%mul3A_52] : memref<10000xi32, #tpu.memory_space<vmem>> -> memref<80xi32, #tpu.memory_space<vmem>>
        %dma_wait3A_66 = arith.constant 0 : i32
        %dma_wait3A_67 = tpu.memref_slice %arg11[%dma_wait3A_66] : memref<10240xf32, #tpu.memory_space<vmem_shared>> -> memref<10240xf32, #tpu.memory_space<vmem_shared>>
        tpu.wait_indirect_dma semaphore(%run_scoped3A_63 : memref<!tpu.dma_semaphore, #tpu.memory_space<semaphore_mem>>) src(%arg17 : memref<80xf32, #tpu.memory_space<vmem>>) dst(%dma_wait3A_67 : memref<10240xf32, #tpu.memory_space<vmem_shared>>)
        tpu.yield
      }) : () -> ()
      %mul3A_53 = arith.constant 80 : i32
      %mul3A_54 = arith.muli %scan3A_50, %mul3A_53 : i32
      "tpu.region"() ({
        %run_scoped3A_63 = tpu.sem_alloc : memref<!tpu.dma_semaphore, #tpu.memory_space<semaphore_mem>>
        %dma_start3A = tpu.memref_slice %arg19[%mul3A_54] : memref<10000xi32, #tpu.memory_space<vmem>> -> memref<80xi32, #tpu.memory_space<vmem>>
        %dma_start3A_64 = arith.constant 0 : i32
        %dma_start3A_65 = tpu.memref_slice %arg12[%dma_start3A_64] : memref<10240xf32, #tpu.memory_space<vmem_shared>> -> memref<10240xf32, #tpu.memory_space<vmem_shared>>
        tpu.enqueue_indirect_dma source(%arg17 : memref<80xf32, #tpu.memory_space<vmem>>) target(%dma_start3A_65 : memref<10240xf32, #tpu.memory_space<vmem_shared>>) offsets(%dma_start3A : memref<80xi32, #tpu.memory_space<vmem>>) semaphore(%run_scoped3A_63 : memref<!tpu.dma_semaphore, #tpu.memory_space<semaphore_mem>>) {add = true}
        %dma_wait3A = tpu.memref_slice %arg19[%mul3A_54] : memref<10000xi32, #tpu.memory_space<vmem>> -> memref<80xi32, #tpu.memory_space<vmem>>
        %dma_wait3A_66 = arith.constant 0 : i32
        %dma_wait3A_67 = tpu.memref_slice %arg12[%dma_wait3A_66] : memref<10240xf32, #tpu.memory_space<vmem_shared>> -> memref<10240xf32, #tpu.memory_space<vmem_shared>>
        tpu.wait_indirect_dma semaphore(%run_scoped3A_63 : memref<!tpu.dma_semaphore, #tpu.memory_space<semaphore_mem>>) src(%arg17 : memref<80xf32, #tpu.memory_space<vmem>>) dst(%dma_wait3A_67 : memref<10240xf32, #tpu.memory_space<vmem_shared>>)
        tpu.yield
      }) : () -> ()
      %mul3A_55 = arith.constant 80 : i32
      %mul3A_56 = arith.muli %scan3A_50, %mul3A_55 : i32
      "tpu.region"() ({
        %run_scoped3A_63 = tpu.sem_alloc : memref<!tpu.dma_semaphore, #tpu.memory_space<semaphore_mem>>
        %dma_start3A = tpu.memref_slice %arg20[%mul3A_56] : memref<10000xi32, #tpu.memory_space<vmem>> -> memref<80xi32, #tpu.memory_space<vmem>>
        %dma_start3A_64 = arith.constant 0 : i32
        %dma_start3A_65 = tpu.memref_slice %arg13[%dma_start3A_64] : memref<10240xf32, #tpu.memory_space<vmem_shared>> -> memref<10240xf32, #tpu.memory_space<vmem_shared>>
        tpu.enqueue_indirect_dma source(%arg17 : memref<80xf32, #tpu.memory_space<vmem>>) target(%dma_start3A_65 : memref<10240xf32, #tpu.memory_space<vmem_shared>>) offsets(%dma_start3A : memref<80xi32, #tpu.memory_space<vmem>>) semaphore(%run_scoped3A_63 : memref<!tpu.dma_semaphore, #tpu.memory_space<semaphore_mem>>) {add = true}
        %dma_wait3A = tpu.memref_slice %arg20[%mul3A_56] : memref<10000xi32, #tpu.memory_space<vmem>> -> memref<80xi32, #tpu.memory_space<vmem>>
        %dma_wait3A_66 = arith.constant 0 : i32
        %dma_wait3A_67 = tpu.memref_slice %arg13[%dma_wait3A_66] : memref<10240xf32, #tpu.memory_space<vmem_shared>> -> memref<10240xf32, #tpu.memory_space<vmem_shared>>
        tpu.wait_indirect_dma semaphore(%run_scoped3A_63 : memref<!tpu.dma_semaphore, #tpu.memory_space<semaphore_mem>>) src(%arg17 : memref<80xf32, #tpu.memory_space<vmem>>) dst(%dma_wait3A_67 : memref<10240xf32, #tpu.memory_space<vmem_shared>>)
        tpu.yield
      }) : () -> ()
      %mul3A_57 = arith.constant 80 : i32
      %mul3A_58 = arith.muli %scan3A_50, %mul3A_57 : i32
      "tpu.region"() ({
        %run_scoped3A_63 = tpu.sem_alloc : memref<!tpu.dma_semaphore, #tpu.memory_space<semaphore_mem>>
        %dma_start3A = tpu.memref_slice %arg21[%mul3A_58] : memref<10000xi32, #tpu.memory_space<vmem>> -> memref<80xi32, #tpu.memory_space<vmem>>
        %dma_start3A_64 = arith.constant 0 : i32
        %dma_start3A_65 = tpu.memref_slice %arg14[%dma_start3A_64] : memref<10240xf32, #tpu.memory_space<vmem_shared>> -> memref<10240xf32, #tpu.memory_space<vmem_shared>>
        tpu.enqueue_indirect_dma source(%arg17 : memref<80xf32, #tpu.memory_space<vmem>>) target(%dma_start3A_65 : memref<10240xf32, #tpu.memory_space<vmem_shared>>) offsets(%dma_start3A : memref<80xi32, #tpu.memory_space<vmem>>) semaphore(%run_scoped3A_63 : memref<!tpu.dma_semaphore, #tpu.memory_space<semaphore_mem>>) {add = true}
        %dma_wait3A = tpu.memref_slice %arg21[%mul3A_58] : memref<10000xi32, #tpu.memory_space<vmem>> -> memref<80xi32, #tpu.memory_space<vmem>>
        %dma_wait3A_66 = arith.constant 0 : i32
        %dma_wait3A_67 = tpu.memref_slice %arg14[%dma_wait3A_66] : memref<10240xf32, #tpu.memory_space<vmem_shared>> -> memref<10240xf32, #tpu.memory_space<vmem_shared>>
        tpu.wait_indirect_dma semaphore(%run_scoped3A_63 : memref<!tpu.dma_semaphore, #tpu.memory_space<semaphore_mem>>) src(%arg17 : memref<80xf32, #tpu.memory_space<vmem>>) dst(%dma_wait3A_67 : memref<10240xf32, #tpu.memory_space<vmem_shared>>)
        tpu.yield
      }) : () -> ()
      %mul3A_59 = arith.constant 80 : i32
      %mul3A_60 = arith.muli %scan3A_50, %mul3A_59 : i32
      "tpu.region"() ({
        %run_scoped3A_63 = tpu.sem_alloc : memref<!tpu.dma_semaphore, #tpu.memory_space<semaphore_mem>>
        %dma_start3A = tpu.memref_slice %arg22[%mul3A_60] : memref<10000xi32, #tpu.memory_space<vmem>> -> memref<80xi32, #tpu.memory_space<vmem>>
        %dma_start3A_64 = arith.constant 0 : i32
        %dma_start3A_65 = tpu.memref_slice %arg15[%dma_start3A_64] : memref<10240xf32, #tpu.memory_space<vmem_shared>> -> memref<10240xf32, #tpu.memory_space<vmem_shared>>
        tpu.enqueue_indirect_dma source(%arg17 : memref<80xf32, #tpu.memory_space<vmem>>) target(%dma_start3A_65 : memref<10240xf32, #tpu.memory_space<vmem_shared>>) offsets(%dma_start3A : memref<80xi32, #tpu.memory_space<vmem>>) semaphore(%run_scoped3A_63 : memref<!tpu.dma_semaphore, #tpu.memory_space<semaphore_mem>>) {add = true}
        %dma_wait3A = tpu.memref_slice %arg22[%mul3A_60] : memref<10000xi32, #tpu.memory_space<vmem>> -> memref<80xi32, #tpu.memory_space<vmem>>
        %dma_wait3A_66 = arith.constant 0 : i32
        %dma_wait3A_67 = tpu.memref_slice %arg15[%dma_wait3A_66] : memref<10240xf32, #tpu.memory_space<vmem_shared>> -> memref<10240xf32, #tpu.memory_space<vmem_shared>>
        tpu.wait_indirect_dma semaphore(%run_scoped3A_63 : memref<!tpu.dma_semaphore, #tpu.memory_space<semaphore_mem>>) src(%arg17 : memref<80xf32, #tpu.memory_space<vmem>>) dst(%dma_wait3A_67 : memref<10240xf32, #tpu.memory_space<vmem_shared>>)
        tpu.yield
      }) : () -> ()
      %mul3A_61 = arith.constant 80 : i32
      %mul3A_62 = arith.muli %scan3A_50, %mul3A_61 : i32
      "tpu.region"() ({
        %run_scoped3A_63 = tpu.sem_alloc : memref<!tpu.dma_semaphore, #tpu.memory_space<semaphore_mem>>
        %dma_start3A = tpu.memref_slice %arg23[%mul3A_62] : memref<10000xi32, #tpu.memory_space<vmem>> -> memref<80xi32, #tpu.memory_space<vmem>>
        %dma_start3A_64 = arith.constant 0 : i32
        %dma_start3A_65 = tpu.memref_slice %arg16[%dma_start3A_64] : memref<10240xf32, #tpu.memory_space<vmem_shared>> -> memref<10240xf32, #tpu.memory_space<vmem_shared>>
        tpu.enqueue_indirect_dma source(%arg17 : memref<80xf32, #tpu.memory_space<vmem>>) target(%dma_start3A_65 : memref<10240xf32, #tpu.memory_space<vmem_shared>>) offsets(%dma_start3A : memref<80xi32, #tpu.memory_space<vmem>>) semaphore(%run_scoped3A_63 : memref<!tpu.dma_semaphore, #tpu.memory_space<semaphore_mem>>) {add = true}
        %dma_wait3A = tpu.memref_slice %arg23[%mul3A_62] : memref<10000xi32, #tpu.memory_space<vmem>> -> memref<80xi32, #tpu.memory_space<vmem>>
        %dma_wait3A_66 = arith.constant 0 : i32
        %dma_wait3A_67 = tpu.memref_slice %arg16[%dma_wait3A_66] : memref<10240xf32, #tpu.memory_space<vmem_shared>> -> memref<10240xf32, #tpu.memory_space<vmem_shared>>
        tpu.wait_indirect_dma semaphore(%run_scoped3A_63 : memref<!tpu.dma_semaphore, #tpu.memory_space<semaphore_mem>>) src(%arg17 : memref<80xf32, #tpu.memory_space<vmem>>) dst(%dma_wait3A_67 : memref<10240xf32, #tpu.memory_space<vmem_shared>>)
        tpu.yield
      }) : () -> ()
    }
    %scan3A_19 = arith.constant 125 : i32
    %barrier3A_20 = arith.constant 0 : index
    tpu.barrier barrier_id(%barrier3A_20)
    %mul3A_21 = arith.constant 640 : i32
    %mul3A_22 = arith.muli %arg1, %mul3A_21 : i32
    %mul3A_23 = arith.constant 640 : i32
    %mul3A_24 = arith.muli %arg1, %mul3A_23 : i32
    %run_scoped3A = arith.constant 0 : i32
    "tpu.region"() ({
      %run_scoped3A_50 = tpu.sem_alloc : memref<!tpu.dma_semaphore, #tpu.memory_space<semaphore_mem>>
      %dma_start3A = tpu.memref_slice %arg10[%arg0, %run_scoped3A, %mul3A_24] : memref<2x6x10240xf32, #tpu.memory_space<hbm>> -> memref<1x1x640xf32, #tpu.memory_space<hbm>>
      %dma_start3A_51 = tpu.memref_squeeze %dma_start3A : memref<1x1x640xf32, #tpu.memory_space<hbm>> -> memref<640xf32, #tpu.memory_space<hbm>>
      %dma_start3A_52 = tpu.memref_slice %arg11[%mul3A_22] : memref<10240xf32, #tpu.memory_space<vmem_shared>> -> memref<640xf32, #tpu.memory_space<vmem_shared>>
      tpu.enqueue_dma source(%dma_start3A_52 : memref<640xf32, #tpu.memory_space<vmem_shared>>) target(%dma_start3A_51 : memref<640xf32, #tpu.memory_space<hbm>>) target_semaphore(%run_scoped3A_50 : memref<!tpu.dma_semaphore, #tpu.memory_space<semaphore_mem>>)
      %dma_wait3A = tpu.memref_slice %arg10[%arg0, %run_scoped3A, %mul3A_24] : memref<2x6x10240xf32, #tpu.memory_space<hbm>> -> memref<1x1x640xf32, #tpu.memory_space<hbm>>
      %dma_wait3A_53 = tpu.memref_squeeze %dma_wait3A : memref<1x1x640xf32, #tpu.memory_space<hbm>> -> memref<640xf32, #tpu.memory_space<hbm>>
      %dma_wait3A_54 = tpu.memref_slice %arg11[%mul3A_22] : memref<10240xf32, #tpu.memory_space<vmem_shared>> -> memref<640xf32, #tpu.memory_space<vmem_shared>>
      tpu.wait_dma2 semaphore(%run_scoped3A_50 : memref<!tpu.dma_semaphore, #tpu.memory_space<semaphore_mem>>) src(%dma_wait3A_54 : memref<640xf32, #tpu.memory_space<vmem_shared>>) dst(%dma_wait3A_53 : memref<640xf32, #tpu.memory_space<hbm>>)
      tpu.yield
    }) : () -> ()
    %mul3A_25 = arith.constant 640 : i32
    %mul3A_26 = arith.muli %arg1, %mul3A_25 : i32
    %mul3A_27 = arith.constant 640 : i32
    %mul3A_28 = arith.muli %arg1, %mul3A_27 : i32
    %run_scoped3A_29 = arith.constant 1 : i32
    "tpu.region"() ({
      %run_scoped3A_50 = tpu.sem_alloc : memref<!tpu.dma_semaphore, #tpu.memory_space<semaphore_mem>>
      %dma_start3A = tpu.memref_slice %arg10[%arg0, %run_scoped3A_29, %mul3A_28] : memref<2x6x10240xf32, #tpu.memory_space<hbm>> -> memref<1x1x640xf32, #tpu.memory_space<hbm>>
      %dma_start3A_51 = tpu.memref_squeeze %dma_start3A : memref<1x1x640xf32, #tpu.memory_space<hbm>> -> memref<640xf32, #tpu.memory_space<hbm>>
      %dma_start3A_52 = tpu.memref_slice %arg12[%mul3A_26] : memref<10240xf32, #tpu.memory_space<vmem_shared>> -> memref<640xf32, #tpu.memory_space<vmem_shared>>
      tpu.enqueue_dma source(%dma_start3A_52 : memref<640xf32, #tpu.memory_space<vmem_shared>>) target(%dma_start3A_51 : memref<640xf32, #tpu.memory_space<hbm>>) target_semaphore(%run_scoped3A_50 : memref<!tpu.dma_semaphore, #tpu.memory_space<semaphore_mem>>)
      %dma_wait3A = tpu.memref_slice %arg10[%arg0, %run_scoped3A_29, %mul3A_28] : memref<2x6x10240xf32, #tpu.memory_space<hbm>> -> memref<1x1x640xf32, #tpu.memory_space<hbm>>
      %dma_wait3A_53 = tpu.memref_squeeze %dma_wait3A : memref<1x1x640xf32, #tpu.memory_space<hbm>> -> memref<640xf32, #tpu.memory_space<hbm>>
      %dma_wait3A_54 = tpu.memref_slice %arg12[%mul3A_26] : memref<10240xf32, #tpu.memory_space<vmem_shared>> -> memref<640xf32, #tpu.memory_space<vmem_shared>>
      tpu.wait_dma2 semaphore(%run_scoped3A_50 : memref<!tpu.dma_semaphore, #tpu.memory_space<semaphore_mem>>) src(%dma_wait3A_54 : memref<640xf32, #tpu.memory_space<vmem_shared>>) dst(%dma_wait3A_53 : memref<640xf32, #tpu.memory_space<hbm>>)
      tpu.yield
    }) : () -> ()
    %mul3A_30 = arith.constant 640 : i32
    %mul3A_31 = arith.muli %arg1, %mul3A_30 : i32
    %mul3A_32 = arith.constant 640 : i32
    %mul3A_33 = arith.muli %arg1, %mul3A_32 : i32
    %run_scoped3A_34 = arith.constant 2 : i32
    "tpu.region"() ({
      %run_scoped3A_50 = tpu.sem_alloc : memref<!tpu.dma_semaphore, #tpu.memory_space<semaphore_mem>>
      %dma_start3A = tpu.memref_slice %arg10[%arg0, %run_scoped3A_34, %mul3A_33] : memref<2x6x10240xf32, #tpu.memory_space<hbm>> -> memref<1x1x640xf32, #tpu.memory_space<hbm>>
      %dma_start3A_51 = tpu.memref_squeeze %dma_start3A : memref<1x1x640xf32, #tpu.memory_space<hbm>> -> memref<640xf32, #tpu.memory_space<hbm>>
      %dma_start3A_52 = tpu.memref_slice %arg13[%mul3A_31] : memref<10240xf32, #tpu.memory_space<vmem_shared>> -> memref<640xf32, #tpu.memory_space<vmem_shared>>
      tpu.enqueue_dma source(%dma_start3A_52 : memref<640xf32, #tpu.memory_space<vmem_shared>>) target(%dma_start3A_51 : memref<640xf32, #tpu.memory_space<hbm>>) target_semaphore(%run_scoped3A_50 : memref<!tpu.dma_semaphore, #tpu.memory_space<semaphore_mem>>)
      %dma_wait3A = tpu.memref_slice %arg10[%arg0, %run_scoped3A_34, %mul3A_33] : memref<2x6x10240xf32, #tpu.memory_space<hbm>> -> memref<1x1x640xf32, #tpu.memory_space<hbm>>
      %dma_wait3A_53 = tpu.memref_squeeze %dma_wait3A : memref<1x1x640xf32, #tpu.memory_space<hbm>> -> memref<640xf32, #tpu.memory_space<hbm>>
      %dma_wait3A_54 = tpu.memref_slice %arg13[%mul3A_31] : memref<10240xf32, #tpu.memory_space<vmem_shared>> -> memref<640xf32, #tpu.memory_space<vmem_shared>>
      tpu.wait_dma2 semaphore(%run_scoped3A_50 : memref<!tpu.dma_semaphore, #tpu.memory_space<semaphore_mem>>) src(%dma_wait3A_54 : memref<640xf32, #tpu.memory_space<vmem_shared>>) dst(%dma_wait3A_53 : memref<640xf32, #tpu.memory_space<hbm>>)
      tpu.yield
    }) : () -> ()
    %mul3A_35 = arith.constant 640 : i32
    %mul3A_36 = arith.muli %arg1, %mul3A_35 : i32
    %mul3A_37 = arith.constant 640 : i32
    %mul3A_38 = arith.muli %arg1, %mul3A_37 : i32
    %run_scoped3A_39 = arith.constant 3 : i32
    "tpu.region"() ({
      %run_scoped3A_50 = tpu.sem_alloc : memref<!tpu.dma_semaphore, #tpu.memory_space<semaphore_mem>>
      %dma_start3A = tpu.memref_slice %arg10[%arg0, %run_scoped3A_39, %mul3A_38] : memref<2x6x10240xf32, #tpu.memory_space<hbm>> -> memref<1x1x640xf32, #tpu.memory_space<hbm>>
      %dma_start3A_51 = tpu.memref_squeeze %dma_start3A : memref<1x1x640xf32, #tpu.memory_space<hbm>> -> memref<640xf32, #tpu.memory_space<hbm>>
      %dma_start3A_52 = tpu.memref_slice %arg14[%mul3A_36] : memref<10240xf32, #tpu.memory_space<vmem_shared>> -> memref<640xf32, #tpu.memory_space<vmem_shared>>
      tpu.enqueue_dma source(%dma_start3A_52 : memref<640xf32, #tpu.memory_space<vmem_shared>>) target(%dma_start3A_51 : memref<640xf32, #tpu.memory_space<hbm>>) target_semaphore(%run_scoped3A_50 : memref<!tpu.dma_semaphore, #tpu.memory_space<semaphore_mem>>)
      %dma_wait3A = tpu.memref_slice %arg10[%arg0, %run_scoped3A_39, %mul3A_38] : memref<2x6x10240xf32, #tpu.memory_space<hbm>> -> memref<1x1x640xf32, #tpu.memory_space<hbm>>
      %dma_wait3A_53 = tpu.memref_squeeze %dma_wait3A : memref<1x1x640xf32, #tpu.memory_space<hbm>> -> memref<640xf32, #tpu.memory_space<hbm>>
      %dma_wait3A_54 = tpu.memref_slice %arg14[%mul3A_36] : memref<10240xf32, #tpu.memory_space<vmem_shared>> -> memref<640xf32, #tpu.memory_space<vmem_shared>>
      tpu.wait_dma2 semaphore(%run_scoped3A_50 : memref<!tpu.dma_semaphore, #tpu.memory_space<semaphore_mem>>) src(%dma_wait3A_54 : memref<640xf32, #tpu.memory_space<vmem_shared>>) dst(%dma_wait3A_53 : memref<640xf32, #tpu.memory_space<hbm>>)
      tpu.yield
    }) : () -> ()
    %mul3A_40 = arith.constant 640 : i32
    %mul3A_41 = arith.muli %arg1, %mul3A_40 : i32
    %mul3A_42 = arith.constant 640 : i32
    %mul3A_43 = arith.muli %arg1, %mul3A_42 : i32
    %run_scoped3A_44 = arith.constant 4 : i32
    "tpu.region"() ({
      %run_scoped3A_50 = tpu.sem_alloc : memref<!tpu.dma_semaphore, #tpu.memory_space<semaphore_mem>>
      %dma_start3A = tpu.memref_slice %arg10[%arg0, %run_scoped3A_44, %mul3A_43] : memref<2x6x10240xf32, #tpu.memory_space<hbm>> -> memref<1x1x640xf32, #tpu.memory_space<hbm>>
      %dma_start3A_51 = tpu.memref_squeeze %dma_start3A : memref<1x1x640xf32, #tpu.memory_space<hbm>> -> memref<640xf32, #tpu.memory_space<hbm>>
      %dma_start3A_52 = tpu.memref_slice %arg15[%mul3A_41] : memref<10240xf32, #tpu.memory_space<vmem_shared>> -> memref<640xf32, #tpu.memory_space<vmem_shared>>
      tpu.enqueue_dma source(%dma_start3A_52 : memref<640xf32, #tpu.memory_space<vmem_shared>>) target(%dma_start3A_51 : memref<640xf32, #tpu.memory_space<hbm>>) target_semaphore(%run_scoped3A_50 : memref<!tpu.dma_semaphore, #tpu.memory_space<semaphore_mem>>)
      %dma_wait3A = tpu.memref_slice %arg10[%arg0, %run_scoped3A_44, %mul3A_43] : memref<2x6x10240xf32, #tpu.memory_space<hbm>> -> memref<1x1x640xf32, #tpu.memory_space<hbm>>
      %dma_wait3A_53 = tpu.memref_squeeze %dma_wait3A : memref<1x1x640xf32, #tpu.memory_space<hbm>> -> memref<640xf32, #tpu.memory_space<hbm>>
      %dma_wait3A_54 = tpu.memref_slice %arg15[%mul3A_41] : memref<10240xf32, #tpu.memory_space<vmem_shared>> -> memref<640xf32, #tpu.memory_space<vmem_shared>>
      tpu.wait_dma2 semaphore(%run_scoped3A_50 : memref<!tpu.dma_semaphore, #tpu.memory_space<semaphore_mem>>) src(%dma_wait3A_54 : memref<640xf32, #tpu.memory_space<vmem_shared>>) dst(%dma_wait3A_53 : memref<640xf32, #tpu.memory_space<hbm>>)
      tpu.yield
    }) : () -> ()
    %mul3A_45 = arith.constant 640 : i32
    %mul3A_46 = arith.muli %arg1, %mul3A_45 : i32
    %mul3A_47 = arith.constant 640 : i32
    %mul3A_48 = arith.muli %arg1, %mul3A_47 : i32
    %run_scoped3A_49 = arith.constant 5 : i32
    "tpu.region"() ({
      %run_scoped3A_50 = tpu.sem_alloc : memref<!tpu.dma_semaphore, #tpu.memory_space<semaphore_mem>>
      %dma_start3A = tpu.memref_slice %arg10[%arg0, %run_scoped3A_49, %mul3A_48] : memref<2x6x10240xf32, #tpu.memory_space<hbm>> -> memref<1x1x640xf32, #tpu.memory_space<hbm>>
      %dma_start3A_51 = tpu.memref_squeeze %dma_start3A : memref<1x1x640xf32, #tpu.memory_space<hbm>> -> memref<640xf32, #tpu.memory_space<hbm>>
      %dma_start3A_52 = tpu.memref_slice %arg16[%mul3A_46] : memref<10240xf32, #tpu.memory_space<vmem_shared>> -> memref<640xf32, #tpu.memory_space<vmem_shared>>
      tpu.enqueue_dma source(%dma_start3A_52 : memref<640xf32, #tpu.memory_space<vmem_shared>>) target(%dma_start3A_51 : memref<640xf32, #tpu.memory_space<hbm>>) target_semaphore(%run_scoped3A_50 : memref<!tpu.dma_semaphore, #tpu.memory_space<semaphore_mem>>)
      %dma_wait3A = tpu.memref_slice %arg10[%arg0, %run_scoped3A_49, %mul3A_48] : memref<2x6x10240xf32, #tpu.memory_space<hbm>> -> memref<1x1x640xf32, #tpu.memory_space<hbm>>
      %dma_wait3A_53 = tpu.memref_squeeze %dma_wait3A : memref<1x1x640xf32, #tpu.memory_space<hbm>> -> memref<640xf32, #tpu.memory_space<hbm>>
      %dma_wait3A_54 = tpu.memref_slice %arg16[%mul3A_46] : memref<10240xf32, #tpu.memory_space<vmem_shared>> -> memref<640xf32, #tpu.memory_space<vmem_shared>>
      tpu.wait_dma2 semaphore(%run_scoped3A_50 : memref<!tpu.dma_semaphore, #tpu.memory_space<semaphore_mem>>) src(%dma_wait3A_54 : memref<640xf32, #tpu.memory_space<vmem_shared>>) dst(%dma_wait3A_53 : memref<640xf32, #tpu.memory_space<hbm>>)
      tpu.yield
    }) : () -> ()
    return
  }
}

#map = affine_map<(d0, d1) -> (0, 0, 0)>
#map1 = affine_map<(d0, d1) -> (0)>
#map2 = affine_map<(d0, d1) -> (0, 0)>
#map3 = affine_map<(d0, d1) -> (0, 0, 0, 0)>
module attributes {stable_mosaic.version = 14 : i64} {
  func.func @_agg_body(%arg0: i32, %arg1: i32, %arg2: memref<3x10000x128xf32, #tpu.memory_space<hbm>>, %arg3: memref<320000xi32, #tpu.memory_space<hbm>>, %arg4: memref<320000xi32, #tpu.memory_space<hbm>>, %arg5: memref<320000xi32, #tpu.memory_space<hbm>>, %arg6: memref<320000xi32, #tpu.memory_space<hbm>>, %arg7: memref<320000xi32, #tpu.memory_space<hbm>>, %arg8: memref<320000xi32, #tpu.memory_space<hbm>>, %arg9: memref<640x128xf32, #tpu.memory_space<hbm>>, %arg10: memref<2x3x10240x128xf32, #tpu.memory_space<hbm>>, %arg11: memref<10240x128xf32, #tpu.memory_space<vmem_shared>>, %arg12: memref<80x128xf32, #tpu.memory_space<vmem>>, %arg13: memref<80x128xf32, #tpu.memory_space<vmem>>, %arg14: memref<10000xi32, #tpu.memory_space<vmem>>, %arg15: memref<10000xi32, #tpu.memory_space<vmem>>, %arg16: memref<!tpu.dma_semaphore, #tpu.memory_space<semaphore_mem>>, %arg17: memref<!tpu.dma_semaphore, #tpu.memory_space<semaphore_mem>>, %arg18: memref<!tpu.dma_semaphore, #tpu.memory_space<semaphore_mem>>, %arg19: memref<!tpu.dma_semaphore, #tpu.memory_space<semaphore_mem>>) attributes {dimension_semantics = [#tpu.dimension_semantics<core_parallel>, #tpu.dimension_semantics<subcore_parallel>], iteration_bounds = array<i64: 2, 16>, scalar_prefetch = 0 : i64, scratch_operands = 9 : i64, tpu.core_type = #tpu.core_type<sc_vector_subcore>, window_params = [{transform_indices = #map}, {transform_indices = #map1}, {transform_indices = #map1}, {transform_indices = #map1}, {transform_indices = #map1}, {transform_indices = #map1}, {transform_indices = #map1}, {transform_indices = #map2}, {transform_indices = #map3}]} {
    %mul3A = arith.constant 640 : i32
    %mul3A_0 = arith.muli %arg1, %mul3A : i32
    "tpu.region"() ({
      %run_scoped3A_224 = tpu.sem_alloc : memref<!tpu.dma_semaphore, #tpu.memory_space<semaphore_mem>>
      %dma_start3A_225 = arith.constant 0 : i32
      %dma_start3A_226 = tpu.memref_slice %arg11[%mul3A_0, %dma_start3A_225] : memref<10240x128xf32, #tpu.memory_space<vmem_shared>> -> memref<640x128xf32, #tpu.memory_space<vmem_shared>>
      tpu.enqueue_dma source(%arg9 : memref<640x128xf32, #tpu.memory_space<hbm>>) target(%dma_start3A_226 : memref<640x128xf32, #tpu.memory_space<vmem_shared>>) target_semaphore(%run_scoped3A_224 : memref<!tpu.dma_semaphore, #tpu.memory_space<semaphore_mem>>)
      %dma_wait3A_227 = arith.constant 0 : i32
      %dma_wait3A_228 = tpu.memref_slice %arg11[%mul3A_0, %dma_wait3A_227] : memref<10240x128xf32, #tpu.memory_space<vmem_shared>> -> memref<640x128xf32, #tpu.memory_space<vmem_shared>>
      tpu.wait_dma2 semaphore(%run_scoped3A_224 : memref<!tpu.dma_semaphore, #tpu.memory_space<semaphore_mem>>) src(%arg9 : memref<640x128xf32, #tpu.memory_space<hbm>>) dst(%dma_wait3A_228 : memref<640x128xf32, #tpu.memory_space<vmem_shared>>)
      tpu.yield
    }) : () -> ()
    %mul3A_1 = arith.constant 160000 : i32
    %mul3A_2 = arith.muli %arg0, %mul3A_1 : i32
    %mul3A_3 = arith.constant 10000 : i32
    %mul3A_4 = arith.muli %arg1, %mul3A_3 : i32
    %add3A = arith.addi %mul3A_2, %mul3A_4 : i32
    "tpu.region"() ({
      %run_scoped3A_224 = tpu.sem_alloc : memref<!tpu.dma_semaphore, #tpu.memory_space<semaphore_mem>>
      %dma_start3A_225 = tpu.memref_slice %arg3[%add3A] : memref<320000xi32, #tpu.memory_space<hbm>> -> memref<10000xi32, #tpu.memory_space<hbm>>
      %dma_start3A_226 = tpu.memref_slice %arg3[%add3A] : memref<320000xi32, #tpu.memory_space<hbm>> -> memref<10000xi32, #tpu.memory_space<hbm>>
      tpu.enqueue_dma source(%dma_start3A_226 : memref<10000xi32, #tpu.memory_space<hbm>>) target(%arg14 : memref<10000xi32, #tpu.memory_space<vmem>>) target_semaphore(%run_scoped3A_224 : memref<!tpu.dma_semaphore, #tpu.memory_space<semaphore_mem>>)
      %dma_wait3A_227 = tpu.memref_slice %arg3[%add3A] : memref<320000xi32, #tpu.memory_space<hbm>> -> memref<10000xi32, #tpu.memory_space<hbm>>
      %dma_wait3A_228 = tpu.memref_slice %arg3[%add3A] : memref<320000xi32, #tpu.memory_space<hbm>> -> memref<10000xi32, #tpu.memory_space<hbm>>
      tpu.wait_dma2 semaphore(%run_scoped3A_224 : memref<!tpu.dma_semaphore, #tpu.memory_space<semaphore_mem>>) src(%dma_wait3A_228 : memref<10000xi32, #tpu.memory_space<hbm>>) dst(%arg14 : memref<10000xi32, #tpu.memory_space<vmem>>)
      tpu.yield
    }) : () -> ()
    "tpu.region"() ({
      %run_scoped3A_224 = tpu.sem_alloc : memref<!tpu.dma_semaphore, #tpu.memory_space<semaphore_mem>>
      %dma_start3A_225 = tpu.memref_slice %arg4[%add3A] : memref<320000xi32, #tpu.memory_space<hbm>> -> memref<10000xi32, #tpu.memory_space<hbm>>
      %dma_start3A_226 = tpu.memref_slice %arg4[%add3A] : memref<320000xi32, #tpu.memory_space<hbm>> -> memref<10000xi32, #tpu.memory_space<hbm>>
      tpu.enqueue_dma source(%dma_start3A_226 : memref<10000xi32, #tpu.memory_space<hbm>>) target(%arg15 : memref<10000xi32, #tpu.memory_space<vmem>>) target_semaphore(%run_scoped3A_224 : memref<!tpu.dma_semaphore, #tpu.memory_space<semaphore_mem>>)
      %dma_wait3A_227 = tpu.memref_slice %arg4[%add3A] : memref<320000xi32, #tpu.memory_space<hbm>> -> memref<10000xi32, #tpu.memory_space<hbm>>
      %dma_wait3A_228 = tpu.memref_slice %arg4[%add3A] : memref<320000xi32, #tpu.memory_space<hbm>> -> memref<10000xi32, #tpu.memory_space<hbm>>
      tpu.wait_dma2 semaphore(%run_scoped3A_224 : memref<!tpu.dma_semaphore, #tpu.memory_space<semaphore_mem>>) src(%dma_wait3A_228 : memref<10000xi32, #tpu.memory_space<hbm>>) dst(%arg15 : memref<10000xi32, #tpu.memory_space<vmem>>)
      tpu.yield
    }) : () -> ()
    %barrier3A = arith.constant 0 : index
    tpu.barrier barrier_id(%barrier3A)
    %dma_start3A = arith.constant 0 : i32
    %dma_start3A_5 = arith.constant 0 : i32
    %dma_start3A_6 = tpu.memref_slice %arg14[%dma_start3A_5] : memref<10000xi32, #tpu.memory_space<vmem>> -> memref<80xi32, #tpu.memory_space<vmem>>
    %dma_start3A_7 = arith.constant 0 : i32
    %dma_start3A_8 = arith.constant 0 : i32
    %dma_start3A_9 = tpu.memref_slice %arg2[%dma_start3A, %dma_start3A_7, %dma_start3A_8] : memref<3x10000x128xf32, #tpu.memory_space<hbm>> -> memref<1x10000x128xf32, #tpu.memory_space<hbm>>
    %dma_start3A_10 = tpu.memref_squeeze %dma_start3A_9 : memref<1x10000x128xf32, #tpu.memory_space<hbm>> -> memref<10000x128xf32, #tpu.memory_space<hbm>>
    %dma_start3A_11 = arith.constant 0 : i32
    %dma_start3A_12 = arith.constant 0 : i32
    %dma_start3A_13 = tpu.memref_slice %dma_start3A_10[%dma_start3A_11, %dma_start3A_12] : memref<10000x128xf32, #tpu.memory_space<hbm>> -> memref<10000x128xf32, #tpu.memory_space<hbm>>
    tpu.enqueue_indirect_dma source(%dma_start3A_13 : memref<10000x128xf32, #tpu.memory_space<hbm>>) target(%arg12 : memref<80x128xf32, #tpu.memory_space<vmem>>) offsets(%dma_start3A_6 : memref<80xi32, #tpu.memory_space<vmem>>) semaphore(%arg16 : memref<!tpu.dma_semaphore, #tpu.memory_space<semaphore_mem>>)
    %dma_start3A_14 = arith.constant 0 : i32
    %dma_start3A_15 = arith.constant 80 : i32
    %dma_start3A_16 = tpu.memref_slice %arg14[%dma_start3A_15] : memref<10000xi32, #tpu.memory_space<vmem>> -> memref<80xi32, #tpu.memory_space<vmem>>
    %dma_start3A_17 = arith.constant 0 : i32
    %dma_start3A_18 = arith.constant 0 : i32
    %dma_start3A_19 = tpu.memref_slice %arg2[%dma_start3A_14, %dma_start3A_17, %dma_start3A_18] : memref<3x10000x128xf32, #tpu.memory_space<hbm>> -> memref<1x10000x128xf32, #tpu.memory_space<hbm>>
    %dma_start3A_20 = tpu.memref_squeeze %dma_start3A_19 : memref<1x10000x128xf32, #tpu.memory_space<hbm>> -> memref<10000x128xf32, #tpu.memory_space<hbm>>
    %dma_start3A_21 = arith.constant 0 : i32
    %dma_start3A_22 = arith.constant 0 : i32
    %dma_start3A_23 = tpu.memref_slice %dma_start3A_20[%dma_start3A_21, %dma_start3A_22] : memref<10000x128xf32, #tpu.memory_space<hbm>> -> memref<10000x128xf32, #tpu.memory_space<hbm>>
    tpu.enqueue_indirect_dma source(%dma_start3A_23 : memref<10000x128xf32, #tpu.memory_space<hbm>>) target(%arg13 : memref<80x128xf32, #tpu.memory_space<vmem>>) offsets(%dma_start3A_16 : memref<80xi32, #tpu.memory_space<vmem>>) semaphore(%arg17 : memref<!tpu.dma_semaphore, #tpu.memory_space<semaphore_mem>>)
    %scan3A = arith.constant 0 : i32
    %scan3A_24 = arith.constant 0 : i32
    %scan3A_25 = arith.constant 0 : i32
    %scan3A_26 = arith.constant 62 : i32
    %scan3A_27 = arith.addi %scan3A_25, %scan3A_26 : i32
    %scan3A_28 = arith.constant 1 : i32
    scf.for %scan3A_224 = %scan3A_25 to %scan3A_27 step %scan3A_28  : i32 {
      %mul3A_225 = arith.constant 2 : i32
      %mul3A_226 = arith.muli %mul3A_225, %scan3A_224 : i32
      %dma_wait3A_227 = arith.constant 0 : i32
      %dma_wait3A_228 = arith.constant 0 : i32
      %dma_wait3A_229 = tpu.memref_slice %arg2[%scan3A_24, %dma_wait3A_227, %dma_wait3A_228] : memref<3x10000x128xf32, #tpu.memory_space<hbm>> -> memref<1x10000x128xf32, #tpu.memory_space<hbm>>
      %dma_wait3A_230 = tpu.memref_squeeze %dma_wait3A_229 : memref<1x10000x128xf32, #tpu.memory_space<hbm>> -> memref<10000x128xf32, #tpu.memory_space<hbm>>
      %dma_wait3A_231 = arith.constant 0 : i32
      %dma_wait3A_232 = arith.constant 0 : i32
      %dma_wait3A_233 = tpu.memref_slice %dma_wait3A_230[%dma_wait3A_231, %dma_wait3A_232] : memref<10000x128xf32, #tpu.memory_space<hbm>> -> memref<80x128xf32, #tpu.memory_space<hbm>>
      %dma_wait3A_234 = arith.constant 0 : i32
      %dma_wait3A_235 = arith.constant 0 : i32
      %dma_wait3A_236 = tpu.memref_slice %arg2[%scan3A_24, %dma_wait3A_234, %dma_wait3A_235] : memref<3x10000x128xf32, #tpu.memory_space<hbm>> -> memref<1x10000x128xf32, #tpu.memory_space<hbm>>
      %dma_wait3A_237 = tpu.memref_squeeze %dma_wait3A_236 : memref<1x10000x128xf32, #tpu.memory_space<hbm>> -> memref<10000x128xf32, #tpu.memory_space<hbm>>
      %dma_wait3A_238 = arith.constant 0 : i32
      %dma_wait3A_239 = arith.constant 0 : i32
      %dma_wait3A_240 = tpu.memref_slice %dma_wait3A_237[%dma_wait3A_238, %dma_wait3A_239] : memref<10000x128xf32, #tpu.memory_space<hbm>> -> memref<80x128xf32, #tpu.memory_space<hbm>>
      tpu.wait_dma2 semaphore(%arg16 : memref<!tpu.dma_semaphore, #tpu.memory_space<semaphore_mem>>) src(%dma_wait3A_240 : memref<80x128xf32, #tpu.memory_space<hbm>>) dst(%arg12 : memref<80x128xf32, #tpu.memory_space<vmem>>)
      %mul3A_241 = arith.constant 80 : i32
      %mul3A_242 = arith.muli %mul3A_226, %mul3A_241 : i32
      %dma_start3A_243 = tpu.memref_slice %arg15[%mul3A_242] : memref<10000xi32, #tpu.memory_space<vmem>> -> memref<80xi32, #tpu.memory_space<vmem>>
      %dma_start3A_244 = arith.constant 0 : i32
      %dma_start3A_245 = arith.constant 0 : i32
      %dma_start3A_246 = tpu.memref_slice %arg11[%dma_start3A_244, %dma_start3A_245] : memref<10240x128xf32, #tpu.memory_space<vmem_shared>> -> memref<10240x128xf32, #tpu.memory_space<vmem_shared>>
      tpu.enqueue_indirect_dma source(%arg12 : memref<80x128xf32, #tpu.memory_space<vmem>>) target(%dma_start3A_246 : memref<10240x128xf32, #tpu.memory_space<vmem_shared>>) offsets(%dma_start3A_243 : memref<80xi32, #tpu.memory_space<vmem>>) semaphore(%arg18 : memref<!tpu.dma_semaphore, #tpu.memory_space<semaphore_mem>>) {add = true}
      %dma_wait3A_247 = arith.constant 0 : i32
      %dma_wait3A_248 = arith.constant 0 : i32
      %dma_wait3A_249 = tpu.memref_slice %arg2[%scan3A_24, %dma_wait3A_247, %dma_wait3A_248] : memref<3x10000x128xf32, #tpu.memory_space<hbm>> -> memref<1x10000x128xf32, #tpu.memory_space<hbm>>
      %dma_wait3A_250 = tpu.memref_squeeze %dma_wait3A_249 : memref<1x10000x128xf32, #tpu.memory_space<hbm>> -> memref<10000x128xf32, #tpu.memory_space<hbm>>
      %dma_wait3A_251 = arith.constant 0 : i32
      %dma_wait3A_252 = arith.constant 0 : i32
      %dma_wait3A_253 = tpu.memref_slice %dma_wait3A_250[%dma_wait3A_251, %dma_wait3A_252] : memref<10000x128xf32, #tpu.memory_space<hbm>> -> memref<80x128xf32, #tpu.memory_space<hbm>>
      %dma_wait3A_254 = arith.constant 0 : i32
      %dma_wait3A_255 = arith.constant 0 : i32
      %dma_wait3A_256 = tpu.memref_slice %arg2[%scan3A_24, %dma_wait3A_254, %dma_wait3A_255] : memref<3x10000x128xf32, #tpu.memory_space<hbm>> -> memref<1x10000x128xf32, #tpu.memory_space<hbm>>
      %dma_wait3A_257 = tpu.memref_squeeze %dma_wait3A_256 : memref<1x10000x128xf32, #tpu.memory_space<hbm>> -> memref<10000x128xf32, #tpu.memory_space<hbm>>
      %dma_wait3A_258 = arith.constant 0 : i32
      %dma_wait3A_259 = arith.constant 0 : i32
      %dma_wait3A_260 = tpu.memref_slice %dma_wait3A_257[%dma_wait3A_258, %dma_wait3A_259] : memref<10000x128xf32, #tpu.memory_space<hbm>> -> memref<80x128xf32, #tpu.memory_space<hbm>>
      tpu.wait_dma2 semaphore(%arg17 : memref<!tpu.dma_semaphore, #tpu.memory_space<semaphore_mem>>) src(%dma_wait3A_260 : memref<80x128xf32, #tpu.memory_space<hbm>>) dst(%arg13 : memref<80x128xf32, #tpu.memory_space<vmem>>)
      %add3A_261 = arith.constant 1 : i32
      %add3A_262 = arith.addi %mul3A_226, %add3A_261 : i32
      %mul3A_263 = arith.constant 80 : i32
      %mul3A_264 = arith.muli %add3A_262, %mul3A_263 : i32
      %dma_start3A_265 = tpu.memref_slice %arg15[%mul3A_264] : memref<10000xi32, #tpu.memory_space<vmem>> -> memref<80xi32, #tpu.memory_space<vmem>>
      %dma_start3A_266 = arith.constant 0 : i32
      %dma_start3A_267 = arith.constant 0 : i32
      %dma_start3A_268 = tpu.memref_slice %arg11[%dma_start3A_266, %dma_start3A_267] : memref<10240x128xf32, #tpu.memory_space<vmem_shared>> -> memref<10240x128xf32, #tpu.memory_space<vmem_shared>>
      tpu.enqueue_indirect_dma source(%arg13 : memref<80x128xf32, #tpu.memory_space<vmem>>) target(%dma_start3A_268 : memref<10240x128xf32, #tpu.memory_space<vmem_shared>>) offsets(%dma_start3A_265 : memref<80xi32, #tpu.memory_space<vmem>>) semaphore(%arg19 : memref<!tpu.dma_semaphore, #tpu.memory_space<semaphore_mem>>) {add = true}
      %dma_wait3A_269 = arith.constant 0 : i32
      %dma_wait3A_270 = arith.constant 0 : i32
      %dma_wait3A_271 = tpu.memref_slice %arg2[%scan3A_24, %dma_wait3A_269, %dma_wait3A_270] : memref<3x10000x128xf32, #tpu.memory_space<hbm>> -> memref<1x10000x128xf32, #tpu.memory_space<hbm>>
      %dma_wait3A_272 = tpu.memref_squeeze %dma_wait3A_271 : memref<1x10000x128xf32, #tpu.memory_space<hbm>> -> memref<10000x128xf32, #tpu.memory_space<hbm>>
      %dma_wait3A_273 = arith.constant 0 : i32
      %dma_wait3A_274 = arith.constant 0 : i32
      %dma_wait3A_275 = tpu.memref_slice %dma_wait3A_272[%dma_wait3A_273, %dma_wait3A_274] : memref<10000x128xf32, #tpu.memory_space<hbm>> -> memref<80x128xf32, #tpu.memory_space<hbm>>
      %dma_wait3A_276 = arith.constant 0 : i32
      %dma_wait3A_277 = arith.constant 0 : i32
      %dma_wait3A_278 = tpu.memref_slice %arg2[%scan3A_24, %dma_wait3A_276, %dma_wait3A_277] : memref<3x10000x128xf32, #tpu.memory_space<hbm>> -> memref<1x10000x128xf32, #tpu.memory_space<hbm>>
      %dma_wait3A_279 = tpu.memref_squeeze %dma_wait3A_278 : memref<1x10000x128xf32, #tpu.memory_space<hbm>> -> memref<10000x128xf32, #tpu.memory_space<hbm>>
      %dma_wait3A_280 = arith.constant 0 : i32
      %dma_wait3A_281 = arith.constant 0 : i32
      %dma_wait3A_282 = tpu.memref_slice %dma_wait3A_279[%dma_wait3A_280, %dma_wait3A_281] : memref<10000x128xf32, #tpu.memory_space<hbm>> -> memref<80x128xf32, #tpu.memory_space<hbm>>
      tpu.wait_dma2 semaphore(%arg18 : memref<!tpu.dma_semaphore, #tpu.memory_space<semaphore_mem>>) src(%dma_wait3A_282 : memref<80x128xf32, #tpu.memory_space<hbm>>) dst(%arg12 : memref<80x128xf32, #tpu.memory_space<vmem>>)
      %add3A_283 = arith.constant 2 : i32
      %add3A_284 = arith.addi %mul3A_226, %add3A_283 : i32
      %lt3A = arith.constant 125 : i32
      %lt3A_285 = arith.cmpi slt, %add3A_284, %lt3A : i32
      %convert_element_type3A = arith.extui %lt3A_285 : i1 to i32
      %cond3A = arith.constant 0 : i32
      %cond3A_286 = arith.cmpi ne, %convert_element_type3A, %cond3A : i32
      scf.if %cond3A_286 {
        %add3A_308 = arith.constant 2 : i32
        %add3A_309 = arith.addi %mul3A_226, %add3A_308 : i32
        %mul3A_310 = arith.constant 80 : i32
        %mul3A_311 = arith.muli %add3A_309, %mul3A_310 : i32
        %dma_start3A_312 = tpu.memref_slice %arg14[%mul3A_311] : memref<10000xi32, #tpu.memory_space<vmem>> -> memref<80xi32, #tpu.memory_space<vmem>>
        %dma_start3A_313 = arith.constant 0 : i32
        %dma_start3A_314 = arith.constant 0 : i32
        %dma_start3A_315 = tpu.memref_slice %arg2[%scan3A_24, %dma_start3A_313, %dma_start3A_314] : memref<3x10000x128xf32, #tpu.memory_space<hbm>> -> memref<1x10000x128xf32, #tpu.memory_space<hbm>>
        %dma_start3A_316 = tpu.memref_squeeze %dma_start3A_315 : memref<1x10000x128xf32, #tpu.memory_space<hbm>> -> memref<10000x128xf32, #tpu.memory_space<hbm>>
        %dma_start3A_317 = arith.constant 0 : i32
        %dma_start3A_318 = arith.constant 0 : i32
        %dma_start3A_319 = tpu.memref_slice %dma_start3A_316[%dma_start3A_317, %dma_start3A_318] : memref<10000x128xf32, #tpu.memory_space<hbm>> -> memref<10000x128xf32, #tpu.memory_space<hbm>>
        tpu.enqueue_indirect_dma source(%dma_start3A_319 : memref<10000x128xf32, #tpu.memory_space<hbm>>) target(%arg12 : memref<80x128xf32, #tpu.memory_space<vmem>>) offsets(%dma_start3A_312 : memref<80xi32, #tpu.memory_space<vmem>>) semaphore(%arg16 : memref<!tpu.dma_semaphore, #tpu.memory_space<semaphore_mem>>)
      } else {
      }
      %dma_wait3A_287 = arith.constant 0 : i32
      %dma_wait3A_288 = arith.constant 0 : i32
      %dma_wait3A_289 = tpu.memref_slice %arg2[%scan3A_24, %dma_wait3A_287, %dma_wait3A_288] : memref<3x10000x128xf32, #tpu.memory_space<hbm>> -> memref<1x10000x128xf32, #tpu.memory_space<hbm>>
      %dma_wait3A_290 = tpu.memref_squeeze %dma_wait3A_289 : memref<1x10000x128xf32, #tpu.memory_space<hbm>> -> memref<10000x128xf32, #tpu.memory_space<hbm>>
      %dma_wait3A_291 = arith.constant 0 : i32
      %dma_wait3A_292 = arith.constant 0 : i32
      %dma_wait3A_293 = tpu.memref_slice %dma_wait3A_290[%dma_wait3A_291, %dma_wait3A_292] : memref<10000x128xf32, #tpu.memory_space<hbm>> -> memref<80x128xf32, #tpu.memory_space<hbm>>
      %dma_wait3A_294 = arith.constant 0 : i32
      %dma_wait3A_295 = arith.constant 0 : i32
      %dma_wait3A_296 = tpu.memref_slice %arg2[%scan3A_24, %dma_wait3A_294, %dma_wait3A_295] : memref<3x10000x128xf32, #tpu.memory_space<hbm>> -> memref<1x10000x128xf32, #tpu.memory_space<hbm>>
      %dma_wait3A_297 = tpu.memref_squeeze %dma_wait3A_296 : memref<1x10000x128xf32, #tpu.memory_space<hbm>> -> memref<10000x128xf32, #tpu.memory_space<hbm>>
      %dma_wait3A_298 = arith.constant 0 : i32
      %dma_wait3A_299 = arith.constant 0 : i32
      %dma_wait3A_300 = tpu.memref_slice %dma_wait3A_297[%dma_wait3A_298, %dma_wait3A_299] : memref<10000x128xf32, #tpu.memory_space<hbm>> -> memref<80x128xf32, #tpu.memory_space<hbm>>
      tpu.wait_dma2 semaphore(%arg19 : memref<!tpu.dma_semaphore, #tpu.memory_space<semaphore_mem>>) src(%dma_wait3A_300 : memref<80x128xf32, #tpu.memory_space<hbm>>) dst(%arg13 : memref<80x128xf32, #tpu.memory_space<vmem>>)
      %add3A_301 = arith.constant 3 : i32
      %add3A_302 = arith.addi %mul3A_226, %add3A_301 : i32
      %lt3A_303 = arith.constant 125 : i32
      %lt3A_304 = arith.cmpi slt, %add3A_302, %lt3A_303 : i32
      %convert_element_type3A_305 = arith.extui %lt3A_304 : i1 to i32
      %cond3A_306 = arith.constant 0 : i32
      %cond3A_307 = arith.cmpi ne, %convert_element_type3A_305, %cond3A_306 : i32
      scf.if %cond3A_307 {
        %add3A_308 = arith.constant 3 : i32
        %add3A_309 = arith.addi %mul3A_226, %add3A_308 : i32
        %mul3A_310 = arith.constant 80 : i32
        %mul3A_311 = arith.muli %add3A_309, %mul3A_310 : i32
        %dma_start3A_312 = tpu.memref_slice %arg14[%mul3A_311] : memref<10000xi32, #tpu.memory_space<vmem>> -> memref<80xi32, #tpu.memory_space<vmem>>
        %dma_start3A_313 = arith.constant 0 : i32
        %dma_start3A_314 = arith.constant 0 : i32
        %dma_start3A_315 = tpu.memref_slice %arg2[%scan3A_24, %dma_start3A_313, %dma_start3A_314] : memref<3x10000x128xf32, #tpu.memory_space<hbm>> -> memref<1x10000x128xf32, #tpu.memory_space<hbm>>
        %dma_start3A_316 = tpu.memref_squeeze %dma_start3A_315 : memref<1x10000x128xf32, #tpu.memory_space<hbm>> -> memref<10000x128xf32, #tpu.memory_space<hbm>>
        %dma_start3A_317 = arith.constant 0 : i32
        %dma_start3A_318 = arith.constant 0 : i32
        %dma_start3A_319 = tpu.memref_slice %dma_start3A_316[%dma_start3A_317, %dma_start3A_318] : memref<10000x128xf32, #tpu.memory_space<hbm>> -> memref<10000x128xf32, #tpu.memory_space<hbm>>
        tpu.enqueue_indirect_dma source(%dma_start3A_319 : memref<10000x128xf32, #tpu.memory_space<hbm>>) target(%arg13 : memref<80x128xf32, #tpu.memory_space<vmem>>) offsets(%dma_start3A_312 : memref<80xi32, #tpu.memory_space<vmem>>) semaphore(%arg17 : memref<!tpu.dma_semaphore, #tpu.memory_space<semaphore_mem>>)
      } else {
      }
    }
    %scan3A_29 = arith.constant 62 : i32
    %dma_wait3A = arith.constant 0 : i32
    %dma_wait3A_30 = arith.constant 0 : i32
    %dma_wait3A_31 = arith.constant 0 : i32
    %dma_wait3A_32 = tpu.memref_slice %arg2[%dma_wait3A, %dma_wait3A_30, %dma_wait3A_31] : memref<3x10000x128xf32, #tpu.memory_space<hbm>> -> memref<1x10000x128xf32, #tpu.memory_space<hbm>>
    %dma_wait3A_33 = tpu.memref_squeeze %dma_wait3A_32 : memref<1x10000x128xf32, #tpu.memory_space<hbm>> -> memref<10000x128xf32, #tpu.memory_space<hbm>>
    %dma_wait3A_34 = arith.constant 0 : i32
    %dma_wait3A_35 = arith.constant 0 : i32
    %dma_wait3A_36 = tpu.memref_slice %dma_wait3A_33[%dma_wait3A_34, %dma_wait3A_35] : memref<10000x128xf32, #tpu.memory_space<hbm>> -> memref<80x128xf32, #tpu.memory_space<hbm>>
    %dma_wait3A_37 = arith.constant 0 : i32
    %dma_wait3A_38 = arith.constant 0 : i32
    %dma_wait3A_39 = tpu.memref_slice %arg2[%dma_wait3A, %dma_wait3A_37, %dma_wait3A_38] : memref<3x10000x128xf32, #tpu.memory_space<hbm>> -> memref<1x10000x128xf32, #tpu.memory_space<hbm>>
    %dma_wait3A_40 = tpu.memref_squeeze %dma_wait3A_39 : memref<1x10000x128xf32, #tpu.memory_space<hbm>> -> memref<10000x128xf32, #tpu.memory_space<hbm>>
    %dma_wait3A_41 = arith.constant 0 : i32
    %dma_wait3A_42 = arith.constant 0 : i32
    %dma_wait3A_43 = tpu.memref_slice %dma_wait3A_40[%dma_wait3A_41, %dma_wait3A_42] : memref<10000x128xf32, #tpu.memory_space<hbm>> -> memref<80x128xf32, #tpu.memory_space<hbm>>
    tpu.wait_dma2 semaphore(%arg16 : memref<!tpu.dma_semaphore, #tpu.memory_space<semaphore_mem>>) src(%dma_wait3A_43 : memref<80x128xf32, #tpu.memory_space<hbm>>) dst(%arg12 : memref<80x128xf32, #tpu.memory_space<vmem>>)
    %dma_start3A_44 = arith.constant 9920 : i32
    %dma_start3A_45 = tpu.memref_slice %arg15[%dma_start3A_44] : memref<10000xi32, #tpu.memory_space<vmem>> -> memref<80xi32, #tpu.memory_space<vmem>>
    %dma_start3A_46 = arith.constant 0 : i32
    %dma_start3A_47 = arith.constant 0 : i32
    %dma_start3A_48 = tpu.memref_slice %arg11[%dma_start3A_46, %dma_start3A_47] : memref<10240x128xf32, #tpu.memory_space<vmem_shared>> -> memref<10240x128xf32, #tpu.memory_space<vmem_shared>>
    tpu.enqueue_indirect_dma source(%arg12 : memref<80x128xf32, #tpu.memory_space<vmem>>) target(%dma_start3A_48 : memref<10240x128xf32, #tpu.memory_space<vmem_shared>>) offsets(%dma_start3A_45 : memref<80xi32, #tpu.memory_space<vmem>>) semaphore(%arg18 : memref<!tpu.dma_semaphore, #tpu.memory_space<semaphore_mem>>) {add = true}
    %dma_wait3A_49 = arith.constant 0 : i32
    %dma_wait3A_50 = arith.constant 0 : i32
    %dma_wait3A_51 = arith.constant 0 : i32
    %dma_wait3A_52 = tpu.memref_slice %arg2[%dma_wait3A_49, %dma_wait3A_50, %dma_wait3A_51] : memref<3x10000x128xf32, #tpu.memory_space<hbm>> -> memref<1x10000x128xf32, #tpu.memory_space<hbm>>
    %dma_wait3A_53 = tpu.memref_squeeze %dma_wait3A_52 : memref<1x10000x128xf32, #tpu.memory_space<hbm>> -> memref<10000x128xf32, #tpu.memory_space<hbm>>
    %dma_wait3A_54 = arith.constant 0 : i32
    %dma_wait3A_55 = arith.constant 0 : i32
    %dma_wait3A_56 = tpu.memref_slice %dma_wait3A_53[%dma_wait3A_54, %dma_wait3A_55] : memref<10000x128xf32, #tpu.memory_space<hbm>> -> memref<80x128xf32, #tpu.memory_space<hbm>>
    %dma_wait3A_57 = arith.constant 0 : i32
    %dma_wait3A_58 = arith.constant 0 : i32
    %dma_wait3A_59 = tpu.memref_slice %arg2[%dma_wait3A_49, %dma_wait3A_57, %dma_wait3A_58] : memref<3x10000x128xf32, #tpu.memory_space<hbm>> -> memref<1x10000x128xf32, #tpu.memory_space<hbm>>
    %dma_wait3A_60 = tpu.memref_squeeze %dma_wait3A_59 : memref<1x10000x128xf32, #tpu.memory_space<hbm>> -> memref<10000x128xf32, #tpu.memory_space<hbm>>
    %dma_wait3A_61 = arith.constant 0 : i32
    %dma_wait3A_62 = arith.constant 0 : i32
    %dma_wait3A_63 = tpu.memref_slice %dma_wait3A_60[%dma_wait3A_61, %dma_wait3A_62] : memref<10000x128xf32, #tpu.memory_space<hbm>> -> memref<80x128xf32, #tpu.memory_space<hbm>>
    tpu.wait_dma2 semaphore(%arg18 : memref<!tpu.dma_semaphore, #tpu.memory_space<semaphore_mem>>) src(%dma_wait3A_63 : memref<80x128xf32, #tpu.memory_space<hbm>>) dst(%arg12 : memref<80x128xf32, #tpu.memory_space<vmem>>)
    %barrier3A_64 = arith.constant 0 : index
    tpu.barrier barrier_id(%barrier3A_64)
    %mul3A_65 = arith.constant 640 : i32
    %mul3A_66 = arith.muli %arg1, %mul3A_65 : i32
    %mul3A_67 = arith.constant 640 : i32
    %mul3A_68 = arith.muli %arg1, %mul3A_67 : i32
    %run_scoped3A = arith.constant 0 : i32
    "tpu.region"() ({
      %run_scoped3A_224 = tpu.sem_alloc : memref<!tpu.dma_semaphore, #tpu.memory_space<semaphore_mem>>
      %dma_start3A_225 = arith.constant 0 : i32
      %dma_start3A_226 = tpu.memref_slice %arg10[%arg0, %run_scoped3A, %mul3A_68, %dma_start3A_225] : memref<2x3x10240x128xf32, #tpu.memory_space<hbm>> -> memref<1x1x640x128xf32, #tpu.memory_space<hbm>>
      %dma_start3A_227 = tpu.memref_squeeze %dma_start3A_226 : memref<1x1x640x128xf32, #tpu.memory_space<hbm>> -> memref<640x128xf32, #tpu.memory_space<hbm>>
      %dma_start3A_228 = arith.constant 0 : i32
      %dma_start3A_229 = tpu.memref_slice %arg11[%mul3A_66, %dma_start3A_228] : memref<10240x128xf32, #tpu.memory_space<vmem_shared>> -> memref<640x128xf32, #tpu.memory_space<vmem_shared>>
      tpu.enqueue_dma source(%dma_start3A_229 : memref<640x128xf32, #tpu.memory_space<vmem_shared>>) target(%dma_start3A_227 : memref<640x128xf32, #tpu.memory_space<hbm>>) target_semaphore(%run_scoped3A_224 : memref<!tpu.dma_semaphore, #tpu.memory_space<semaphore_mem>>)
      %dma_wait3A_230 = arith.constant 0 : i32
      %dma_wait3A_231 = tpu.memref_slice %arg10[%arg0, %run_scoped3A, %mul3A_68, %dma_wait3A_230] : memref<2x3x10240x128xf32, #tpu.memory_space<hbm>> -> memref<1x1x640x128xf32, #tpu.memory_space<hbm>>
      %dma_wait3A_232 = tpu.memref_squeeze %dma_wait3A_231 : memref<1x1x640x128xf32, #tpu.memory_space<hbm>> -> memref<640x128xf32, #tpu.memory_space<hbm>>
      %dma_wait3A_233 = arith.constant 0 : i32
      %dma_wait3A_234 = tpu.memref_slice %arg11[%mul3A_66, %dma_wait3A_233] : memref<10240x128xf32, #tpu.memory_space<vmem_shared>> -> memref<640x128xf32, #tpu.memory_space<vmem_shared>>
      tpu.wait_dma2 semaphore(%run_scoped3A_224 : memref<!tpu.dma_semaphore, #tpu.memory_space<semaphore_mem>>) src(%dma_wait3A_234 : memref<640x128xf32, #tpu.memory_space<vmem_shared>>) dst(%dma_wait3A_232 : memref<640x128xf32, #tpu.memory_space<hbm>>)
      tpu.yield
    }) : () -> ()
    %barrier3A_69 = arith.constant 0 : index
    tpu.barrier barrier_id(%barrier3A_69)
    %mul3A_70 = arith.constant 640 : i32
    %mul3A_71 = arith.muli %arg1, %mul3A_70 : i32
    "tpu.region"() ({
      %run_scoped3A_224 = tpu.sem_alloc : memref<!tpu.dma_semaphore, #tpu.memory_space<semaphore_mem>>
      %dma_start3A_225 = arith.constant 0 : i32
      %dma_start3A_226 = tpu.memref_slice %arg11[%mul3A_71, %dma_start3A_225] : memref<10240x128xf32, #tpu.memory_space<vmem_shared>> -> memref<640x128xf32, #tpu.memory_space<vmem_shared>>
      tpu.enqueue_dma source(%arg9 : memref<640x128xf32, #tpu.memory_space<hbm>>) target(%dma_start3A_226 : memref<640x128xf32, #tpu.memory_space<vmem_shared>>) target_semaphore(%run_scoped3A_224 : memref<!tpu.dma_semaphore, #tpu.memory_space<semaphore_mem>>)
      %dma_wait3A_227 = arith.constant 0 : i32
      %dma_wait3A_228 = tpu.memref_slice %arg11[%mul3A_71, %dma_wait3A_227] : memref<10240x128xf32, #tpu.memory_space<vmem_shared>> -> memref<640x128xf32, #tpu.memory_space<vmem_shared>>
      tpu.wait_dma2 semaphore(%run_scoped3A_224 : memref<!tpu.dma_semaphore, #tpu.memory_space<semaphore_mem>>) src(%arg9 : memref<640x128xf32, #tpu.memory_space<hbm>>) dst(%dma_wait3A_228 : memref<640x128xf32, #tpu.memory_space<vmem_shared>>)
      tpu.yield
    }) : () -> ()
    %mul3A_72 = arith.constant 160000 : i32
    %mul3A_73 = arith.muli %arg0, %mul3A_72 : i32
    %mul3A_74 = arith.constant 10000 : i32
    %mul3A_75 = arith.muli %arg1, %mul3A_74 : i32
    %add3A_76 = arith.addi %mul3A_73, %mul3A_75 : i32
    "tpu.region"() ({
      %run_scoped3A_224 = tpu.sem_alloc : memref<!tpu.dma_semaphore, #tpu.memory_space<semaphore_mem>>
      %dma_start3A_225 = tpu.memref_slice %arg5[%add3A_76] : memref<320000xi32, #tpu.memory_space<hbm>> -> memref<10000xi32, #tpu.memory_space<hbm>>
      %dma_start3A_226 = tpu.memref_slice %arg5[%add3A_76] : memref<320000xi32, #tpu.memory_space<hbm>> -> memref<10000xi32, #tpu.memory_space<hbm>>
      tpu.enqueue_dma source(%dma_start3A_226 : memref<10000xi32, #tpu.memory_space<hbm>>) target(%arg14 : memref<10000xi32, #tpu.memory_space<vmem>>) target_semaphore(%run_scoped3A_224 : memref<!tpu.dma_semaphore, #tpu.memory_space<semaphore_mem>>)
      %dma_wait3A_227 = tpu.memref_slice %arg5[%add3A_76] : memref<320000xi32, #tpu.memory_space<hbm>> -> memref<10000xi32, #tpu.memory_space<hbm>>
      %dma_wait3A_228 = tpu.memref_slice %arg5[%add3A_76] : memref<320000xi32, #tpu.memory_space<hbm>> -> memref<10000xi32, #tpu.memory_space<hbm>>
      tpu.wait_dma2 semaphore(%run_scoped3A_224 : memref<!tpu.dma_semaphore, #tpu.memory_space<semaphore_mem>>) src(%dma_wait3A_228 : memref<10000xi32, #tpu.memory_space<hbm>>) dst(%arg14 : memref<10000xi32, #tpu.memory_space<vmem>>)
      tpu.yield
    }) : () -> ()
    "tpu.region"() ({
      %run_scoped3A_224 = tpu.sem_alloc : memref<!tpu.dma_semaphore, #tpu.memory_space<semaphore_mem>>
      %dma_start3A_225 = tpu.memref_slice %arg6[%add3A_76] : memref<320000xi32, #tpu.memory_space<hbm>> -> memref<10000xi32, #tpu.memory_space<hbm>>
      %dma_start3A_226 = tpu.memref_slice %arg6[%add3A_76] : memref<320000xi32, #tpu.memory_space<hbm>> -> memref<10000xi32, #tpu.memory_space<hbm>>
      tpu.enqueue_dma source(%dma_start3A_226 : memref<10000xi32, #tpu.memory_space<hbm>>) target(%arg15 : memref<10000xi32, #tpu.memory_space<vmem>>) target_semaphore(%run_scoped3A_224 : memref<!tpu.dma_semaphore, #tpu.memory_space<semaphore_mem>>)
      %dma_wait3A_227 = tpu.memref_slice %arg6[%add3A_76] : memref<320000xi32, #tpu.memory_space<hbm>> -> memref<10000xi32, #tpu.memory_space<hbm>>
      %dma_wait3A_228 = tpu.memref_slice %arg6[%add3A_76] : memref<320000xi32, #tpu.memory_space<hbm>> -> memref<10000xi32, #tpu.memory_space<hbm>>
      tpu.wait_dma2 semaphore(%run_scoped3A_224 : memref<!tpu.dma_semaphore, #tpu.memory_space<semaphore_mem>>) src(%dma_wait3A_228 : memref<10000xi32, #tpu.memory_space<hbm>>) dst(%arg15 : memref<10000xi32, #tpu.memory_space<vmem>>)
      tpu.yield
    }) : () -> ()
    %barrier3A_77 = arith.constant 0 : index
    tpu.barrier barrier_id(%barrier3A_77)
    %dma_start3A_78 = arith.constant 1 : i32
    %dma_start3A_79 = arith.constant 0 : i32
    %dma_start3A_80 = tpu.memref_slice %arg14[%dma_start3A_79] : memref<10000xi32, #tpu.memory_space<vmem>> -> memref<80xi32, #tpu.memory_space<vmem>>
    %dma_start3A_81 = arith.constant 0 : i32
    %dma_start3A_82 = arith.constant 0 : i32
    %dma_start3A_83 = tpu.memref_slice %arg2[%dma_start3A_78, %dma_start3A_81, %dma_start3A_82] : memref<3x10000x128xf32, #tpu.memory_space<hbm>> -> memref<1x10000x128xf32, #tpu.memory_space<hbm>>
    %dma_start3A_84 = tpu.memref_squeeze %dma_start3A_83 : memref<1x10000x128xf32, #tpu.memory_space<hbm>> -> memref<10000x128xf32, #tpu.memory_space<hbm>>
    %dma_start3A_85 = arith.constant 0 : i32
    %dma_start3A_86 = arith.constant 0 : i32
    %dma_start3A_87 = tpu.memref_slice %dma_start3A_84[%dma_start3A_85, %dma_start3A_86] : memref<10000x128xf32, #tpu.memory_space<hbm>> -> memref<10000x128xf32, #tpu.memory_space<hbm>>
    tpu.enqueue_indirect_dma source(%dma_start3A_87 : memref<10000x128xf32, #tpu.memory_space<hbm>>) target(%arg12 : memref<80x128xf32, #tpu.memory_space<vmem>>) offsets(%dma_start3A_80 : memref<80xi32, #tpu.memory_space<vmem>>) semaphore(%arg16 : memref<!tpu.dma_semaphore, #tpu.memory_space<semaphore_mem>>)
    %dma_start3A_88 = arith.constant 1 : i32
    %dma_start3A_89 = arith.constant 80 : i32
    %dma_start3A_90 = tpu.memref_slice %arg14[%dma_start3A_89] : memref<10000xi32, #tpu.memory_space<vmem>> -> memref<80xi32, #tpu.memory_space<vmem>>
    %dma_start3A_91 = arith.constant 0 : i32
    %dma_start3A_92 = arith.constant 0 : i32
    %dma_start3A_93 = tpu.memref_slice %arg2[%dma_start3A_88, %dma_start3A_91, %dma_start3A_92] : memref<3x10000x128xf32, #tpu.memory_space<hbm>> -> memref<1x10000x128xf32, #tpu.memory_space<hbm>>
    %dma_start3A_94 = tpu.memref_squeeze %dma_start3A_93 : memref<1x10000x128xf32, #tpu.memory_space<hbm>> -> memref<10000x128xf32, #tpu.memory_space<hbm>>
    %dma_start3A_95 = arith.constant 0 : i32
    %dma_start3A_96 = arith.constant 0 : i32
    %dma_start3A_97 = tpu.memref_slice %dma_start3A_94[%dma_start3A_95, %dma_start3A_96] : memref<10000x128xf32, #tpu.memory_space<hbm>> -> memref<10000x128xf32, #tpu.memory_space<hbm>>
    tpu.enqueue_indirect_dma source(%dma_start3A_97 : memref<10000x128xf32, #tpu.memory_space<hbm>>) target(%arg13 : memref<80x128xf32, #tpu.memory_space<vmem>>) offsets(%dma_start3A_90 : memref<80xi32, #tpu.memory_space<vmem>>) semaphore(%arg17 : memref<!tpu.dma_semaphore, #tpu.memory_space<semaphore_mem>>)
    %scan3A_98 = arith.constant 0 : i32
    %scan3A_99 = arith.constant 1 : i32
    %scan3A_100 = arith.constant 0 : i32
    %scan3A_101 = arith.constant 62 : i32
    %scan3A_102 = arith.addi %scan3A_100, %scan3A_101 : i32
    %scan3A_103 = arith.constant 1 : i32
    scf.for %scan3A_224 = %scan3A_100 to %scan3A_102 step %scan3A_103  : i32 {
      %mul3A_225 = arith.constant 2 : i32
      %mul3A_226 = arith.muli %mul3A_225, %scan3A_224 : i32
      %dma_wait3A_227 = arith.constant 0 : i32
      %dma_wait3A_228 = arith.constant 0 : i32
      %dma_wait3A_229 = tpu.memref_slice %arg2[%scan3A_99, %dma_wait3A_227, %dma_wait3A_228] : memref<3x10000x128xf32, #tpu.memory_space<hbm>> -> memref<1x10000x128xf32, #tpu.memory_space<hbm>>
      %dma_wait3A_230 = tpu.memref_squeeze %dma_wait3A_229 : memref<1x10000x128xf32, #tpu.memory_space<hbm>> -> memref<10000x128xf32, #tpu.memory_space<hbm>>
      %dma_wait3A_231 = arith.constant 0 : i32
      %dma_wait3A_232 = arith.constant 0 : i32
      %dma_wait3A_233 = tpu.memref_slice %dma_wait3A_230[%dma_wait3A_231, %dma_wait3A_232] : memref<10000x128xf32, #tpu.memory_space<hbm>> -> memref<80x128xf32, #tpu.memory_space<hbm>>
      %dma_wait3A_234 = arith.constant 0 : i32
      %dma_wait3A_235 = arith.constant 0 : i32
      %dma_wait3A_236 = tpu.memref_slice %arg2[%scan3A_99, %dma_wait3A_234, %dma_wait3A_235] : memref<3x10000x128xf32, #tpu.memory_space<hbm>> -> memref<1x10000x128xf32, #tpu.memory_space<hbm>>
      %dma_wait3A_237 = tpu.memref_squeeze %dma_wait3A_236 : memref<1x10000x128xf32, #tpu.memory_space<hbm>> -> memref<10000x128xf32, #tpu.memory_space<hbm>>
      %dma_wait3A_238 = arith.constant 0 : i32
      %dma_wait3A_239 = arith.constant 0 : i32
      %dma_wait3A_240 = tpu.memref_slice %dma_wait3A_237[%dma_wait3A_238, %dma_wait3A_239] : memref<10000x128xf32, #tpu.memory_space<hbm>> -> memref<80x128xf32, #tpu.memory_space<hbm>>
      tpu.wait_dma2 semaphore(%arg16 : memref<!tpu.dma_semaphore, #tpu.memory_space<semaphore_mem>>) src(%dma_wait3A_240 : memref<80x128xf32, #tpu.memory_space<hbm>>) dst(%arg12 : memref<80x128xf32, #tpu.memory_space<vmem>>)
      %mul3A_241 = arith.constant 80 : i32
      %mul3A_242 = arith.muli %mul3A_226, %mul3A_241 : i32
      %dma_start3A_243 = tpu.memref_slice %arg15[%mul3A_242] : memref<10000xi32, #tpu.memory_space<vmem>> -> memref<80xi32, #tpu.memory_space<vmem>>
      %dma_start3A_244 = arith.constant 0 : i32
      %dma_start3A_245 = arith.constant 0 : i32
      %dma_start3A_246 = tpu.memref_slice %arg11[%dma_start3A_244, %dma_start3A_245] : memref<10240x128xf32, #tpu.memory_space<vmem_shared>> -> memref<10240x128xf32, #tpu.memory_space<vmem_shared>>
      tpu.enqueue_indirect_dma source(%arg12 : memref<80x128xf32, #tpu.memory_space<vmem>>) target(%dma_start3A_246 : memref<10240x128xf32, #tpu.memory_space<vmem_shared>>) offsets(%dma_start3A_243 : memref<80xi32, #tpu.memory_space<vmem>>) semaphore(%arg18 : memref<!tpu.dma_semaphore, #tpu.memory_space<semaphore_mem>>) {add = true}
      %dma_wait3A_247 = arith.constant 0 : i32
      %dma_wait3A_248 = arith.constant 0 : i32
      %dma_wait3A_249 = tpu.memref_slice %arg2[%scan3A_99, %dma_wait3A_247, %dma_wait3A_248] : memref<3x10000x128xf32, #tpu.memory_space<hbm>> -> memref<1x10000x128xf32, #tpu.memory_space<hbm>>
      %dma_wait3A_250 = tpu.memref_squeeze %dma_wait3A_249 : memref<1x10000x128xf32, #tpu.memory_space<hbm>> -> memref<10000x128xf32, #tpu.memory_space<hbm>>
      %dma_wait3A_251 = arith.constant 0 : i32
      %dma_wait3A_252 = arith.constant 0 : i32
      %dma_wait3A_253 = tpu.memref_slice %dma_wait3A_250[%dma_wait3A_251, %dma_wait3A_252] : memref<10000x128xf32, #tpu.memory_space<hbm>> -> memref<80x128xf32, #tpu.memory_space<hbm>>
      %dma_wait3A_254 = arith.constant 0 : i32
      %dma_wait3A_255 = arith.constant 0 : i32
      %dma_wait3A_256 = tpu.memref_slice %arg2[%scan3A_99, %dma_wait3A_254, %dma_wait3A_255] : memref<3x10000x128xf32, #tpu.memory_space<hbm>> -> memref<1x10000x128xf32, #tpu.memory_space<hbm>>
      %dma_wait3A_257 = tpu.memref_squeeze %dma_wait3A_256 : memref<1x10000x128xf32, #tpu.memory_space<hbm>> -> memref<10000x128xf32, #tpu.memory_space<hbm>>
      %dma_wait3A_258 = arith.constant 0 : i32
      %dma_wait3A_259 = arith.constant 0 : i32
      %dma_wait3A_260 = tpu.memref_slice %dma_wait3A_257[%dma_wait3A_258, %dma_wait3A_259] : memref<10000x128xf32, #tpu.memory_space<hbm>> -> memref<80x128xf32, #tpu.memory_space<hbm>>
      tpu.wait_dma2 semaphore(%arg17 : memref<!tpu.dma_semaphore, #tpu.memory_space<semaphore_mem>>) src(%dma_wait3A_260 : memref<80x128xf32, #tpu.memory_space<hbm>>) dst(%arg13 : memref<80x128xf32, #tpu.memory_space<vmem>>)
      %add3A_261 = arith.constant 1 : i32
      %add3A_262 = arith.addi %mul3A_226, %add3A_261 : i32
      %mul3A_263 = arith.constant 80 : i32
      %mul3A_264 = arith.muli %add3A_262, %mul3A_263 : i32
      %dma_start3A_265 = tpu.memref_slice %arg15[%mul3A_264] : memref<10000xi32, #tpu.memory_space<vmem>> -> memref<80xi32, #tpu.memory_space<vmem>>
      %dma_start3A_266 = arith.constant 0 : i32
      %dma_start3A_267 = arith.constant 0 : i32
      %dma_start3A_268 = tpu.memref_slice %arg11[%dma_start3A_266, %dma_start3A_267] : memref<10240x128xf32, #tpu.memory_space<vmem_shared>> -> memref<10240x128xf32, #tpu.memory_space<vmem_shared>>
      tpu.enqueue_indirect_dma source(%arg13 : memref<80x128xf32, #tpu.memory_space<vmem>>) target(%dma_start3A_268 : memref<10240x128xf32, #tpu.memory_space<vmem_shared>>) offsets(%dma_start3A_265 : memref<80xi32, #tpu.memory_space<vmem>>) semaphore(%arg19 : memref<!tpu.dma_semaphore, #tpu.memory_space<semaphore_mem>>) {add = true}
      %dma_wait3A_269 = arith.constant 0 : i32
      %dma_wait3A_270 = arith.constant 0 : i32
      %dma_wait3A_271 = tpu.memref_slice %arg2[%scan3A_99, %dma_wait3A_269, %dma_wait3A_270] : memref<3x10000x128xf32, #tpu.memory_space<hbm>> -> memref<1x10000x128xf32, #tpu.memory_space<hbm>>
      %dma_wait3A_272 = tpu.memref_squeeze %dma_wait3A_271 : memref<1x10000x128xf32, #tpu.memory_space<hbm>> -> memref<10000x128xf32, #tpu.memory_space<hbm>>
      %dma_wait3A_273 = arith.constant 0 : i32
      %dma_wait3A_274 = arith.constant 0 : i32
      %dma_wait3A_275 = tpu.memref_slice %dma_wait3A_272[%dma_wait3A_273, %dma_wait3A_274] : memref<10000x128xf32, #tpu.memory_space<hbm>> -> memref<80x128xf32, #tpu.memory_space<hbm>>
      %dma_wait3A_276 = arith.constant 0 : i32
      %dma_wait3A_277 = arith.constant 0 : i32
      %dma_wait3A_278 = tpu.memref_slice %arg2[%scan3A_99, %dma_wait3A_276, %dma_wait3A_277] : memref<3x10000x128xf32, #tpu.memory_space<hbm>> -> memref<1x10000x128xf32, #tpu.memory_space<hbm>>
      %dma_wait3A_279 = tpu.memref_squeeze %dma_wait3A_278 : memref<1x10000x128xf32, #tpu.memory_space<hbm>> -> memref<10000x128xf32, #tpu.memory_space<hbm>>
      %dma_wait3A_280 = arith.constant 0 : i32
      %dma_wait3A_281 = arith.constant 0 : i32
      %dma_wait3A_282 = tpu.memref_slice %dma_wait3A_279[%dma_wait3A_280, %dma_wait3A_281] : memref<10000x128xf32, #tpu.memory_space<hbm>> -> memref<80x128xf32, #tpu.memory_space<hbm>>
      tpu.wait_dma2 semaphore(%arg18 : memref<!tpu.dma_semaphore, #tpu.memory_space<semaphore_mem>>) src(%dma_wait3A_282 : memref<80x128xf32, #tpu.memory_space<hbm>>) dst(%arg12 : memref<80x128xf32, #tpu.memory_space<vmem>>)
      %add3A_283 = arith.constant 2 : i32
      %add3A_284 = arith.addi %mul3A_226, %add3A_283 : i32
      %lt3A = arith.constant 125 : i32
      %lt3A_285 = arith.cmpi slt, %add3A_284, %lt3A : i32
      %convert_element_type3A = arith.extui %lt3A_285 : i1 to i32
      %cond3A = arith.constant 0 : i32
      %cond3A_286 = arith.cmpi ne, %convert_element_type3A, %cond3A : i32
      scf.if %cond3A_286 {
        %add3A_308 = arith.constant 2 : i32
        %add3A_309 = arith.addi %mul3A_226, %add3A_308 : i32
        %mul3A_310 = arith.constant 80 : i32
        %mul3A_311 = arith.muli %add3A_309, %mul3A_310 : i32
        %dma_start3A_312 = tpu.memref_slice %arg14[%mul3A_311] : memref<10000xi32, #tpu.memory_space<vmem>> -> memref<80xi32, #tpu.memory_space<vmem>>
        %dma_start3A_313 = arith.constant 0 : i32
        %dma_start3A_314 = arith.constant 0 : i32
        %dma_start3A_315 = tpu.memref_slice %arg2[%scan3A_99, %dma_start3A_313, %dma_start3A_314] : memref<3x10000x128xf32, #tpu.memory_space<hbm>> -> memref<1x10000x128xf32, #tpu.memory_space<hbm>>
        %dma_start3A_316 = tpu.memref_squeeze %dma_start3A_315 : memref<1x10000x128xf32, #tpu.memory_space<hbm>> -> memref<10000x128xf32, #tpu.memory_space<hbm>>
        %dma_start3A_317 = arith.constant 0 : i32
        %dma_start3A_318 = arith.constant 0 : i32
        %dma_start3A_319 = tpu.memref_slice %dma_start3A_316[%dma_start3A_317, %dma_start3A_318] : memref<10000x128xf32, #tpu.memory_space<hbm>> -> memref<10000x128xf32, #tpu.memory_space<hbm>>
        tpu.enqueue_indirect_dma source(%dma_start3A_319 : memref<10000x128xf32, #tpu.memory_space<hbm>>) target(%arg12 : memref<80x128xf32, #tpu.memory_space<vmem>>) offsets(%dma_start3A_312 : memref<80xi32, #tpu.memory_space<vmem>>) semaphore(%arg16 : memref<!tpu.dma_semaphore, #tpu.memory_space<semaphore_mem>>)
      } else {
      }
      %dma_wait3A_287 = arith.constant 0 : i32
      %dma_wait3A_288 = arith.constant 0 : i32
      %dma_wait3A_289 = tpu.memref_slice %arg2[%scan3A_99, %dma_wait3A_287, %dma_wait3A_288] : memref<3x10000x128xf32, #tpu.memory_space<hbm>> -> memref<1x10000x128xf32, #tpu.memory_space<hbm>>
      %dma_wait3A_290 = tpu.memref_squeeze %dma_wait3A_289 : memref<1x10000x128xf32, #tpu.memory_space<hbm>> -> memref<10000x128xf32, #tpu.memory_space<hbm>>
      %dma_wait3A_291 = arith.constant 0 : i32
      %dma_wait3A_292 = arith.constant 0 : i32
      %dma_wait3A_293 = tpu.memref_slice %dma_wait3A_290[%dma_wait3A_291, %dma_wait3A_292] : memref<10000x128xf32, #tpu.memory_space<hbm>> -> memref<80x128xf32, #tpu.memory_space<hbm>>
      %dma_wait3A_294 = arith.constant 0 : i32
      %dma_wait3A_295 = arith.constant 0 : i32
      %dma_wait3A_296 = tpu.memref_slice %arg2[%scan3A_99, %dma_wait3A_294, %dma_wait3A_295] : memref<3x10000x128xf32, #tpu.memory_space<hbm>> -> memref<1x10000x128xf32, #tpu.memory_space<hbm>>
      %dma_wait3A_297 = tpu.memref_squeeze %dma_wait3A_296 : memref<1x10000x128xf32, #tpu.memory_space<hbm>> -> memref<10000x128xf32, #tpu.memory_space<hbm>>
      %dma_wait3A_298 = arith.constant 0 : i32
      %dma_wait3A_299 = arith.constant 0 : i32
      %dma_wait3A_300 = tpu.memref_slice %dma_wait3A_297[%dma_wait3A_298, %dma_wait3A_299] : memref<10000x128xf32, #tpu.memory_space<hbm>> -> memref<80x128xf32, #tpu.memory_space<hbm>>
      tpu.wait_dma2 semaphore(%arg19 : memref<!tpu.dma_semaphore, #tpu.memory_space<semaphore_mem>>) src(%dma_wait3A_300 : memref<80x128xf32, #tpu.memory_space<hbm>>) dst(%arg13 : memref<80x128xf32, #tpu.memory_space<vmem>>)
      %add3A_301 = arith.constant 3 : i32
      %add3A_302 = arith.addi %mul3A_226, %add3A_301 : i32
      %lt3A_303 = arith.constant 125 : i32
      %lt3A_304 = arith.cmpi slt, %add3A_302, %lt3A_303 : i32
      %convert_element_type3A_305 = arith.extui %lt3A_304 : i1 to i32
      %cond3A_306 = arith.constant 0 : i32
      %cond3A_307 = arith.cmpi ne, %convert_element_type3A_305, %cond3A_306 : i32
      scf.if %cond3A_307 {
        %add3A_308 = arith.constant 3 : i32
        %add3A_309 = arith.addi %mul3A_226, %add3A_308 : i32
        %mul3A_310 = arith.constant 80 : i32
        %mul3A_311 = arith.muli %add3A_309, %mul3A_310 : i32
        %dma_start3A_312 = tpu.memref_slice %arg14[%mul3A_311] : memref<10000xi32, #tpu.memory_space<vmem>> -> memref<80xi32, #tpu.memory_space<vmem>>
        %dma_start3A_313 = arith.constant 0 : i32
        %dma_start3A_314 = arith.constant 0 : i32
        %dma_start3A_315 = tpu.memref_slice %arg2[%scan3A_99, %dma_start3A_313, %dma_start3A_314] : memref<3x10000x128xf32, #tpu.memory_space<hbm>> -> memref<1x10000x128xf32, #tpu.memory_space<hbm>>
        %dma_start3A_316 = tpu.memref_squeeze %dma_start3A_315 : memref<1x10000x128xf32, #tpu.memory_space<hbm>> -> memref<10000x128xf32, #tpu.memory_space<hbm>>
        %dma_start3A_317 = arith.constant 0 : i32
        %dma_start3A_318 = arith.constant 0 : i32
        %dma_start3A_319 = tpu.memref_slice %dma_start3A_316[%dma_start3A_317, %dma_start3A_318] : memref<10000x128xf32, #tpu.memory_space<hbm>> -> memref<10000x128xf32, #tpu.memory_space<hbm>>
        tpu.enqueue_indirect_dma source(%dma_start3A_319 : memref<10000x128xf32, #tpu.memory_space<hbm>>) target(%arg13 : memref<80x128xf32, #tpu.memory_space<vmem>>) offsets(%dma_start3A_312 : memref<80xi32, #tpu.memory_space<vmem>>) semaphore(%arg17 : memref<!tpu.dma_semaphore, #tpu.memory_space<semaphore_mem>>)
      } else {
      }
    }
    %scan3A_104 = arith.constant 62 : i32
    %dma_wait3A_105 = arith.constant 1 : i32
    %dma_wait3A_106 = arith.constant 0 : i32
    %dma_wait3A_107 = arith.constant 0 : i32
    %dma_wait3A_108 = tpu.memref_slice %arg2[%dma_wait3A_105, %dma_wait3A_106, %dma_wait3A_107] : memref<3x10000x128xf32, #tpu.memory_space<hbm>> -> memref<1x10000x128xf32, #tpu.memory_space<hbm>>
    %dma_wait3A_109 = tpu.memref_squeeze %dma_wait3A_108 : memref<1x10000x128xf32, #tpu.memory_space<hbm>> -> memref<10000x128xf32, #tpu.memory_space<hbm>>
    %dma_wait3A_110 = arith.constant 0 : i32
    %dma_wait3A_111 = arith.constant 0 : i32
    %dma_wait3A_112 = tpu.memref_slice %dma_wait3A_109[%dma_wait3A_110, %dma_wait3A_111] : memref<10000x128xf32, #tpu.memory_space<hbm>> -> memref<80x128xf32, #tpu.memory_space<hbm>>
    %dma_wait3A_113 = arith.constant 0 : i32
    %dma_wait3A_114 = arith.constant 0 : i32
    %dma_wait3A_115 = tpu.memref_slice %arg2[%dma_wait3A_105, %dma_wait3A_113, %dma_wait3A_114] : memref<3x10000x128xf32, #tpu.memory_space<hbm>> -> memref<1x10000x128xf32, #tpu.memory_space<hbm>>
    %dma_wait3A_116 = tpu.memref_squeeze %dma_wait3A_115 : memref<1x10000x128xf32, #tpu.memory_space<hbm>> -> memref<10000x128xf32, #tpu.memory_space<hbm>>
    %dma_wait3A_117 = arith.constant 0 : i32
    %dma_wait3A_118 = arith.constant 0 : i32
    %dma_wait3A_119 = tpu.memref_slice %dma_wait3A_116[%dma_wait3A_117, %dma_wait3A_118] : memref<10000x128xf32, #tpu.memory_space<hbm>> -> memref<80x128xf32, #tpu.memory_space<hbm>>
    tpu.wait_dma2 semaphore(%arg16 : memref<!tpu.dma_semaphore, #tpu.memory_space<semaphore_mem>>) src(%dma_wait3A_119 : memref<80x128xf32, #tpu.memory_space<hbm>>) dst(%arg12 : memref<80x128xf32, #tpu.memory_space<vmem>>)
    %dma_start3A_120 = arith.constant 9920 : i32
    %dma_start3A_121 = tpu.memref_slice %arg15[%dma_start3A_120] : memref<10000xi32, #tpu.memory_space<vmem>> -> memref<80xi32, #tpu.memory_space<vmem>>
    %dma_start3A_122 = arith.constant 0 : i32
    %dma_start3A_123 = arith.constant 0 : i32
    %dma_start3A_124 = tpu.memref_slice %arg11[%dma_start3A_122, %dma_start3A_123] : memref<10240x128xf32, #tpu.memory_space<vmem_shared>> -> memref<10240x128xf32, #tpu.memory_space<vmem_shared>>
    tpu.enqueue_indirect_dma source(%arg12 : memref<80x128xf32, #tpu.memory_space<vmem>>) target(%dma_start3A_124 : memref<10240x128xf32, #tpu.memory_space<vmem_shared>>) offsets(%dma_start3A_121 : memref<80xi32, #tpu.memory_space<vmem>>) semaphore(%arg18 : memref<!tpu.dma_semaphore, #tpu.memory_space<semaphore_mem>>) {add = true}
    %dma_wait3A_125 = arith.constant 1 : i32
    %dma_wait3A_126 = arith.constant 0 : i32
    %dma_wait3A_127 = arith.constant 0 : i32
    %dma_wait3A_128 = tpu.memref_slice %arg2[%dma_wait3A_125, %dma_wait3A_126, %dma_wait3A_127] : memref<3x10000x128xf32, #tpu.memory_space<hbm>> -> memref<1x10000x128xf32, #tpu.memory_space<hbm>>
    %dma_wait3A_129 = tpu.memref_squeeze %dma_wait3A_128 : memref<1x10000x128xf32, #tpu.memory_space<hbm>> -> memref<10000x128xf32, #tpu.memory_space<hbm>>
    %dma_wait3A_130 = arith.constant 0 : i32
    %dma_wait3A_131 = arith.constant 0 : i32
    %dma_wait3A_132 = tpu.memref_slice %dma_wait3A_129[%dma_wait3A_130, %dma_wait3A_131] : memref<10000x128xf32, #tpu.memory_space<hbm>> -> memref<80x128xf32, #tpu.memory_space<hbm>>
    %dma_wait3A_133 = arith.constant 0 : i32
    %dma_wait3A_134 = arith.constant 0 : i32
    %dma_wait3A_135 = tpu.memref_slice %arg2[%dma_wait3A_125, %dma_wait3A_133, %dma_wait3A_134] : memref<3x10000x128xf32, #tpu.memory_space<hbm>> -> memref<1x10000x128xf32, #tpu.memory_space<hbm>>
    %dma_wait3A_136 = tpu.memref_squeeze %dma_wait3A_135 : memref<1x10000x128xf32, #tpu.memory_space<hbm>> -> memref<10000x128xf32, #tpu.memory_space<hbm>>
    %dma_wait3A_137 = arith.constant 0 : i32
    %dma_wait3A_138 = arith.constant 0 : i32
    %dma_wait3A_139 = tpu.memref_slice %dma_wait3A_136[%dma_wait3A_137, %dma_wait3A_138] : memref<10000x128xf32, #tpu.memory_space<hbm>> -> memref<80x128xf32, #tpu.memory_space<hbm>>
    tpu.wait_dma2 semaphore(%arg18 : memref<!tpu.dma_semaphore, #tpu.memory_space<semaphore_mem>>) src(%dma_wait3A_139 : memref<80x128xf32, #tpu.memory_space<hbm>>) dst(%arg12 : memref<80x128xf32, #tpu.memory_space<vmem>>)
    %barrier3A_140 = arith.constant 0 : index
    tpu.barrier barrier_id(%barrier3A_140)
    %mul3A_141 = arith.constant 640 : i32
    %mul3A_142 = arith.muli %arg1, %mul3A_141 : i32
    %mul3A_143 = arith.constant 640 : i32
    %mul3A_144 = arith.muli %arg1, %mul3A_143 : i32
    %run_scoped3A_145 = arith.constant 1 : i32
    "tpu.region"() ({
      %run_scoped3A_224 = tpu.sem_alloc : memref<!tpu.dma_semaphore, #tpu.memory_space<semaphore_mem>>
      %dma_start3A_225 = arith.constant 0 : i32
      %dma_start3A_226 = tpu.memref_slice %arg10[%arg0, %run_scoped3A_145, %mul3A_144, %dma_start3A_225] : memref<2x3x10240x128xf32, #tpu.memory_space<hbm>> -> memref<1x1x640x128xf32, #tpu.memory_space<hbm>>
      %dma_start3A_227 = tpu.memref_squeeze %dma_start3A_226 : memref<1x1x640x128xf32, #tpu.memory_space<hbm>> -> memref<640x128xf32, #tpu.memory_space<hbm>>
      %dma_start3A_228 = arith.constant 0 : i32
      %dma_start3A_229 = tpu.memref_slice %arg11[%mul3A_142, %dma_start3A_228] : memref<10240x128xf32, #tpu.memory_space<vmem_shared>> -> memref<640x128xf32, #tpu.memory_space<vmem_shared>>
      tpu.enqueue_dma source(%dma_start3A_229 : memref<640x128xf32, #tpu.memory_space<vmem_shared>>) target(%dma_start3A_227 : memref<640x128xf32, #tpu.memory_space<hbm>>) target_semaphore(%run_scoped3A_224 : memref<!tpu.dma_semaphore, #tpu.memory_space<semaphore_mem>>)
      %dma_wait3A_230 = arith.constant 0 : i32
      %dma_wait3A_231 = tpu.memref_slice %arg10[%arg0, %run_scoped3A_145, %mul3A_144, %dma_wait3A_230] : memref<2x3x10240x128xf32, #tpu.memory_space<hbm>> -> memref<1x1x640x128xf32, #tpu.memory_space<hbm>>
      %dma_wait3A_232 = tpu.memref_squeeze %dma_wait3A_231 : memref<1x1x640x128xf32, #tpu.memory_space<hbm>> -> memref<640x128xf32, #tpu.memory_space<hbm>>
      %dma_wait3A_233 = arith.constant 0 : i32
      %dma_wait3A_234 = tpu.memref_slice %arg11[%mul3A_142, %dma_wait3A_233] : memref<10240x128xf32, #tpu.memory_space<vmem_shared>> -> memref<640x128xf32, #tpu.memory_space<vmem_shared>>
      tpu.wait_dma2 semaphore(%run_scoped3A_224 : memref<!tpu.dma_semaphore, #tpu.memory_space<semaphore_mem>>) src(%dma_wait3A_234 : memref<640x128xf32, #tpu.memory_space<vmem_shared>>) dst(%dma_wait3A_232 : memref<640x128xf32, #tpu.memory_space<hbm>>)
      tpu.yield
    }) : () -> ()
    %barrier3A_146 = arith.constant 0 : index
    tpu.barrier barrier_id(%barrier3A_146)
    %mul3A_147 = arith.constant 640 : i32
    %mul3A_148 = arith.muli %arg1, %mul3A_147 : i32
    "tpu.region"() ({
      %run_scoped3A_224 = tpu.sem_alloc : memref<!tpu.dma_semaphore, #tpu.memory_space<semaphore_mem>>
      %dma_start3A_225 = arith.constant 0 : i32
      %dma_start3A_226 = tpu.memref_slice %arg11[%mul3A_148, %dma_start3A_225] : memref<10240x128xf32, #tpu.memory_space<vmem_shared>> -> memref<640x128xf32, #tpu.memory_space<vmem_shared>>
      tpu.enqueue_dma source(%arg9 : memref<640x128xf32, #tpu.memory_space<hbm>>) target(%dma_start3A_226 : memref<640x128xf32, #tpu.memory_space<vmem_shared>>) target_semaphore(%run_scoped3A_224 : memref<!tpu.dma_semaphore, #tpu.memory_space<semaphore_mem>>)
      %dma_wait3A_227 = arith.constant 0 : i32
      %dma_wait3A_228 = tpu.memref_slice %arg11[%mul3A_148, %dma_wait3A_227] : memref<10240x128xf32, #tpu.memory_space<vmem_shared>> -> memref<640x128xf32, #tpu.memory_space<vmem_shared>>
      tpu.wait_dma2 semaphore(%run_scoped3A_224 : memref<!tpu.dma_semaphore, #tpu.memory_space<semaphore_mem>>) src(%arg9 : memref<640x128xf32, #tpu.memory_space<hbm>>) dst(%dma_wait3A_228 : memref<640x128xf32, #tpu.memory_space<vmem_shared>>)
      tpu.yield
    }) : () -> ()
    %mul3A_149 = arith.constant 160000 : i32
    %mul3A_150 = arith.muli %arg0, %mul3A_149 : i32
    %mul3A_151 = arith.constant 10000 : i32
    %mul3A_152 = arith.muli %arg1, %mul3A_151 : i32
    %add3A_153 = arith.addi %mul3A_150, %mul3A_152 : i32
    "tpu.region"() ({
      %run_scoped3A_224 = tpu.sem_alloc : memref<!tpu.dma_semaphore, #tpu.memory_space<semaphore_mem>>
      %dma_start3A_225 = tpu.memref_slice %arg7[%add3A_153] : memref<320000xi32, #tpu.memory_space<hbm>> -> memref<10000xi32, #tpu.memory_space<hbm>>
      %dma_start3A_226 = tpu.memref_slice %arg7[%add3A_153] : memref<320000xi32, #tpu.memory_space<hbm>> -> memref<10000xi32, #tpu.memory_space<hbm>>
      tpu.enqueue_dma source(%dma_start3A_226 : memref<10000xi32, #tpu.memory_space<hbm>>) target(%arg14 : memref<10000xi32, #tpu.memory_space<vmem>>) target_semaphore(%run_scoped3A_224 : memref<!tpu.dma_semaphore, #tpu.memory_space<semaphore_mem>>)
      %dma_wait3A_227 = tpu.memref_slice %arg7[%add3A_153] : memref<320000xi32, #tpu.memory_space<hbm>> -> memref<10000xi32, #tpu.memory_space<hbm>>
      %dma_wait3A_228 = tpu.memref_slice %arg7[%add3A_153] : memref<320000xi32, #tpu.memory_space<hbm>> -> memref<10000xi32, #tpu.memory_space<hbm>>
      tpu.wait_dma2 semaphore(%run_scoped3A_224 : memref<!tpu.dma_semaphore, #tpu.memory_space<semaphore_mem>>) src(%dma_wait3A_228 : memref<10000xi32, #tpu.memory_space<hbm>>) dst(%arg14 : memref<10000xi32, #tpu.memory_space<vmem>>)
      tpu.yield
    }) : () -> ()
    "tpu.region"() ({
      %run_scoped3A_224 = tpu.sem_alloc : memref<!tpu.dma_semaphore, #tpu.memory_space<semaphore_mem>>
      %dma_start3A_225 = tpu.memref_slice %arg8[%add3A_153] : memref<320000xi32, #tpu.memory_space<hbm>> -> memref<10000xi32, #tpu.memory_space<hbm>>
      %dma_start3A_226 = tpu.memref_slice %arg8[%add3A_153] : memref<320000xi32, #tpu.memory_space<hbm>> -> memref<10000xi32, #tpu.memory_space<hbm>>
      tpu.enqueue_dma source(%dma_start3A_226 : memref<10000xi32, #tpu.memory_space<hbm>>) target(%arg15 : memref<10000xi32, #tpu.memory_space<vmem>>) target_semaphore(%run_scoped3A_224 : memref<!tpu.dma_semaphore, #tpu.memory_space<semaphore_mem>>)
      %dma_wait3A_227 = tpu.memref_slice %arg8[%add3A_153] : memref<320000xi32, #tpu.memory_space<hbm>> -> memref<10000xi32, #tpu.memory_space<hbm>>
      %dma_wait3A_228 = tpu.memref_slice %arg8[%add3A_153] : memref<320000xi32, #tpu.memory_space<hbm>> -> memref<10000xi32, #tpu.memory_space<hbm>>
      tpu.wait_dma2 semaphore(%run_scoped3A_224 : memref<!tpu.dma_semaphore, #tpu.memory_space<semaphore_mem>>) src(%dma_wait3A_228 : memref<10000xi32, #tpu.memory_space<hbm>>) dst(%arg15 : memref<10000xi32, #tpu.memory_space<vmem>>)
      tpu.yield
    }) : () -> ()
    %barrier3A_154 = arith.constant 0 : index
    tpu.barrier barrier_id(%barrier3A_154)
    %dma_start3A_155 = arith.constant 2 : i32
    %dma_start3A_156 = arith.constant 0 : i32
    %dma_start3A_157 = tpu.memref_slice %arg14[%dma_start3A_156] : memref<10000xi32, #tpu.memory_space<vmem>> -> memref<80xi32, #tpu.memory_space<vmem>>
    %dma_start3A_158 = arith.constant 0 : i32
    %dma_start3A_159 = arith.constant 0 : i32
    %dma_start3A_160 = tpu.memref_slice %arg2[%dma_start3A_155, %dma_start3A_158, %dma_start3A_159] : memref<3x10000x128xf32, #tpu.memory_space<hbm>> -> memref<1x10000x128xf32, #tpu.memory_space<hbm>>
    %dma_start3A_161 = tpu.memref_squeeze %dma_start3A_160 : memref<1x10000x128xf32, #tpu.memory_space<hbm>> -> memref<10000x128xf32, #tpu.memory_space<hbm>>
    %dma_start3A_162 = arith.constant 0 : i32
    %dma_start3A_163 = arith.constant 0 : i32
    %dma_start3A_164 = tpu.memref_slice %dma_start3A_161[%dma_start3A_162, %dma_start3A_163] : memref<10000x128xf32, #tpu.memory_space<hbm>> -> memref<10000x128xf32, #tpu.memory_space<hbm>>
    tpu.enqueue_indirect_dma source(%dma_start3A_164 : memref<10000x128xf32, #tpu.memory_space<hbm>>) target(%arg12 : memref<80x128xf32, #tpu.memory_space<vmem>>) offsets(%dma_start3A_157 : memref<80xi32, #tpu.memory_space<vmem>>) semaphore(%arg16 : memref<!tpu.dma_semaphore, #tpu.memory_space<semaphore_mem>>)
    %dma_start3A_165 = arith.constant 2 : i32
    %dma_start3A_166 = arith.constant 80 : i32
    %dma_start3A_167 = tpu.memref_slice %arg14[%dma_start3A_166] : memref<10000xi32, #tpu.memory_space<vmem>> -> memref<80xi32, #tpu.memory_space<vmem>>
    %dma_start3A_168 = arith.constant 0 : i32
    %dma_start3A_169 = arith.constant 0 : i32
    %dma_start3A_170 = tpu.memref_slice %arg2[%dma_start3A_165, %dma_start3A_168, %dma_start3A_169] : memref<3x10000x128xf32, #tpu.memory_space<hbm>> -> memref<1x10000x128xf32, #tpu.memory_space<hbm>>
    %dma_start3A_171 = tpu.memref_squeeze %dma_start3A_170 : memref<1x10000x128xf32, #tpu.memory_space<hbm>> -> memref<10000x128xf32, #tpu.memory_space<hbm>>
    %dma_start3A_172 = arith.constant 0 : i32
    %dma_start3A_173 = arith.constant 0 : i32
    %dma_start3A_174 = tpu.memref_slice %dma_start3A_171[%dma_start3A_172, %dma_start3A_173] : memref<10000x128xf32, #tpu.memory_space<hbm>> -> memref<10000x128xf32, #tpu.memory_space<hbm>>
    tpu.enqueue_indirect_dma source(%dma_start3A_174 : memref<10000x128xf32, #tpu.memory_space<hbm>>) target(%arg13 : memref<80x128xf32, #tpu.memory_space<vmem>>) offsets(%dma_start3A_167 : memref<80xi32, #tpu.memory_space<vmem>>) semaphore(%arg17 : memref<!tpu.dma_semaphore, #tpu.memory_space<semaphore_mem>>)
    %scan3A_175 = arith.constant 0 : i32
    %scan3A_176 = arith.constant 2 : i32
    %scan3A_177 = arith.constant 0 : i32
    %scan3A_178 = arith.constant 62 : i32
    %scan3A_179 = arith.addi %scan3A_177, %scan3A_178 : i32
    %scan3A_180 = arith.constant 1 : i32
    scf.for %scan3A_224 = %scan3A_177 to %scan3A_179 step %scan3A_180  : i32 {
      %mul3A_225 = arith.constant 2 : i32
      %mul3A_226 = arith.muli %mul3A_225, %scan3A_224 : i32
      %dma_wait3A_227 = arith.constant 0 : i32
      %dma_wait3A_228 = arith.constant 0 : i32
      %dma_wait3A_229 = tpu.memref_slice %arg2[%scan3A_176, %dma_wait3A_227, %dma_wait3A_228] : memref<3x10000x128xf32, #tpu.memory_space<hbm>> -> memref<1x10000x128xf32, #tpu.memory_space<hbm>>
      %dma_wait3A_230 = tpu.memref_squeeze %dma_wait3A_229 : memref<1x10000x128xf32, #tpu.memory_space<hbm>> -> memref<10000x128xf32, #tpu.memory_space<hbm>>
      %dma_wait3A_231 = arith.constant 0 : i32
      %dma_wait3A_232 = arith.constant 0 : i32
      %dma_wait3A_233 = tpu.memref_slice %dma_wait3A_230[%dma_wait3A_231, %dma_wait3A_232] : memref<10000x128xf32, #tpu.memory_space<hbm>> -> memref<80x128xf32, #tpu.memory_space<hbm>>
      %dma_wait3A_234 = arith.constant 0 : i32
      %dma_wait3A_235 = arith.constant 0 : i32
      %dma_wait3A_236 = tpu.memref_slice %arg2[%scan3A_176, %dma_wait3A_234, %dma_wait3A_235] : memref<3x10000x128xf32, #tpu.memory_space<hbm>> -> memref<1x10000x128xf32, #tpu.memory_space<hbm>>
      %dma_wait3A_237 = tpu.memref_squeeze %dma_wait3A_236 : memref<1x10000x128xf32, #tpu.memory_space<hbm>> -> memref<10000x128xf32, #tpu.memory_space<hbm>>
      %dma_wait3A_238 = arith.constant 0 : i32
      %dma_wait3A_239 = arith.constant 0 : i32
      %dma_wait3A_240 = tpu.memref_slice %dma_wait3A_237[%dma_wait3A_238, %dma_wait3A_239] : memref<10000x128xf32, #tpu.memory_space<hbm>> -> memref<80x128xf32, #tpu.memory_space<hbm>>
      tpu.wait_dma2 semaphore(%arg16 : memref<!tpu.dma_semaphore, #tpu.memory_space<semaphore_mem>>) src(%dma_wait3A_240 : memref<80x128xf32, #tpu.memory_space<hbm>>) dst(%arg12 : memref<80x128xf32, #tpu.memory_space<vmem>>)
      %mul3A_241 = arith.constant 80 : i32
      %mul3A_242 = arith.muli %mul3A_226, %mul3A_241 : i32
      %dma_start3A_243 = tpu.memref_slice %arg15[%mul3A_242] : memref<10000xi32, #tpu.memory_space<vmem>> -> memref<80xi32, #tpu.memory_space<vmem>>
      %dma_start3A_244 = arith.constant 0 : i32
      %dma_start3A_245 = arith.constant 0 : i32
      %dma_start3A_246 = tpu.memref_slice %arg11[%dma_start3A_244, %dma_start3A_245] : memref<10240x128xf32, #tpu.memory_space<vmem_shared>> -> memref<10240x128xf32, #tpu.memory_space<vmem_shared>>
      tpu.enqueue_indirect_dma source(%arg12 : memref<80x128xf32, #tpu.memory_space<vmem>>) target(%dma_start3A_246 : memref<10240x128xf32, #tpu.memory_space<vmem_shared>>) offsets(%dma_start3A_243 : memref<80xi32, #tpu.memory_space<vmem>>) semaphore(%arg18 : memref<!tpu.dma_semaphore, #tpu.memory_space<semaphore_mem>>) {add = true}
      %dma_wait3A_247 = arith.constant 0 : i32
      %dma_wait3A_248 = arith.constant 0 : i32
      %dma_wait3A_249 = tpu.memref_slice %arg2[%scan3A_176, %dma_wait3A_247, %dma_wait3A_248] : memref<3x10000x128xf32, #tpu.memory_space<hbm>> -> memref<1x10000x128xf32, #tpu.memory_space<hbm>>
      %dma_wait3A_250 = tpu.memref_squeeze %dma_wait3A_249 : memref<1x10000x128xf32, #tpu.memory_space<hbm>> -> memref<10000x128xf32, #tpu.memory_space<hbm>>
      %dma_wait3A_251 = arith.constant 0 : i32
      %dma_wait3A_252 = arith.constant 0 : i32
      %dma_wait3A_253 = tpu.memref_slice %dma_wait3A_250[%dma_wait3A_251, %dma_wait3A_252] : memref<10000x128xf32, #tpu.memory_space<hbm>> -> memref<80x128xf32, #tpu.memory_space<hbm>>
      %dma_wait3A_254 = arith.constant 0 : i32
      %dma_wait3A_255 = arith.constant 0 : i32
      %dma_wait3A_256 = tpu.memref_slice %arg2[%scan3A_176, %dma_wait3A_254, %dma_wait3A_255] : memref<3x10000x128xf32, #tpu.memory_space<hbm>> -> memref<1x10000x128xf32, #tpu.memory_space<hbm>>
      %dma_wait3A_257 = tpu.memref_squeeze %dma_wait3A_256 : memref<1x10000x128xf32, #tpu.memory_space<hbm>> -> memref<10000x128xf32, #tpu.memory_space<hbm>>
      %dma_wait3A_258 = arith.constant 0 : i32
      %dma_wait3A_259 = arith.constant 0 : i32
      %dma_wait3A_260 = tpu.memref_slice %dma_wait3A_257[%dma_wait3A_258, %dma_wait3A_259] : memref<10000x128xf32, #tpu.memory_space<hbm>> -> memref<80x128xf32, #tpu.memory_space<hbm>>
      tpu.wait_dma2 semaphore(%arg17 : memref<!tpu.dma_semaphore, #tpu.memory_space<semaphore_mem>>) src(%dma_wait3A_260 : memref<80x128xf32, #tpu.memory_space<hbm>>) dst(%arg13 : memref<80x128xf32, #tpu.memory_space<vmem>>)
      %add3A_261 = arith.constant 1 : i32
      %add3A_262 = arith.addi %mul3A_226, %add3A_261 : i32
      %mul3A_263 = arith.constant 80 : i32
      %mul3A_264 = arith.muli %add3A_262, %mul3A_263 : i32
      %dma_start3A_265 = tpu.memref_slice %arg15[%mul3A_264] : memref<10000xi32, #tpu.memory_space<vmem>> -> memref<80xi32, #tpu.memory_space<vmem>>
      %dma_start3A_266 = arith.constant 0 : i32
      %dma_start3A_267 = arith.constant 0 : i32
      %dma_start3A_268 = tpu.memref_slice %arg11[%dma_start3A_266, %dma_start3A_267] : memref<10240x128xf32, #tpu.memory_space<vmem_shared>> -> memref<10240x128xf32, #tpu.memory_space<vmem_shared>>
      tpu.enqueue_indirect_dma source(%arg13 : memref<80x128xf32, #tpu.memory_space<vmem>>) target(%dma_start3A_268 : memref<10240x128xf32, #tpu.memory_space<vmem_shared>>) offsets(%dma_start3A_265 : memref<80xi32, #tpu.memory_space<vmem>>) semaphore(%arg19 : memref<!tpu.dma_semaphore, #tpu.memory_space<semaphore_mem>>) {add = true}
      %dma_wait3A_269 = arith.constant 0 : i32
      %dma_wait3A_270 = arith.constant 0 : i32
      %dma_wait3A_271 = tpu.memref_slice %arg2[%scan3A_176, %dma_wait3A_269, %dma_wait3A_270] : memref<3x10000x128xf32, #tpu.memory_space<hbm>> -> memref<1x10000x128xf32, #tpu.memory_space<hbm>>
      %dma_wait3A_272 = tpu.memref_squeeze %dma_wait3A_271 : memref<1x10000x128xf32, #tpu.memory_space<hbm>> -> memref<10000x128xf32, #tpu.memory_space<hbm>>
      %dma_wait3A_273 = arith.constant 0 : i32
      %dma_wait3A_274 = arith.constant 0 : i32
      %dma_wait3A_275 = tpu.memref_slice %dma_wait3A_272[%dma_wait3A_273, %dma_wait3A_274] : memref<10000x128xf32, #tpu.memory_space<hbm>> -> memref<80x128xf32, #tpu.memory_space<hbm>>
      %dma_wait3A_276 = arith.constant 0 : i32
      %dma_wait3A_277 = arith.constant 0 : i32
      %dma_wait3A_278 = tpu.memref_slice %arg2[%scan3A_176, %dma_wait3A_276, %dma_wait3A_277] : memref<3x10000x128xf32, #tpu.memory_space<hbm>> -> memref<1x10000x128xf32, #tpu.memory_space<hbm>>
      %dma_wait3A_279 = tpu.memref_squeeze %dma_wait3A_278 : memref<1x10000x128xf32, #tpu.memory_space<hbm>> -> memref<10000x128xf32, #tpu.memory_space<hbm>>
      %dma_wait3A_280 = arith.constant 0 : i32
      %dma_wait3A_281 = arith.constant 0 : i32
      %dma_wait3A_282 = tpu.memref_slice %dma_wait3A_279[%dma_wait3A_280, %dma_wait3A_281] : memref<10000x128xf32, #tpu.memory_space<hbm>> -> memref<80x128xf32, #tpu.memory_space<hbm>>
      tpu.wait_dma2 semaphore(%arg18 : memref<!tpu.dma_semaphore, #tpu.memory_space<semaphore_mem>>) src(%dma_wait3A_282 : memref<80x128xf32, #tpu.memory_space<hbm>>) dst(%arg12 : memref<80x128xf32, #tpu.memory_space<vmem>>)
      %add3A_283 = arith.constant 2 : i32
      %add3A_284 = arith.addi %mul3A_226, %add3A_283 : i32
      %lt3A = arith.constant 125 : i32
      %lt3A_285 = arith.cmpi slt, %add3A_284, %lt3A : i32
      %convert_element_type3A = arith.extui %lt3A_285 : i1 to i32
      %cond3A = arith.constant 0 : i32
      %cond3A_286 = arith.cmpi ne, %convert_element_type3A, %cond3A : i32
      scf.if %cond3A_286 {
        %add3A_308 = arith.constant 2 : i32
        %add3A_309 = arith.addi %mul3A_226, %add3A_308 : i32
        %mul3A_310 = arith.constant 80 : i32
        %mul3A_311 = arith.muli %add3A_309, %mul3A_310 : i32
        %dma_start3A_312 = tpu.memref_slice %arg14[%mul3A_311] : memref<10000xi32, #tpu.memory_space<vmem>> -> memref<80xi32, #tpu.memory_space<vmem>>
        %dma_start3A_313 = arith.constant 0 : i32
        %dma_start3A_314 = arith.constant 0 : i32
        %dma_start3A_315 = tpu.memref_slice %arg2[%scan3A_176, %dma_start3A_313, %dma_start3A_314] : memref<3x10000x128xf32, #tpu.memory_space<hbm>> -> memref<1x10000x128xf32, #tpu.memory_space<hbm>>
        %dma_start3A_316 = tpu.memref_squeeze %dma_start3A_315 : memref<1x10000x128xf32, #tpu.memory_space<hbm>> -> memref<10000x128xf32, #tpu.memory_space<hbm>>
        %dma_start3A_317 = arith.constant 0 : i32
        %dma_start3A_318 = arith.constant 0 : i32
        %dma_start3A_319 = tpu.memref_slice %dma_start3A_316[%dma_start3A_317, %dma_start3A_318] : memref<10000x128xf32, #tpu.memory_space<hbm>> -> memref<10000x128xf32, #tpu.memory_space<hbm>>
        tpu.enqueue_indirect_dma source(%dma_start3A_319 : memref<10000x128xf32, #tpu.memory_space<hbm>>) target(%arg12 : memref<80x128xf32, #tpu.memory_space<vmem>>) offsets(%dma_start3A_312 : memref<80xi32, #tpu.memory_space<vmem>>) semaphore(%arg16 : memref<!tpu.dma_semaphore, #tpu.memory_space<semaphore_mem>>)
      } else {
      }
      %dma_wait3A_287 = arith.constant 0 : i32
      %dma_wait3A_288 = arith.constant 0 : i32
      %dma_wait3A_289 = tpu.memref_slice %arg2[%scan3A_176, %dma_wait3A_287, %dma_wait3A_288] : memref<3x10000x128xf32, #tpu.memory_space<hbm>> -> memref<1x10000x128xf32, #tpu.memory_space<hbm>>
      %dma_wait3A_290 = tpu.memref_squeeze %dma_wait3A_289 : memref<1x10000x128xf32, #tpu.memory_space<hbm>> -> memref<10000x128xf32, #tpu.memory_space<hbm>>
      %dma_wait3A_291 = arith.constant 0 : i32
      %dma_wait3A_292 = arith.constant 0 : i32
      %dma_wait3A_293 = tpu.memref_slice %dma_wait3A_290[%dma_wait3A_291, %dma_wait3A_292] : memref<10000x128xf32, #tpu.memory_space<hbm>> -> memref<80x128xf32, #tpu.memory_space<hbm>>
      %dma_wait3A_294 = arith.constant 0 : i32
      %dma_wait3A_295 = arith.constant 0 : i32
      %dma_wait3A_296 = tpu.memref_slice %arg2[%scan3A_176, %dma_wait3A_294, %dma_wait3A_295] : memref<3x10000x128xf32, #tpu.memory_space<hbm>> -> memref<1x10000x128xf32, #tpu.memory_space<hbm>>
      %dma_wait3A_297 = tpu.memref_squeeze %dma_wait3A_296 : memref<1x10000x128xf32, #tpu.memory_space<hbm>> -> memref<10000x128xf32, #tpu.memory_space<hbm>>
      %dma_wait3A_298 = arith.constant 0 : i32
      %dma_wait3A_299 = arith.constant 0 : i32
      %dma_wait3A_300 = tpu.memref_slice %dma_wait3A_297[%dma_wait3A_298, %dma_wait3A_299] : memref<10000x128xf32, #tpu.memory_space<hbm>> -> memref<80x128xf32, #tpu.memory_space<hbm>>
      tpu.wait_dma2 semaphore(%arg19 : memref<!tpu.dma_semaphore, #tpu.memory_space<semaphore_mem>>) src(%dma_wait3A_300 : memref<80x128xf32, #tpu.memory_space<hbm>>) dst(%arg13 : memref<80x128xf32, #tpu.memory_space<vmem>>)
      %add3A_301 = arith.constant 3 : i32
      %add3A_302 = arith.addi %mul3A_226, %add3A_301 : i32
      %lt3A_303 = arith.constant 125 : i32
      %lt3A_304 = arith.cmpi slt, %add3A_302, %lt3A_303 : i32
      %convert_element_type3A_305 = arith.extui %lt3A_304 : i1 to i32
      %cond3A_306 = arith.constant 0 : i32
      %cond3A_307 = arith.cmpi ne, %convert_element_type3A_305, %cond3A_306 : i32
      scf.if %cond3A_307 {
        %add3A_308 = arith.constant 3 : i32
        %add3A_309 = arith.addi %mul3A_226, %add3A_308 : i32
        %mul3A_310 = arith.constant 80 : i32
        %mul3A_311 = arith.muli %add3A_309, %mul3A_310 : i32
        %dma_start3A_312 = tpu.memref_slice %arg14[%mul3A_311] : memref<10000xi32, #tpu.memory_space<vmem>> -> memref<80xi32, #tpu.memory_space<vmem>>
        %dma_start3A_313 = arith.constant 0 : i32
        %dma_start3A_314 = arith.constant 0 : i32
        %dma_start3A_315 = tpu.memref_slice %arg2[%scan3A_176, %dma_start3A_313, %dma_start3A_314] : memref<3x10000x128xf32, #tpu.memory_space<hbm>> -> memref<1x10000x128xf32, #tpu.memory_space<hbm>>
        %dma_start3A_316 = tpu.memref_squeeze %dma_start3A_315 : memref<1x10000x128xf32, #tpu.memory_space<hbm>> -> memref<10000x128xf32, #tpu.memory_space<hbm>>
        %dma_start3A_317 = arith.constant 0 : i32
        %dma_start3A_318 = arith.constant 0 : i32
        %dma_start3A_319 = tpu.memref_slice %dma_start3A_316[%dma_start3A_317, %dma_start3A_318] : memref<10000x128xf32, #tpu.memory_space<hbm>> -> memref<10000x128xf32, #tpu.memory_space<hbm>>
        tpu.enqueue_indirect_dma source(%dma_start3A_319 : memref<10000x128xf32, #tpu.memory_space<hbm>>) target(%arg13 : memref<80x128xf32, #tpu.memory_space<vmem>>) offsets(%dma_start3A_312 : memref<80xi32, #tpu.memory_space<vmem>>) semaphore(%arg17 : memref<!tpu.dma_semaphore, #tpu.memory_space<semaphore_mem>>)
      } else {
      }
    }
    %scan3A_181 = arith.constant 62 : i32
    %dma_wait3A_182 = arith.constant 2 : i32
    %dma_wait3A_183 = arith.constant 0 : i32
    %dma_wait3A_184 = arith.constant 0 : i32
    %dma_wait3A_185 = tpu.memref_slice %arg2[%dma_wait3A_182, %dma_wait3A_183, %dma_wait3A_184] : memref<3x10000x128xf32, #tpu.memory_space<hbm>> -> memref<1x10000x128xf32, #tpu.memory_space<hbm>>
    %dma_wait3A_186 = tpu.memref_squeeze %dma_wait3A_185 : memref<1x10000x128xf32, #tpu.memory_space<hbm>> -> memref<10000x128xf32, #tpu.memory_space<hbm>>
    %dma_wait3A_187 = arith.constant 0 : i32
    %dma_wait3A_188 = arith.constant 0 : i32
    %dma_wait3A_189 = tpu.memref_slice %dma_wait3A_186[%dma_wait3A_187, %dma_wait3A_188] : memref<10000x128xf32, #tpu.memory_space<hbm>> -> memref<80x128xf32, #tpu.memory_space<hbm>>
    %dma_wait3A_190 = arith.constant 0 : i32
    %dma_wait3A_191 = arith.constant 0 : i32
    %dma_wait3A_192 = tpu.memref_slice %arg2[%dma_wait3A_182, %dma_wait3A_190, %dma_wait3A_191] : memref<3x10000x128xf32, #tpu.memory_space<hbm>> -> memref<1x10000x128xf32, #tpu.memory_space<hbm>>
    %dma_wait3A_193 = tpu.memref_squeeze %dma_wait3A_192 : memref<1x10000x128xf32, #tpu.memory_space<hbm>> -> memref<10000x128xf32, #tpu.memory_space<hbm>>
    %dma_wait3A_194 = arith.constant 0 : i32
    %dma_wait3A_195 = arith.constant 0 : i32
    %dma_wait3A_196 = tpu.memref_slice %dma_wait3A_193[%dma_wait3A_194, %dma_wait3A_195] : memref<10000x128xf32, #tpu.memory_space<hbm>> -> memref<80x128xf32, #tpu.memory_space<hbm>>
    tpu.wait_dma2 semaphore(%arg16 : memref<!tpu.dma_semaphore, #tpu.memory_space<semaphore_mem>>) src(%dma_wait3A_196 : memref<80x128xf32, #tpu.memory_space<hbm>>) dst(%arg12 : memref<80x128xf32, #tpu.memory_space<vmem>>)
    %dma_start3A_197 = arith.constant 9920 : i32
    %dma_start3A_198 = tpu.memref_slice %arg15[%dma_start3A_197] : memref<10000xi32, #tpu.memory_space<vmem>> -> memref<80xi32, #tpu.memory_space<vmem>>
    %dma_start3A_199 = arith.constant 0 : i32
    %dma_start3A_200 = arith.constant 0 : i32
    %dma_start3A_201 = tpu.memref_slice %arg11[%dma_start3A_199, %dma_start3A_200] : memref<10240x128xf32, #tpu.memory_space<vmem_shared>> -> memref<10240x128xf32, #tpu.memory_space<vmem_shared>>
    tpu.enqueue_indirect_dma source(%arg12 : memref<80x128xf32, #tpu.memory_space<vmem>>) target(%dma_start3A_201 : memref<10240x128xf32, #tpu.memory_space<vmem_shared>>) offsets(%dma_start3A_198 : memref<80xi32, #tpu.memory_space<vmem>>) semaphore(%arg18 : memref<!tpu.dma_semaphore, #tpu.memory_space<semaphore_mem>>) {add = true}
    %dma_wait3A_202 = arith.constant 2 : i32
    %dma_wait3A_203 = arith.constant 0 : i32
    %dma_wait3A_204 = arith.constant 0 : i32
    %dma_wait3A_205 = tpu.memref_slice %arg2[%dma_wait3A_202, %dma_wait3A_203, %dma_wait3A_204] : memref<3x10000x128xf32, #tpu.memory_space<hbm>> -> memref<1x10000x128xf32, #tpu.memory_space<hbm>>
    %dma_wait3A_206 = tpu.memref_squeeze %dma_wait3A_205 : memref<1x10000x128xf32, #tpu.memory_space<hbm>> -> memref<10000x128xf32, #tpu.memory_space<hbm>>
    %dma_wait3A_207 = arith.constant 0 : i32
    %dma_wait3A_208 = arith.constant 0 : i32
    %dma_wait3A_209 = tpu.memref_slice %dma_wait3A_206[%dma_wait3A_207, %dma_wait3A_208] : memref<10000x128xf32, #tpu.memory_space<hbm>> -> memref<80x128xf32, #tpu.memory_space<hbm>>
    %dma_wait3A_210 = arith.constant 0 : i32
    %dma_wait3A_211 = arith.constant 0 : i32
    %dma_wait3A_212 = tpu.memref_slice %arg2[%dma_wait3A_202, %dma_wait3A_210, %dma_wait3A_211] : memref<3x10000x128xf32, #tpu.memory_space<hbm>> -> memref<1x10000x128xf32, #tpu.memory_space<hbm>>
    %dma_wait3A_213 = tpu.memref_squeeze %dma_wait3A_212 : memref<1x10000x128xf32, #tpu.memory_space<hbm>> -> memref<10000x128xf32, #tpu.memory_space<hbm>>
    %dma_wait3A_214 = arith.constant 0 : i32
    %dma_wait3A_215 = arith.constant 0 : i32
    %dma_wait3A_216 = tpu.memref_slice %dma_wait3A_213[%dma_wait3A_214, %dma_wait3A_215] : memref<10000x128xf32, #tpu.memory_space<hbm>> -> memref<80x128xf32, #tpu.memory_space<hbm>>
    tpu.wait_dma2 semaphore(%arg18 : memref<!tpu.dma_semaphore, #tpu.memory_space<semaphore_mem>>) src(%dma_wait3A_216 : memref<80x128xf32, #tpu.memory_space<hbm>>) dst(%arg12 : memref<80x128xf32, #tpu.memory_space<vmem>>)
    %barrier3A_217 = arith.constant 0 : index
    tpu.barrier barrier_id(%barrier3A_217)
    %mul3A_218 = arith.constant 640 : i32
    %mul3A_219 = arith.muli %arg1, %mul3A_218 : i32
    %mul3A_220 = arith.constant 640 : i32
    %mul3A_221 = arith.muli %arg1, %mul3A_220 : i32
    %run_scoped3A_222 = arith.constant 2 : i32
    "tpu.region"() ({
      %run_scoped3A_224 = tpu.sem_alloc : memref<!tpu.dma_semaphore, #tpu.memory_space<semaphore_mem>>
      %dma_start3A_225 = arith.constant 0 : i32
      %dma_start3A_226 = tpu.memref_slice %arg10[%arg0, %run_scoped3A_222, %mul3A_221, %dma_start3A_225] : memref<2x3x10240x128xf32, #tpu.memory_space<hbm>> -> memref<1x1x640x128xf32, #tpu.memory_space<hbm>>
      %dma_start3A_227 = tpu.memref_squeeze %dma_start3A_226 : memref<1x1x640x128xf32, #tpu.memory_space<hbm>> -> memref<640x128xf32, #tpu.memory_space<hbm>>
      %dma_start3A_228 = arith.constant 0 : i32
      %dma_start3A_229 = tpu.memref_slice %arg11[%mul3A_219, %dma_start3A_228] : memref<10240x128xf32, #tpu.memory_space<vmem_shared>> -> memref<640x128xf32, #tpu.memory_space<vmem_shared>>
      tpu.enqueue_dma source(%dma_start3A_229 : memref<640x128xf32, #tpu.memory_space<vmem_shared>>) target(%dma_start3A_227 : memref<640x128xf32, #tpu.memory_space<hbm>>) target_semaphore(%run_scoped3A_224 : memref<!tpu.dma_semaphore, #tpu.memory_space<semaphore_mem>>)
      %dma_wait3A_230 = arith.constant 0 : i32
      %dma_wait3A_231 = tpu.memref_slice %arg10[%arg0, %run_scoped3A_222, %mul3A_221, %dma_wait3A_230] : memref<2x3x10240x128xf32, #tpu.memory_space<hbm>> -> memref<1x1x640x128xf32, #tpu.memory_space<hbm>>
      %dma_wait3A_232 = tpu.memref_squeeze %dma_wait3A_231 : memref<1x1x640x128xf32, #tpu.memory_space<hbm>> -> memref<640x128xf32, #tpu.memory_space<hbm>>
      %dma_wait3A_233 = arith.constant 0 : i32
      %dma_wait3A_234 = tpu.memref_slice %arg11[%mul3A_219, %dma_wait3A_233] : memref<10240x128xf32, #tpu.memory_space<vmem_shared>> -> memref<640x128xf32, #tpu.memory_space<vmem_shared>>
      tpu.wait_dma2 semaphore(%run_scoped3A_224 : memref<!tpu.dma_semaphore, #tpu.memory_space<semaphore_mem>>) src(%dma_wait3A_234 : memref<640x128xf32, #tpu.memory_space<vmem_shared>>) dst(%dma_wait3A_232 : memref<640x128xf32, #tpu.memory_space<hbm>>)
      tpu.yield
    }) : () -> ()
    %barrier3A_223 = arith.constant 0 : index
    tpu.barrier barrier_id(%barrier3A_223)
    return
  }
}

#map = affine_map<(d0, d1) -> (0, 0, 0)>
#map1 = affine_map<(d0, d1) -> (0)>
#map2 = affine_map<(d0, d1) -> (0, 0)>
#map3 = affine_map<(d0, d1) -> (0, 0, 0, 0)>
module attributes {stable_mosaic.version = 14 : i64} {
  func.func @_agg_body(%arg0: i32, %arg1: i32, %arg2: memref<3x10000x128xf32, #tpu.memory_space<hbm>>, %arg3: memref<320000xi32, #tpu.memory_space<hbm>>, %arg4: memref<320000xi32, #tpu.memory_space<hbm>>, %arg5: memref<320000xi32, #tpu.memory_space<hbm>>, %arg6: memref<320000xi32, #tpu.memory_space<hbm>>, %arg7: memref<320000xi32, #tpu.memory_space<hbm>>, %arg8: memref<320000xi32, #tpu.memory_space<hbm>>, %arg9: memref<640x128xf32, #tpu.memory_space<hbm>>, %arg10: memref<2x3x10240x128xf32, #tpu.memory_space<hbm>>, %arg11: memref<10240x128xf32, #tpu.memory_space<vmem_shared>>, %arg12: memref<80x128xf32, #tpu.memory_space<vmem>>, %arg13: memref<80x128xf32, #tpu.memory_space<vmem>>, %arg14: memref<10000xi32, #tpu.memory_space<vmem>>, %arg15: memref<10000xi32, #tpu.memory_space<vmem>>, %arg16: memref<!tpu.dma_semaphore, #tpu.memory_space<semaphore_mem>>, %arg17: memref<!tpu.dma_semaphore, #tpu.memory_space<semaphore_mem>>, %arg18: memref<!tpu.dma_semaphore, #tpu.memory_space<semaphore_mem>>, %arg19: memref<!tpu.dma_semaphore, #tpu.memory_space<semaphore_mem>>) attributes {dimension_semantics = [#tpu.dimension_semantics<core_parallel>, #tpu.dimension_semantics<subcore_parallel>], iteration_bounds = array<i64: 2, 16>, scalar_prefetch = 0 : i64, scratch_operands = 9 : i64, tpu.core_type = #tpu.core_type<sc_vector_subcore>, window_params = [{transform_indices = #map}, {transform_indices = #map1}, {transform_indices = #map1}, {transform_indices = #map1}, {transform_indices = #map1}, {transform_indices = #map1}, {transform_indices = #map1}, {transform_indices = #map2}, {transform_indices = #map3}]} {
    %mul3A = arith.constant 640 : i32
    %mul3A_0 = arith.muli %arg1, %mul3A : i32
    "tpu.region"() ({
      %run_scoped3A_224 = tpu.sem_alloc : memref<!tpu.dma_semaphore, #tpu.memory_space<semaphore_mem>>
      %dma_start3A_225 = arith.constant 0 : i32
      %dma_start3A_226 = tpu.memref_slice %arg11[%mul3A_0, %dma_start3A_225] : memref<10240x128xf32, #tpu.memory_space<vmem_shared>> -> memref<640x128xf32, #tpu.memory_space<vmem_shared>>
      tpu.enqueue_dma source(%arg9 : memref<640x128xf32, #tpu.memory_space<hbm>>) target(%dma_start3A_226 : memref<640x128xf32, #tpu.memory_space<vmem_shared>>) target_semaphore(%run_scoped3A_224 : memref<!tpu.dma_semaphore, #tpu.memory_space<semaphore_mem>>)
      %dma_wait3A_227 = arith.constant 0 : i32
      %dma_wait3A_228 = tpu.memref_slice %arg11[%mul3A_0, %dma_wait3A_227] : memref<10240x128xf32, #tpu.memory_space<vmem_shared>> -> memref<640x128xf32, #tpu.memory_space<vmem_shared>>
      tpu.wait_dma2 semaphore(%run_scoped3A_224 : memref<!tpu.dma_semaphore, #tpu.memory_space<semaphore_mem>>) src(%arg9 : memref<640x128xf32, #tpu.memory_space<hbm>>) dst(%dma_wait3A_228 : memref<640x128xf32, #tpu.memory_space<vmem_shared>>)
      tpu.yield
    }) : () -> ()
    %mul3A_1 = arith.constant 160000 : i32
    %mul3A_2 = arith.muli %arg0, %mul3A_1 : i32
    %mul3A_3 = arith.constant 10000 : i32
    %mul3A_4 = arith.muli %arg1, %mul3A_3 : i32
    %add3A = arith.addi %mul3A_2, %mul3A_4 : i32
    "tpu.region"() ({
      %run_scoped3A_224 = tpu.sem_alloc : memref<!tpu.dma_semaphore, #tpu.memory_space<semaphore_mem>>
      %dma_start3A_225 = tpu.memref_slice %arg3[%add3A] : memref<320000xi32, #tpu.memory_space<hbm>> -> memref<10000xi32, #tpu.memory_space<hbm>>
      %dma_start3A_226 = tpu.memref_slice %arg3[%add3A] : memref<320000xi32, #tpu.memory_space<hbm>> -> memref<10000xi32, #tpu.memory_space<hbm>>
      tpu.enqueue_dma source(%dma_start3A_226 : memref<10000xi32, #tpu.memory_space<hbm>>) target(%arg14 : memref<10000xi32, #tpu.memory_space<vmem>>) target_semaphore(%run_scoped3A_224 : memref<!tpu.dma_semaphore, #tpu.memory_space<semaphore_mem>>)
      %dma_wait3A_227 = tpu.memref_slice %arg3[%add3A] : memref<320000xi32, #tpu.memory_space<hbm>> -> memref<10000xi32, #tpu.memory_space<hbm>>
      %dma_wait3A_228 = tpu.memref_slice %arg3[%add3A] : memref<320000xi32, #tpu.memory_space<hbm>> -> memref<10000xi32, #tpu.memory_space<hbm>>
      tpu.wait_dma2 semaphore(%run_scoped3A_224 : memref<!tpu.dma_semaphore, #tpu.memory_space<semaphore_mem>>) src(%dma_wait3A_228 : memref<10000xi32, #tpu.memory_space<hbm>>) dst(%arg14 : memref<10000xi32, #tpu.memory_space<vmem>>)
      tpu.yield
    }) : () -> ()
    "tpu.region"() ({
      %run_scoped3A_224 = tpu.sem_alloc : memref<!tpu.dma_semaphore, #tpu.memory_space<semaphore_mem>>
      %dma_start3A_225 = tpu.memref_slice %arg4[%add3A] : memref<320000xi32, #tpu.memory_space<hbm>> -> memref<10000xi32, #tpu.memory_space<hbm>>
      %dma_start3A_226 = tpu.memref_slice %arg4[%add3A] : memref<320000xi32, #tpu.memory_space<hbm>> -> memref<10000xi32, #tpu.memory_space<hbm>>
      tpu.enqueue_dma source(%dma_start3A_226 : memref<10000xi32, #tpu.memory_space<hbm>>) target(%arg15 : memref<10000xi32, #tpu.memory_space<vmem>>) target_semaphore(%run_scoped3A_224 : memref<!tpu.dma_semaphore, #tpu.memory_space<semaphore_mem>>)
      %dma_wait3A_227 = tpu.memref_slice %arg4[%add3A] : memref<320000xi32, #tpu.memory_space<hbm>> -> memref<10000xi32, #tpu.memory_space<hbm>>
      %dma_wait3A_228 = tpu.memref_slice %arg4[%add3A] : memref<320000xi32, #tpu.memory_space<hbm>> -> memref<10000xi32, #tpu.memory_space<hbm>>
      tpu.wait_dma2 semaphore(%run_scoped3A_224 : memref<!tpu.dma_semaphore, #tpu.memory_space<semaphore_mem>>) src(%dma_wait3A_228 : memref<10000xi32, #tpu.memory_space<hbm>>) dst(%arg15 : memref<10000xi32, #tpu.memory_space<vmem>>)
      tpu.yield
    }) : () -> ()
    %barrier3A = arith.constant 0 : index
    tpu.barrier barrier_id(%barrier3A)
    %dma_start3A = arith.constant 0 : i32
    %dma_start3A_5 = arith.constant 0 : i32
    %dma_start3A_6 = tpu.memref_slice %arg14[%dma_start3A_5] : memref<10000xi32, #tpu.memory_space<vmem>> -> memref<80xi32, #tpu.memory_space<vmem>>
    %dma_start3A_7 = arith.constant 0 : i32
    %dma_start3A_8 = arith.constant 0 : i32
    %dma_start3A_9 = tpu.memref_slice %arg2[%dma_start3A, %dma_start3A_7, %dma_start3A_8] : memref<3x10000x128xf32, #tpu.memory_space<hbm>> -> memref<1x10000x128xf32, #tpu.memory_space<hbm>>
    %dma_start3A_10 = tpu.memref_squeeze %dma_start3A_9 : memref<1x10000x128xf32, #tpu.memory_space<hbm>> -> memref<10000x128xf32, #tpu.memory_space<hbm>>
    %dma_start3A_11 = arith.constant 0 : i32
    %dma_start3A_12 = arith.constant 0 : i32
    %dma_start3A_13 = tpu.memref_slice %dma_start3A_10[%dma_start3A_11, %dma_start3A_12] : memref<10000x128xf32, #tpu.memory_space<hbm>> -> memref<10000x128xf32, #tpu.memory_space<hbm>>
    tpu.enqueue_indirect_dma source(%dma_start3A_13 : memref<10000x128xf32, #tpu.memory_space<hbm>>) target(%arg12 : memref<80x128xf32, #tpu.memory_space<vmem>>) offsets(%dma_start3A_6 : memref<80xi32, #tpu.memory_space<vmem>>) semaphore(%arg16 : memref<!tpu.dma_semaphore, #tpu.memory_space<semaphore_mem>>)
    %dma_start3A_14 = arith.constant 0 : i32
    %dma_start3A_15 = arith.constant 80 : i32
    %dma_start3A_16 = tpu.memref_slice %arg14[%dma_start3A_15] : memref<10000xi32, #tpu.memory_space<vmem>> -> memref<80xi32, #tpu.memory_space<vmem>>
    %dma_start3A_17 = arith.constant 0 : i32
    %dma_start3A_18 = arith.constant 0 : i32
    %dma_start3A_19 = tpu.memref_slice %arg2[%dma_start3A_14, %dma_start3A_17, %dma_start3A_18] : memref<3x10000x128xf32, #tpu.memory_space<hbm>> -> memref<1x10000x128xf32, #tpu.memory_space<hbm>>
    %dma_start3A_20 = tpu.memref_squeeze %dma_start3A_19 : memref<1x10000x128xf32, #tpu.memory_space<hbm>> -> memref<10000x128xf32, #tpu.memory_space<hbm>>
    %dma_start3A_21 = arith.constant 0 : i32
    %dma_start3A_22 = arith.constant 0 : i32
    %dma_start3A_23 = tpu.memref_slice %dma_start3A_20[%dma_start3A_21, %dma_start3A_22] : memref<10000x128xf32, #tpu.memory_space<hbm>> -> memref<10000x128xf32, #tpu.memory_space<hbm>>
    tpu.enqueue_indirect_dma source(%dma_start3A_23 : memref<10000x128xf32, #tpu.memory_space<hbm>>) target(%arg13 : memref<80x128xf32, #tpu.memory_space<vmem>>) offsets(%dma_start3A_16 : memref<80xi32, #tpu.memory_space<vmem>>) semaphore(%arg17 : memref<!tpu.dma_semaphore, #tpu.memory_space<semaphore_mem>>)
    %scan3A = arith.constant 0 : i32
    %scan3A_24 = arith.constant 0 : i32
    %scan3A_25 = arith.constant 0 : i32
    %scan3A_26 = arith.constant 62 : i32
    %scan3A_27 = arith.addi %scan3A_25, %scan3A_26 : i32
    %scan3A_28 = arith.constant 1 : i32
    scf.for %scan3A_224 = %scan3A_25 to %scan3A_27 step %scan3A_28  : i32 {
      %mul3A_225 = arith.constant 2 : i32
      %mul3A_226 = arith.muli %mul3A_225, %scan3A_224 : i32
      %dma_wait3A_227 = arith.constant 0 : i32
      %dma_wait3A_228 = arith.constant 0 : i32
      %dma_wait3A_229 = tpu.memref_slice %arg2[%scan3A_24, %dma_wait3A_227, %dma_wait3A_228] : memref<3x10000x128xf32, #tpu.memory_space<hbm>> -> memref<1x10000x128xf32, #tpu.memory_space<hbm>>
      %dma_wait3A_230 = tpu.memref_squeeze %dma_wait3A_229 : memref<1x10000x128xf32, #tpu.memory_space<hbm>> -> memref<10000x128xf32, #tpu.memory_space<hbm>>
      %dma_wait3A_231 = arith.constant 0 : i32
      %dma_wait3A_232 = arith.constant 0 : i32
      %dma_wait3A_233 = tpu.memref_slice %dma_wait3A_230[%dma_wait3A_231, %dma_wait3A_232] : memref<10000x128xf32, #tpu.memory_space<hbm>> -> memref<80x128xf32, #tpu.memory_space<hbm>>
      %dma_wait3A_234 = arith.constant 0 : i32
      %dma_wait3A_235 = arith.constant 0 : i32
      %dma_wait3A_236 = tpu.memref_slice %arg2[%scan3A_24, %dma_wait3A_234, %dma_wait3A_235] : memref<3x10000x128xf32, #tpu.memory_space<hbm>> -> memref<1x10000x128xf32, #tpu.memory_space<hbm>>
      %dma_wait3A_237 = tpu.memref_squeeze %dma_wait3A_236 : memref<1x10000x128xf32, #tpu.memory_space<hbm>> -> memref<10000x128xf32, #tpu.memory_space<hbm>>
      %dma_wait3A_238 = arith.constant 0 : i32
      %dma_wait3A_239 = arith.constant 0 : i32
      %dma_wait3A_240 = tpu.memref_slice %dma_wait3A_237[%dma_wait3A_238, %dma_wait3A_239] : memref<10000x128xf32, #tpu.memory_space<hbm>> -> memref<80x128xf32, #tpu.memory_space<hbm>>
      tpu.wait_dma2 semaphore(%arg16 : memref<!tpu.dma_semaphore, #tpu.memory_space<semaphore_mem>>) src(%dma_wait3A_240 : memref<80x128xf32, #tpu.memory_space<hbm>>) dst(%arg12 : memref<80x128xf32, #tpu.memory_space<vmem>>)
      %mul3A_241 = arith.constant 80 : i32
      %mul3A_242 = arith.muli %mul3A_226, %mul3A_241 : i32
      %dma_start3A_243 = tpu.memref_slice %arg15[%mul3A_242] : memref<10000xi32, #tpu.memory_space<vmem>> -> memref<80xi32, #tpu.memory_space<vmem>>
      %dma_start3A_244 = arith.constant 0 : i32
      %dma_start3A_245 = arith.constant 0 : i32
      %dma_start3A_246 = tpu.memref_slice %arg11[%dma_start3A_244, %dma_start3A_245] : memref<10240x128xf32, #tpu.memory_space<vmem_shared>> -> memref<10240x128xf32, #tpu.memory_space<vmem_shared>>
      tpu.enqueue_indirect_dma source(%arg12 : memref<80x128xf32, #tpu.memory_space<vmem>>) target(%dma_start3A_246 : memref<10240x128xf32, #tpu.memory_space<vmem_shared>>) offsets(%dma_start3A_243 : memref<80xi32, #tpu.memory_space<vmem>>) semaphore(%arg18 : memref<!tpu.dma_semaphore, #tpu.memory_space<semaphore_mem>>) {add = true}
      %dma_wait3A_247 = arith.constant 0 : i32
      %dma_wait3A_248 = arith.constant 0 : i32
      %dma_wait3A_249 = tpu.memref_slice %arg2[%scan3A_24, %dma_wait3A_247, %dma_wait3A_248] : memref<3x10000x128xf32, #tpu.memory_space<hbm>> -> memref<1x10000x128xf32, #tpu.memory_space<hbm>>
      %dma_wait3A_250 = tpu.memref_squeeze %dma_wait3A_249 : memref<1x10000x128xf32, #tpu.memory_space<hbm>> -> memref<10000x128xf32, #tpu.memory_space<hbm>>
      %dma_wait3A_251 = arith.constant 0 : i32
      %dma_wait3A_252 = arith.constant 0 : i32
      %dma_wait3A_253 = tpu.memref_slice %dma_wait3A_250[%dma_wait3A_251, %dma_wait3A_252] : memref<10000x128xf32, #tpu.memory_space<hbm>> -> memref<80x128xf32, #tpu.memory_space<hbm>>
      %dma_wait3A_254 = arith.constant 0 : i32
      %dma_wait3A_255 = arith.constant 0 : i32
      %dma_wait3A_256 = tpu.memref_slice %arg2[%scan3A_24, %dma_wait3A_254, %dma_wait3A_255] : memref<3x10000x128xf32, #tpu.memory_space<hbm>> -> memref<1x10000x128xf32, #tpu.memory_space<hbm>>
      %dma_wait3A_257 = tpu.memref_squeeze %dma_wait3A_256 : memref<1x10000x128xf32, #tpu.memory_space<hbm>> -> memref<10000x128xf32, #tpu.memory_space<hbm>>
      %dma_wait3A_258 = arith.constant 0 : i32
      %dma_wait3A_259 = arith.constant 0 : i32
      %dma_wait3A_260 = tpu.memref_slice %dma_wait3A_257[%dma_wait3A_258, %dma_wait3A_259] : memref<10000x128xf32, #tpu.memory_space<hbm>> -> memref<80x128xf32, #tpu.memory_space<hbm>>
      tpu.wait_dma2 semaphore(%arg17 : memref<!tpu.dma_semaphore, #tpu.memory_space<semaphore_mem>>) src(%dma_wait3A_260 : memref<80x128xf32, #tpu.memory_space<hbm>>) dst(%arg13 : memref<80x128xf32, #tpu.memory_space<vmem>>)
      %add3A_261 = arith.constant 1 : i32
      %add3A_262 = arith.addi %mul3A_226, %add3A_261 : i32
      %mul3A_263 = arith.constant 80 : i32
      %mul3A_264 = arith.muli %add3A_262, %mul3A_263 : i32
      %dma_start3A_265 = tpu.memref_slice %arg15[%mul3A_264] : memref<10000xi32, #tpu.memory_space<vmem>> -> memref<80xi32, #tpu.memory_space<vmem>>
      %dma_start3A_266 = arith.constant 0 : i32
      %dma_start3A_267 = arith.constant 0 : i32
      %dma_start3A_268 = tpu.memref_slice %arg11[%dma_start3A_266, %dma_start3A_267] : memref<10240x128xf32, #tpu.memory_space<vmem_shared>> -> memref<10240x128xf32, #tpu.memory_space<vmem_shared>>
      tpu.enqueue_indirect_dma source(%arg13 : memref<80x128xf32, #tpu.memory_space<vmem>>) target(%dma_start3A_268 : memref<10240x128xf32, #tpu.memory_space<vmem_shared>>) offsets(%dma_start3A_265 : memref<80xi32, #tpu.memory_space<vmem>>) semaphore(%arg19 : memref<!tpu.dma_semaphore, #tpu.memory_space<semaphore_mem>>) {add = true}
      %dma_wait3A_269 = arith.constant 0 : i32
      %dma_wait3A_270 = arith.constant 0 : i32
      %dma_wait3A_271 = tpu.memref_slice %arg2[%scan3A_24, %dma_wait3A_269, %dma_wait3A_270] : memref<3x10000x128xf32, #tpu.memory_space<hbm>> -> memref<1x10000x128xf32, #tpu.memory_space<hbm>>
      %dma_wait3A_272 = tpu.memref_squeeze %dma_wait3A_271 : memref<1x10000x128xf32, #tpu.memory_space<hbm>> -> memref<10000x128xf32, #tpu.memory_space<hbm>>
      %dma_wait3A_273 = arith.constant 0 : i32
      %dma_wait3A_274 = arith.constant 0 : i32
      %dma_wait3A_275 = tpu.memref_slice %dma_wait3A_272[%dma_wait3A_273, %dma_wait3A_274] : memref<10000x128xf32, #tpu.memory_space<hbm>> -> memref<80x128xf32, #tpu.memory_space<hbm>>
      %dma_wait3A_276 = arith.constant 0 : i32
      %dma_wait3A_277 = arith.constant 0 : i32
      %dma_wait3A_278 = tpu.memref_slice %arg2[%scan3A_24, %dma_wait3A_276, %dma_wait3A_277] : memref<3x10000x128xf32, #tpu.memory_space<hbm>> -> memref<1x10000x128xf32, #tpu.memory_space<hbm>>
      %dma_wait3A_279 = tpu.memref_squeeze %dma_wait3A_278 : memref<1x10000x128xf32, #tpu.memory_space<hbm>> -> memref<10000x128xf32, #tpu.memory_space<hbm>>
      %dma_wait3A_280 = arith.constant 0 : i32
      %dma_wait3A_281 = arith.constant 0 : i32
      %dma_wait3A_282 = tpu.memref_slice %dma_wait3A_279[%dma_wait3A_280, %dma_wait3A_281] : memref<10000x128xf32, #tpu.memory_space<hbm>> -> memref<80x128xf32, #tpu.memory_space<hbm>>
      tpu.wait_dma2 semaphore(%arg18 : memref<!tpu.dma_semaphore, #tpu.memory_space<semaphore_mem>>) src(%dma_wait3A_282 : memref<80x128xf32, #tpu.memory_space<hbm>>) dst(%arg12 : memref<80x128xf32, #tpu.memory_space<vmem>>)
      %add3A_283 = arith.constant 2 : i32
      %add3A_284 = arith.addi %mul3A_226, %add3A_283 : i32
      %lt3A = arith.constant 125 : i32
      %lt3A_285 = arith.cmpi slt, %add3A_284, %lt3A : i32
      %convert_element_type3A = arith.extui %lt3A_285 : i1 to i32
      %cond3A = arith.constant 0 : i32
      %cond3A_286 = arith.cmpi ne, %convert_element_type3A, %cond3A : i32
      scf.if %cond3A_286 {
        %add3A_308 = arith.constant 2 : i32
        %add3A_309 = arith.addi %mul3A_226, %add3A_308 : i32
        %mul3A_310 = arith.constant 80 : i32
        %mul3A_311 = arith.muli %add3A_309, %mul3A_310 : i32
        %dma_start3A_312 = tpu.memref_slice %arg14[%mul3A_311] : memref<10000xi32, #tpu.memory_space<vmem>> -> memref<80xi32, #tpu.memory_space<vmem>>
        %dma_start3A_313 = arith.constant 0 : i32
        %dma_start3A_314 = arith.constant 0 : i32
        %dma_start3A_315 = tpu.memref_slice %arg2[%scan3A_24, %dma_start3A_313, %dma_start3A_314] : memref<3x10000x128xf32, #tpu.memory_space<hbm>> -> memref<1x10000x128xf32, #tpu.memory_space<hbm>>
        %dma_start3A_316 = tpu.memref_squeeze %dma_start3A_315 : memref<1x10000x128xf32, #tpu.memory_space<hbm>> -> memref<10000x128xf32, #tpu.memory_space<hbm>>
        %dma_start3A_317 = arith.constant 0 : i32
        %dma_start3A_318 = arith.constant 0 : i32
        %dma_start3A_319 = tpu.memref_slice %dma_start3A_316[%dma_start3A_317, %dma_start3A_318] : memref<10000x128xf32, #tpu.memory_space<hbm>> -> memref<10000x128xf32, #tpu.memory_space<hbm>>
        tpu.enqueue_indirect_dma source(%dma_start3A_319 : memref<10000x128xf32, #tpu.memory_space<hbm>>) target(%arg12 : memref<80x128xf32, #tpu.memory_space<vmem>>) offsets(%dma_start3A_312 : memref<80xi32, #tpu.memory_space<vmem>>) semaphore(%arg16 : memref<!tpu.dma_semaphore, #tpu.memory_space<semaphore_mem>>)
      } else {
      }
      %dma_wait3A_287 = arith.constant 0 : i32
      %dma_wait3A_288 = arith.constant 0 : i32
      %dma_wait3A_289 = tpu.memref_slice %arg2[%scan3A_24, %dma_wait3A_287, %dma_wait3A_288] : memref<3x10000x128xf32, #tpu.memory_space<hbm>> -> memref<1x10000x128xf32, #tpu.memory_space<hbm>>
      %dma_wait3A_290 = tpu.memref_squeeze %dma_wait3A_289 : memref<1x10000x128xf32, #tpu.memory_space<hbm>> -> memref<10000x128xf32, #tpu.memory_space<hbm>>
      %dma_wait3A_291 = arith.constant 0 : i32
      %dma_wait3A_292 = arith.constant 0 : i32
      %dma_wait3A_293 = tpu.memref_slice %dma_wait3A_290[%dma_wait3A_291, %dma_wait3A_292] : memref<10000x128xf32, #tpu.memory_space<hbm>> -> memref<80x128xf32, #tpu.memory_space<hbm>>
      %dma_wait3A_294 = arith.constant 0 : i32
      %dma_wait3A_295 = arith.constant 0 : i32
      %dma_wait3A_296 = tpu.memref_slice %arg2[%scan3A_24, %dma_wait3A_294, %dma_wait3A_295] : memref<3x10000x128xf32, #tpu.memory_space<hbm>> -> memref<1x10000x128xf32, #tpu.memory_space<hbm>>
      %dma_wait3A_297 = tpu.memref_squeeze %dma_wait3A_296 : memref<1x10000x128xf32, #tpu.memory_space<hbm>> -> memref<10000x128xf32, #tpu.memory_space<hbm>>
      %dma_wait3A_298 = arith.constant 0 : i32
      %dma_wait3A_299 = arith.constant 0 : i32
      %dma_wait3A_300 = tpu.memref_slice %dma_wait3A_297[%dma_wait3A_298, %dma_wait3A_299] : memref<10000x128xf32, #tpu.memory_space<hbm>> -> memref<80x128xf32, #tpu.memory_space<hbm>>
      tpu.wait_dma2 semaphore(%arg19 : memref<!tpu.dma_semaphore, #tpu.memory_space<semaphore_mem>>) src(%dma_wait3A_300 : memref<80x128xf32, #tpu.memory_space<hbm>>) dst(%arg13 : memref<80x128xf32, #tpu.memory_space<vmem>>)
      %add3A_301 = arith.constant 3 : i32
      %add3A_302 = arith.addi %mul3A_226, %add3A_301 : i32
      %lt3A_303 = arith.constant 125 : i32
      %lt3A_304 = arith.cmpi slt, %add3A_302, %lt3A_303 : i32
      %convert_element_type3A_305 = arith.extui %lt3A_304 : i1 to i32
      %cond3A_306 = arith.constant 0 : i32
      %cond3A_307 = arith.cmpi ne, %convert_element_type3A_305, %cond3A_306 : i32
      scf.if %cond3A_307 {
        %add3A_308 = arith.constant 3 : i32
        %add3A_309 = arith.addi %mul3A_226, %add3A_308 : i32
        %mul3A_310 = arith.constant 80 : i32
        %mul3A_311 = arith.muli %add3A_309, %mul3A_310 : i32
        %dma_start3A_312 = tpu.memref_slice %arg14[%mul3A_311] : memref<10000xi32, #tpu.memory_space<vmem>> -> memref<80xi32, #tpu.memory_space<vmem>>
        %dma_start3A_313 = arith.constant 0 : i32
        %dma_start3A_314 = arith.constant 0 : i32
        %dma_start3A_315 = tpu.memref_slice %arg2[%scan3A_24, %dma_start3A_313, %dma_start3A_314] : memref<3x10000x128xf32, #tpu.memory_space<hbm>> -> memref<1x10000x128xf32, #tpu.memory_space<hbm>>
        %dma_start3A_316 = tpu.memref_squeeze %dma_start3A_315 : memref<1x10000x128xf32, #tpu.memory_space<hbm>> -> memref<10000x128xf32, #tpu.memory_space<hbm>>
        %dma_start3A_317 = arith.constant 0 : i32
        %dma_start3A_318 = arith.constant 0 : i32
        %dma_start3A_319 = tpu.memref_slice %dma_start3A_316[%dma_start3A_317, %dma_start3A_318] : memref<10000x128xf32, #tpu.memory_space<hbm>> -> memref<10000x128xf32, #tpu.memory_space<hbm>>
        tpu.enqueue_indirect_dma source(%dma_start3A_319 : memref<10000x128xf32, #tpu.memory_space<hbm>>) target(%arg13 : memref<80x128xf32, #tpu.memory_space<vmem>>) offsets(%dma_start3A_312 : memref<80xi32, #tpu.memory_space<vmem>>) semaphore(%arg17 : memref<!tpu.dma_semaphore, #tpu.memory_space<semaphore_mem>>)
      } else {
      }
    }
    %scan3A_29 = arith.constant 62 : i32
    %dma_wait3A = arith.constant 0 : i32
    %dma_wait3A_30 = arith.constant 0 : i32
    %dma_wait3A_31 = arith.constant 0 : i32
    %dma_wait3A_32 = tpu.memref_slice %arg2[%dma_wait3A, %dma_wait3A_30, %dma_wait3A_31] : memref<3x10000x128xf32, #tpu.memory_space<hbm>> -> memref<1x10000x128xf32, #tpu.memory_space<hbm>>
    %dma_wait3A_33 = tpu.memref_squeeze %dma_wait3A_32 : memref<1x10000x128xf32, #tpu.memory_space<hbm>> -> memref<10000x128xf32, #tpu.memory_space<hbm>>
    %dma_wait3A_34 = arith.constant 0 : i32
    %dma_wait3A_35 = arith.constant 0 : i32
    %dma_wait3A_36 = tpu.memref_slice %dma_wait3A_33[%dma_wait3A_34, %dma_wait3A_35] : memref<10000x128xf32, #tpu.memory_space<hbm>> -> memref<80x128xf32, #tpu.memory_space<hbm>>
    %dma_wait3A_37 = arith.constant 0 : i32
    %dma_wait3A_38 = arith.constant 0 : i32
    %dma_wait3A_39 = tpu.memref_slice %arg2[%dma_wait3A, %dma_wait3A_37, %dma_wait3A_38] : memref<3x10000x128xf32, #tpu.memory_space<hbm>> -> memref<1x10000x128xf32, #tpu.memory_space<hbm>>
    %dma_wait3A_40 = tpu.memref_squeeze %dma_wait3A_39 : memref<1x10000x128xf32, #tpu.memory_space<hbm>> -> memref<10000x128xf32, #tpu.memory_space<hbm>>
    %dma_wait3A_41 = arith.constant 0 : i32
    %dma_wait3A_42 = arith.constant 0 : i32
    %dma_wait3A_43 = tpu.memref_slice %dma_wait3A_40[%dma_wait3A_41, %dma_wait3A_42] : memref<10000x128xf32, #tpu.memory_space<hbm>> -> memref<80x128xf32, #tpu.memory_space<hbm>>
    tpu.wait_dma2 semaphore(%arg16 : memref<!tpu.dma_semaphore, #tpu.memory_space<semaphore_mem>>) src(%dma_wait3A_43 : memref<80x128xf32, #tpu.memory_space<hbm>>) dst(%arg12 : memref<80x128xf32, #tpu.memory_space<vmem>>)
    %dma_start3A_44 = arith.constant 9920 : i32
    %dma_start3A_45 = tpu.memref_slice %arg15[%dma_start3A_44] : memref<10000xi32, #tpu.memory_space<vmem>> -> memref<80xi32, #tpu.memory_space<vmem>>
    %dma_start3A_46 = arith.constant 0 : i32
    %dma_start3A_47 = arith.constant 0 : i32
    %dma_start3A_48 = tpu.memref_slice %arg11[%dma_start3A_46, %dma_start3A_47] : memref<10240x128xf32, #tpu.memory_space<vmem_shared>> -> memref<10240x128xf32, #tpu.memory_space<vmem_shared>>
    tpu.enqueue_indirect_dma source(%arg12 : memref<80x128xf32, #tpu.memory_space<vmem>>) target(%dma_start3A_48 : memref<10240x128xf32, #tpu.memory_space<vmem_shared>>) offsets(%dma_start3A_45 : memref<80xi32, #tpu.memory_space<vmem>>) semaphore(%arg18 : memref<!tpu.dma_semaphore, #tpu.memory_space<semaphore_mem>>) {add = true}
    %dma_wait3A_49 = arith.constant 0 : i32
    %dma_wait3A_50 = arith.constant 0 : i32
    %dma_wait3A_51 = arith.constant 0 : i32
    %dma_wait3A_52 = tpu.memref_slice %arg2[%dma_wait3A_49, %dma_wait3A_50, %dma_wait3A_51] : memref<3x10000x128xf32, #tpu.memory_space<hbm>> -> memref<1x10000x128xf32, #tpu.memory_space<hbm>>
    %dma_wait3A_53 = tpu.memref_squeeze %dma_wait3A_52 : memref<1x10000x128xf32, #tpu.memory_space<hbm>> -> memref<10000x128xf32, #tpu.memory_space<hbm>>
    %dma_wait3A_54 = arith.constant 0 : i32
    %dma_wait3A_55 = arith.constant 0 : i32
    %dma_wait3A_56 = tpu.memref_slice %dma_wait3A_53[%dma_wait3A_54, %dma_wait3A_55] : memref<10000x128xf32, #tpu.memory_space<hbm>> -> memref<80x128xf32, #tpu.memory_space<hbm>>
    %dma_wait3A_57 = arith.constant 0 : i32
    %dma_wait3A_58 = arith.constant 0 : i32
    %dma_wait3A_59 = tpu.memref_slice %arg2[%dma_wait3A_49, %dma_wait3A_57, %dma_wait3A_58] : memref<3x10000x128xf32, #tpu.memory_space<hbm>> -> memref<1x10000x128xf32, #tpu.memory_space<hbm>>
    %dma_wait3A_60 = tpu.memref_squeeze %dma_wait3A_59 : memref<1x10000x128xf32, #tpu.memory_space<hbm>> -> memref<10000x128xf32, #tpu.memory_space<hbm>>
    %dma_wait3A_61 = arith.constant 0 : i32
    %dma_wait3A_62 = arith.constant 0 : i32
    %dma_wait3A_63 = tpu.memref_slice %dma_wait3A_60[%dma_wait3A_61, %dma_wait3A_62] : memref<10000x128xf32, #tpu.memory_space<hbm>> -> memref<80x128xf32, #tpu.memory_space<hbm>>
    tpu.wait_dma2 semaphore(%arg18 : memref<!tpu.dma_semaphore, #tpu.memory_space<semaphore_mem>>) src(%dma_wait3A_63 : memref<80x128xf32, #tpu.memory_space<hbm>>) dst(%arg12 : memref<80x128xf32, #tpu.memory_space<vmem>>)
    %barrier3A_64 = arith.constant 0 : index
    tpu.barrier barrier_id(%barrier3A_64)
    %mul3A_65 = arith.constant 640 : i32
    %mul3A_66 = arith.muli %arg1, %mul3A_65 : i32
    %mul3A_67 = arith.constant 640 : i32
    %mul3A_68 = arith.muli %arg1, %mul3A_67 : i32
    %run_scoped3A = arith.constant 0 : i32
    "tpu.region"() ({
      %run_scoped3A_224 = tpu.sem_alloc : memref<!tpu.dma_semaphore, #tpu.memory_space<semaphore_mem>>
      %dma_start3A_225 = arith.constant 0 : i32
      %dma_start3A_226 = tpu.memref_slice %arg10[%arg0, %run_scoped3A, %mul3A_68, %dma_start3A_225] : memref<2x3x10240x128xf32, #tpu.memory_space<hbm>> -> memref<1x1x640x128xf32, #tpu.memory_space<hbm>>
      %dma_start3A_227 = tpu.memref_squeeze %dma_start3A_226 : memref<1x1x640x128xf32, #tpu.memory_space<hbm>> -> memref<640x128xf32, #tpu.memory_space<hbm>>
      %dma_start3A_228 = arith.constant 0 : i32
      %dma_start3A_229 = tpu.memref_slice %arg11[%mul3A_66, %dma_start3A_228] : memref<10240x128xf32, #tpu.memory_space<vmem_shared>> -> memref<640x128xf32, #tpu.memory_space<vmem_shared>>
      tpu.enqueue_dma source(%dma_start3A_229 : memref<640x128xf32, #tpu.memory_space<vmem_shared>>) target(%dma_start3A_227 : memref<640x128xf32, #tpu.memory_space<hbm>>) target_semaphore(%run_scoped3A_224 : memref<!tpu.dma_semaphore, #tpu.memory_space<semaphore_mem>>)
      %dma_wait3A_230 = arith.constant 0 : i32
      %dma_wait3A_231 = tpu.memref_slice %arg10[%arg0, %run_scoped3A, %mul3A_68, %dma_wait3A_230] : memref<2x3x10240x128xf32, #tpu.memory_space<hbm>> -> memref<1x1x640x128xf32, #tpu.memory_space<hbm>>
      %dma_wait3A_232 = tpu.memref_squeeze %dma_wait3A_231 : memref<1x1x640x128xf32, #tpu.memory_space<hbm>> -> memref<640x128xf32, #tpu.memory_space<hbm>>
      %dma_wait3A_233 = arith.constant 0 : i32
      %dma_wait3A_234 = tpu.memref_slice %arg11[%mul3A_66, %dma_wait3A_233] : memref<10240x128xf32, #tpu.memory_space<vmem_shared>> -> memref<640x128xf32, #tpu.memory_space<vmem_shared>>
      tpu.wait_dma2 semaphore(%run_scoped3A_224 : memref<!tpu.dma_semaphore, #tpu.memory_space<semaphore_mem>>) src(%dma_wait3A_234 : memref<640x128xf32, #tpu.memory_space<vmem_shared>>) dst(%dma_wait3A_232 : memref<640x128xf32, #tpu.memory_space<hbm>>)
      tpu.yield
    }) : () -> ()
    %barrier3A_69 = arith.constant 0 : index
    tpu.barrier barrier_id(%barrier3A_69)
    %mul3A_70 = arith.constant 640 : i32
    %mul3A_71 = arith.muli %arg1, %mul3A_70 : i32
    "tpu.region"() ({
      %run_scoped3A_224 = tpu.sem_alloc : memref<!tpu.dma_semaphore, #tpu.memory_space<semaphore_mem>>
      %dma_start3A_225 = arith.constant 0 : i32
      %dma_start3A_226 = tpu.memref_slice %arg11[%mul3A_71, %dma_start3A_225] : memref<10240x128xf32, #tpu.memory_space<vmem_shared>> -> memref<640x128xf32, #tpu.memory_space<vmem_shared>>
      tpu.enqueue_dma source(%arg9 : memref<640x128xf32, #tpu.memory_space<hbm>>) target(%dma_start3A_226 : memref<640x128xf32, #tpu.memory_space<vmem_shared>>) target_semaphore(%run_scoped3A_224 : memref<!tpu.dma_semaphore, #tpu.memory_space<semaphore_mem>>)
      %dma_wait3A_227 = arith.constant 0 : i32
      %dma_wait3A_228 = tpu.memref_slice %arg11[%mul3A_71, %dma_wait3A_227] : memref<10240x128xf32, #tpu.memory_space<vmem_shared>> -> memref<640x128xf32, #tpu.memory_space<vmem_shared>>
      tpu.wait_dma2 semaphore(%run_scoped3A_224 : memref<!tpu.dma_semaphore, #tpu.memory_space<semaphore_mem>>) src(%arg9 : memref<640x128xf32, #tpu.memory_space<hbm>>) dst(%dma_wait3A_228 : memref<640x128xf32, #tpu.memory_space<vmem_shared>>)
      tpu.yield
    }) : () -> ()
    %mul3A_72 = arith.constant 160000 : i32
    %mul3A_73 = arith.muli %arg0, %mul3A_72 : i32
    %mul3A_74 = arith.constant 10000 : i32
    %mul3A_75 = arith.muli %arg1, %mul3A_74 : i32
    %add3A_76 = arith.addi %mul3A_73, %mul3A_75 : i32
    "tpu.region"() ({
      %run_scoped3A_224 = tpu.sem_alloc : memref<!tpu.dma_semaphore, #tpu.memory_space<semaphore_mem>>
      %dma_start3A_225 = tpu.memref_slice %arg5[%add3A_76] : memref<320000xi32, #tpu.memory_space<hbm>> -> memref<10000xi32, #tpu.memory_space<hbm>>
      %dma_start3A_226 = tpu.memref_slice %arg5[%add3A_76] : memref<320000xi32, #tpu.memory_space<hbm>> -> memref<10000xi32, #tpu.memory_space<hbm>>
      tpu.enqueue_dma source(%dma_start3A_226 : memref<10000xi32, #tpu.memory_space<hbm>>) target(%arg14 : memref<10000xi32, #tpu.memory_space<vmem>>) target_semaphore(%run_scoped3A_224 : memref<!tpu.dma_semaphore, #tpu.memory_space<semaphore_mem>>)
      %dma_wait3A_227 = tpu.memref_slice %arg5[%add3A_76] : memref<320000xi32, #tpu.memory_space<hbm>> -> memref<10000xi32, #tpu.memory_space<hbm>>
      %dma_wait3A_228 = tpu.memref_slice %arg5[%add3A_76] : memref<320000xi32, #tpu.memory_space<hbm>> -> memref<10000xi32, #tpu.memory_space<hbm>>
      tpu.wait_dma2 semaphore(%run_scoped3A_224 : memref<!tpu.dma_semaphore, #tpu.memory_space<semaphore_mem>>) src(%dma_wait3A_228 : memref<10000xi32, #tpu.memory_space<hbm>>) dst(%arg14 : memref<10000xi32, #tpu.memory_space<vmem>>)
      tpu.yield
    }) : () -> ()
    "tpu.region"() ({
      %run_scoped3A_224 = tpu.sem_alloc : memref<!tpu.dma_semaphore, #tpu.memory_space<semaphore_mem>>
      %dma_start3A_225 = tpu.memref_slice %arg6[%add3A_76] : memref<320000xi32, #tpu.memory_space<hbm>> -> memref<10000xi32, #tpu.memory_space<hbm>>
      %dma_start3A_226 = tpu.memref_slice %arg6[%add3A_76] : memref<320000xi32, #tpu.memory_space<hbm>> -> memref<10000xi32, #tpu.memory_space<hbm>>
      tpu.enqueue_dma source(%dma_start3A_226 : memref<10000xi32, #tpu.memory_space<hbm>>) target(%arg15 : memref<10000xi32, #tpu.memory_space<vmem>>) target_semaphore(%run_scoped3A_224 : memref<!tpu.dma_semaphore, #tpu.memory_space<semaphore_mem>>)
      %dma_wait3A_227 = tpu.memref_slice %arg6[%add3A_76] : memref<320000xi32, #tpu.memory_space<hbm>> -> memref<10000xi32, #tpu.memory_space<hbm>>
      %dma_wait3A_228 = tpu.memref_slice %arg6[%add3A_76] : memref<320000xi32, #tpu.memory_space<hbm>> -> memref<10000xi32, #tpu.memory_space<hbm>>
      tpu.wait_dma2 semaphore(%run_scoped3A_224 : memref<!tpu.dma_semaphore, #tpu.memory_space<semaphore_mem>>) src(%dma_wait3A_228 : memref<10000xi32, #tpu.memory_space<hbm>>) dst(%arg15 : memref<10000xi32, #tpu.memory_space<vmem>>)
      tpu.yield
    }) : () -> ()
    %barrier3A_77 = arith.constant 0 : index
    tpu.barrier barrier_id(%barrier3A_77)
    %dma_start3A_78 = arith.constant 1 : i32
    %dma_start3A_79 = arith.constant 0 : i32
    %dma_start3A_80 = tpu.memref_slice %arg14[%dma_start3A_79] : memref<10000xi32, #tpu.memory_space<vmem>> -> memref<80xi32, #tpu.memory_space<vmem>>
    %dma_start3A_81 = arith.constant 0 : i32
    %dma_start3A_82 = arith.constant 0 : i32
    %dma_start3A_83 = tpu.memref_slice %arg2[%dma_start3A_78, %dma_start3A_81, %dma_start3A_82] : memref<3x10000x128xf32, #tpu.memory_space<hbm>> -> memref<1x10000x128xf32, #tpu.memory_space<hbm>>
    %dma_start3A_84 = tpu.memref_squeeze %dma_start3A_83 : memref<1x10000x128xf32, #tpu.memory_space<hbm>> -> memref<10000x128xf32, #tpu.memory_space<hbm>>
    %dma_start3A_85 = arith.constant 0 : i32
    %dma_start3A_86 = arith.constant 0 : i32
    %dma_start3A_87 = tpu.memref_slice %dma_start3A_84[%dma_start3A_85, %dma_start3A_86] : memref<10000x128xf32, #tpu.memory_space<hbm>> -> memref<10000x128xf32, #tpu.memory_space<hbm>>
    tpu.enqueue_indirect_dma source(%dma_start3A_87 : memref<10000x128xf32, #tpu.memory_space<hbm>>) target(%arg12 : memref<80x128xf32, #tpu.memory_space<vmem>>) offsets(%dma_start3A_80 : memref<80xi32, #tpu.memory_space<vmem>>) semaphore(%arg16 : memref<!tpu.dma_semaphore, #tpu.memory_space<semaphore_mem>>)
    %dma_start3A_88 = arith.constant 1 : i32
    %dma_start3A_89 = arith.constant 80 : i32
    %dma_start3A_90 = tpu.memref_slice %arg14[%dma_start3A_89] : memref<10000xi32, #tpu.memory_space<vmem>> -> memref<80xi32, #tpu.memory_space<vmem>>
    %dma_start3A_91 = arith.constant 0 : i32
    %dma_start3A_92 = arith.constant 0 : i32
    %dma_start3A_93 = tpu.memref_slice %arg2[%dma_start3A_88, %dma_start3A_91, %dma_start3A_92] : memref<3x10000x128xf32, #tpu.memory_space<hbm>> -> memref<1x10000x128xf32, #tpu.memory_space<hbm>>
    %dma_start3A_94 = tpu.memref_squeeze %dma_start3A_93 : memref<1x10000x128xf32, #tpu.memory_space<hbm>> -> memref<10000x128xf32, #tpu.memory_space<hbm>>
    %dma_start3A_95 = arith.constant 0 : i32
    %dma_start3A_96 = arith.constant 0 : i32
    %dma_start3A_97 = tpu.memref_slice %dma_start3A_94[%dma_start3A_95, %dma_start3A_96] : memref<10000x128xf32, #tpu.memory_space<hbm>> -> memref<10000x128xf32, #tpu.memory_space<hbm>>
    tpu.enqueue_indirect_dma source(%dma_start3A_97 : memref<10000x128xf32, #tpu.memory_space<hbm>>) target(%arg13 : memref<80x128xf32, #tpu.memory_space<vmem>>) offsets(%dma_start3A_90 : memref<80xi32, #tpu.memory_space<vmem>>) semaphore(%arg17 : memref<!tpu.dma_semaphore, #tpu.memory_space<semaphore_mem>>)
    %scan3A_98 = arith.constant 0 : i32
    %scan3A_99 = arith.constant 1 : i32
    %scan3A_100 = arith.constant 0 : i32
    %scan3A_101 = arith.constant 62 : i32
    %scan3A_102 = arith.addi %scan3A_100, %scan3A_101 : i32
    %scan3A_103 = arith.constant 1 : i32
    scf.for %scan3A_224 = %scan3A_100 to %scan3A_102 step %scan3A_103  : i32 {
      %mul3A_225 = arith.constant 2 : i32
      %mul3A_226 = arith.muli %mul3A_225, %scan3A_224 : i32
      %dma_wait3A_227 = arith.constant 0 : i32
      %dma_wait3A_228 = arith.constant 0 : i32
      %dma_wait3A_229 = tpu.memref_slice %arg2[%scan3A_99, %dma_wait3A_227, %dma_wait3A_228] : memref<3x10000x128xf32, #tpu.memory_space<hbm>> -> memref<1x10000x128xf32, #tpu.memory_space<hbm>>
      %dma_wait3A_230 = tpu.memref_squeeze %dma_wait3A_229 : memref<1x10000x128xf32, #tpu.memory_space<hbm>> -> memref<10000x128xf32, #tpu.memory_space<hbm>>
      %dma_wait3A_231 = arith.constant 0 : i32
      %dma_wait3A_232 = arith.constant 0 : i32
      %dma_wait3A_233 = tpu.memref_slice %dma_wait3A_230[%dma_wait3A_231, %dma_wait3A_232] : memref<10000x128xf32, #tpu.memory_space<hbm>> -> memref<80x128xf32, #tpu.memory_space<hbm>>
      %dma_wait3A_234 = arith.constant 0 : i32
      %dma_wait3A_235 = arith.constant 0 : i32
      %dma_wait3A_236 = tpu.memref_slice %arg2[%scan3A_99, %dma_wait3A_234, %dma_wait3A_235] : memref<3x10000x128xf32, #tpu.memory_space<hbm>> -> memref<1x10000x128xf32, #tpu.memory_space<hbm>>
      %dma_wait3A_237 = tpu.memref_squeeze %dma_wait3A_236 : memref<1x10000x128xf32, #tpu.memory_space<hbm>> -> memref<10000x128xf32, #tpu.memory_space<hbm>>
      %dma_wait3A_238 = arith.constant 0 : i32
      %dma_wait3A_239 = arith.constant 0 : i32
      %dma_wait3A_240 = tpu.memref_slice %dma_wait3A_237[%dma_wait3A_238, %dma_wait3A_239] : memref<10000x128xf32, #tpu.memory_space<hbm>> -> memref<80x128xf32, #tpu.memory_space<hbm>>
      tpu.wait_dma2 semaphore(%arg16 : memref<!tpu.dma_semaphore, #tpu.memory_space<semaphore_mem>>) src(%dma_wait3A_240 : memref<80x128xf32, #tpu.memory_space<hbm>>) dst(%arg12 : memref<80x128xf32, #tpu.memory_space<vmem>>)
      %mul3A_241 = arith.constant 80 : i32
      %mul3A_242 = arith.muli %mul3A_226, %mul3A_241 : i32
      %dma_start3A_243 = tpu.memref_slice %arg15[%mul3A_242] : memref<10000xi32, #tpu.memory_space<vmem>> -> memref<80xi32, #tpu.memory_space<vmem>>
      %dma_start3A_244 = arith.constant 0 : i32
      %dma_start3A_245 = arith.constant 0 : i32
      %dma_start3A_246 = tpu.memref_slice %arg11[%dma_start3A_244, %dma_start3A_245] : memref<10240x128xf32, #tpu.memory_space<vmem_shared>> -> memref<10240x128xf32, #tpu.memory_space<vmem_shared>>
      tpu.enqueue_indirect_dma source(%arg12 : memref<80x128xf32, #tpu.memory_space<vmem>>) target(%dma_start3A_246 : memref<10240x128xf32, #tpu.memory_space<vmem_shared>>) offsets(%dma_start3A_243 : memref<80xi32, #tpu.memory_space<vmem>>) semaphore(%arg18 : memref<!tpu.dma_semaphore, #tpu.memory_space<semaphore_mem>>) {add = true}
      %dma_wait3A_247 = arith.constant 0 : i32
      %dma_wait3A_248 = arith.constant 0 : i32
      %dma_wait3A_249 = tpu.memref_slice %arg2[%scan3A_99, %dma_wait3A_247, %dma_wait3A_248] : memref<3x10000x128xf32, #tpu.memory_space<hbm>> -> memref<1x10000x128xf32, #tpu.memory_space<hbm>>
      %dma_wait3A_250 = tpu.memref_squeeze %dma_wait3A_249 : memref<1x10000x128xf32, #tpu.memory_space<hbm>> -> memref<10000x128xf32, #tpu.memory_space<hbm>>
      %dma_wait3A_251 = arith.constant 0 : i32
      %dma_wait3A_252 = arith.constant 0 : i32
      %dma_wait3A_253 = tpu.memref_slice %dma_wait3A_250[%dma_wait3A_251, %dma_wait3A_252] : memref<10000x128xf32, #tpu.memory_space<hbm>> -> memref<80x128xf32, #tpu.memory_space<hbm>>
      %dma_wait3A_254 = arith.constant 0 : i32
      %dma_wait3A_255 = arith.constant 0 : i32
      %dma_wait3A_256 = tpu.memref_slice %arg2[%scan3A_99, %dma_wait3A_254, %dma_wait3A_255] : memref<3x10000x128xf32, #tpu.memory_space<hbm>> -> memref<1x10000x128xf32, #tpu.memory_space<hbm>>
      %dma_wait3A_257 = tpu.memref_squeeze %dma_wait3A_256 : memref<1x10000x128xf32, #tpu.memory_space<hbm>> -> memref<10000x128xf32, #tpu.memory_space<hbm>>
      %dma_wait3A_258 = arith.constant 0 : i32
      %dma_wait3A_259 = arith.constant 0 : i32
      %dma_wait3A_260 = tpu.memref_slice %dma_wait3A_257[%dma_wait3A_258, %dma_wait3A_259] : memref<10000x128xf32, #tpu.memory_space<hbm>> -> memref<80x128xf32, #tpu.memory_space<hbm>>
      tpu.wait_dma2 semaphore(%arg17 : memref<!tpu.dma_semaphore, #tpu.memory_space<semaphore_mem>>) src(%dma_wait3A_260 : memref<80x128xf32, #tpu.memory_space<hbm>>) dst(%arg13 : memref<80x128xf32, #tpu.memory_space<vmem>>)
      %add3A_261 = arith.constant 1 : i32
      %add3A_262 = arith.addi %mul3A_226, %add3A_261 : i32
      %mul3A_263 = arith.constant 80 : i32
      %mul3A_264 = arith.muli %add3A_262, %mul3A_263 : i32
      %dma_start3A_265 = tpu.memref_slice %arg15[%mul3A_264] : memref<10000xi32, #tpu.memory_space<vmem>> -> memref<80xi32, #tpu.memory_space<vmem>>
      %dma_start3A_266 = arith.constant 0 : i32
      %dma_start3A_267 = arith.constant 0 : i32
      %dma_start3A_268 = tpu.memref_slice %arg11[%dma_start3A_266, %dma_start3A_267] : memref<10240x128xf32, #tpu.memory_space<vmem_shared>> -> memref<10240x128xf32, #tpu.memory_space<vmem_shared>>
      tpu.enqueue_indirect_dma source(%arg13 : memref<80x128xf32, #tpu.memory_space<vmem>>) target(%dma_start3A_268 : memref<10240x128xf32, #tpu.memory_space<vmem_shared>>) offsets(%dma_start3A_265 : memref<80xi32, #tpu.memory_space<vmem>>) semaphore(%arg19 : memref<!tpu.dma_semaphore, #tpu.memory_space<semaphore_mem>>) {add = true}
      %dma_wait3A_269 = arith.constant 0 : i32
      %dma_wait3A_270 = arith.constant 0 : i32
      %dma_wait3A_271 = tpu.memref_slice %arg2[%scan3A_99, %dma_wait3A_269, %dma_wait3A_270] : memref<3x10000x128xf32, #tpu.memory_space<hbm>> -> memref<1x10000x128xf32, #tpu.memory_space<hbm>>
      %dma_wait3A_272 = tpu.memref_squeeze %dma_wait3A_271 : memref<1x10000x128xf32, #tpu.memory_space<hbm>> -> memref<10000x128xf32, #tpu.memory_space<hbm>>
      %dma_wait3A_273 = arith.constant 0 : i32
      %dma_wait3A_274 = arith.constant 0 : i32
      %dma_wait3A_275 = tpu.memref_slice %dma_wait3A_272[%dma_wait3A_273, %dma_wait3A_274] : memref<10000x128xf32, #tpu.memory_space<hbm>> -> memref<80x128xf32, #tpu.memory_space<hbm>>
      %dma_wait3A_276 = arith.constant 0 : i32
      %dma_wait3A_277 = arith.constant 0 : i32
      %dma_wait3A_278 = tpu.memref_slice %arg2[%scan3A_99, %dma_wait3A_276, %dma_wait3A_277] : memref<3x10000x128xf32, #tpu.memory_space<hbm>> -> memref<1x10000x128xf32, #tpu.memory_space<hbm>>
      %dma_wait3A_279 = tpu.memref_squeeze %dma_wait3A_278 : memref<1x10000x128xf32, #tpu.memory_space<hbm>> -> memref<10000x128xf32, #tpu.memory_space<hbm>>
      %dma_wait3A_280 = arith.constant 0 : i32
      %dma_wait3A_281 = arith.constant 0 : i32
      %dma_wait3A_282 = tpu.memref_slice %dma_wait3A_279[%dma_wait3A_280, %dma_wait3A_281] : memref<10000x128xf32, #tpu.memory_space<hbm>> -> memref<80x128xf32, #tpu.memory_space<hbm>>
      tpu.wait_dma2 semaphore(%arg18 : memref<!tpu.dma_semaphore, #tpu.memory_space<semaphore_mem>>) src(%dma_wait3A_282 : memref<80x128xf32, #tpu.memory_space<hbm>>) dst(%arg12 : memref<80x128xf32, #tpu.memory_space<vmem>>)
      %add3A_283 = arith.constant 2 : i32
      %add3A_284 = arith.addi %mul3A_226, %add3A_283 : i32
      %lt3A = arith.constant 125 : i32
      %lt3A_285 = arith.cmpi slt, %add3A_284, %lt3A : i32
      %convert_element_type3A = arith.extui %lt3A_285 : i1 to i32
      %cond3A = arith.constant 0 : i32
      %cond3A_286 = arith.cmpi ne, %convert_element_type3A, %cond3A : i32
      scf.if %cond3A_286 {
        %add3A_308 = arith.constant 2 : i32
        %add3A_309 = arith.addi %mul3A_226, %add3A_308 : i32
        %mul3A_310 = arith.constant 80 : i32
        %mul3A_311 = arith.muli %add3A_309, %mul3A_310 : i32
        %dma_start3A_312 = tpu.memref_slice %arg14[%mul3A_311] : memref<10000xi32, #tpu.memory_space<vmem>> -> memref<80xi32, #tpu.memory_space<vmem>>
        %dma_start3A_313 = arith.constant 0 : i32
        %dma_start3A_314 = arith.constant 0 : i32
        %dma_start3A_315 = tpu.memref_slice %arg2[%scan3A_99, %dma_start3A_313, %dma_start3A_314] : memref<3x10000x128xf32, #tpu.memory_space<hbm>> -> memref<1x10000x128xf32, #tpu.memory_space<hbm>>
        %dma_start3A_316 = tpu.memref_squeeze %dma_start3A_315 : memref<1x10000x128xf32, #tpu.memory_space<hbm>> -> memref<10000x128xf32, #tpu.memory_space<hbm>>
        %dma_start3A_317 = arith.constant 0 : i32
        %dma_start3A_318 = arith.constant 0 : i32
        %dma_start3A_319 = tpu.memref_slice %dma_start3A_316[%dma_start3A_317, %dma_start3A_318] : memref<10000x128xf32, #tpu.memory_space<hbm>> -> memref<10000x128xf32, #tpu.memory_space<hbm>>
        tpu.enqueue_indirect_dma source(%dma_start3A_319 : memref<10000x128xf32, #tpu.memory_space<hbm>>) target(%arg12 : memref<80x128xf32, #tpu.memory_space<vmem>>) offsets(%dma_start3A_312 : memref<80xi32, #tpu.memory_space<vmem>>) semaphore(%arg16 : memref<!tpu.dma_semaphore, #tpu.memory_space<semaphore_mem>>)
      } else {
      }
      %dma_wait3A_287 = arith.constant 0 : i32
      %dma_wait3A_288 = arith.constant 0 : i32
      %dma_wait3A_289 = tpu.memref_slice %arg2[%scan3A_99, %dma_wait3A_287, %dma_wait3A_288] : memref<3x10000x128xf32, #tpu.memory_space<hbm>> -> memref<1x10000x128xf32, #tpu.memory_space<hbm>>
      %dma_wait3A_290 = tpu.memref_squeeze %dma_wait3A_289 : memref<1x10000x128xf32, #tpu.memory_space<hbm>> -> memref<10000x128xf32, #tpu.memory_space<hbm>>
      %dma_wait3A_291 = arith.constant 0 : i32
      %dma_wait3A_292 = arith.constant 0 : i32
      %dma_wait3A_293 = tpu.memref_slice %dma_wait3A_290[%dma_wait3A_291, %dma_wait3A_292] : memref<10000x128xf32, #tpu.memory_space<hbm>> -> memref<80x128xf32, #tpu.memory_space<hbm>>
      %dma_wait3A_294 = arith.constant 0 : i32
      %dma_wait3A_295 = arith.constant 0 : i32
      %dma_wait3A_296 = tpu.memref_slice %arg2[%scan3A_99, %dma_wait3A_294, %dma_wait3A_295] : memref<3x10000x128xf32, #tpu.memory_space<hbm>> -> memref<1x10000x128xf32, #tpu.memory_space<hbm>>
      %dma_wait3A_297 = tpu.memref_squeeze %dma_wait3A_296 : memref<1x10000x128xf32, #tpu.memory_space<hbm>> -> memref<10000x128xf32, #tpu.memory_space<hbm>>
      %dma_wait3A_298 = arith.constant 0 : i32
      %dma_wait3A_299 = arith.constant 0 : i32
      %dma_wait3A_300 = tpu.memref_slice %dma_wait3A_297[%dma_wait3A_298, %dma_wait3A_299] : memref<10000x128xf32, #tpu.memory_space<hbm>> -> memref<80x128xf32, #tpu.memory_space<hbm>>
      tpu.wait_dma2 semaphore(%arg19 : memref<!tpu.dma_semaphore, #tpu.memory_space<semaphore_mem>>) src(%dma_wait3A_300 : memref<80x128xf32, #tpu.memory_space<hbm>>) dst(%arg13 : memref<80x128xf32, #tpu.memory_space<vmem>>)
      %add3A_301 = arith.constant 3 : i32
      %add3A_302 = arith.addi %mul3A_226, %add3A_301 : i32
      %lt3A_303 = arith.constant 125 : i32
      %lt3A_304 = arith.cmpi slt, %add3A_302, %lt3A_303 : i32
      %convert_element_type3A_305 = arith.extui %lt3A_304 : i1 to i32
      %cond3A_306 = arith.constant 0 : i32
      %cond3A_307 = arith.cmpi ne, %convert_element_type3A_305, %cond3A_306 : i32
      scf.if %cond3A_307 {
        %add3A_308 = arith.constant 3 : i32
        %add3A_309 = arith.addi %mul3A_226, %add3A_308 : i32
        %mul3A_310 = arith.constant 80 : i32
        %mul3A_311 = arith.muli %add3A_309, %mul3A_310 : i32
        %dma_start3A_312 = tpu.memref_slice %arg14[%mul3A_311] : memref<10000xi32, #tpu.memory_space<vmem>> -> memref<80xi32, #tpu.memory_space<vmem>>
        %dma_start3A_313 = arith.constant 0 : i32
        %dma_start3A_314 = arith.constant 0 : i32
        %dma_start3A_315 = tpu.memref_slice %arg2[%scan3A_99, %dma_start3A_313, %dma_start3A_314] : memref<3x10000x128xf32, #tpu.memory_space<hbm>> -> memref<1x10000x128xf32, #tpu.memory_space<hbm>>
        %dma_start3A_316 = tpu.memref_squeeze %dma_start3A_315 : memref<1x10000x128xf32, #tpu.memory_space<hbm>> -> memref<10000x128xf32, #tpu.memory_space<hbm>>
        %dma_start3A_317 = arith.constant 0 : i32
        %dma_start3A_318 = arith.constant 0 : i32
        %dma_start3A_319 = tpu.memref_slice %dma_start3A_316[%dma_start3A_317, %dma_start3A_318] : memref<10000x128xf32, #tpu.memory_space<hbm>> -> memref<10000x128xf32, #tpu.memory_space<hbm>>
        tpu.enqueue_indirect_dma source(%dma_start3A_319 : memref<10000x128xf32, #tpu.memory_space<hbm>>) target(%arg13 : memref<80x128xf32, #tpu.memory_space<vmem>>) offsets(%dma_start3A_312 : memref<80xi32, #tpu.memory_space<vmem>>) semaphore(%arg17 : memref<!tpu.dma_semaphore, #tpu.memory_space<semaphore_mem>>)
      } else {
      }
    }
    %scan3A_104 = arith.constant 62 : i32
    %dma_wait3A_105 = arith.constant 1 : i32
    %dma_wait3A_106 = arith.constant 0 : i32
    %dma_wait3A_107 = arith.constant 0 : i32
    %dma_wait3A_108 = tpu.memref_slice %arg2[%dma_wait3A_105, %dma_wait3A_106, %dma_wait3A_107] : memref<3x10000x128xf32, #tpu.memory_space<hbm>> -> memref<1x10000x128xf32, #tpu.memory_space<hbm>>
    %dma_wait3A_109 = tpu.memref_squeeze %dma_wait3A_108 : memref<1x10000x128xf32, #tpu.memory_space<hbm>> -> memref<10000x128xf32, #tpu.memory_space<hbm>>
    %dma_wait3A_110 = arith.constant 0 : i32
    %dma_wait3A_111 = arith.constant 0 : i32
    %dma_wait3A_112 = tpu.memref_slice %dma_wait3A_109[%dma_wait3A_110, %dma_wait3A_111] : memref<10000x128xf32, #tpu.memory_space<hbm>> -> memref<80x128xf32, #tpu.memory_space<hbm>>
    %dma_wait3A_113 = arith.constant 0 : i32
    %dma_wait3A_114 = arith.constant 0 : i32
    %dma_wait3A_115 = tpu.memref_slice %arg2[%dma_wait3A_105, %dma_wait3A_113, %dma_wait3A_114] : memref<3x10000x128xf32, #tpu.memory_space<hbm>> -> memref<1x10000x128xf32, #tpu.memory_space<hbm>>
    %dma_wait3A_116 = tpu.memref_squeeze %dma_wait3A_115 : memref<1x10000x128xf32, #tpu.memory_space<hbm>> -> memref<10000x128xf32, #tpu.memory_space<hbm>>
    %dma_wait3A_117 = arith.constant 0 : i32
    %dma_wait3A_118 = arith.constant 0 : i32
    %dma_wait3A_119 = tpu.memref_slice %dma_wait3A_116[%dma_wait3A_117, %dma_wait3A_118] : memref<10000x128xf32, #tpu.memory_space<hbm>> -> memref<80x128xf32, #tpu.memory_space<hbm>>
    tpu.wait_dma2 semaphore(%arg16 : memref<!tpu.dma_semaphore, #tpu.memory_space<semaphore_mem>>) src(%dma_wait3A_119 : memref<80x128xf32, #tpu.memory_space<hbm>>) dst(%arg12 : memref<80x128xf32, #tpu.memory_space<vmem>>)
    %dma_start3A_120 = arith.constant 9920 : i32
    %dma_start3A_121 = tpu.memref_slice %arg15[%dma_start3A_120] : memref<10000xi32, #tpu.memory_space<vmem>> -> memref<80xi32, #tpu.memory_space<vmem>>
    %dma_start3A_122 = arith.constant 0 : i32
    %dma_start3A_123 = arith.constant 0 : i32
    %dma_start3A_124 = tpu.memref_slice %arg11[%dma_start3A_122, %dma_start3A_123] : memref<10240x128xf32, #tpu.memory_space<vmem_shared>> -> memref<10240x128xf32, #tpu.memory_space<vmem_shared>>
    tpu.enqueue_indirect_dma source(%arg12 : memref<80x128xf32, #tpu.memory_space<vmem>>) target(%dma_start3A_124 : memref<10240x128xf32, #tpu.memory_space<vmem_shared>>) offsets(%dma_start3A_121 : memref<80xi32, #tpu.memory_space<vmem>>) semaphore(%arg18 : memref<!tpu.dma_semaphore, #tpu.memory_space<semaphore_mem>>) {add = true}
    %dma_wait3A_125 = arith.constant 1 : i32
    %dma_wait3A_126 = arith.constant 0 : i32
    %dma_wait3A_127 = arith.constant 0 : i32
    %dma_wait3A_128 = tpu.memref_slice %arg2[%dma_wait3A_125, %dma_wait3A_126, %dma_wait3A_127] : memref<3x10000x128xf32, #tpu.memory_space<hbm>> -> memref<1x10000x128xf32, #tpu.memory_space<hbm>>
    %dma_wait3A_129 = tpu.memref_squeeze %dma_wait3A_128 : memref<1x10000x128xf32, #tpu.memory_space<hbm>> -> memref<10000x128xf32, #tpu.memory_space<hbm>>
    %dma_wait3A_130 = arith.constant 0 : i32
    %dma_wait3A_131 = arith.constant 0 : i32
    %dma_wait3A_132 = tpu.memref_slice %dma_wait3A_129[%dma_wait3A_130, %dma_wait3A_131] : memref<10000x128xf32, #tpu.memory_space<hbm>> -> memref<80x128xf32, #tpu.memory_space<hbm>>
    %dma_wait3A_133 = arith.constant 0 : i32
    %dma_wait3A_134 = arith.constant 0 : i32
    %dma_wait3A_135 = tpu.memref_slice %arg2[%dma_wait3A_125, %dma_wait3A_133, %dma_wait3A_134] : memref<3x10000x128xf32, #tpu.memory_space<hbm>> -> memref<1x10000x128xf32, #tpu.memory_space<hbm>>
    %dma_wait3A_136 = tpu.memref_squeeze %dma_wait3A_135 : memref<1x10000x128xf32, #tpu.memory_space<hbm>> -> memref<10000x128xf32, #tpu.memory_space<hbm>>
    %dma_wait3A_137 = arith.constant 0 : i32
    %dma_wait3A_138 = arith.constant 0 : i32
    %dma_wait3A_139 = tpu.memref_slice %dma_wait3A_136[%dma_wait3A_137, %dma_wait3A_138] : memref<10000x128xf32, #tpu.memory_space<hbm>> -> memref<80x128xf32, #tpu.memory_space<hbm>>
    tpu.wait_dma2 semaphore(%arg18 : memref<!tpu.dma_semaphore, #tpu.memory_space<semaphore_mem>>) src(%dma_wait3A_139 : memref<80x128xf32, #tpu.memory_space<hbm>>) dst(%arg12 : memref<80x128xf32, #tpu.memory_space<vmem>>)
    %barrier3A_140 = arith.constant 0 : index
    tpu.barrier barrier_id(%barrier3A_140)
    %mul3A_141 = arith.constant 640 : i32
    %mul3A_142 = arith.muli %arg1, %mul3A_141 : i32
    %mul3A_143 = arith.constant 640 : i32
    %mul3A_144 = arith.muli %arg1, %mul3A_143 : i32
    %run_scoped3A_145 = arith.constant 1 : i32
    "tpu.region"() ({
      %run_scoped3A_224 = tpu.sem_alloc : memref<!tpu.dma_semaphore, #tpu.memory_space<semaphore_mem>>
      %dma_start3A_225 = arith.constant 0 : i32
      %dma_start3A_226 = tpu.memref_slice %arg10[%arg0, %run_scoped3A_145, %mul3A_144, %dma_start3A_225] : memref<2x3x10240x128xf32, #tpu.memory_space<hbm>> -> memref<1x1x640x128xf32, #tpu.memory_space<hbm>>
      %dma_start3A_227 = tpu.memref_squeeze %dma_start3A_226 : memref<1x1x640x128xf32, #tpu.memory_space<hbm>> -> memref<640x128xf32, #tpu.memory_space<hbm>>
      %dma_start3A_228 = arith.constant 0 : i32
      %dma_start3A_229 = tpu.memref_slice %arg11[%mul3A_142, %dma_start3A_228] : memref<10240x128xf32, #tpu.memory_space<vmem_shared>> -> memref<640x128xf32, #tpu.memory_space<vmem_shared>>
      tpu.enqueue_dma source(%dma_start3A_229 : memref<640x128xf32, #tpu.memory_space<vmem_shared>>) target(%dma_start3A_227 : memref<640x128xf32, #tpu.memory_space<hbm>>) target_semaphore(%run_scoped3A_224 : memref<!tpu.dma_semaphore, #tpu.memory_space<semaphore_mem>>)
      %dma_wait3A_230 = arith.constant 0 : i32
      %dma_wait3A_231 = tpu.memref_slice %arg10[%arg0, %run_scoped3A_145, %mul3A_144, %dma_wait3A_230] : memref<2x3x10240x128xf32, #tpu.memory_space<hbm>> -> memref<1x1x640x128xf32, #tpu.memory_space<hbm>>
      %dma_wait3A_232 = tpu.memref_squeeze %dma_wait3A_231 : memref<1x1x640x128xf32, #tpu.memory_space<hbm>> -> memref<640x128xf32, #tpu.memory_space<hbm>>
      %dma_wait3A_233 = arith.constant 0 : i32
      %dma_wait3A_234 = tpu.memref_slice %arg11[%mul3A_142, %dma_wait3A_233] : memref<10240x128xf32, #tpu.memory_space<vmem_shared>> -> memref<640x128xf32, #tpu.memory_space<vmem_shared>>
      tpu.wait_dma2 semaphore(%run_scoped3A_224 : memref<!tpu.dma_semaphore, #tpu.memory_space<semaphore_mem>>) src(%dma_wait3A_234 : memref<640x128xf32, #tpu.memory_space<vmem_shared>>) dst(%dma_wait3A_232 : memref<640x128xf32, #tpu.memory_space<hbm>>)
      tpu.yield
    }) : () -> ()
    %barrier3A_146 = arith.constant 0 : index
    tpu.barrier barrier_id(%barrier3A_146)
    %mul3A_147 = arith.constant 640 : i32
    %mul3A_148 = arith.muli %arg1, %mul3A_147 : i32
    "tpu.region"() ({
      %run_scoped3A_224 = tpu.sem_alloc : memref<!tpu.dma_semaphore, #tpu.memory_space<semaphore_mem>>
      %dma_start3A_225 = arith.constant 0 : i32
      %dma_start3A_226 = tpu.memref_slice %arg11[%mul3A_148, %dma_start3A_225] : memref<10240x128xf32, #tpu.memory_space<vmem_shared>> -> memref<640x128xf32, #tpu.memory_space<vmem_shared>>
      tpu.enqueue_dma source(%arg9 : memref<640x128xf32, #tpu.memory_space<hbm>>) target(%dma_start3A_226 : memref<640x128xf32, #tpu.memory_space<vmem_shared>>) target_semaphore(%run_scoped3A_224 : memref<!tpu.dma_semaphore, #tpu.memory_space<semaphore_mem>>)
      %dma_wait3A_227 = arith.constant 0 : i32
      %dma_wait3A_228 = tpu.memref_slice %arg11[%mul3A_148, %dma_wait3A_227] : memref<10240x128xf32, #tpu.memory_space<vmem_shared>> -> memref<640x128xf32, #tpu.memory_space<vmem_shared>>
      tpu.wait_dma2 semaphore(%run_scoped3A_224 : memref<!tpu.dma_semaphore, #tpu.memory_space<semaphore_mem>>) src(%arg9 : memref<640x128xf32, #tpu.memory_space<hbm>>) dst(%dma_wait3A_228 : memref<640x128xf32, #tpu.memory_space<vmem_shared>>)
      tpu.yield
    }) : () -> ()
    %mul3A_149 = arith.constant 160000 : i32
    %mul3A_150 = arith.muli %arg0, %mul3A_149 : i32
    %mul3A_151 = arith.constant 10000 : i32
    %mul3A_152 = arith.muli %arg1, %mul3A_151 : i32
    %add3A_153 = arith.addi %mul3A_150, %mul3A_152 : i32
    "tpu.region"() ({
      %run_scoped3A_224 = tpu.sem_alloc : memref<!tpu.dma_semaphore, #tpu.memory_space<semaphore_mem>>
      %dma_start3A_225 = tpu.memref_slice %arg7[%add3A_153] : memref<320000xi32, #tpu.memory_space<hbm>> -> memref<10000xi32, #tpu.memory_space<hbm>>
      %dma_start3A_226 = tpu.memref_slice %arg7[%add3A_153] : memref<320000xi32, #tpu.memory_space<hbm>> -> memref<10000xi32, #tpu.memory_space<hbm>>
      tpu.enqueue_dma source(%dma_start3A_226 : memref<10000xi32, #tpu.memory_space<hbm>>) target(%arg14 : memref<10000xi32, #tpu.memory_space<vmem>>) target_semaphore(%run_scoped3A_224 : memref<!tpu.dma_semaphore, #tpu.memory_space<semaphore_mem>>)
      %dma_wait3A_227 = tpu.memref_slice %arg7[%add3A_153] : memref<320000xi32, #tpu.memory_space<hbm>> -> memref<10000xi32, #tpu.memory_space<hbm>>
      %dma_wait3A_228 = tpu.memref_slice %arg7[%add3A_153] : memref<320000xi32, #tpu.memory_space<hbm>> -> memref<10000xi32, #tpu.memory_space<hbm>>
      tpu.wait_dma2 semaphore(%run_scoped3A_224 : memref<!tpu.dma_semaphore, #tpu.memory_space<semaphore_mem>>) src(%dma_wait3A_228 : memref<10000xi32, #tpu.memory_space<hbm>>) dst(%arg14 : memref<10000xi32, #tpu.memory_space<vmem>>)
      tpu.yield
    }) : () -> ()
    "tpu.region"() ({
      %run_scoped3A_224 = tpu.sem_alloc : memref<!tpu.dma_semaphore, #tpu.memory_space<semaphore_mem>>
      %dma_start3A_225 = tpu.memref_slice %arg8[%add3A_153] : memref<320000xi32, #tpu.memory_space<hbm>> -> memref<10000xi32, #tpu.memory_space<hbm>>
      %dma_start3A_226 = tpu.memref_slice %arg8[%add3A_153] : memref<320000xi32, #tpu.memory_space<hbm>> -> memref<10000xi32, #tpu.memory_space<hbm>>
      tpu.enqueue_dma source(%dma_start3A_226 : memref<10000xi32, #tpu.memory_space<hbm>>) target(%arg15 : memref<10000xi32, #tpu.memory_space<vmem>>) target_semaphore(%run_scoped3A_224 : memref<!tpu.dma_semaphore, #tpu.memory_space<semaphore_mem>>)
      %dma_wait3A_227 = tpu.memref_slice %arg8[%add3A_153] : memref<320000xi32, #tpu.memory_space<hbm>> -> memref<10000xi32, #tpu.memory_space<hbm>>
      %dma_wait3A_228 = tpu.memref_slice %arg8[%add3A_153] : memref<320000xi32, #tpu.memory_space<hbm>> -> memref<10000xi32, #tpu.memory_space<hbm>>
      tpu.wait_dma2 semaphore(%run_scoped3A_224 : memref<!tpu.dma_semaphore, #tpu.memory_space<semaphore_mem>>) src(%dma_wait3A_228 : memref<10000xi32, #tpu.memory_space<hbm>>) dst(%arg15 : memref<10000xi32, #tpu.memory_space<vmem>>)
      tpu.yield
    }) : () -> ()
    %barrier3A_154 = arith.constant 0 : index
    tpu.barrier barrier_id(%barrier3A_154)
    %dma_start3A_155 = arith.constant 2 : i32
    %dma_start3A_156 = arith.constant 0 : i32
    %dma_start3A_157 = tpu.memref_slice %arg14[%dma_start3A_156] : memref<10000xi32, #tpu.memory_space<vmem>> -> memref<80xi32, #tpu.memory_space<vmem>>
    %dma_start3A_158 = arith.constant 0 : i32
    %dma_start3A_159 = arith.constant 0 : i32
    %dma_start3A_160 = tpu.memref_slice %arg2[%dma_start3A_155, %dma_start3A_158, %dma_start3A_159] : memref<3x10000x128xf32, #tpu.memory_space<hbm>> -> memref<1x10000x128xf32, #tpu.memory_space<hbm>>
    %dma_start3A_161 = tpu.memref_squeeze %dma_start3A_160 : memref<1x10000x128xf32, #tpu.memory_space<hbm>> -> memref<10000x128xf32, #tpu.memory_space<hbm>>
    %dma_start3A_162 = arith.constant 0 : i32
    %dma_start3A_163 = arith.constant 0 : i32
    %dma_start3A_164 = tpu.memref_slice %dma_start3A_161[%dma_start3A_162, %dma_start3A_163] : memref<10000x128xf32, #tpu.memory_space<hbm>> -> memref<10000x128xf32, #tpu.memory_space<hbm>>
    tpu.enqueue_indirect_dma source(%dma_start3A_164 : memref<10000x128xf32, #tpu.memory_space<hbm>>) target(%arg12 : memref<80x128xf32, #tpu.memory_space<vmem>>) offsets(%dma_start3A_157 : memref<80xi32, #tpu.memory_space<vmem>>) semaphore(%arg16 : memref<!tpu.dma_semaphore, #tpu.memory_space<semaphore_mem>>)
    %dma_start3A_165 = arith.constant 2 : i32
    %dma_start3A_166 = arith.constant 80 : i32
    %dma_start3A_167 = tpu.memref_slice %arg14[%dma_start3A_166] : memref<10000xi32, #tpu.memory_space<vmem>> -> memref<80xi32, #tpu.memory_space<vmem>>
    %dma_start3A_168 = arith.constant 0 : i32
    %dma_start3A_169 = arith.constant 0 : i32
    %dma_start3A_170 = tpu.memref_slice %arg2[%dma_start3A_165, %dma_start3A_168, %dma_start3A_169] : memref<3x10000x128xf32, #tpu.memory_space<hbm>> -> memref<1x10000x128xf32, #tpu.memory_space<hbm>>
    %dma_start3A_171 = tpu.memref_squeeze %dma_start3A_170 : memref<1x10000x128xf32, #tpu.memory_space<hbm>> -> memref<10000x128xf32, #tpu.memory_space<hbm>>
    %dma_start3A_172 = arith.constant 0 : i32
    %dma_start3A_173 = arith.constant 0 : i32
    %dma_start3A_174 = tpu.memref_slice %dma_start3A_171[%dma_start3A_172, %dma_start3A_173] : memref<10000x128xf32, #tpu.memory_space<hbm>> -> memref<10000x128xf32, #tpu.memory_space<hbm>>
    tpu.enqueue_indirect_dma source(%dma_start3A_174 : memref<10000x128xf32, #tpu.memory_space<hbm>>) target(%arg13 : memref<80x128xf32, #tpu.memory_space<vmem>>) offsets(%dma_start3A_167 : memref<80xi32, #tpu.memory_space<vmem>>) semaphore(%arg17 : memref<!tpu.dma_semaphore, #tpu.memory_space<semaphore_mem>>)
    %scan3A_175 = arith.constant 0 : i32
    %scan3A_176 = arith.constant 2 : i32
    %scan3A_177 = arith.constant 0 : i32
    %scan3A_178 = arith.constant 62 : i32
    %scan3A_179 = arith.addi %scan3A_177, %scan3A_178 : i32
    %scan3A_180 = arith.constant 1 : i32
    scf.for %scan3A_224 = %scan3A_177 to %scan3A_179 step %scan3A_180  : i32 {
      %mul3A_225 = arith.constant 2 : i32
      %mul3A_226 = arith.muli %mul3A_225, %scan3A_224 : i32
      %dma_wait3A_227 = arith.constant 0 : i32
      %dma_wait3A_228 = arith.constant 0 : i32
      %dma_wait3A_229 = tpu.memref_slice %arg2[%scan3A_176, %dma_wait3A_227, %dma_wait3A_228] : memref<3x10000x128xf32, #tpu.memory_space<hbm>> -> memref<1x10000x128xf32, #tpu.memory_space<hbm>>
      %dma_wait3A_230 = tpu.memref_squeeze %dma_wait3A_229 : memref<1x10000x128xf32, #tpu.memory_space<hbm>> -> memref<10000x128xf32, #tpu.memory_space<hbm>>
      %dma_wait3A_231 = arith.constant 0 : i32
      %dma_wait3A_232 = arith.constant 0 : i32
      %dma_wait3A_233 = tpu.memref_slice %dma_wait3A_230[%dma_wait3A_231, %dma_wait3A_232] : memref<10000x128xf32, #tpu.memory_space<hbm>> -> memref<80x128xf32, #tpu.memory_space<hbm>>
      %dma_wait3A_234 = arith.constant 0 : i32
      %dma_wait3A_235 = arith.constant 0 : i32
      %dma_wait3A_236 = tpu.memref_slice %arg2[%scan3A_176, %dma_wait3A_234, %dma_wait3A_235] : memref<3x10000x128xf32, #tpu.memory_space<hbm>> -> memref<1x10000x128xf32, #tpu.memory_space<hbm>>
      %dma_wait3A_237 = tpu.memref_squeeze %dma_wait3A_236 : memref<1x10000x128xf32, #tpu.memory_space<hbm>> -> memref<10000x128xf32, #tpu.memory_space<hbm>>
      %dma_wait3A_238 = arith.constant 0 : i32
      %dma_wait3A_239 = arith.constant 0 : i32
      %dma_wait3A_240 = tpu.memref_slice %dma_wait3A_237[%dma_wait3A_238, %dma_wait3A_239] : memref<10000x128xf32, #tpu.memory_space<hbm>> -> memref<80x128xf32, #tpu.memory_space<hbm>>
      tpu.wait_dma2 semaphore(%arg16 : memref<!tpu.dma_semaphore, #tpu.memory_space<semaphore_mem>>) src(%dma_wait3A_240 : memref<80x128xf32, #tpu.memory_space<hbm>>) dst(%arg12 : memref<80x128xf32, #tpu.memory_space<vmem>>)
      %mul3A_241 = arith.constant 80 : i32
      %mul3A_242 = arith.muli %mul3A_226, %mul3A_241 : i32
      %dma_start3A_243 = tpu.memref_slice %arg15[%mul3A_242] : memref<10000xi32, #tpu.memory_space<vmem>> -> memref<80xi32, #tpu.memory_space<vmem>>
      %dma_start3A_244 = arith.constant 0 : i32
      %dma_start3A_245 = arith.constant 0 : i32
      %dma_start3A_246 = tpu.memref_slice %arg11[%dma_start3A_244, %dma_start3A_245] : memref<10240x128xf32, #tpu.memory_space<vmem_shared>> -> memref<10240x128xf32, #tpu.memory_space<vmem_shared>>
      tpu.enqueue_indirect_dma source(%arg12 : memref<80x128xf32, #tpu.memory_space<vmem>>) target(%dma_start3A_246 : memref<10240x128xf32, #tpu.memory_space<vmem_shared>>) offsets(%dma_start3A_243 : memref<80xi32, #tpu.memory_space<vmem>>) semaphore(%arg18 : memref<!tpu.dma_semaphore, #tpu.memory_space<semaphore_mem>>) {add = true}
      %dma_wait3A_247 = arith.constant 0 : i32
      %dma_wait3A_248 = arith.constant 0 : i32
      %dma_wait3A_249 = tpu.memref_slice %arg2[%scan3A_176, %dma_wait3A_247, %dma_wait3A_248] : memref<3x10000x128xf32, #tpu.memory_space<hbm>> -> memref<1x10000x128xf32, #tpu.memory_space<hbm>>
      %dma_wait3A_250 = tpu.memref_squeeze %dma_wait3A_249 : memref<1x10000x128xf32, #tpu.memory_space<hbm>> -> memref<10000x128xf32, #tpu.memory_space<hbm>>
      %dma_wait3A_251 = arith.constant 0 : i32
      %dma_wait3A_252 = arith.constant 0 : i32
      %dma_wait3A_253 = tpu.memref_slice %dma_wait3A_250[%dma_wait3A_251, %dma_wait3A_252] : memref<10000x128xf32, #tpu.memory_space<hbm>> -> memref<80x128xf32, #tpu.memory_space<hbm>>
      %dma_wait3A_254 = arith.constant 0 : i32
      %dma_wait3A_255 = arith.constant 0 : i32
      %dma_wait3A_256 = tpu.memref_slice %arg2[%scan3A_176, %dma_wait3A_254, %dma_wait3A_255] : memref<3x10000x128xf32, #tpu.memory_space<hbm>> -> memref<1x10000x128xf32, #tpu.memory_space<hbm>>
      %dma_wait3A_257 = tpu.memref_squeeze %dma_wait3A_256 : memref<1x10000x128xf32, #tpu.memory_space<hbm>> -> memref<10000x128xf32, #tpu.memory_space<hbm>>
      %dma_wait3A_258 = arith.constant 0 : i32
      %dma_wait3A_259 = arith.constant 0 : i32
      %dma_wait3A_260 = tpu.memref_slice %dma_wait3A_257[%dma_wait3A_258, %dma_wait3A_259] : memref<10000x128xf32, #tpu.memory_space<hbm>> -> memref<80x128xf32, #tpu.memory_space<hbm>>
      tpu.wait_dma2 semaphore(%arg17 : memref<!tpu.dma_semaphore, #tpu.memory_space<semaphore_mem>>) src(%dma_wait3A_260 : memref<80x128xf32, #tpu.memory_space<hbm>>) dst(%arg13 : memref<80x128xf32, #tpu.memory_space<vmem>>)
      %add3A_261 = arith.constant 1 : i32
      %add3A_262 = arith.addi %mul3A_226, %add3A_261 : i32
      %mul3A_263 = arith.constant 80 : i32
      %mul3A_264 = arith.muli %add3A_262, %mul3A_263 : i32
      %dma_start3A_265 = tpu.memref_slice %arg15[%mul3A_264] : memref<10000xi32, #tpu.memory_space<vmem>> -> memref<80xi32, #tpu.memory_space<vmem>>
      %dma_start3A_266 = arith.constant 0 : i32
      %dma_start3A_267 = arith.constant 0 : i32
      %dma_start3A_268 = tpu.memref_slice %arg11[%dma_start3A_266, %dma_start3A_267] : memref<10240x128xf32, #tpu.memory_space<vmem_shared>> -> memref<10240x128xf32, #tpu.memory_space<vmem_shared>>
      tpu.enqueue_indirect_dma source(%arg13 : memref<80x128xf32, #tpu.memory_space<vmem>>) target(%dma_start3A_268 : memref<10240x128xf32, #tpu.memory_space<vmem_shared>>) offsets(%dma_start3A_265 : memref<80xi32, #tpu.memory_space<vmem>>) semaphore(%arg19 : memref<!tpu.dma_semaphore, #tpu.memory_space<semaphore_mem>>) {add = true}
      %dma_wait3A_269 = arith.constant 0 : i32
      %dma_wait3A_270 = arith.constant 0 : i32
      %dma_wait3A_271 = tpu.memref_slice %arg2[%scan3A_176, %dma_wait3A_269, %dma_wait3A_270] : memref<3x10000x128xf32, #tpu.memory_space<hbm>> -> memref<1x10000x128xf32, #tpu.memory_space<hbm>>
      %dma_wait3A_272 = tpu.memref_squeeze %dma_wait3A_271 : memref<1x10000x128xf32, #tpu.memory_space<hbm>> -> memref<10000x128xf32, #tpu.memory_space<hbm>>
      %dma_wait3A_273 = arith.constant 0 : i32
      %dma_wait3A_274 = arith.constant 0 : i32
      %dma_wait3A_275 = tpu.memref_slice %dma_wait3A_272[%dma_wait3A_273, %dma_wait3A_274] : memref<10000x128xf32, #tpu.memory_space<hbm>> -> memref<80x128xf32, #tpu.memory_space<hbm>>
      %dma_wait3A_276 = arith.constant 0 : i32
      %dma_wait3A_277 = arith.constant 0 : i32
      %dma_wait3A_278 = tpu.memref_slice %arg2[%scan3A_176, %dma_wait3A_276, %dma_wait3A_277] : memref<3x10000x128xf32, #tpu.memory_space<hbm>> -> memref<1x10000x128xf32, #tpu.memory_space<hbm>>
      %dma_wait3A_279 = tpu.memref_squeeze %dma_wait3A_278 : memref<1x10000x128xf32, #tpu.memory_space<hbm>> -> memref<10000x128xf32, #tpu.memory_space<hbm>>
      %dma_wait3A_280 = arith.constant 0 : i32
      %dma_wait3A_281 = arith.constant 0 : i32
      %dma_wait3A_282 = tpu.memref_slice %dma_wait3A_279[%dma_wait3A_280, %dma_wait3A_281] : memref<10000x128xf32, #tpu.memory_space<hbm>> -> memref<80x128xf32, #tpu.memory_space<hbm>>
      tpu.wait_dma2 semaphore(%arg18 : memref<!tpu.dma_semaphore, #tpu.memory_space<semaphore_mem>>) src(%dma_wait3A_282 : memref<80x128xf32, #tpu.memory_space<hbm>>) dst(%arg12 : memref<80x128xf32, #tpu.memory_space<vmem>>)
      %add3A_283 = arith.constant 2 : i32
      %add3A_284 = arith.addi %mul3A_226, %add3A_283 : i32
      %lt3A = arith.constant 125 : i32
      %lt3A_285 = arith.cmpi slt, %add3A_284, %lt3A : i32
      %convert_element_type3A = arith.extui %lt3A_285 : i1 to i32
      %cond3A = arith.constant 0 : i32
      %cond3A_286 = arith.cmpi ne, %convert_element_type3A, %cond3A : i32
      scf.if %cond3A_286 {
        %add3A_308 = arith.constant 2 : i32
        %add3A_309 = arith.addi %mul3A_226, %add3A_308 : i32
        %mul3A_310 = arith.constant 80 : i32
        %mul3A_311 = arith.muli %add3A_309, %mul3A_310 : i32
        %dma_start3A_312 = tpu.memref_slice %arg14[%mul3A_311] : memref<10000xi32, #tpu.memory_space<vmem>> -> memref<80xi32, #tpu.memory_space<vmem>>
        %dma_start3A_313 = arith.constant 0 : i32
        %dma_start3A_314 = arith.constant 0 : i32
        %dma_start3A_315 = tpu.memref_slice %arg2[%scan3A_176, %dma_start3A_313, %dma_start3A_314] : memref<3x10000x128xf32, #tpu.memory_space<hbm>> -> memref<1x10000x128xf32, #tpu.memory_space<hbm>>
        %dma_start3A_316 = tpu.memref_squeeze %dma_start3A_315 : memref<1x10000x128xf32, #tpu.memory_space<hbm>> -> memref<10000x128xf32, #tpu.memory_space<hbm>>
        %dma_start3A_317 = arith.constant 0 : i32
        %dma_start3A_318 = arith.constant 0 : i32
        %dma_start3A_319 = tpu.memref_slice %dma_start3A_316[%dma_start3A_317, %dma_start3A_318] : memref<10000x128xf32, #tpu.memory_space<hbm>> -> memref<10000x128xf32, #tpu.memory_space<hbm>>
        tpu.enqueue_indirect_dma source(%dma_start3A_319 : memref<10000x128xf32, #tpu.memory_space<hbm>>) target(%arg12 : memref<80x128xf32, #tpu.memory_space<vmem>>) offsets(%dma_start3A_312 : memref<80xi32, #tpu.memory_space<vmem>>) semaphore(%arg16 : memref<!tpu.dma_semaphore, #tpu.memory_space<semaphore_mem>>)
      } else {
      }
      %dma_wait3A_287 = arith.constant 0 : i32
      %dma_wait3A_288 = arith.constant 0 : i32
      %dma_wait3A_289 = tpu.memref_slice %arg2[%scan3A_176, %dma_wait3A_287, %dma_wait3A_288] : memref<3x10000x128xf32, #tpu.memory_space<hbm>> -> memref<1x10000x128xf32, #tpu.memory_space<hbm>>
      %dma_wait3A_290 = tpu.memref_squeeze %dma_wait3A_289 : memref<1x10000x128xf32, #tpu.memory_space<hbm>> -> memref<10000x128xf32, #tpu.memory_space<hbm>>
      %dma_wait3A_291 = arith.constant 0 : i32
      %dma_wait3A_292 = arith.constant 0 : i32
      %dma_wait3A_293 = tpu.memref_slice %dma_wait3A_290[%dma_wait3A_291, %dma_wait3A_292] : memref<10000x128xf32, #tpu.memory_space<hbm>> -> memref<80x128xf32, #tpu.memory_space<hbm>>
      %dma_wait3A_294 = arith.constant 0 : i32
      %dma_wait3A_295 = arith.constant 0 : i32
      %dma_wait3A_296 = tpu.memref_slice %arg2[%scan3A_176, %dma_wait3A_294, %dma_wait3A_295] : memref<3x10000x128xf32, #tpu.memory_space<hbm>> -> memref<1x10000x128xf32, #tpu.memory_space<hbm>>
      %dma_wait3A_297 = tpu.memref_squeeze %dma_wait3A_296 : memref<1x10000x128xf32, #tpu.memory_space<hbm>> -> memref<10000x128xf32, #tpu.memory_space<hbm>>
      %dma_wait3A_298 = arith.constant 0 : i32
      %dma_wait3A_299 = arith.constant 0 : i32
      %dma_wait3A_300 = tpu.memref_slice %dma_wait3A_297[%dma_wait3A_298, %dma_wait3A_299] : memref<10000x128xf32, #tpu.memory_space<hbm>> -> memref<80x128xf32, #tpu.memory_space<hbm>>
      tpu.wait_dma2 semaphore(%arg19 : memref<!tpu.dma_semaphore, #tpu.memory_space<semaphore_mem>>) src(%dma_wait3A_300 : memref<80x128xf32, #tpu.memory_space<hbm>>) dst(%arg13 : memref<80x128xf32, #tpu.memory_space<vmem>>)
      %add3A_301 = arith.constant 3 : i32
      %add3A_302 = arith.addi %mul3A_226, %add3A_301 : i32
      %lt3A_303 = arith.constant 125 : i32
      %lt3A_304 = arith.cmpi slt, %add3A_302, %lt3A_303 : i32
      %convert_element_type3A_305 = arith.extui %lt3A_304 : i1 to i32
      %cond3A_306 = arith.constant 0 : i32
      %cond3A_307 = arith.cmpi ne, %convert_element_type3A_305, %cond3A_306 : i32
      scf.if %cond3A_307 {
        %add3A_308 = arith.constant 3 : i32
        %add3A_309 = arith.addi %mul3A_226, %add3A_308 : i32
        %mul3A_310 = arith.constant 80 : i32
        %mul3A_311 = arith.muli %add3A_309, %mul3A_310 : i32
        %dma_start3A_312 = tpu.memref_slice %arg14[%mul3A_311] : memref<10000xi32, #tpu.memory_space<vmem>> -> memref<80xi32, #tpu.memory_space<vmem>>
        %dma_start3A_313 = arith.constant 0 : i32
        %dma_start3A_314 = arith.constant 0 : i32
        %dma_start3A_315 = tpu.memref_slice %arg2[%scan3A_176, %dma_start3A_313, %dma_start3A_314] : memref<3x10000x128xf32, #tpu.memory_space<hbm>> -> memref<1x10000x128xf32, #tpu.memory_space<hbm>>
        %dma_start3A_316 = tpu.memref_squeeze %dma_start3A_315 : memref<1x10000x128xf32, #tpu.memory_space<hbm>> -> memref<10000x128xf32, #tpu.memory_space<hbm>>
        %dma_start3A_317 = arith.constant 0 : i32
        %dma_start3A_318 = arith.constant 0 : i32
        %dma_start3A_319 = tpu.memref_slice %dma_start3A_316[%dma_start3A_317, %dma_start3A_318] : memref<10000x128xf32, #tpu.memory_space<hbm>> -> memref<10000x128xf32, #tpu.memory_space<hbm>>
        tpu.enqueue_indirect_dma source(%dma_start3A_319 : memref<10000x128xf32, #tpu.memory_space<hbm>>) target(%arg13 : memref<80x128xf32, #tpu.memory_space<vmem>>) offsets(%dma_start3A_312 : memref<80xi32, #tpu.memory_space<vmem>>) semaphore(%arg17 : memref<!tpu.dma_semaphore, #tpu.memory_space<semaphore_mem>>)
      } else {
      }
    }
    %scan3A_181 = arith.constant 62 : i32
    %dma_wait3A_182 = arith.constant 2 : i32
    %dma_wait3A_183 = arith.constant 0 : i32
    %dma_wait3A_184 = arith.constant 0 : i32
    %dma_wait3A_185 = tpu.memref_slice %arg2[%dma_wait3A_182, %dma_wait3A_183, %dma_wait3A_184] : memref<3x10000x128xf32, #tpu.memory_space<hbm>> -> memref<1x10000x128xf32, #tpu.memory_space<hbm>>
    %dma_wait3A_186 = tpu.memref_squeeze %dma_wait3A_185 : memref<1x10000x128xf32, #tpu.memory_space<hbm>> -> memref<10000x128xf32, #tpu.memory_space<hbm>>
    %dma_wait3A_187 = arith.constant 0 : i32
    %dma_wait3A_188 = arith.constant 0 : i32
    %dma_wait3A_189 = tpu.memref_slice %dma_wait3A_186[%dma_wait3A_187, %dma_wait3A_188] : memref<10000x128xf32, #tpu.memory_space<hbm>> -> memref<80x128xf32, #tpu.memory_space<hbm>>
    %dma_wait3A_190 = arith.constant 0 : i32
    %dma_wait3A_191 = arith.constant 0 : i32
    %dma_wait3A_192 = tpu.memref_slice %arg2[%dma_wait3A_182, %dma_wait3A_190, %dma_wait3A_191] : memref<3x10000x128xf32, #tpu.memory_space<hbm>> -> memref<1x10000x128xf32, #tpu.memory_space<hbm>>
    %dma_wait3A_193 = tpu.memref_squeeze %dma_wait3A_192 : memref<1x10000x128xf32, #tpu.memory_space<hbm>> -> memref<10000x128xf32, #tpu.memory_space<hbm>>
    %dma_wait3A_194 = arith.constant 0 : i32
    %dma_wait3A_195 = arith.constant 0 : i32
    %dma_wait3A_196 = tpu.memref_slice %dma_wait3A_193[%dma_wait3A_194, %dma_wait3A_195] : memref<10000x128xf32, #tpu.memory_space<hbm>> -> memref<80x128xf32, #tpu.memory_space<hbm>>
    tpu.wait_dma2 semaphore(%arg16 : memref<!tpu.dma_semaphore, #tpu.memory_space<semaphore_mem>>) src(%dma_wait3A_196 : memref<80x128xf32, #tpu.memory_space<hbm>>) dst(%arg12 : memref<80x128xf32, #tpu.memory_space<vmem>>)
    %dma_start3A_197 = arith.constant 9920 : i32
    %dma_start3A_198 = tpu.memref_slice %arg15[%dma_start3A_197] : memref<10000xi32, #tpu.memory_space<vmem>> -> memref<80xi32, #tpu.memory_space<vmem>>
    %dma_start3A_199 = arith.constant 0 : i32
    %dma_start3A_200 = arith.constant 0 : i32
    %dma_start3A_201 = tpu.memref_slice %arg11[%dma_start3A_199, %dma_start3A_200] : memref<10240x128xf32, #tpu.memory_space<vmem_shared>> -> memref<10240x128xf32, #tpu.memory_space<vmem_shared>>
    tpu.enqueue_indirect_dma source(%arg12 : memref<80x128xf32, #tpu.memory_space<vmem>>) target(%dma_start3A_201 : memref<10240x128xf32, #tpu.memory_space<vmem_shared>>) offsets(%dma_start3A_198 : memref<80xi32, #tpu.memory_space<vmem>>) semaphore(%arg18 : memref<!tpu.dma_semaphore, #tpu.memory_space<semaphore_mem>>) {add = true}
    %dma_wait3A_202 = arith.constant 2 : i32
    %dma_wait3A_203 = arith.constant 0 : i32
    %dma_wait3A_204 = arith.constant 0 : i32
    %dma_wait3A_205 = tpu.memref_slice %arg2[%dma_wait3A_202, %dma_wait3A_203, %dma_wait3A_204] : memref<3x10000x128xf32, #tpu.memory_space<hbm>> -> memref<1x10000x128xf32, #tpu.memory_space<hbm>>
    %dma_wait3A_206 = tpu.memref_squeeze %dma_wait3A_205 : memref<1x10000x128xf32, #tpu.memory_space<hbm>> -> memref<10000x128xf32, #tpu.memory_space<hbm>>
    %dma_wait3A_207 = arith.constant 0 : i32
    %dma_wait3A_208 = arith.constant 0 : i32
    %dma_wait3A_209 = tpu.memref_slice %dma_wait3A_206[%dma_wait3A_207, %dma_wait3A_208] : memref<10000x128xf32, #tpu.memory_space<hbm>> -> memref<80x128xf32, #tpu.memory_space<hbm>>
    %dma_wait3A_210 = arith.constant 0 : i32
    %dma_wait3A_211 = arith.constant 0 : i32
    %dma_wait3A_212 = tpu.memref_slice %arg2[%dma_wait3A_202, %dma_wait3A_210, %dma_wait3A_211] : memref<3x10000x128xf32, #tpu.memory_space<hbm>> -> memref<1x10000x128xf32, #tpu.memory_space<hbm>>
    %dma_wait3A_213 = tpu.memref_squeeze %dma_wait3A_212 : memref<1x10000x128xf32, #tpu.memory_space<hbm>> -> memref<10000x128xf32, #tpu.memory_space<hbm>>
    %dma_wait3A_214 = arith.constant 0 : i32
    %dma_wait3A_215 = arith.constant 0 : i32
    %dma_wait3A_216 = tpu.memref_slice %dma_wait3A_213[%dma_wait3A_214, %dma_wait3A_215] : memref<10000x128xf32, #tpu.memory_space<hbm>> -> memref<80x128xf32, #tpu.memory_space<hbm>>
    tpu.wait_dma2 semaphore(%arg18 : memref<!tpu.dma_semaphore, #tpu.memory_space<semaphore_mem>>) src(%dma_wait3A_216 : memref<80x128xf32, #tpu.memory_space<hbm>>) dst(%arg12 : memref<80x128xf32, #tpu.memory_space<vmem>>)
    %barrier3A_217 = arith.constant 0 : index
    tpu.barrier barrier_id(%barrier3A_217)
    %mul3A_218 = arith.constant 640 : i32
    %mul3A_219 = arith.muli %arg1, %mul3A_218 : i32
    %mul3A_220 = arith.constant 640 : i32
    %mul3A_221 = arith.muli %arg1, %mul3A_220 : i32
    %run_scoped3A_222 = arith.constant 2 : i32
    "tpu.region"() ({
      %run_scoped3A_224 = tpu.sem_alloc : memref<!tpu.dma_semaphore, #tpu.memory_space<semaphore_mem>>
      %dma_start3A_225 = arith.constant 0 : i32
      %dma_start3A_226 = tpu.memref_slice %arg10[%arg0, %run_scoped3A_222, %mul3A_221, %dma_start3A_225] : memref<2x3x10240x128xf32, #tpu.memory_space<hbm>> -> memref<1x1x640x128xf32, #tpu.memory_space<hbm>>
      %dma_start3A_227 = tpu.memref_squeeze %dma_start3A_226 : memref<1x1x640x128xf32, #tpu.memory_space<hbm>> -> memref<640x128xf32, #tpu.memory_space<hbm>>
      %dma_start3A_228 = arith.constant 0 : i32
      %dma_start3A_229 = tpu.memref_slice %arg11[%mul3A_219, %dma_start3A_228] : memref<10240x128xf32, #tpu.memory_space<vmem_shared>> -> memref<640x128xf32, #tpu.memory_space<vmem_shared>>
      tpu.enqueue_dma source(%dma_start3A_229 : memref<640x128xf32, #tpu.memory_space<vmem_shared>>) target(%dma_start3A_227 : memref<640x128xf32, #tpu.memory_space<hbm>>) target_semaphore(%run_scoped3A_224 : memref<!tpu.dma_semaphore, #tpu.memory_space<semaphore_mem>>)
      %dma_wait3A_230 = arith.constant 0 : i32
      %dma_wait3A_231 = tpu.memref_slice %arg10[%arg0, %run_scoped3A_222, %mul3A_221, %dma_wait3A_230] : memref<2x3x10240x128xf32, #tpu.memory_space<hbm>> -> memref<1x1x640x128xf32, #tpu.memory_space<hbm>>
      %dma_wait3A_232 = tpu.memref_squeeze %dma_wait3A_231 : memref<1x1x640x128xf32, #tpu.memory_space<hbm>> -> memref<640x128xf32, #tpu.memory_space<hbm>>
      %dma_wait3A_233 = arith.constant 0 : i32
      %dma_wait3A_234 = tpu.memref_slice %arg11[%mul3A_219, %dma_wait3A_233] : memref<10240x128xf32, #tpu.memory_space<vmem_shared>> -> memref<640x128xf32, #tpu.memory_space<vmem_shared>>
      tpu.wait_dma2 semaphore(%run_scoped3A_224 : memref<!tpu.dma_semaphore, #tpu.memory_space<semaphore_mem>>) src(%dma_wait3A_234 : memref<640x128xf32, #tpu.memory_space<vmem_shared>>) dst(%dma_wait3A_232 : memref<640x128xf32, #tpu.memory_space<hbm>>)
      tpu.yield
    }) : () -> ()
    %barrier3A_223 = arith.constant 0 : index
    tpu.barrier barrier_id(%barrier3A_223)
    return
  }
}

module attributes {stable_mosaic.version = 14 : i64} {
  func.func @body(%arg0: memref<2x6x10240xf32, #tpu.memory_space<vmem>>, %arg1: memref<6x10240xf32, #tpu.memory_space<vmem>>) attributes {dimension_semantics = [], scalar_prefetch = 0 : i64, scratch_operands = 0 : i64, tpu.core_type = #tpu.core_type<tc>} {
    %get3A = arith.constant 0 : index
    %get3A_0 = arith.constant 0 : index
    %get3A_1 = arith.constant 0 : index
    %get3A_2 = vector.load %arg0[%get3A, %get3A_0, %get3A_1] : memref<2x6x10240xf32, #tpu.memory_space<vmem>>, vector<2x6x10240xf32>
    %slice3A = vector.extract_strided_slice %get3A_2 {offsets = [0, 0, 0], sizes = [1, 6, 10240], strides = [1, 1, 1]} : vector<2x6x10240xf32> to vector<1x6x10240xf32>
    %squeeze3A = vector.shape_cast %slice3A : vector<1x6x10240xf32> to vector<6x10240xf32>
    %slice3A_3 = vector.extract_strided_slice %get3A_2 {offsets = [1, 0, 0], sizes = [1, 6, 10240], strides = [1, 1, 1]} : vector<2x6x10240xf32> to vector<1x6x10240xf32>
    %squeeze3A_4 = vector.shape_cast %slice3A_3 : vector<1x6x10240xf32> to vector<6x10240xf32>
    %add3A = arith.addf %squeeze3A, %squeeze3A_4 : vector<6x10240xf32>
    %max3A = arith.constant 1.000000e+00 : f32
    %max3A_5 = vector.broadcast %max3A : f32 to vector<6x10240xf32>
    %max3A_6 = arith.maximumf %add3A, %max3A_5 : vector<6x10240xf32>
    %rsqrt3A = math.rsqrt %max3A_6 : vector<6x10240xf32>
    %swap3A = arith.constant 0 : index
    %swap3A_7 = arith.constant 0 : index
    %swap3A_8 = vector.load %arg1[%swap3A, %swap3A_7] : memref<6x10240xf32, #tpu.memory_space<vmem>>, vector<6x10240xf32>
    tpu.vector_store %arg1[%swap3A, %swap3A_7], %rsqrt3A {strides = array<i32>} : memref<6x10240xf32, #tpu.memory_space<vmem>>, vector<6x10240xf32>,
    return
  }
}

module attributes {stable_mosaic.version = 14 : i64} {
  func.func @body(%arg0: i32, %arg1: memref<400x128xf32, #tpu.memory_space<vmem>>, %arg2: memref<400x6xf32, #tpu.memory_space<vmem>>, %arg3: memref<3x128x128xf32, #tpu.memory_space<vmem>>, %arg4: memref<3x400x128xf32, #tpu.memory_space<vmem>>) attributes {dimension_semantics = [#tpu.dimension_semantics<arbitrary>], iteration_bounds = array<i64: 25>, scalar_prefetch = 0 : i64, scratch_operands = 0 : i64, tpu.core_type = #tpu.core_type<tc>, window_params = [{transform_indices = @transform_0, window_bounds = array<i64: 400, 128>}, {transform_indices = @transform_1, window_bounds = array<i64: 400, 6>}, {pipeline_mode = #tpu.pipeline_mode<synchronous>, transform_indices = @transform_2, window_bounds = array<i64: 3, 128, 128>}, {transform_indices = @transform_3, window_bounds = array<i64: 3, 400, 128>}]} {
    %get3A = arith.constant 0 : index
    %get3A_0 = arith.constant 0 : index
    %get3A_1 = vector.load %arg1[%get3A, %get3A_0] : memref<400x128xf32, #tpu.memory_space<vmem>>, vector<400x128xf32>
    %get3A_2 = arith.constant 0 : index
    %get3A_3 = arith.constant 0 : index
    %get3A_4 = vector.load %arg2[%get3A_2, %get3A_3] : memref<400x6xf32, #tpu.memory_space<vmem>>, vector<400x1xf32>
    %mul3A = vector.broadcast %get3A_4 : vector<400x1xf32> to vector<400x128xf32>
    %mul3A_5 = arith.mulf %get3A_1, %mul3A : vector<400x128xf32>
    %get3A_6 = arith.constant 0 : index
    %get3A_7 = arith.constant 0 : index
    %get3A_8 = arith.constant 0 : index
    %get3A_9 = vector.load %arg3[%get3A_6, %get3A_7, %get3A_8] : memref<3x128x128xf32, #tpu.memory_space<vmem>>, vector<1x128x128xf32>
    %get3A_10 = vector.shape_cast %get3A_9 : vector<1x128x128xf32> to vector<128x128xf32>
    %dot_general3A = arith.constant dense<0.000000e+00> : vector<400x128xf32>
    %dot_general3A_11 = tpu.matmul %mul3A_5, %get3A_10, %dot_general3A {dimension_numbers = #tpu.dot_dimension_numbers<[1], [0], [0], [1], [0, 0, 1, 1], [], []>, precision = #tpu.contract_precision<fp32>, transpose_lhs_hint = false} : vector<400x128xf32>, vector<128x128xf32>, vector<400x128xf32> -> vector<400x128xf32>
    %swap3A = arith.constant 0 : index
    %swap3A_12 = arith.constant 0 : index
    %swap3A_13 = arith.constant 0 : index
    %swap3A_14 = vector.load %arg4[%swap3A, %swap3A_12, %swap3A_13] : memref<3x400x128xf32, #tpu.memory_space<vmem>>, vector<1x400x128xf32>
    %swap3A_15 = vector.shape_cast %swap3A_14 : vector<1x400x128xf32> to vector<400x128xf32>
    %swap3A_16 = vector.shape_cast %dot_general3A_11 : vector<400x128xf32> to vector<1x400x128xf32>
    tpu.vector_store %arg4[%swap3A, %swap3A_12, %swap3A_13], %swap3A_16 {strides = array<i32>} : memref<3x400x128xf32, #tpu.memory_space<vmem>>, vector<1x400x128xf32>,
    %get3A_17 = arith.constant 0 : index
    %get3A_18 = arith.constant 2 : index
    %get3A_19 = vector.load %arg2[%get3A_17, %get3A_18] : memref<400x6xf32, #tpu.memory_space<vmem>>, vector<400x1xf32>
    %mul3A_20 = vector.broadcast %get3A_19 : vector<400x1xf32> to vector<400x128xf32>
    %mul3A_21 = arith.mulf %get3A_1, %mul3A_20 : vector<400x128xf32>
    %get3A_22 = arith.constant 1 : index
    %get3A_23 = arith.constant 0 : index
    %get3A_24 = arith.constant 0 : index
    %get3A_25 = vector.load %arg3[%get3A_22, %get3A_23, %get3A_24] : memref<3x128x128xf32, #tpu.memory_space<vmem>>, vector<1x128x128xf32>
    %get3A_26 = vector.shape_cast %get3A_25 : vector<1x128x128xf32> to vector<128x128xf32>
    %dot_general3A_27 = arith.constant dense<0.000000e+00> : vector<400x128xf32>
    %dot_general3A_28 = tpu.matmul %mul3A_21, %get3A_26, %dot_general3A_27 {dimension_numbers = #tpu.dot_dimension_numbers<[1], [0], [0], [1], [0, 0, 1, 1], [], []>, precision = #tpu.contract_precision<fp32>, transpose_lhs_hint = false} : vector<400x128xf32>, vector<128x128xf32>, vector<400x128xf32> -> vector<400x128xf32>
    %swap3A_29 = arith.constant 1 : index
    %swap3A_30 = arith.constant 0 : index
    %swap3A_31 = arith.constant 0 : index
    %swap3A_32 = vector.load %arg4[%swap3A_29, %swap3A_30, %swap3A_31] : memref<3x400x128xf32, #tpu.memory_space<vmem>>, vector<1x400x128xf32>
    %swap3A_33 = vector.shape_cast %swap3A_32 : vector<1x400x128xf32> to vector<400x128xf32>
    %swap3A_34 = vector.shape_cast %dot_general3A_28 : vector<400x128xf32> to vector<1x400x128xf32>
    tpu.vector_store %arg4[%swap3A_29, %swap3A_30, %swap3A_31], %swap3A_34 {strides = array<i32>} : memref<3x400x128xf32, #tpu.memory_space<vmem>>, vector<1x400x128xf32>,
    %get3A_35 = arith.constant 0 : index
    %get3A_36 = arith.constant 4 : index
    %get3A_37 = vector.load %arg2[%get3A_35, %get3A_36] : memref<400x6xf32, #tpu.memory_space<vmem>>, vector<400x1xf32>
    %mul3A_38 = vector.broadcast %get3A_37 : vector<400x1xf32> to vector<400x128xf32>
    %mul3A_39 = arith.mulf %get3A_1, %mul3A_38 : vector<400x128xf32>
    %get3A_40 = arith.constant 2 : index
    %get3A_41 = arith.constant 0 : index
    %get3A_42 = arith.constant 0 : index
    %get3A_43 = vector.load %arg3[%get3A_40, %get3A_41, %get3A_42] : memref<3x128x128xf32, #tpu.memory_space<vmem>>, vector<1x128x128xf32>
    %get3A_44 = vector.shape_cast %get3A_43 : vector<1x128x128xf32> to vector<128x128xf32>
    %dot_general3A_45 = arith.constant dense<0.000000e+00> : vector<400x128xf32>
    %dot_general3A_46 = tpu.matmul %mul3A_39, %get3A_44, %dot_general3A_45 {dimension_numbers = #tpu.dot_dimension_numbers<[1], [0], [0], [1], [0, 0, 1, 1], [], []>, precision = #tpu.contract_precision<fp32>, transpose_lhs_hint = false} : vector<400x128xf32>, vector<128x128xf32>, vector<400x128xf32> -> vector<400x128xf32>
    %swap3A_47 = arith.constant 2 : index
    %swap3A_48 = arith.constant 0 : index
    %swap3A_49 = arith.constant 0 : index
    %swap3A_50 = vector.load %arg4[%swap3A_47, %swap3A_48, %swap3A_49] : memref<3x400x128xf32, #tpu.memory_space<vmem>>, vector<1x400x128xf32>
    %swap3A_51 = vector.shape_cast %swap3A_50 : vector<1x400x128xf32> to vector<400x128xf32>
    %swap3A_52 = vector.shape_cast %dot_general3A_46 : vector<400x128xf32> to vector<1x400x128xf32>
    tpu.vector_store %arg4[%swap3A_47, %swap3A_48, %swap3A_49], %swap3A_52 {strides = array<i32>} : memref<3x400x128xf32, #tpu.memory_space<vmem>>, vector<1x400x128xf32>,
    return
  }
  func.func @transform_0(%arg0: i32) -> (i32, i32) {
    %c0_i32 = arith.constant 0 : i32
    %c0_i32_0 = arith.constant 0 : i32
    return %arg0, %c0_i32 : i32, i32
  }
  func.func @transform_1(%arg0: i32) -> (i32, i32) {
    %c0_i32 = arith.constant 0 : i32
    %c0_i32_0 = arith.constant 0 : i32
    return %arg0, %c0_i32 : i32, i32
  }
  func.func @transform_2(%arg0: i32) -> (i32, i32, i32) {
    %c0_i32 = arith.constant 0 : i32
    %c0_i32_0 = arith.constant 0 : i32
    %c0_i32_1 = arith.constant 0 : i32
    %c0_i32_2 = arith.constant 0 : i32
    return %c0_i32, %c0_i32_0, %c0_i32_1 : i32, i32, i32
  }
  func.func @transform_3(%arg0: i32) -> (i32, i32, i32) {
    %c0_i32 = arith.constant 0 : i32
    %c0_i32_0 = arith.constant 0 : i32
    %c0_i32_1 = arith.constant 0 : i32
    return %c0_i32, %arg0, %c0_i32_0 : i32, i32, i32
  }
}

module attributes {stable_mosaic.version = 14 : i64} {
  func.func @body(%arg0: i32, %arg1: memref<2x3x400x128xf32, #tpu.memory_space<vmem>>, %arg2: memref<400x6xf32, #tpu.memory_space<vmem>>, %arg3: memref<1x128xf32, #tpu.memory_space<vmem>>, %arg4: memref<400x128xf32, #tpu.memory_space<vmem>>, %arg5: memref<8x128xf32, #tpu.memory_space<vmem>>) attributes {dimension_semantics = [#tpu.dimension_semantics<arbitrary>], iteration_bounds = array<i64: 25>, scalar_prefetch = 0 : i64, scratch_operands = 0 : i64, tpu.core_type = #tpu.core_type<tc>, window_params = [{transform_indices = @transform_0, window_bounds = array<i64: 2, 3, 400, 128>}, {transform_indices = @transform_1, window_bounds = array<i64: 400, 6>}, {pipeline_mode = #tpu.pipeline_mode<synchronous>, transform_indices = @transform_2, window_bounds = array<i64: 1, 128>}, {transform_indices = @transform_3, window_bounds = array<i64: 400, 128>}, {pipeline_mode = #tpu.pipeline_mode<synchronous>, transform_indices = @transform_4, window_bounds = array<i64: 8, 128>}]} {
    %get3A = arith.constant 0 : index
    %get3A_0 = arith.constant 0 : index
    %get3A_1 = arith.constant 0 : index
    %get3A_2 = arith.constant 0 : index
    %get3A_3 = vector.load %arg1[%get3A, %get3A_0, %get3A_1, %get3A_2] : memref<2x3x400x128xf32, #tpu.memory_space<vmem>>, vector<2x3x400x128xf32>
    %broadcast_in_dim3A = arith.constant 0.000000e+00 : f32
    %broadcast_in_dim3A_4 = vector.broadcast %broadcast_in_dim3A : f32 to vector<400x128xf32>
    %get3A_5 = arith.constant 0 : index
    %get3A_6 = arith.constant 1 : index
    %get3A_7 = vector.load %arg2[%get3A_5, %get3A_6] : memref<400x6xf32, #tpu.memory_space<vmem>>, vector<400x1xf32>
    %slice3A = vector.extract_strided_slice %get3A_3 {offsets = [0, 0, 0, 0], sizes = [1, 1, 400, 128], strides = [1, 1, 1, 1]} : vector<2x3x400x128xf32> to vector<1x1x400x128xf32>
    %squeeze3A = vector.shape_cast %slice3A : vector<1x1x400x128xf32> to vector<400x128xf32>
    %slice3A_8 = vector.extract_strided_slice %get3A_3 {offsets = [1, 0, 0, 0], sizes = [1, 1, 400, 128], strides = [1, 1, 1, 1]} : vector<2x3x400x128xf32> to vector<1x1x400x128xf32>
    %squeeze3A_9 = vector.shape_cast %slice3A_8 : vector<1x1x400x128xf32> to vector<400x128xf32>
    %add3A = arith.addf %squeeze3A, %squeeze3A_9 : vector<400x128xf32>
    %mul3A = vector.broadcast %get3A_7 : vector<400x1xf32> to vector<400x128xf32>
    %mul3A_10 = arith.mulf %add3A, %mul3A : vector<400x128xf32>
    %add3A_11 = arith.addf %broadcast_in_dim3A_4, %mul3A_10 : vector<400x128xf32>
    %get3A_12 = arith.constant 0 : index
    %get3A_13 = arith.constant 3 : index
    %get3A_14 = vector.load %arg2[%get3A_12, %get3A_13] : memref<400x6xf32, #tpu.memory_space<vmem>>, vector<400x1xf32>
    %slice3A_15 = vector.extract_strided_slice %get3A_3 {offsets = [0, 1, 0, 0], sizes = [1, 1, 400, 128], strides = [1, 1, 1, 1]} : vector<2x3x400x128xf32> to vector<1x1x400x128xf32>
    %squeeze3A_16 = vector.shape_cast %slice3A_15 : vector<1x1x400x128xf32> to vector<400x128xf32>
    %slice3A_17 = vector.extract_strided_slice %get3A_3 {offsets = [1, 1, 0, 0], sizes = [1, 1, 400, 128], strides = [1, 1, 1, 1]} : vector<2x3x400x128xf32> to vector<1x1x400x128xf32>
    %squeeze3A_18 = vector.shape_cast %slice3A_17 : vector<1x1x400x128xf32> to vector<400x128xf32>
    %add3A_19 = arith.addf %squeeze3A_16, %squeeze3A_18 : vector<400x128xf32>
    %mul3A_20 = vector.broadcast %get3A_14 : vector<400x1xf32> to vector<400x128xf32>
    %mul3A_21 = arith.mulf %add3A_19, %mul3A_20 : vector<400x128xf32>
    %add3A_22 = arith.addf %add3A_11, %mul3A_21 : vector<400x128xf32>
    %get3A_23 = arith.constant 0 : index
    %get3A_24 = arith.constant 5 : index
    %get3A_25 = vector.load %arg2[%get3A_23, %get3A_24] : memref<400x6xf32, #tpu.memory_space<vmem>>, vector<400x1xf32>
    %slice3A_26 = vector.extract_strided_slice %get3A_3 {offsets = [0, 2, 0, 0], sizes = [1, 1, 400, 128], strides = [1, 1, 1, 1]} : vector<2x3x400x128xf32> to vector<1x1x400x128xf32>
    %squeeze3A_27 = vector.shape_cast %slice3A_26 : vector<1x1x400x128xf32> to vector<400x128xf32>
    %slice3A_28 = vector.extract_strided_slice %get3A_3 {offsets = [1, 2, 0, 0], sizes = [1, 1, 400, 128], strides = [1, 1, 1, 1]} : vector<2x3x400x128xf32> to vector<1x1x400x128xf32>
    %squeeze3A_29 = vector.shape_cast %slice3A_28 : vector<1x1x400x128xf32> to vector<400x128xf32>
    %add3A_30 = arith.addf %squeeze3A_27, %squeeze3A_29 : vector<400x128xf32>
    %mul3A_31 = vector.broadcast %get3A_25 : vector<400x1xf32> to vector<400x128xf32>
    %mul3A_32 = arith.mulf %add3A_30, %mul3A_31 : vector<400x128xf32>
    %add3A_33 = arith.addf %add3A_22, %mul3A_32 : vector<400x128xf32>
    %get3A_34 = arith.constant 0 : index
    %get3A_35 = arith.constant 0 : index
    %get3A_36 = vector.load %arg3[%get3A_34, %get3A_35] : memref<1x128xf32, #tpu.memory_space<vmem>>, vector<1x128xf32>
    %add3A_37 = vector.broadcast %get3A_36 : vector<1x128xf32> to vector<400x128xf32>
    %add3A_38 = arith.addf %add3A_33, %add3A_37 : vector<400x128xf32>
    %swap3A = arith.constant 0 : index
    %swap3A_39 = arith.constant 0 : index
    %swap3A_40 = vector.load %arg4[%swap3A, %swap3A_39] : memref<400x128xf32, #tpu.memory_space<vmem>>, vector<400x128xf32>
    tpu.vector_store %arg4[%swap3A, %swap3A_39], %add3A_38 {strides = array<i32>} : memref<400x128xf32, #tpu.memory_space<vmem>>, vector<400x128xf32>,
    %reduce_sum3A = arith.constant dense<0.000000e+00> : vector<128xf32>
    %reduce_sum3A_41 = vector.multi_reduction <add>, %add3A_38, %reduce_sum3A [0] : vector<400x128xf32> to vector<128xf32>
    %mul3A_42 = arith.mulf %add3A_38, %add3A_38 : vector<400x128xf32>
    %reduce_sum3A_43 = arith.constant dense<0.000000e+00> : vector<128xf32>
    %reduce_sum3A_44 = vector.multi_reduction <add>, %mul3A_42, %reduce_sum3A_43 [0] : vector<400x128xf32> to vector<128xf32>
    %broadcast_in_dim3A_45 = vector.shape_cast %reduce_sum3A_41 : vector<128xf32> to vector<1x128xf32>
    %broadcast_in_dim3A_46 = vector.shape_cast %reduce_sum3A_44 : vector<128xf32> to vector<1x128xf32>
    %broadcast_in_dim3A_47 = arith.constant 0.000000e+00 : f32
    %broadcast_in_dim3A_48 = vector.broadcast %broadcast_in_dim3A_47 : f32 to vector<6x128xf32>
    %concatenate3A = tpu.concatenate %broadcast_in_dim3A_45, %broadcast_in_dim3A_46, %broadcast_in_dim3A_48 in 0 : vector<1x128xf32>, vector<1x128xf32>, vector<6x128xf32> -> vector<8x128xf32>
    %eq3A = arith.constant 0 : i32
    %eq3A_49 = arith.cmpi eq, %arg0, %eq3A : i32
    %convert_element_type3A = arith.extui %eq3A_49 : i1 to i32
    %cond3A = arith.constant 0 : i32
    %cond3A_50 = arith.cmpi ne, %convert_element_type3A, %cond3A : i32
    scf.if %cond3A_50 {
      %swap3A_55 = arith.constant 0 : index
      %swap3A_56 = arith.constant 0 : index
      %swap3A_57 = vector.load %arg5[%swap3A_55, %swap3A_56] : memref<8x128xf32, #tpu.memory_space<vmem>>, vector<8x128xf32>
      tpu.vector_store %arg5[%swap3A_55, %swap3A_56], %concatenate3A {strides = array<i32>} : memref<8x128xf32, #tpu.memory_space<vmem>>, vector<8x128xf32>,
    } else {
    }
    %ne3A = arith.constant 0 : i32
    %ne3A_51 = arith.cmpi ne, %arg0, %ne3A : i32
    %convert_element_type3A_52 = arith.extui %ne3A_51 : i1 to i32
    %cond3A_53 = arith.constant 0 : i32
    %cond3A_54 = arith.cmpi ne, %convert_element_type3A_52, %cond3A_53 : i32
    scf.if %cond3A_54 {
      %get3A_55 = arith.constant 0 : index
      %get3A_56 = arith.constant 0 : index
      %get3A_57 = vector.load %arg5[%get3A_55, %get3A_56] : memref<8x128xf32, #tpu.memory_space<vmem>>, vector<8x128xf32>
      %add3A_58 = arith.addf %get3A_57, %concatenate3A : vector<8x128xf32>
      %swap3A_59 = arith.constant 0 : index
      %swap3A_60 = arith.constant 0 : index
      %swap3A_61 = vector.load %arg5[%swap3A_59, %swap3A_60] : memref<8x128xf32, #tpu.memory_space<vmem>>, vector<8x128xf32>
      tpu.vector_store %arg5[%swap3A_59, %swap3A_60], %add3A_58 {strides = array<i32>} : memref<8x128xf32, #tpu.memory_space<vmem>>, vector<8x128xf32>,
    } else {
    }
    return
  }
  func.func @transform_0(%arg0: i32) -> (i32, i32, i32, i32) {
    %c0_i32 = arith.constant 0 : i32
    %c0_i32_0 = arith.constant 0 : i32
    %c0_i32_1 = arith.constant 0 : i32
    %c0_i32_2 = arith.constant 0 : i32
    return %c0_i32, %c0_i32_0, %arg0, %c0_i32_1 : i32, i32, i32, i32
  }
  func.func @transform_1(%arg0: i32) -> (i32, i32) {
    %c0_i32 = arith.constant 0 : i32
    %c0_i32_0 = arith.constant 0 : i32
    return %arg0, %c0_i32 : i32, i32
  }
  func.func @transform_2(%arg0: i32) -> (i32, i32) {
    %c0_i32 = arith.constant 0 : i32
    %c0_i32_0 = arith.constant 0 : i32
    %c0_i32_1 = arith.constant 0 : i32
    return %c0_i32, %c0_i32_0 : i32, i32
  }
  func.func @transform_3(%arg0: i32) -> (i32, i32) {
    %c0_i32 = arith.constant 0 : i32
    %c0_i32_0 = arith.constant 0 : i32
    return %arg0, %c0_i32 : i32, i32
  }
  func.func @transform_4(%arg0: i32) -> (i32, i32) {
    %c0_i32 = arith.constant 0 : i32
    %c0_i32_0 = arith.constant 0 : i32
    %c0_i32_1 = arith.constant 0 : i32
    return %c0_i32, %c0_i32_0 : i32, i32
  }
}

module attributes {stable_mosaic.version = 14 : i64} {
  func.func @body(%arg0: i32, %arg1: memref<400x128xf32, #tpu.memory_space<vmem>>, %arg2: memref<8x128xf32, #tpu.memory_space<vmem>>, %arg3: memref<1x128xf32, #tpu.memory_space<vmem>>, %arg4: memref<1x128xf32, #tpu.memory_space<vmem>>, %arg5: memref<128x128xf32, #tpu.memory_space<vmem>>, %arg6: memref<1x128xf32, #tpu.memory_space<vmem>>, %arg7: memref<400x128xf32, #tpu.memory_space<vmem>>) attributes {dimension_semantics = [#tpu.dimension_semantics<arbitrary>], iteration_bounds = array<i64: 25>, scalar_prefetch = 0 : i64, scratch_operands = 0 : i64, tpu.core_type = #tpu.core_type<tc>, window_params = [{transform_indices = @transform_0, window_bounds = array<i64: 400, 128>}, {pipeline_mode = #tpu.pipeline_mode<synchronous>, transform_indices = @transform_1, window_bounds = array<i64: 8, 128>}, {pipeline_mode = #tpu.pipeline_mode<synchronous>, transform_indices = @transform_2, window_bounds = array<i64: 1, 128>}, {pipeline_mode = #tpu.pipeline_mode<synchronous>, transform_indices = @transform_3, window_bounds = array<i64: 1, 128>}, {pipeline_mode = #tpu.pipeline_mode<synchronous>, transform_indices = @transform_4, window_bounds = array<i64: 128, 128>}, {pipeline_mode = #tpu.pipeline_mode<synchronous>, transform_indices = @transform_5, window_bounds = array<i64: 1, 128>}, {transform_indices = @transform_6, window_bounds = array<i64: 400, 128>}]} {
    %get3A = arith.constant 0 : index
    %get3A_0 = arith.constant 0 : index
    %get3A_1 = vector.load %arg1[%get3A, %get3A_0] : memref<400x128xf32, #tpu.memory_space<vmem>>, vector<400x128xf32>
    %get3A_2 = arith.constant 0 : index
    %get3A_3 = arith.constant 0 : index
    %get3A_4 = vector.load %arg2[%get3A_2, %get3A_3] : memref<8x128xf32, #tpu.memory_space<vmem>>, vector<1x128xf32>
    %mul3A = arith.constant 9.99999974E-5 : f32
    %mul3A_5 = vector.broadcast %mul3A : f32 to vector<1x128xf32>
    %mul3A_6 = arith.mulf %get3A_4, %mul3A_5 : vector<1x128xf32>
    %get3A_7 = arith.constant 1 : index
    %get3A_8 = arith.constant 0 : index
    %get3A_9 = vector.load %arg2[%get3A_7, %get3A_8] : memref<8x128xf32, #tpu.memory_space<vmem>>, vector<1x128xf32>
    %mul3A_10 = arith.constant 9.99999974E-5 : f32
    %mul3A_11 = vector.broadcast %mul3A_10 : f32 to vector<1x128xf32>
    %mul3A_12 = arith.mulf %get3A_9, %mul3A_11 : vector<1x128xf32>
    %mul3A_13 = arith.mulf %mul3A_6, %mul3A_6 : vector<1x128xf32>
    %sub3A = arith.subf %mul3A_12, %mul3A_13 : vector<1x128xf32>
    %sub3A_14 = vector.broadcast %mul3A_6 : vector<1x128xf32> to vector<400x128xf32>
    %sub3A_15 = arith.subf %get3A_1, %sub3A_14 : vector<400x128xf32>
    %add3A = arith.constant 9.99999974E-6 : f32
    %add3A_16 = vector.broadcast %add3A : f32 to vector<1x128xf32>
    %add3A_17 = arith.addf %sub3A, %add3A_16 : vector<1x128xf32>
    %rsqrt3A = math.rsqrt %add3A_17 : vector<1x128xf32>
    %mul3A_18 = vector.broadcast %rsqrt3A : vector<1x128xf32> to vector<400x128xf32>
    %mul3A_19 = arith.mulf %sub3A_15, %mul3A_18 : vector<400x128xf32>
    %get3A_20 = arith.constant 0 : index
    %get3A_21 = arith.constant 0 : index
    %get3A_22 = vector.load %arg3[%get3A_20, %get3A_21] : memref<1x128xf32, #tpu.memory_space<vmem>>, vector<1x128xf32>
    %mul3A_23 = vector.broadcast %get3A_22 : vector<1x128xf32> to vector<400x128xf32>
    %mul3A_24 = arith.mulf %mul3A_19, %mul3A_23 : vector<400x128xf32>
    %get3A_25 = arith.constant 0 : index
    %get3A_26 = arith.constant 0 : index
    %get3A_27 = vector.load %arg4[%get3A_25, %get3A_26] : memref<1x128xf32, #tpu.memory_space<vmem>>, vector<1x128xf32>
    %add3A_28 = vector.broadcast %get3A_27 : vector<1x128xf32> to vector<400x128xf32>
    %add3A_29 = arith.addf %mul3A_24, %add3A_28 : vector<400x128xf32>
    %max3A = arith.constant 0.000000e+00 : f32
    %max3A_30 = vector.broadcast %max3A : f32 to vector<400x128xf32>
    %max3A_31 = arith.maximumf %add3A_29, %max3A_30 : vector<400x128xf32>
    %get3A_32 = arith.constant 0 : index
    %get3A_33 = arith.constant 0 : index
    %get3A_34 = vector.load %arg5[%get3A_32, %get3A_33] : memref<128x128xf32, #tpu.memory_space<vmem>>, vector<128x128xf32>
    %dot_general3A = arith.constant dense<0.000000e+00> : vector<400x128xf32>
    %dot_general3A_35 = tpu.matmul %max3A_31, %get3A_34, %dot_general3A {dimension_numbers = #tpu.dot_dimension_numbers<[1], [0], [0], [1], [0, 0, 1, 1], [], []>, precision = #tpu.contract_precision<fp32>, transpose_lhs_hint = false} : vector<400x128xf32>, vector<128x128xf32>, vector<400x128xf32> -> vector<400x128xf32>
    %get3A_36 = arith.constant 0 : index
    %get3A_37 = arith.constant 0 : index
    %get3A_38 = vector.load %arg6[%get3A_36, %get3A_37] : memref<1x128xf32, #tpu.memory_space<vmem>>, vector<1x128xf32>
    %add3A_39 = vector.broadcast %get3A_38 : vector<1x128xf32> to vector<400x128xf32>
    %add3A_40 = arith.addf %dot_general3A_35, %add3A_39 : vector<400x128xf32>
    %swap3A = arith.constant 0 : index
    %swap3A_41 = arith.constant 0 : index
    %swap3A_42 = vector.load %arg7[%swap3A, %swap3A_41] : memref<400x128xf32, #tpu.memory_space<vmem>>, vector<400x128xf32>
    tpu.vector_store %arg7[%swap3A, %swap3A_41], %add3A_40 {strides = array<i32>} : memref<400x128xf32, #tpu.memory_space<vmem>>, vector<400x128xf32>,
    return
  }
  func.func @transform_0(%arg0: i32) -> (i32, i32) {
    %c0_i32 = arith.constant 0 : i32
    %c0_i32_0 = arith.constant 0 : i32
    return %arg0, %c0_i32 : i32, i32
  }
  func.func @transform_1(%arg0: i32) -> (i32, i32) {
    %c0_i32 = arith.constant 0 : i32
    %c0_i32_0 = arith.constant 0 : i32
    %c0_i32_1 = arith.constant 0 : i32
    return %c0_i32, %c0_i32_0 : i32, i32
  }
  func.func @transform_2(%arg0: i32) -> (i32, i32) {
    %c0_i32 = arith.constant 0 : i32
    %c0_i32_0 = arith.constant 0 : i32
    %c0_i32_1 = arith.constant 0 : i32
    return %c0_i32, %c0_i32_0 : i32, i32
  }
  func.func @transform_3(%arg0: i32) -> (i32, i32) {
    %c0_i32 = arith.constant 0 : i32
    %c0_i32_0 = arith.constant 0 : i32
    %c0_i32_1 = arith.constant 0 : i32
    return %c0_i32, %c0_i32_0 : i32, i32
  }
  func.func @transform_4(%arg0: i32) -> (i32, i32) {
    %c0_i32 = arith.constant 0 : i32
    %c0_i32_0 = arith.constant 0 : i32
    %c0_i32_1 = arith.constant 0 : i32
    return %c0_i32, %c0_i32_0 : i32, i32
  }
  func.func @transform_5(%arg0: i32) -> (i32, i32) {
    %c0_i32 = arith.constant 0 : i32
    %c0_i32_0 = arith.constant 0 : i32
    %c0_i32_1 = arith.constant 0 : i32
    return %c0_i32, %c0_i32_0 : i32, i32
  }
  func.func @transform_6(%arg0: i32) -> (i32, i32) {
    %c0_i32 = arith.constant 0 : i32
    %c0_i32_0 = arith.constant 0 : i32
    return %arg0, %c0_i32 : i32, i32
  }
}

module attributes {stable_mosaic.version = 14 : i64} {
  func.func @body(%arg0: i32, %arg1: memref<400x128xf32, #tpu.memory_space<vmem>>, %arg2: memref<8x128xf32, #tpu.memory_space<vmem>>, %arg3: memref<1x128xf32, #tpu.memory_space<vmem>>, %arg4: memref<1x128xf32, #tpu.memory_space<vmem>>, %arg5: memref<128x128xf32, #tpu.memory_space<vmem>>, %arg6: memref<1x128xf32, #tpu.memory_space<vmem>>, %arg7: memref<400x128xf32, #tpu.memory_space<vmem>>) attributes {dimension_semantics = [#tpu.dimension_semantics<arbitrary>], iteration_bounds = array<i64: 25>, scalar_prefetch = 0 : i64, scratch_operands = 0 : i64, tpu.core_type = #tpu.core_type<tc>, window_params = [{transform_indices = @transform_0, window_bounds = array<i64: 400, 128>}, {pipeline_mode = #tpu.pipeline_mode<synchronous>, transform_indices = @transform_1, window_bounds = array<i64: 8, 128>}, {pipeline_mode = #tpu.pipeline_mode<synchronous>, transform_indices = @transform_2, window_bounds = array<i64: 1, 128>}, {pipeline_mode = #tpu.pipeline_mode<synchronous>, transform_indices = @transform_3, window_bounds = array<i64: 1, 128>}, {pipeline_mode = #tpu.pipeline_mode<synchronous>, transform_indices = @transform_4, window_bounds = array<i64: 128, 128>}, {pipeline_mode = #tpu.pipeline_mode<synchronous>, transform_indices = @transform_5, window_bounds = array<i64: 1, 128>}, {transform_indices = @transform_6, window_bounds = array<i64: 400, 128>}]} {
    %get3A = arith.constant 0 : index
    %get3A_0 = arith.constant 0 : index
    %get3A_1 = vector.load %arg1[%get3A, %get3A_0] : memref<400x128xf32, #tpu.memory_space<vmem>>, vector<400x128xf32>
    %get3A_2 = arith.constant 0 : index
    %get3A_3 = arith.constant 0 : index
    %get3A_4 = vector.load %arg2[%get3A_2, %get3A_3] : memref<8x128xf32, #tpu.memory_space<vmem>>, vector<1x128xf32>
    %mul3A = arith.constant 9.99999974E-5 : f32
    %mul3A_5 = vector.broadcast %mul3A : f32 to vector<1x128xf32>
    %mul3A_6 = arith.mulf %get3A_4, %mul3A_5 : vector<1x128xf32>
    %get3A_7 = arith.constant 1 : index
    %get3A_8 = arith.constant 0 : index
    %get3A_9 = vector.load %arg2[%get3A_7, %get3A_8] : memref<8x128xf32, #tpu.memory_space<vmem>>, vector<1x128xf32>
    %mul3A_10 = arith.constant 9.99999974E-5 : f32
    %mul3A_11 = vector.broadcast %mul3A_10 : f32 to vector<1x128xf32>
    %mul3A_12 = arith.mulf %get3A_9, %mul3A_11 : vector<1x128xf32>
    %mul3A_13 = arith.mulf %mul3A_6, %mul3A_6 : vector<1x128xf32>
    %sub3A = arith.subf %mul3A_12, %mul3A_13 : vector<1x128xf32>
    %sub3A_14 = vector.broadcast %mul3A_6 : vector<1x128xf32> to vector<400x128xf32>
    %sub3A_15 = arith.subf %get3A_1, %sub3A_14 : vector<400x128xf32>
    %add3A = arith.constant 9.99999974E-6 : f32
    %add3A_16 = vector.broadcast %add3A : f32 to vector<1x128xf32>
    %add3A_17 = arith.addf %sub3A, %add3A_16 : vector<1x128xf32>
    %rsqrt3A = math.rsqrt %add3A_17 : vector<1x128xf32>
    %mul3A_18 = vector.broadcast %rsqrt3A : vector<1x128xf32> to vector<400x128xf32>
    %mul3A_19 = arith.mulf %sub3A_15, %mul3A_18 : vector<400x128xf32>
    %get3A_20 = arith.constant 0 : index
    %get3A_21 = arith.constant 0 : index
    %get3A_22 = vector.load %arg3[%get3A_20, %get3A_21] : memref<1x128xf32, #tpu.memory_space<vmem>>, vector<1x128xf32>
    %mul3A_23 = vector.broadcast %get3A_22 : vector<1x128xf32> to vector<400x128xf32>
    %mul3A_24 = arith.mulf %mul3A_19, %mul3A_23 : vector<400x128xf32>
    %get3A_25 = arith.constant 0 : index
    %get3A_26 = arith.constant 0 : index
    %get3A_27 = vector.load %arg4[%get3A_25, %get3A_26] : memref<1x128xf32, #tpu.memory_space<vmem>>, vector<1x128xf32>
    %add3A_28 = vector.broadcast %get3A_27 : vector<1x128xf32> to vector<400x128xf32>
    %add3A_29 = arith.addf %mul3A_24, %add3A_28 : vector<400x128xf32>
    %max3A = arith.constant 0.000000e+00 : f32
    %max3A_30 = vector.broadcast %max3A : f32 to vector<400x128xf32>
    %max3A_31 = arith.maximumf %add3A_29, %max3A_30 : vector<400x128xf32>
    %get3A_32 = arith.constant 0 : index
    %get3A_33 = arith.constant 0 : index
    %get3A_34 = vector.load %arg5[%get3A_32, %get3A_33] : memref<128x128xf32, #tpu.memory_space<vmem>>, vector<128x128xf32>
    %dot_general3A = arith.constant dense<0.000000e+00> : vector<400x128xf32>
    %dot_general3A_35 = tpu.matmul %max3A_31, %get3A_34, %dot_general3A {dimension_numbers = #tpu.dot_dimension_numbers<[1], [0], [0], [1], [0, 0, 1, 1], [], []>, precision = #tpu.contract_precision<fp32>, transpose_lhs_hint = false} : vector<400x128xf32>, vector<128x128xf32>, vector<400x128xf32> -> vector<400x128xf32>
    %get3A_36 = arith.constant 0 : index
    %get3A_37 = arith.constant 0 : index
    %get3A_38 = vector.load %arg6[%get3A_36, %get3A_37] : memref<1x128xf32, #tpu.memory_space<vmem>>, vector<1x128xf32>
    %add3A_39 = vector.broadcast %get3A_38 : vector<1x128xf32> to vector<400x128xf32>
    %add3A_40 = arith.addf %dot_general3A_35, %add3A_39 : vector<400x128xf32>
    %swap3A = arith.constant 0 : index
    %swap3A_41 = arith.constant 0 : index
    %swap3A_42 = vector.load %arg7[%swap3A, %swap3A_41] : memref<400x128xf32, #tpu.memory_space<vmem>>, vector<400x128xf32>
    tpu.vector_store %arg7[%swap3A, %swap3A_41], %add3A_40 {strides = array<i32>} : memref<400x128xf32, #tpu.memory_space<vmem>>, vector<400x128xf32>,
    return
  }
  func.func @transform_0(%arg0: i32) -> (i32, i32) {
    %c0_i32 = arith.constant 0 : i32
    %c0_i32_0 = arith.constant 0 : i32
    return %arg0, %c0_i32 : i32, i32
  }
  func.func @transform_1(%arg0: i32) -> (i32, i32) {
    %c0_i32 = arith.constant 0 : i32
    %c0_i32_0 = arith.constant 0 : i32
    %c0_i32_1 = arith.constant 0 : i32
    return %c0_i32, %c0_i32_0 : i32, i32
  }
  func.func @transform_2(%arg0: i32) -> (i32, i32) {
    %c0_i32 = arith.constant 0 : i32
    %c0_i32_0 = arith.constant 0 : i32
    %c0_i32_1 = arith.constant 0 : i32
    return %c0_i32, %c0_i32_0 : i32, i32
  }
  func.func @transform_3(%arg0: i32) -> (i32, i32) {
    %c0_i32 = arith.constant 0 : i32
    %c0_i32_0 = arith.constant 0 : i32
    %c0_i32_1 = arith.constant 0 : i32
    return %c0_i32, %c0_i32_0 : i32, i32
  }
  func.func @transform_4(%arg0: i32) -> (i32, i32) {
    %c0_i32 = arith.constant 0 : i32
    %c0_i32_0 = arith.constant 0 : i32
    %c0_i32_1 = arith.constant 0 : i32
    return %c0_i32, %c0_i32_0 : i32, i32
  }
  func.func @transform_5(%arg0: i32) -> (i32, i32) {
    %c0_i32 = arith.constant 0 : i32
    %c0_i32_0 = arith.constant 0 : i32
    %c0_i32_1 = arith.constant 0 : i32
    return %c0_i32, %c0_i32_0 : i32, i32
  }
  func.func @transform_6(%arg0: i32) -> (i32, i32) {
    %c0_i32 = arith.constant 0 : i32
    %c0_i32_0 = arith.constant 0 : i32
    return %arg0, %c0_i32 : i32, i32
  }
}

</mosaic_0001>

<sc_bundles>
// kernel: kernel.12.cloned.1.call-start
scs
__scs_entry_jumppad:
0x0: {  	(pc) =	sbr.rel $0x88, $3  }
0x1: {  	(tag) =	ssettag $0x0;
	lr =	simm.s32 $0x1  }
0x2: {  	[smem:$0x3F89] =	sst lr;
	_ =	strace $0xD0000000  }
0x3: {  	_ = 	snop  }
0x4: {  	_ = 	snop  }
0x5: {  	_ = 	snop  }
0x6: {  	_ = 	snop  }
0x7: {  	_ = 	snop  }
__scs_overlays_trampoline_lowered:
0x8: {  	[smem:$0x3F98] =	sst s0  }
0x9: {  	[smem:$0x3F99] =	sst s1  }
0xa: {  	[smem:$0x3F9A] =	sst s2  }
0xb: {  	[smem:$0x3F9B] =	sst s3  }
0xc: {  	[smem:$0x3F9C] =	sst s4  }
0xd: {  	[smem:$0x3F9D] =	sst s5  }
0xe: {  	[smem:$0x3F9E] =	sst s6  }
0xf: {  	[smem:$0x3F9F] =	sst s7  }
0x10: {  	[smem:$0x3FA0] =	sst s8  }
0x11: {  	[smem:$0x3FA1] =	sst s9;
	s0 =	simm.s32 @!p0 $0x0  }
0x12: {  	s1 =	sld [smem:$0x3F87];
	s0 =	simm.s32 @p0 $0x1  }
0x13: {  	[smem:$0x3FA2] =	sst s0;
	s0 =	simm.s32 @!p1 $0x0  }
0x14: {  	s2 =	sld [smem:$0x3F86];
	s0 =	simm.s32 @p1 $0x1  }
0x15: {  	[smem:$0x3FA3] =	sst s0;
	s0 =	simm.s32 @!p2 $0x0  }
0x16: {  	s3 =	sld [smem:$0x3FDB];
	s0 =	simm.s32 @p2 $0x1  }
0x17: {  	s4 =	simm.s32 $0x1BF5;
	[smem:$0x3FA5] =	sst s0  }
0x18: {  	s0 =	sld [smem:$0x3F88];
	_ =	swait.ge [sflag:s4], $0x0  }
0x19: {  	s7 =	sld [smem:$0x3F89]  }
0x1a: {  	s8 =	sadd.s32 $0xFFFFE003, lr  }
0x1b: {  	s9 =	sadd.s32 $0xFFFFFEF7, lr;
	s5 =	simm.s32 $0xFFFFFFFF;
	p2 =	slt.u32 s8, $0xFFFFF086  }
0x1c: {  	p1 =	slt.u32 s9, $0xF7A;
	s5 =	simm.s32 @!p2 $0x0  }
0x1d: {  	s5 =	simm.s32 @p1 $0x1;
	p0 =	seq.s32 s7, s2  }
0x1e: {  	s7 =	smul.u32 @!p0 $0xF7A, s2;
	p2 =	seq.s32 @!p0 s5, $0x0  }
0x1f: {  	s9 =	smul.u32 $0xF7A, s1;
	s8 =	simm.s32 @!p0 $0x1BF5;
	p2 =	por !p2, p0  }
0x20: {  	[sflag:s8] =	ssyncset.s32 @!p0 $0xFFFFF086;
	s6 =	sadd.s32 @!p0 s3, s7;
	s7 =	simm.s32 @!p0 $0x108  }
0x21: {  	s3 =	sadd.s32 s3, s9;
	s6 =	sadd.s32 @!p0 $0x88, s6;
	s7 =	simm.s32 @p2 $0x1082  }
0x22: {  	[simem:s7], [sflag:s8] =	dma.local @!p0 [hbm:s6], $0xF7A  }
0x23: {  	s9 =	sor.u32 $0xD0000000, s2;
	s6 =	simm.s32 $0x108;
	_ =	swait.ge @!p0 [sflag:s8], $0x0  }
0x24: {  	s3 =	sadd.s32 $0x88, s3;
	s6 =	simm.s32 @!p1 $0x1082;
	[sflag:s4] =	ssyncset.s32 $0xFFFFF086  }
0x25: {  	[simem:s6], [sflag:s4] =	dma.local [hbm:s3], $0xF7A  }
0x26: {  	[smem:$0x3F89] =	sst s1;
	(tag) =	ssettag s2;
	_ =	strace s9  }
0x27: {  	s1 =	sld [smem:$0x3F99]  }
0x28: {  	s2 =	sld [smem:$0x3F9A]  }
0x29: {  	s4 =	sld [smem:$0x3F9C]  }
0x2a: {  	p0 =	seq.s32 s5, $0x0;
	s5 =	sld [smem:$0x3F9D]  }
0x2b: {  	s6 =	sld [smem:$0x3F9E]  }
0x2c: {  	s7 =	sld [smem:$0x3F9F]  }
0x2d: {  	s3 =	simm.s32 $0x108;
	s8 =	sld [smem:$0x3FA0]  }
0x2e: {  	s3 =	simm.s32 @!p0 $0x1082;
	s9 =	sld [smem:$0x3FA1]  }
0x2f: {  	lr =	sadd.s32 s0, s3;
	s0 =	sld [smem:$0x3F98]  }
0x30: {  	s3 =	sld [smem:$0x3F9B]  }
0x31: {  	[smem:$0x3FA4] =	sst s10  }
0x32: {  	s10 =	sld [smem:$0x3FA2];
	_ =	sdelay $0x3  }
0x33: {  	p0 =	seq.s32 s10, $0x1;
	s10 =	sld [smem:$0x3FA4];
	_ =	sdelay $0x3  }
0x34: {  	[smem:$0x3FA4] =	sst s10  }
0x35: {  	s10 =	sld [smem:$0x3FA3];
	_ =	sdelay $0x3  }
0x36: {  	p1 =	seq.s32 s10, $0x1;
	s10 =	sld [smem:$0x3FA4];
	_ =	sdelay $0x3  }
0x37: {  	[smem:$0x3FA4] =	sst s10  }
0x38: {  	s10 =	sld [smem:$0x3FA5]  }
0x39: {  	_ = 	snop;
	(pc) =	sbr.ind lr, $3  }
0x3a: {  	_ = 	snop  }
0x3b: {  	_ = 	snop  }
0x3c: {  	p2 =	seq.s32 s10, $0x1;
	s10 =	sld [smem:$0x3FA4]  }
0x3d: {  	_ =	shalt  }
0x3e: {  	_ =	shalt  }
0x3f: {  	_ =	shalt  }
0x40: {  	_ =	shalt  }
0x41: {  	_ =	shalt  }
0x42: {  	_ =	shalt  }
0x43: {  	_ =	shalt  }
0x44: {  	_ =	shalt  }
0x45: {  	_ =	shalt  }
0x46: {  	_ =	shalt  }
0x47: {  	_ =	shalt  }
0x48: {  	_ =	shalt  }
0x49: {  	_ =	shalt  }
0x4a: {  	_ =	shalt  }
0x4b: {  	_ =	shalt  }
0x4c: {  	_ =	shalt  }
0x4d: {  	_ =	shalt  }
0x4e: {  	_ =	shalt  }
0x4f: {  	_ =	shalt  }
0x50: {  	_ =	shalt  }
0x51: {  	_ =	shalt  }
0x52: {  	_ =	shalt  }
0x53: {  	_ =	shalt  }
0x54: {  	_ =	shalt  }
0x55: {  	_ =	shalt  }
0x56: {  	_ =	shalt  }
0x57: {  	_ =	shalt  }
0x58: {  	_ =	shalt  }
0x59: {  	_ =	shalt  }
0x5a: {  	_ =	shalt  }
0x5b: {  	_ =	shalt  }
0x5c: {  	_ =	shalt  }
0x5d: {  	_ =	shalt  }
0x5e: {  	_ =	shalt  }
0x5f: {  	_ =	shalt  }
0x60: {  	_ =	shalt  }
0x61: {  	_ =	shalt  }
0x62: {  	_ =	shalt  }
0x63: {  	_ =	shalt  }
0x64: {  	_ =	shalt  }
0x65: {  	_ =	shalt  }
0x66: {  	_ =	shalt  }
0x67: {  	_ =	shalt  }
0x68: {  	_ =	shalt  }
0x69: {  	_ =	shalt  }
0x6a: {  	_ =	shalt  }
0x6b: {  	_ =	shalt  }
0x6c: {  	_ =	shalt  }
0x6d: {  	_ =	shalt  }
0x6e: {  	_ =	shalt  }
0x6f: {  	_ =	shalt  }
0x70: {  	_ =	shalt  }
0x71: {  	_ =	shalt  }
0x72: {  	_ =	shalt  }
0x73: {  	_ =	shalt  }
0x74: {  	_ =	shalt  }
0x75: {  	_ =	shalt  }
0x76: {  	_ =	shalt  }
0x77: {  	_ =	shalt  }
0x78: {  	_ =	shalt  }
0x79: {  	_ =	shalt  }
0x7a: {  	_ =	shalt  }
0x7b: {  	_ =	shalt  }
0x7c: {  	_ =	shalt  }
0x7d: {  	_ =	shalt  }
0x7e: {  	_ =	shalt  }
0x7f: {  	_ =	shalt  }
0x80: {  	_ =	shalt  }
0x81: {  	_ =	shalt  }
0x82: {  	_ =	shalt  }
0x83: {  	_ =	shalt  }
0x84: {  	_ =	shalt  }
0x85: {  	_ =	shalt  }
0x86: {  	_ =	shalt  }
0x87: {  	_ =	shalt  }
.Lfunc_end0:
.L_simem_size_0:
called_computation_lowered:
.L_overlay_start_0:
0x88: {  	s2 =	sld [smem:$0x3FD9]  }
0x89: {  	s3 =	sld [smem:$0x3FFE];
	_ =	sdelay $0x1  }
0x8a: {  	s1 =	srdreg.scid  }
0x8b: {  	s0 =	sand.u32 $0x1, s1  }
0x8c: {  	s17 =	sshll.u32 s0, $0xA;
	s2 =	sadd.s32 s3, s2  }
0x8d: {  	s2 =	sadd.s32 s2, s17  }
0x8e: {  	[smem:$0x3FB0] =	sst s2  }
0x8f: {  	_ = 	snop  }
0x90: {  	s2 =	sld [smem:$0x3FD0];
	(tm) =	ssettm $0x1  }
0x91: {  	s18 =	sld [smem:$0x3FFB];
	_ =	sdelay $0x3  }
0x92: {  	_ =	strace s18  }
0x93: {  	s3 =	sld [smem:$0x3FFC];
	_ =	sdelay $0x3  }
0x94: {  	_ =	strace s3  }
0x95: {  	s3 =	sld [smem:$0x3FFD];
	_ =	sdelay $0x3  }
0x96: {  	_ =	strace s3  }
0x97: {  	_ =	strace $0x8FFFFFFF  }
0x98: {  	s19 =	sld [smem:$0x3FDB];
	_ =	sdelay $0x1  }
0x99: {  	s4 =	simm.s32 $_scs_section_size  }
0x9a: {  	s5 =	simm.s32 $_size__tile_overlayer_lowered;
	s6 =	simm.s32 $_tile_overlayer_lowered  }
0x9b: {  	s22 =	simm.s32 $0x1BFF;
	s21 =	sshll.u32 s6, $0x1;
	s3 =	sadd.s32 s4, s19  }
0x9c: {  	s7 =	simm.s32 $0x0;
	s20 =	sshll.u32 s5, $0x1;
	s5 =	sadd.s32 s21, s3  }
0x9d: {  	[timem:s7], [sflag:s22] =	dma.local [hbm:s5], s20  }
0x9e: {  	_ =	swait.ge [sflag:s22], s20  }
0x9f: {  	s4 =	ssub.s32 $0x0, s20;
	[sflag:s22] =	ssyncset.done $0x0  }
0xa0: {  	[sflag:s22] =	ssyncadd.s32 s4;
	_ =	sdelay $0x1  }
0xa1: {  	s23 =	simm.s32 $0x1B8B  }
0xa2: {  	_ =	swait.ge [sflag:s23], $0x1  }
0xa3: {  	[sflag:s23] =	ssyncset.done $0x0  }
0xa4: {  	s25 =	simm.s32 $0x1B8E;
	s24 =	sld [smem:$0x3FFE];
	[sflag:s23] =	ssyncadd.s32 $0xFFFFFFFF  }
0xa5: {  	s26 =	simm.s32 $execute0_lowered;
	[smem:$0x3FD2] =	sst s25  }
0xa6: {  	s5 =	sshll.u32 s26, $0x1;
	_ =	strace $0x80000046;
	[dreg:$0x1] =	wrdreg $0xFFFFFFFF  }
0xa7: {  	s28 =	simm.s32 $_size_execute0_lowered;
	s3 =	sadd.s32 s3, s5;
	[dreg:$0x0] =	wrdreg $0x0  }
0xa8: {  	s5 =	sshll.u32 s28, $0x1;
	[dreg:$0x2] =	wrdreg s3  }
0xa9: {  	[dreg:$0x3] =	wrdreg s5  }
0xaa: {  	[dreg:$0x4] =	wrdreg $0xC0  }
0xab: {  	_ =	task [dreg:s7], $0x5FFFF  }
0xac: {  	[dreg:$0x1] =	wrdreg $0xFFFFFFFF  }
0xad: {  	[dreg:$0x0] =	wrdreg $0x60  }
0xae: {  	[dreg:$0x2] =	wrdreg s24  }
0xaf: {  	[dreg:$0x3] =	wrdreg s2  }
0xb0: {  	[dreg:$0x4] =	wrdreg $0x0  }
0xb1: {  	[dreg:$0x5] =	wrdreg $0x2800  }
0xb2: {  	[dreg:$0x6] =	wrdreg $0x5000  }
0xb3: {  	[dreg:$0x7] =	wrdreg $0x7800  }
0xb4: {  	[dreg:$0x8] =	wrdreg $0xA000  }
0xb5: {  	[dreg:$0x9] =	wrdreg $0xC800  }
0xb6: {  	[dreg:$0xa] =	wrdreg $0x9  }
0xb7: {  	_ =	task.clear_ibuf [dreg:s7], $0xBFFFF;
	_ =	strace $0x90000046  }
0xb8: {  	s29 =	simm.s32 $0x9;
	_ =	strace $0x80000048  }
0xb9: {  	_ =	swait.ge [sflag:s29], $0x1  }
0xba: {  	[sflag:s29] =	ssyncadd.s32 $0xFFFFFFFF  }
0xbb: {  	_ =	strace $0x90000048  }
0xbc: {  	_ =	sfence  }
0xbd: {  	s30 =	sld [smem:$0x0];
	_ =	sdelay $0x2  }
0xbe: {  	s31 =	sshll.u32 s1, $0xD;
	s1 =	sshrl.u32 s1, $0x2  }
0xbf: {  	s3 =	sand.u32 $0x4000, s31;
	s1 =	sadd.s32 s1, s30  }
0xc0: {  	s0 =	sor.u32 s3, s0;
	s1 =	sshll.u32 s1, $0x11  }
0xc1: {  	s0 =	sor.u32 s1, s0  }
0xc2: {  	s0 =	sadd.s32 $0x8F2B, s0  }
0xc3: {  	[sflag:s0] =	ssyncadd.remote.s32 $0x1  }
0xc4: {  	_ =	sfence.sel $0xFFFF  }
0xc5: {  	[dreg:$0x0] =	wrdreg $0xFFFFFFFF;
	(pc) =	sbr.abs _section_cstart, $3  }
0xc6: {  	[dreg:$0x1] =	wrdreg $0xFFFFFFFF  }
0xc7: {  	_ =	task.clear_ibuf [dreg:s7], $0x2FFFF;
	_ =	strace $0x9FFFFFFF  }
0xc8: {  	(tm) =	ssettm $0x7FFFFFFF  }
0xc9: {  	_ =	shalt  }
tec
execute0_lowered:
.L_overlay_start_1:
0x0: {  	(tag) =	ssettag $0x1  }
0x1: {  	s3 =	rddreg [dreg:$0x0]  }
0x2: {  	s5 =	rddreg [dreg:$0x1]  }
0x3: {  	s0 =	rddreg [dreg:$0x2]  }
0x4: {  	s1 =	rddreg [dreg:$0x3]  }
0x5: {  	s2 =	rddreg [dreg:$0x4]  }
0x6: {  	s4 =	rddreg [dreg:$0x5]  }
0x7: {  	s7 =	srdreg.scid;
	s14 =	stileid.u32  }
0x8: {  	s6 =	rddreg [dreg:$0x6];
	s11 =	smul.u32 $0x2710, s14  }
0x9: {  	s8 =	simm.s32 $0x0;
	s31 =	simm.s32 $0xF00;
	s24 =	smul.u32 $0x1400, s14  }
0xa: {  	s9 =	sand.u32 $0x1, s7;
	s7 =	rddreg [dreg:$0x7];
	s14 =	smul.u32 $0x280, s14  }
0xb: {  	[smem:$0x7FF] =	sst s8;
	s15 =	sadd.s32 $0x34000, s3;
	s10 =	smul.u32 $0x27100, s9  }
0xc: {  	_ =	strace $0x80000047;
	[dreg:$0x9] =	wrdreg s15;
	s26 =	sadd.s32 s14, s0  }
0xd: {  	s23 =	smul.u32 $0x14000, s9;
	s16 =	sadd.s32 s14, s1;
	[dreg:$0xa] =	wrdreg s26  }
0xe: {  	s9 =	ssub.s32 $0x2, s9;
	s17 =	sadd.s32 s14, s2;
	[dreg:$0xc] =	wrdreg s16  }
0xf: {  	s25 =	sshrl.u32 s9, $0x1;
	s19 =	sadd.s32 s14, s4;
	[dreg:$0xe] =	wrdreg s17  }
0x10: {  	s21 =	sadd.s32 s14, s6;
	s10 =	sadd.s32 s11, s10;
	[dreg:$0x10] =	wrdreg s19  }
0x11: {  	s11 =	sadd.s32 s24, s23;
	s9 =	ssub.s32 s9, s25;
	[dreg:$0x12] =	wrdreg s21  }
0x12: {  	s23 =	sadd.s32 s14, s7;
	s12 =	sshrl.u32 s10, $0x3;
	s10 =	sadd.s32 $0x33E00, s3  }
0x13: {  	[dreg:$0x14] =	wrdreg s23;
	s13 =	sadd.s32 s12, s3;
	s5 =	sadd.s32 s5, s12  }
0x14: {  	s11 =	sshrl.u32 s11, $0x3;
	s15 =	sadd.s32 $0x2800, s13;
	[dreg:$0xd] =	wrdreg s5  }
0x15: {  	s30 =	smax.u32 s9, $0x1;
	s18 =	sadd.s32 $0x20200, s13;
	[dreg:$0xb] =	wrdreg s15  }
0x16: {  	s9 =	simm.s32 $0x80;
	s20 =	sadd.s32 $0x2A000, s13;
	[dreg:$0xf] =	wrdreg s18  }
0x17: {  	s3 =	sadd.s32 s11, s3;
	s22 =	sadd.s32 $0x16400, s13;
	[dreg:$0x11] =	wrdreg s20  }
0x18: {  	s11 =	simm.s32 $0x10;
	s24 =	sadd.s32 $0xC600, s13;
	[dreg:$0x13] =	wrdreg s22  }
0x19: {  	s12 =	simm.s32 $0x0;
	s25 =	sadd.s32 $0x34200, s3;
	[dreg:$0x15] =	wrdreg s24  }
0x1a: {  	s26 =	sadd.s32 $0x34210, s3;
	s28 =	sadd.s32 $0x34240, s3;
	[dreg:$0x16] =	wrdreg s25  }
0x1b: {  	s29 =	sadd.s32 $0x34250, s3;
	s5 =	simm.s32 $0x1;
	[dreg:$0x17] =	wrdreg s26  }
0x1c: {  	s25 =	sadd.s32 $0x34220, s3;
	s26 =	sadd.s32 $0x34230, s3;
	s3 =	simm.s32 $0x50  }
.LBB2_1:
0x1d: {  	s13 =	rddreg [dreg:$0x9]  }
0x1e: {  	[tilespmem:s31], [sflag:$0x1] =	stream.linear.gather [hbm4b:s13+s8], $0x80, $0x38;
	[tilespmem:$0xFC80] =	vst v63  }
0x1f: {  	s16 =	stileid.u32;
	_ =	swait.ge [sflag:s5], $0x80  }
0x20: {  	s13 =	sshll.u32 s16, $0x6;
	[sflag:s5] =	ssyncset.done $0x0;
	s14 =	rddreg [dreg:$0xa]  }
0x21: {  	s13 =	sor.u32 $0x1C01, s13;
	[sflag:s5] =	ssyncadd.s32 $0xFFFFFF80;
	s14 =	sshrl.u32 s14, $0x3  }
0x22: {  	[spmem:s14], [sflag:s13] =	dma.local [hbm:s10], $0x50  }
0x23: {  	_ =	swait.ge [sflag:s5], $0x50  }
0x24: {  	[sflag:s5] =	ssyncset.done $0x0  }
0x25: {  	s16 =	simm.s32 $0xF80;
	s15 =	rddreg [dreg:$0xb];
	[sflag:s5] =	ssyncadd.s32 $0xFFFFFFB0  }
0x26: {  	[tilespmem:s16], [sflag:$0x1] =	stream.linear.gather [hbm4b:s15+s8], $0x2710, $0x38;
	[tilespmem:$0xFC80] =	vst v63  }
0x27: {  	_ =	swait.ge [sflag:s5], $0x2710  }
0x28: {  	[sflag:s5] =	ssyncset.done $0x0;
	s17 =	rddreg [dreg:$0xc]  }
0x29: {  	[sflag:s5] =	ssyncadd.s32 $0xFFFFD8F0;
	s15 =	sshrl.u32 s17, $0x3  }
0x2a: {  	[spmem:s15], [sflag:s13] =	dma.local [hbm:s10], $0x50  }
0x2b: {  	_ =	swait.ge [sflag:s5], $0x50  }
0x2c: {  	[sflag:s5] =	ssyncset.done $0x0  }
0x2d: {  	s17 =	simm.s32 $0x3700;
	s18 =	rddreg [dreg:$0xd];
	[sflag:s5] =	ssyncadd.s32 $0xFFFFFFB0  }
0x2e: {  	[tilespmem:s17], [sflag:$0x1] =	stream.linear.gather [hbm4b:s18+s8], $0x2710, $0x38;
	[tilespmem:$0xFC80] =	vst v63  }
0x2f: {  	_ =	swait.ge [sflag:s5], $0x2710  }
0x30: {  	[sflag:s5] =	ssyncset.done $0x0;
	s19 =	rddreg [dreg:$0xe]  }
0x31: {  	[sflag:s5] =	ssyncadd.s32 $0xFFFFD8F0;
	s16 =	sshrl.u32 s19, $0x3  }
0x32: {  	[spmem:s16], [sflag:s13] =	dma.local [hbm:s10], $0x50  }
0x33: {  	_ =	swait.ge [sflag:s5], $0x50  }
0x34: {  	[sflag:s5] =	ssyncset.done $0x0  }
0x35: {  	s18 =	simm.s32 $0x5E80;
	s20 =	rddreg [dreg:$0xf];
	[sflag:s5] =	ssyncadd.s32 $0xFFFFFFB0  }
0x36: {  	[tilespmem:s18], [sflag:$0x1] =	stream.linear.gather [hbm4b:s20+s8], $0x2710, $0x38;
	[tilespmem:$0xFC80] =	vst v63  }
0x37: {  	_ =	swait.ge [sflag:s5], $0x2710  }
0x38: {  	[sflag:s5] =	ssyncset.done $0x0;
	s21 =	rddreg [dreg:$0x10]  }
0x39: {  	[sflag:s5] =	ssyncadd.s32 $0xFFFFD8F0;
	s17 =	sshrl.u32 s21, $0x3  }
0x3a: {  	[spmem:s17], [sflag:s13] =	dma.local [hbm:s10], $0x50  }
0x3b: {  	_ =	swait.ge [sflag:s5], $0x50  }
0x3c: {  	[sflag:s5] =	ssyncset.done $0x0  }
0x3d: {  	s19 =	simm.s32 $0x8600;
	s22 =	rddreg [dreg:$0x11];
	[sflag:s5] =	ssyncadd.s32 $0xFFFFFFB0  }
0x3e: {  	[tilespmem:s19], [sflag:$0x1] =	stream.linear.gather [hbm4b:s22+s8], $0x2710, $0x38;
	[tilespmem:$0xFC80] =	vst v63  }
0x3f: {  	_ =	swait.ge [sflag:s5], $0x2710  }
0x40: {  	[sflag:s5] =	ssyncset.done $0x0;
	s23 =	rddreg [dreg:$0x12]  }
0x41: {  	[sflag:s5] =	ssyncadd.s32 $0xFFFFD8F0;
	s18 =	sshrl.u32 s23, $0x3  }
0x42: {  	[spmem:s18], [sflag:s13] =	dma.local [hbm:s10], $0x50  }
0x43: {  	_ =	swait.ge [sflag:s5], $0x50  }
0x44: {  	[sflag:s5] =	ssyncset.done $0x0  }
0x45: {  	s20 =	simm.s32 $0xAD80;
	s24 =	rddreg [dreg:$0x13];
	[sflag:s5] =	ssyncadd.s32 $0xFFFFFFB0  }
0x46: {  	[tilespmem:s20], [sflag:$0x1] =	stream.linear.gather [hbm4b:s24+s8], $0x2710, $0x38;
	[tilespmem:$0xFC80] =	vst v63  }
0x47: {  	_ =	swait.ge [sflag:s5], $0x2710  }
0x48: {  	[sflag:s5] =	ssyncset.done $0x0;
	s21 =	rddreg [dreg:$0x14]  }
0x49: {  	[sflag:s5] =	ssyncadd.s32 $0xFFFFD8F0;
	s19 =	sshrl.u32 s21, $0x3  }
0x4a: {  	[spmem:s19], [sflag:s13] =	dma.local [hbm:s10], $0x50  }
0x4b: {  	_ =	swait.ge [sflag:s5], $0x50  }
0x4c: {  	[sflag:s5] =	ssyncset.done $0x0  }
0x4d: {  	s21 =	simm.s32 $0xD500;
	s22 =	rddreg [dreg:$0x15];
	[sflag:s5] =	ssyncadd.s32 $0xFFFFFFB0  }
0x4e: {  	[tilespmem:s21], [sflag:$0x1] =	stream.linear.gather [hbm4b:s22+s8], $0x2710, $0x38;
	[tilespmem:$0xFC80] =	vst v63  }
0x4f: {  	_ =	swait.ge [sflag:s5], $0x2710  }
0x50: {  	[sflag:s5] =	ssyncset.done $0x0  }
0x51: {  	[sflag:s5] =	ssyncadd.s32 $0xFFFFD8F0  }
0x52: {  	s23 =	simm.s32 $0xF80;
	[bflag:$0x0] =	sbarrier.arrive $0xFFFF  }
0x53: {  	[spmem:s0] =	stream.indirect.scatter.add.f32 [tilespmem:s31], [sflag:$0x1], $0x1, s23, s3, $0xb8;
	[tilespmem:$0xFC80] =	vst v63  }
0x54: {  	_ =	swait.ge [sflag:s5], $0x50  }
0x55: {  	[sflag:s5] =	ssyncset.done $0x0  }
0x56: {  	s24 =	simm.s32 $0x3700;
	[sflag:s5] =	ssyncadd.s32 $0xFFFFFFB0  }
0x57: {  	[spmem:s1] =	stream.indirect.scatter.add.f32 [tilespmem:s31], [sflag:$0x1], $0x1, s24, s3, $0xb8;
	[tilespmem:$0xFC80] =	vst v63  }
0x58: {  	_ =	swait.ge [sflag:s5], $0x50  }
0x59: {  	[sflag:s5] =	ssyncset.done $0x0  }
0x5a: {  	s21 =	simm.s32 $0x5E80;
	[sflag:s5] =	ssyncadd.s32 $0xFFFFFFB0  }
0x5b: {  	[spmem:s2] =	stream.indirect.scatter.add.f32 [tilespmem:s31], [sflag:$0x1], $0x1, s21, s3, $0xb8;
	[tilespmem:$0xFC80] =	vst v63  }
0x5c: {  	_ =	swait.ge [sflag:s5], $0x50  }
0x5d: {  	[sflag:s5] =	ssyncset.done $0x0  }
0x5e: {  	s22 =	simm.s32 $0x8600;
	[sflag:s5] =	ssyncadd.s32 $0xFFFFFFB0  }
0x5f: {  	[spmem:s4] =	stream.indirect.scatter.add.f32 [tilespmem:s31], [sflag:$0x1], $0x1, s22, s3, $0xb8;
	[tilespmem:$0xFC80] =	vst v63  }
0x60: {  	_ =	swait.ge [sflag:s5], $0x50  }
0x61: {  	[sflag:s5] =	ssyncset.done $0x0  }
0x62: {  	s23 =	simm.s32 $0xAD80;
	[sflag:s5] =	ssyncadd.s32 $0xFFFFFFB0  }
0x63: {  	[spmem:s6] =	stream.indirect.scatter.add.f32 [tilespmem:s31], [sflag:$0x1], $0x1, s23, s3, $0xb8;
	[tilespmem:$0xFC80] =	vst v63  }
0x64: {  	_ =	swait.ge [sflag:s5], $0x50  }
0x65: {  	[sflag:s5] =	ssyncset.done $0x0  }
0x66: {  	s24 =	simm.s32 $0xD500;
	[sflag:s5] =	ssyncadd.s32 $0xFFFFFFB0  }
0x67: {  	[spmem:s7] =	stream.indirect.scatter.add.f32 [tilespmem:s31], [sflag:$0x1], $0x1, s24, s3, $0xb8;
	[tilespmem:$0xFC80] =	vst v63  }
0x68: {  	_ =	swait.ge [sflag:s5], $0x50  }
0x69: {  	s20 =	simm.s32 $0x50;
	s21 =	simm.s32 $0x280;
	[sflag:s5] =	ssyncset.done $0x0  }
.LBB2_2:
0x6a: {  	s22 =	sadd.s32 $0xF80, s20  }
0x6b: {  	[sflag:s5] =	ssyncadd.s32 $0xFFFFFFB0;
	s23 =	smov.u32 s21;
	s24 =	sadd.s32 $0x140, s21  }
0x6c: {  	[spmem:s0] =	stream.indirect.scatter.add.f32 [tilespmem:s31], [sflag:$0x1], $0x1, s22, s3, $0xb8;
	[tilespmem:$0xFC80] =	vst v63  }
0x6d: {  	p0 =	sne.s32 s21, $0x9B00;
	_ =	swait.ge [sflag:s5], $0x50  }
0x6e: {  	[sflag:s5] =	ssyncset.done $0x0  }
0x6f: {  	s21 =	sadd.s32 $0x3700, s20;
	[sflag:s5] =	ssyncadd.s32 $0xFFFFFFB0  }
0x70: {  	[spmem:s1] =	stream.indirect.scatter.add.f32 [tilespmem:s31], [sflag:$0x1], $0x1, s21, s3, $0xb8;
	[tilespmem:$0xFC80] =	vst v63  }
0x71: {  	_ =	swait.ge [sflag:s5], $0x50  }
0x72: {  	[sflag:s5] =	ssyncset.done $0x0  }
0x73: {  	s21 =	sadd.s32 $0x5E80, s20;
	[sflag:s5] =	ssyncadd.s32 $0xFFFFFFB0  }
0x74: {  	[spmem:s2] =	stream.indirect.scatter.add.f32 [tilespmem:s31], [sflag:$0x1], $0x1, s21, s3, $0xb8;
	[tilespmem:$0xFC80] =	vst v63  }
0x75: {  	_ =	swait.ge [sflag:s5], $0x50  }
0x76: {  	[sflag:s5] =	ssyncset.done $0x0  }
0x77: {  	s21 =	sadd.s32 $0x8600, s20;
	[sflag:s5] =	ssyncadd.s32 $0xFFFFFFB0  }
0x78: {  	[spmem:s4] =	stream.indirect.scatter.add.f32 [tilespmem:s31], [sflag:$0x1], $0x1, s21, s3, $0xb8;
	[tilespmem:$0xFC80] =	vst v63  }
0x79: {  	_ =	swait.ge [sflag:s5], $0x50  }
0x7a: {  	[sflag:s5] =	ssyncset.done $0x0  }
0x7b: {  	s21 =	sadd.s32 $0xAD80, s20;
	[sflag:s5] =	ssyncadd.s32 $0xFFFFFFB0  }
0x7c: {  	[spmem:s6] =	stream.indirect.scatter.add.f32 [tilespmem:s31], [sflag:$0x1], $0x1, s21, s3, $0xb8;
	[tilespmem:$0xFC80] =	vst v63  }
0x7d: {  	_ =	swait.ge [sflag:s5], $0x50  }
.Ltmp0:
0x7e: {  	[sflag:s5] =	ssyncset.done $0x0;
	(pc) =	sbr.rel @p0 .LBB2_2-.Ltmp0, $4  }
0x7f: {  	s20 =	sadd.s32 $0xD500, s20;
	[sflag:s5] =	ssyncadd.s32 $0xFFFFFFB0  }
0x80: {  	[spmem:s7] =	stream.indirect.scatter.add.f32 [tilespmem:s31], [sflag:$0x1], $0x1, s20, s3, $0xb8;
	[tilespmem:$0xFC80] =	vst v63  }
0x81: {  	_ =	swait.ge [sflag:s5], $0x50  }
0x82: {  	s21 =	smov.u32 s24;
	s20 =	sshra.s32 s23, $0x2;
	[sflag:s5] =	ssyncset.done $0x0  }
0x83: {  	s21 =	sadd.s32 $0xF80, s20;
	[sflag:s5] =	ssyncadd.s32 $0xFFFFFFB0  }
0x84: {  	[spmem:s0] =	stream.indirect.scatter.add.f32 [tilespmem:s31], [sflag:$0x1], $0x1, s21, s3, $0xb8;
	[tilespmem:$0xFC80] =	vst v63  }
0x85: {  	_ =	swait.ge [sflag:s5], $0x50  }
0x86: {  	[sflag:s5] =	ssyncset.done $0x0  }
0x87: {  	s24 =	sadd.s32 $0x3700, s20;
	[sflag:s5] =	ssyncadd.s32 $0xFFFFFFB0  }
0x88: {  	[spmem:s1] =	stream.indirect.scatter.add.f32 [tilespmem:s31], [sflag:$0x1], $0x1, s24, s3, $0xb8;
	[tilespmem:$0xFC80] =	vst v63  }
0x89: {  	_ =	swait.ge [sflag:s5], $0x50  }
0x8a: {  	[sflag:s5] =	ssyncset.done $0x0  }
0x8b: {  	s22 =	sadd.s32 $0x5E80, s20;
	[sflag:s5] =	ssyncadd.s32 $0xFFFFFFB0  }
0x8c: {  	[spmem:s2] =	stream.indirect.scatter.add.f32 [tilespmem:s31], [sflag:$0x1], $0x1, s22, s3, $0xb8;
	[tilespmem:$0xFC80] =	vst v63  }
0x8d: {  	_ =	swait.ge [sflag:s5], $0x50  }
0x8e: {  	[sflag:s5] =	ssyncset.done $0x0  }
0x8f: {  	s23 =	sadd.s32 $0x8600, s20;
	[sflag:s5] =	ssyncadd.s32 $0xFFFFFFB0  }
0x90: {  	[spmem:s4] =	stream.indirect.scatter.add.f32 [tilespmem:s31], [sflag:$0x1], $0x1, s23, s3, $0xb8;
	[tilespmem:$0xFC80] =	vst v63  }
0x91: {  	_ =	swait.ge [sflag:s5], $0x50  }
0x92: {  	[sflag:s5] =	ssyncset.done $0x0  }
0x93: {  	s24 =	sadd.s32 $0xAD80, s20;
	[sflag:s5] =	ssyncadd.s32 $0xFFFFFFB0  }
0x94: {  	[spmem:s6] =	stream.indirect.scatter.add.f32 [tilespmem:s31], [sflag:$0x1], $0x1, s24, s3, $0xb8;
	[tilespmem:$0xFC80] =	vst v63  }
0x95: {  	_ =	swait.ge [sflag:s5], $0x50  }
0x96: {  	[sflag:s5] =	ssyncset.done $0x0  }
0x97: {  	s22 =	sadd.s32 $0xD500, s20;
	[sflag:s5] =	ssyncadd.s32 $0xFFFFFFB0  }
0x98: {  	[spmem:s7] =	stream.indirect.scatter.add.f32 [tilespmem:s31], [sflag:$0x1], $0x1, s22, s3, $0xb8;
	[tilespmem:$0xFC80] =	vst v63  }
0x99: {  	_ =	swait.ge [sflag:s5], $0x50  }
0x9a: {  	[sflag:s5] =	ssyncset.done $0x0  }
0x9b: {  	[sflag:s5] =	ssyncadd.s32 $0xFFFFFFB0  }
0x9c: {  	[bflag:$0x0] =	sbarrier.arrive $0xFFFF  }
0x9d: {  	s23 =	rddreg [dreg:$0x16]  }
0x9e: {  	[hbm:s23@s9], [sflag:s13] =	dma.strided [spmem:s14@s11], $0x50, s5, $0x10   }
0x9f: {  	_ =	swait.ge [sflag:s5], $0x50  }
0xa0: {  	[sflag:s5] =	ssyncset.done $0x0  }
0xa1: {  	s24 =	rddreg [dreg:$0x17];
	[sflag:s5] =	ssyncadd.s32 $0xFFFFFFB0  }
0xa2: {  	[hbm:s24@s9], [sflag:s13] =	dma.strided [spmem:s15@s11], $0x50, s5, $0x10   }
0xa3: {  	_ =	swait.ge [sflag:s5], $0x50  }
0xa4: {  	[sflag:s5] =	ssyncset.done $0x0  }
0xa5: {  	[sflag:s5] =	ssyncadd.s32 $0xFFFFFFB0  }
0xa6: {  	[hbm:s25@s9], [sflag:s13] =	dma.strided [spmem:s16@s11], $0x50, s5, $0x10   }
0xa7: {  	_ =	swait.ge [sflag:s5], $0x50  }
0xa8: {  	[sflag:s5] =	ssyncset.done $0x0  }
0xa9: {  	[sflag:s5] =	ssyncadd.s32 $0xFFFFFFB0  }
0xaa: {  	[hbm:s26@s9], [sflag:s13] =	dma.strided [spmem:s17@s11], $0x50, s5, $0x10   }
0xab: {  	_ =	swait.ge [sflag:s5], $0x50  }
0xac: {  	[sflag:s5] =	ssyncset.done $0x0  }
0xad: {  	[sflag:s5] =	ssyncadd.s32 $0xFFFFFFB0  }
0xae: {  	[hbm:s28@s9], [sflag:s13] =	dma.strided [spmem:s18@s11], $0x50, s5, $0x10   }
0xaf: {  	s12 =	sadd.s32 $0x1, s12;
	_ =	swait.ge [sflag:s5], $0x50  }
0xb0: {  	p0 =	sne.s32 s12, s30;
	[sflag:s5] =	ssyncset.done $0x0  }
.Ltmp1:
0xb1: {  	[sflag:s5] =	ssyncadd.s32 $0xFFFFFFB0;
	(pc) =	sbr.rel @p0 .LBB2_1-.Ltmp1, $4  }
0xb2: {  	[hbm:s29@s9], [sflag:s13] =	dma.strided [spmem:s19@s11], $0x50, s5, $0x10   }
0xb3: {  	_ =	swait.ge [sflag:s5], $0x50  }
0xb4: {  	[sflag:s5] =	ssyncset.done $0x0  }
0xb5: {  	[sflag:s5] =	ssyncadd.s32 $0xFFFFFFB0  }
0xb6: {  	_ =	sfence.sel $0x180000  }
0xb7: {  	[bflag:$0x0] =	sbarrier.arrive $0xFFFF  }
0xb8: {  	_ =	strace $0x90000047  }
0xb9: {  	s0 =	stileid.u32;
	[bflag:$0x2] =	sbarrier.arrive $0xFFFF  }
0xba: {  	p0 =	sne.s32 s0, $0x0;
	s0 =	rddreg [dreg:$0x8]  }
0xbb: {  	s0 =	sadd.s32 @!p0 $0x100000, s0  }
0xbc: {  	[sflag:s0] =	ssyncadd.tile.s32 @!p0 $0x1;
	_ =	shalt  }
.Lfunc_end2:
_tile_overlayer_lowered:
.L_overlay_start_2:
0xbd: {  	(tag) =	ssettag $0x2  }
0xbe: {  	s0 =	rddreg [dreg:$0x0];
	s2 =	stileid.u32  }
0xbf: {  	s1 =	rddreg [dreg:$0x1];
	p0 =	sne.s32 s2, $0x0  }
0xc0: {  	s3 =	rddreg [dreg:$0x2];
	[bflag:$0x3] =	sbarrier.arrive $0xFFFF;
	s2 =	simm.s32 @!p0 $0x1C01  }
0xc1: {  	[timem:s3], [sflag:s2] =	dma.local @!p0 [hbm:s0], s1  }
0xc2: {  	s0 =	simm.s32 @!p0 $0x1  }
0xc3: {  	_ =	swait.ge @!p0 [sflag:s0], s1  }
0xc4: {  	s1 =	ssub.s32 @!p0 $0x0, s1;
	[sflag:s0] =	ssyncset.done @!p0 $0x0  }
0xc5: {  	[sflag:s0] =	ssyncadd.s32 @!p0 s1  }
0xc6: {  	[bflag:$0x3] =	sbarrier.arrive $0xFFFF  }
0xc7: {  	_ =	shalt  }

// kernel: kernel.15.cloned.1.call-start
scs
__scs_entry_jumppad:
0x0: {  	(pc) =	sbr.rel $0x88, $3  }
0x1: {  	(tag) =	ssettag $0x0;
	lr =	simm.s32 $0x1  }
0x2: {  	[smem:$0x3F89] =	sst lr;
	_ =	strace $0xD0000000  }
0x3: {  	_ = 	snop  }
0x4: {  	_ = 	snop  }
0x5: {  	_ = 	snop  }
0x6: {  	_ = 	snop  }
0x7: {  	_ = 	snop  }
__scs_overlays_trampoline_lowered:
0x8: {  	[smem:$0x3F98] =	sst s0  }
0x9: {  	[smem:$0x3F99] =	sst s1  }
0xa: {  	[smem:$0x3F9A] =	sst s2  }
0xb: {  	[smem:$0x3F9B] =	sst s3  }
0xc: {  	[smem:$0x3F9C] =	sst s4  }
0xd: {  	[smem:$0x3F9D] =	sst s5  }
0xe: {  	[smem:$0x3F9E] =	sst s6  }
0xf: {  	[smem:$0x3F9F] =	sst s7  }
0x10: {  	[smem:$0x3FA0] =	sst s8  }
0x11: {  	[smem:$0x3FA1] =	sst s9;
	s0 =	simm.s32 @!p0 $0x0  }
0x12: {  	s1 =	sld [smem:$0x3F87];
	s0 =	simm.s32 @p0 $0x1  }
0x13: {  	[smem:$0x3FA2] =	sst s0;
	s0 =	simm.s32 @!p1 $0x0  }
0x14: {  	s2 =	sld [smem:$0x3F86];
	s0 =	simm.s32 @p1 $0x1  }
0x15: {  	[smem:$0x3FA3] =	sst s0;
	s0 =	simm.s32 @!p2 $0x0  }
0x16: {  	s3 =	sld [smem:$0x3FDB];
	s0 =	simm.s32 @p2 $0x1  }
0x17: {  	s4 =	simm.s32 $0x1BF5;
	[smem:$0x3FA5] =	sst s0  }
0x18: {  	s0 =	sld [smem:$0x3F88];
	_ =	swait.ge [sflag:s4], $0x0  }
0x19: {  	s7 =	sld [smem:$0x3F89]  }
0x1a: {  	s8 =	sadd.s32 $0xFFFFE003, lr  }
0x1b: {  	s9 =	sadd.s32 $0xFFFFFEF7, lr;
	s5 =	simm.s32 $0xFFFFFFFF;
	p2 =	slt.u32 s8, $0xFFFFF086  }
0x1c: {  	p1 =	slt.u32 s9, $0xF7A;
	s5 =	simm.s32 @!p2 $0x0  }
0x1d: {  	s5 =	simm.s32 @p1 $0x1;
	p0 =	seq.s32 s7, s2  }
0x1e: {  	s7 =	smul.u32 @!p0 $0xF7A, s2;
	p2 =	seq.s32 @!p0 s5, $0x0  }
0x1f: {  	s9 =	smul.u32 $0xF7A, s1;
	s8 =	simm.s32 @!p0 $0x1BF5;
	p2 =	por !p2, p0  }
0x20: {  	[sflag:s8] =	ssyncset.s32 @!p0 $0xFFFFF086;
	s6 =	sadd.s32 @!p0 s3, s7;
	s7 =	simm.s32 @!p0 $0x108  }
0x21: {  	s3 =	sadd.s32 s3, s9;
	s6 =	sadd.s32 @!p0 $0x88, s6;
	s7 =	simm.s32 @p2 $0x1082  }
0x22: {  	[simem:s7], [sflag:s8] =	dma.local @!p0 [hbm:s6], $0xF7A  }
0x23: {  	s9 =	sor.u32 $0xD0000000, s2;
	s6 =	simm.s32 $0x108;
	_ =	swait.ge @!p0 [sflag:s8], $0x0  }
0x24: {  	s3 =	sadd.s32 $0x88, s3;
	s6 =	simm.s32 @!p1 $0x1082;
	[sflag:s4] =	ssyncset.s32 $0xFFFFF086  }
0x25: {  	[simem:s6], [sflag:s4] =	dma.local [hbm:s3], $0xF7A  }
0x26: {  	[smem:$0x3F89] =	sst s1;
	(tag) =	ssettag s2;
	_ =	strace s9  }
0x27: {  	s1 =	sld [smem:$0x3F99]  }
0x28: {  	s2 =	sld [smem:$0x3F9A]  }
0x29: {  	s4 =	sld [smem:$0x3F9C]  }
0x2a: {  	p0 =	seq.s32 s5, $0x0;
	s5 =	sld [smem:$0x3F9D]  }
0x2b: {  	s6 =	sld [smem:$0x3F9E]  }
0x2c: {  	s7 =	sld [smem:$0x3F9F]  }
0x2d: {  	s3 =	simm.s32 $0x108;
	s8 =	sld [smem:$0x3FA0]  }
0x2e: {  	s3 =	simm.s32 @!p0 $0x1082;
	s9 =	sld [smem:$0x3FA1]  }
0x2f: {  	lr =	sadd.s32 s0, s3;
	s0 =	sld [smem:$0x3F98]  }
0x30: {  	s3 =	sld [smem:$0x3F9B]  }
0x31: {  	[smem:$0x3FA4] =	sst s10  }
0x32: {  	s10 =	sld [smem:$0x3FA2];
	_ =	sdelay $0x3  }
0x33: {  	p0 =	seq.s32 s10, $0x1;
	s10 =	sld [smem:$0x3FA4];
	_ =	sdelay $0x3  }
0x34: {  	[smem:$0x3FA4] =	sst s10  }
0x35: {  	s10 =	sld [smem:$0x3FA3];
	_ =	sdelay $0x3  }
0x36: {  	p1 =	seq.s32 s10, $0x1;
	s10 =	sld [smem:$0x3FA4];
	_ =	sdelay $0x3  }
0x37: {  	[smem:$0x3FA4] =	sst s10  }
0x38: {  	s10 =	sld [smem:$0x3FA5]  }
0x39: {  	_ = 	snop;
	(pc) =	sbr.ind lr, $3  }
0x3a: {  	_ = 	snop  }
0x3b: {  	_ = 	snop  }
0x3c: {  	p2 =	seq.s32 s10, $0x1;
	s10 =	sld [smem:$0x3FA4]  }
0x3d: {  	_ =	shalt  }
0x3e: {  	_ =	shalt  }
0x3f: {  	_ =	shalt  }
0x40: {  	_ =	shalt  }
0x41: {  	_ =	shalt  }
0x42: {  	_ =	shalt  }
0x43: {  	_ =	shalt  }
0x44: {  	_ =	shalt  }
0x45: {  	_ =	shalt  }
0x46: {  	_ =	shalt  }
0x47: {  	_ =	shalt  }
0x48: {  	_ =	shalt  }
0x49: {  	_ =	shalt  }
0x4a: {  	_ =	shalt  }
0x4b: {  	_ =	shalt  }
0x4c: {  	_ =	shalt  }
0x4d: {  	_ =	shalt  }
0x4e: {  	_ =	shalt  }
0x4f: {  	_ =	shalt  }
0x50: {  	_ =	shalt  }
0x51: {  	_ =	shalt  }
0x52: {  	_ =	shalt  }
0x53: {  	_ =	shalt  }
0x54: {  	_ =	shalt  }
0x55: {  	_ =	shalt  }
0x56: {  	_ =	shalt  }
0x57: {  	_ =	shalt  }
0x58: {  	_ =	shalt  }
0x59: {  	_ =	shalt  }
0x5a: {  	_ =	shalt  }
0x5b: {  	_ =	shalt  }
0x5c: {  	_ =	shalt  }
0x5d: {  	_ =	shalt  }
0x5e: {  	_ =	shalt  }
0x5f: {  	_ =	shalt  }
0x60: {  	_ =	shalt  }
0x61: {  	_ =	shalt  }
0x62: {  	_ =	shalt  }
0x63: {  	_ =	shalt  }
0x64: {  	_ =	shalt  }
0x65: {  	_ =	shalt  }
0x66: {  	_ =	shalt  }
0x67: {  	_ =	shalt  }
0x68: {  	_ =	shalt  }
0x69: {  	_ =	shalt  }
0x6a: {  	_ =	shalt  }
0x6b: {  	_ =	shalt  }
0x6c: {  	_ =	shalt  }
0x6d: {  	_ =	shalt  }
0x6e: {  	_ =	shalt  }
0x6f: {  	_ =	shalt  }
0x70: {  	_ =	shalt  }
0x71: {  	_ =	shalt  }
0x72: {  	_ =	shalt  }
0x73: {  	_ =	shalt  }
0x74: {  	_ =	shalt  }
0x75: {  	_ =	shalt  }
0x76: {  	_ =	shalt  }
0x77: {  	_ =	shalt  }
0x78: {  	_ =	shalt  }
0x79: {  	_ =	shalt  }
0x7a: {  	_ =	shalt  }
0x7b: {  	_ =	shalt  }
0x7c: {  	_ =	shalt  }
0x7d: {  	_ =	shalt  }
0x7e: {  	_ =	shalt  }
0x7f: {  	_ =	shalt  }
0x80: {  	_ =	shalt  }
0x81: {  	_ =	shalt  }
0x82: {  	_ =	shalt  }
0x83: {  	_ =	shalt  }
0x84: {  	_ =	shalt  }
0x85: {  	_ =	shalt  }
0x86: {  	_ =	shalt  }
0x87: {  	_ =	shalt  }
.Lfunc_end0:
.L_simem_size_0:
called_computation.1_lowered:
.L_overlay_start_0:
0x88: {  	s2 =	sld [smem:$0x3FD9]  }
0x89: {  	s3 =	sld [smem:$0x3FFE];
	_ =	sdelay $0x1  }
0x8a: {  	s1 =	srdreg.scid  }
0x8b: {  	s0 =	sand.u32 $0x1, s1  }
0x8c: {  	s17 =	sshll.u32 s0, $0xA;
	s2 =	sadd.s32 s3, s2  }
0x8d: {  	s2 =	sadd.s32 s2, s17  }
0x8e: {  	[smem:$0x3FB0] =	sst s2  }
0x8f: {  	_ = 	snop  }
0x90: {  	s2 =	sld [smem:$0x3FD0];
	(tm) =	ssettm $0x1  }
0x91: {  	s18 =	sld [smem:$0x3FFB];
	_ =	sdelay $0x3  }
0x92: {  	_ =	strace s18  }
0x93: {  	s3 =	sld [smem:$0x3FFC];
	_ =	sdelay $0x3  }
0x94: {  	_ =	strace s3  }
0x95: {  	s3 =	sld [smem:$0x3FFD];
	_ =	sdelay $0x3  }
0x96: {  	_ =	strace s3  }
0x97: {  	_ =	strace $0x8FFFFFFF  }
0x98: {  	s19 =	sld [smem:$0x3FDB];
	_ =	sdelay $0x1  }
0x99: {  	s4 =	simm.s32 $_scs_section_size  }
0x9a: {  	s5 =	simm.s32 $_size__tile_overlayer_lowered;
	s6 =	simm.s32 $_tile_overlayer_lowered  }
0x9b: {  	s22 =	simm.s32 $0x1BFF;
	s21 =	sshll.u32 s6, $0x1;
	s3 =	sadd.s32 s4, s19  }
0x9c: {  	s7 =	simm.s32 $0x0;
	s20 =	sshll.u32 s5, $0x1;
	s5 =	sadd.s32 s21, s3  }
0x9d: {  	[timem:s7], [sflag:s22] =	dma.local [hbm:s5], s20  }
0x9e: {  	_ =	swait.ge [sflag:s22], s20  }
0x9f: {  	s4 =	ssub.s32 $0x0, s20;
	[sflag:s22] =	ssyncset.done $0x0  }
0xa0: {  	[sflag:s22] =	ssyncadd.s32 s4;
	_ =	sdelay $0x1  }
0xa1: {  	s23 =	simm.s32 $0x1B8B  }
0xa2: {  	_ =	swait.ge [sflag:s23], $0x1  }
0xa3: {  	[sflag:s23] =	ssyncset.done $0x0  }
0xa4: {  	s25 =	simm.s32 $0x1B8E;
	s24 =	sld [smem:$0x3FFE];
	[sflag:s23] =	ssyncadd.s32 $0xFFFFFFFF  }
0xa5: {  	s26 =	simm.s32 $execute0_lowered;
	[smem:$0x3FD2] =	sst s25  }
0xa6: {  	s5 =	sshll.u32 s26, $0x1;
	_ =	strace $0x80000049;
	[dreg:$0x1] =	wrdreg $0xFFFFFFFF  }
0xa7: {  	s28 =	simm.s32 $_size_execute0_lowered;
	s3 =	sadd.s32 s3, s5;
	[dreg:$0x0] =	wrdreg $0x0  }
0xa8: {  	s5 =	sshll.u32 s28, $0x1;
	[dreg:$0x2] =	wrdreg s3  }
0xa9: {  	[dreg:$0x3] =	wrdreg s5  }
0xaa: {  	[dreg:$0x4] =	wrdreg $0xC0  }
0xab: {  	_ =	task [dreg:s7], $0x5FFFF  }
0xac: {  	[dreg:$0x1] =	wrdreg $0xFFFFFFFF  }
0xad: {  	[dreg:$0x0] =	wrdreg $0x60  }
0xae: {  	[dreg:$0x2] =	wrdreg s24  }
0xaf: {  	[dreg:$0x3] =	wrdreg s2  }
0xb0: {  	[dreg:$0x4] =	wrdreg $0x0  }
0xb1: {  	[dreg:$0x5] =	wrdreg $0x9  }
0xb2: {  	_ =	task.clear_ibuf [dreg:s7], $0x6FFFF;
	_ =	strace $0x90000049  }
0xb3: {  	s29 =	simm.s32 $0x9;
	_ =	strace $0x8000004B  }
0xb4: {  	_ =	swait.ge [sflag:s29], $0x1  }
0xb5: {  	[sflag:s29] =	ssyncadd.s32 $0xFFFFFFFF  }
0xb6: {  	_ =	strace $0x9000004B  }
0xb7: {  	_ =	sfence  }
0xb8: {  	s30 =	sld [smem:$0x0];
	_ =	sdelay $0x2  }
0xb9: {  	s31 =	sshll.u32 s1, $0xD;
	s1 =	sshrl.u32 s1, $0x2  }
0xba: {  	s3 =	sand.u32 $0x4000, s31;
	s1 =	sadd.s32 s1, s30  }
0xbb: {  	s0 =	sor.u32 s3, s0;
	s1 =	sshll.u32 s1, $0x11  }
0xbc: {  	s0 =	sor.u32 s1, s0  }
0xbd: {  	s0 =	sadd.s32 $0x8F2B, s0  }
0xbe: {  	[sflag:s0] =	ssyncadd.remote.s32 $0x1  }
0xbf: {  	_ =	sfence.sel $0xFFFF  }
0xc0: {  	[dreg:$0x0] =	wrdreg $0xFFFFFFFF;
	(pc) =	sbr.abs _section_cstart, $3  }
0xc1: {  	[dreg:$0x1] =	wrdreg $0xFFFFFFFF  }
0xc2: {  	_ =	task.clear_ibuf [dreg:s7], $0x2FFFF;
	_ =	strace $0x9FFFFFFF  }
0xc3: {  	(tm) =	ssettm $0x7FFFFFFF  }
tec
execute0_lowered:
.L_overlay_start_1:
0x0: {  	(tag) =	ssettag $0x1  }
0x1: {  	s0 =	rddreg [dreg:$0x0]  }
0x2: {  	s1 =	srdreg.scid;
	s3 =	rddreg [dreg:$0x1]  }
0x3: {  	s11 =	stileid.u32;
	s2 =	rddreg [dreg:$0x2];
	s7 =	simm.s32 $0x0  }
0x4: {  	s28 =	simm.s32 $0x1;
	s29 =	simm.s32 $0x2;
	s5 =	smul.u32 $0x2710, s11  }
0x5: {  	s30 =	simm.s32 $0x3;
	s31 =	simm.s32 $0x4;
	s19 =	smul.u32 $0x14000, s11  }
0x6: {  	s1 =	sand.u32 $0x1, s1;
	[smem:$0x7FF] =	sst s7;
	s20 =	smul.u32 $0x50000, s11  }
0x7: {  	s22 =	sshll.u32 s11, $0x6;
	s12 =	sadd.s32 $0x5AF00, s0;
	s4 =	smul.u32 $0x27100, s1  }
0x8: {  	s16 =	sadd.s32 $0x82000, s0;
	s6 =	smul.u32 $0x3C0000, s1;
	s1 =	ssub.s32 $0x2, s1  }
0x9: {  	_ =	strace $0x8000004A;
	s21 =	sshrl.u32 s1, $0x1;
	s7 =	sshrl.u32 s20, $0x2  }
0xa: {  	s20 =	simm.s32 $0x5;
	s5 =	sadd.s32 s5, s4;
	s4 =	sadd.s32 $0x33E00, s0  }
0xb: {  	s6 =	sadd.s32 s19, s6;
	s1 =	ssub.s32 s1, s21;
	s7 =	sadd.s32 s7, s2  }
0xc: {  	s21 =	simm.s32 $0x19000;
	s8 =	sshrl.u32 s5, $0x3;
	s5 =	sadd.s32 $0xA9200, s0  }
0xd: {  	s6 =	sshrl.u32 s6, $0x3;
	s18 =	smax.u32 s1, $0x1;
	s19 =	sshrl.u32 s7, $0x3  }
0xe: {  	s1 =	simm.s32 $0x1DDA0;
	s7 =	simm.s32 $0x1DE40;
	s9 =	sadd.s32 s8, s0  }
0xf: {  	s10 =	sadd.s32 s6, s0;
	s6 =	sor.u32 $0x1C05, s22;
	s3 =	sadd.s32 s3, s8  }
0x10: {  	s22 =	simm.s32 $0x1B780;
	s0 =	simm.s32 $0x1DDF0;
	s8 =	simm.s32 $0x0  }
0x11: {  	s23 =	sadd.s32 $0x2800, s9;
	[dreg:$0x5] =	wrdreg s3;
	s24 =	sadd.s32 $0xABA00, s10  }
0x12: {  	s25 =	sadd.s32 $0x20200, s9;
	s26 =	sadd.s32 $0x2A000, s9;
	[dreg:$0x4] =	wrdreg s23  }
0x13: {  	s13 =	sadd.s32 $0xD3A00, s10;
	s14 =	sadd.s32 $0x16400, s9;
	[dreg:$0x6] =	wrdreg s24  }
0x14: {  	s15 =	sadd.s32 $0xC600, s9;
	s17 =	sadd.s32 $0xFBA00, s10;
	[dreg:$0x7] =	wrdreg s25  }
0x15: {  	s3 =	simm.s32 $0x1B6C0;
	[dreg:$0x8] =	wrdreg s26;
	s23 =	simm.s32 $0x50  }
0x16: {  	s24 =	simm.s32 $0x14000;
	s25 =	simm.s32 $0x19050;
	s26 =	simm.s32 $0x16800  }
.LBB2_1:
0x17: {  	[spmem:s19], [sflag:s6] =	dma.local [hbm:s5], $0x2800  }
0x18: {  	_ =	swait.ge [sflag:s20], $0x2800  }
0x19: {  	[sflag:s20] =	ssyncset.done $0x0  }
0x1a: {  	s9 =	simm.s32 $0x0;
	s10 =	rddreg [dreg:$0x4];
	[sflag:s20] =	ssyncadd.s32 $0xFFFFD800  }
0x1b: {  	[tilespmem:s21], [sflag:$0x5] =	stream.linear.gather [hbm4b:s10+s9], $0x2710, $0x38;
	[tilespmem:$0x1DF00] =	vst v63  }
0x1c: {  	_ =	swait.ge [sflag:s20], $0x2710  }
0x1d: {  	[sflag:s20] =	ssyncset.done $0x0  }
0x1e: {  	s11 =	rddreg [dreg:$0x5];
	[sflag:s20] =	ssyncadd.s32 $0xFFFFD8F0  }
0x1f: {  	[tilespmem:s22], [sflag:$0x5] =	stream.linear.gather [hbm4b:s11+s9], $0x2710, $0x38;
	[tilespmem:$0x1DF00] =	vst v63  }
0x20: {  	_ =	swait.ge [sflag:s20], $0x2710  }
0x21: {  	[sflag:s20] =	ssyncset.done $0x0  }
0x22: {  	[sflag:s20] =	ssyncadd.s32 $0xFFFFD8F0  }
0x23: {  	[bflag:$0x0] =	sbarrier.arrive $0xFFFF  }
0x24: {  	[tilespmem:s24], [sflag:$0x1] =	stream.indirect.gather [hbm4b:s4+s23], $0x80, s21, s23, $0xb8;
	[tilespmem:$0x1DF00] =	vst v63  }
0x25: {  	_ = 	snop  }
0x26: {  	[tilespmem:s26], [sflag:$0x2] =	stream.indirect.gather [hbm4b:s4+s23], $0x80, s25, s23, $0xb8;
	[tilespmem:$0x1DF00] =	vst v63  }
0x27: {  	_ =	swait.ge [sflag:s28], $0x2800  }
0x28: {  	[sflag:s28] =	ssyncset.done $0x0  }
0x29: {  	s11 =	simm.s32 $0x1B780;
	[sflag:s28] =	ssyncadd.s32 $0xFFFFD800  }
0x2a: {  	[spmem:s2] =	stream.indirect.scatter.add.f32 [tilespmem:s24], [sflag:$0x3], $0x80, s11, s23, $0xb8;
	[tilespmem:$0x1DF00] =	vst v63  }
0x2b: {  	_ =	swait.ge [sflag:s29], $0x2800  }
0x2c: {  	[sflag:s29] =	ssyncset.done $0x0  }
0x2d: {  	s10 =	simm.s32 $0x1B7D0;
	[sflag:s29] =	ssyncadd.s32 $0xFFFFD800  }
0x2e: {  	[spmem:s2] =	stream.indirect.scatter.add.f32 [tilespmem:s26], [sflag:$0x4], $0x80, s10, s23, $0xb8;
	[tilespmem:$0x1DF00] =	vst v63  }
0x2f: {  	_ =	swait.ge [sflag:s30], $0x2800  }
0x30: {  	[sflag:s30] =	ssyncset.done $0x0  }
0x31: {  	s11 =	simm.s32 $0x190A0;
	[sflag:s30] =	ssyncadd.s32 $0xFFFFD800  }
0x32: {  	[tilespmem:s24], [sflag:$0x1] =	stream.indirect.gather [hbm4b:s4+s23], $0x80, s11, s23, $0xb8;
	[tilespmem:$0x1DF00] =	vst v63  }
0x33: {  	_ =	swait.ge [sflag:s31], $0x2800  }
0x34: {  	[sflag:s31] =	ssyncset.done $0x0  }
0x35: {  	s9 =	simm.s32 $0x280;
	s10 =	simm.s32 $0x190F0;
	[sflag:s31] =	ssyncadd.s32 $0xFFFFD800  }
.LBB2_2:
0x36: {  	[tilespmem:s26], [sflag:$0x2] =	stream.indirect.gather [hbm4b:s4+s23], $0x80, s10, s23, $0xb8;
	[tilespmem:$0x1DF00] =	vst v63  }
0x37: {  	s10 =	smov.u32 s9  }
0x38: {  	p0 =	sne.s32 s9, $0x9600;
	s9 =	sadd.s32 $0x280, s9;
	_ =	swait.ge [sflag:s28], $0x2800  }
0x39: {  	s10 =	sshra.s32 s10, $0x2;
	[sflag:s28] =	ssyncset.done $0x0  }
0x3a: {  	s11 =	sadd.s32 $0x1B780, s10;
	[sflag:s28] =	ssyncadd.s32 $0xFFFFD800  }
0x3b: {  	[spmem:s2] =	stream.indirect.scatter.add.f32 [tilespmem:s24], [sflag:$0x3], $0x80, s11, s23, $0xb8;
	[tilespmem:$0x1DF00] =	vst v63  }
0x3c: {  	_ =	swait.ge [sflag:s29], $0x2800  }
0x3d: {  	[sflag:s29] =	ssyncset.done $0x0  }
0x3e: {  	s11 =	sadd.s32 $0x1B7D0, s10;
	[sflag:s29] =	ssyncadd.s32 $0xFFFFD800  }
0x3f: {  	[spmem:s2] =	stream.indirect.scatter.add.f32 [tilespmem:s26], [sflag:$0x4], $0x80, s11, s23, $0xb8;
	[tilespmem:$0x1DF00] =	vst v63  }
0x40: {  	_ =	swait.ge [sflag:s30], $0x2800  }
0x41: {  	[sflag:s30] =	ssyncset.done $0x0  }
.Ltmp0:
0x42: {  	s11 =	sadd.s32 $0x190A0, s10;
	[sflag:s30] =	ssyncadd.s32 $0xFFFFD800;
	(pc) =	sbr.rel @p0 .LBB2_2-.Ltmp0, $4  }
0x43: {  	[tilespmem:s24], [sflag:$0x1] =	stream.indirect.gather [hbm4b:s4+s23], $0x80, s11, s23, $0xb8;
	[tilespmem:$0x1DF00] =	vst v63  }
0x44: {  	_ =	swait.ge [sflag:s31], $0x2800  }
0x45: {  	[sflag:s31] =	ssyncset.done $0x0  }
0x46: {  	s10 =	sadd.s32 $0x190F0, s10;
	[sflag:s31] =	ssyncadd.s32 $0xFFFFD800  }
0x47: {  	[tilespmem:s26], [sflag:$0x2] =	stream.indirect.gather [hbm4b:s4+s23], $0x80, s10, s23, $0xb8;
	[tilespmem:$0x1DF00] =	vst v63  }
0x48: {  	_ =	swait.ge [sflag:s28], $0x2800  }
0x49: {  	[sflag:s28] =	ssyncset.done $0x0  }
0x4a: {  	[sflag:s28] =	ssyncadd.s32 $0xFFFFD800  }
0x4b: {  	[spmem:s2] =	stream.indirect.scatter.add.f32 [tilespmem:s24], [sflag:$0x3], $0x80, s1, s23, $0xb8;
	[tilespmem:$0x1DF00] =	vst v63  }
0x4c: {  	_ =	swait.ge [sflag:s29], $0x2800  }
0x4d: {  	[sflag:s29] =	ssyncset.done $0x0  }
0x4e: {  	[sflag:s29] =	ssyncadd.s32 $0xFFFFD800  }
0x4f: {  	[spmem:s2] =	stream.indirect.scatter.add.f32 [tilespmem:s26], [sflag:$0x4], $0x80, s0, s23, $0xb8;
	[tilespmem:$0x1DF00] =	vst v63  }
0x50: {  	_ =	swait.ge [sflag:s30], $0x2800  }
0x51: {  	[sflag:s30] =	ssyncset.done $0x0  }
0x52: {  	[sflag:s30] =	ssyncadd.s32 $0xFFFFD800  }
0x53: {  	[tilespmem:s24], [sflag:$0x1] =	stream.indirect.gather [hbm4b:s4+s23], $0x80, s3, s23, $0xb8;
	[tilespmem:$0x1DF00] =	vst v63  }
0x54: {  	_ =	swait.ge [sflag:s31], $0x2800  }
0x55: {  	[sflag:s31] =	ssyncset.done $0x0  }
0x56: {  	[sflag:s31] =	ssyncadd.s32 $0xFFFFD800  }
0x57: {  	_ =	swait.ge [sflag:s28], $0x2800  }
0x58: {  	[sflag:s28] =	ssyncset.done $0x0  }
0x59: {  	[sflag:s28] =	ssyncadd.s32 $0xFFFFD800  }
0x5a: {  	[spmem:s2] =	stream.indirect.scatter.add.f32 [tilespmem:s24], [sflag:$0x3], $0x80, s7, s23, $0xb8;
	[tilespmem:$0x1DF00] =	vst v63  }
0x5b: {  	_ =	swait.ge [sflag:s30], $0x2800  }
0x5c: {  	[sflag:s30] =	ssyncset.done $0x0  }
0x5d: {  	[sflag:s30] =	ssyncadd.s32 $0xFFFFD800  }
0x5e: {  	[bflag:$0x0] =	sbarrier.arrive $0xFFFF  }
0x5f: {  	s9 =	rddreg [dreg:$0x6]  }
0x60: {  	[hbm:s9], [sflag:s6] =	dma.local [spmem:s19], $0x2800  }
0x61: {  	_ =	swait.ge [sflag:s20], $0x2800  }
0x62: {  	[sflag:s20] =	ssyncset.done $0x0  }
0x63: {  	[sflag:s20] =	ssyncadd.s32 $0xFFFFD800  }
0x64: {  	[bflag:$0x0] =	sbarrier.arrive $0xFFFF  }
0x65: {  	[spmem:s19], [sflag:s6] =	dma.local [hbm:s5], $0x2800  }
0x66: {  	_ =	swait.ge [sflag:s20], $0x2800  }
0x67: {  	[sflag:s20] =	ssyncset.done $0x0  }
0x68: {  	s9 =	simm.s32 $0x0;
	s11 =	rddreg [dreg:$0x7];
	[sflag:s20] =	ssyncadd.s32 $0xFFFFD800  }
0x69: {  	[tilespmem:s21], [sflag:$0x5] =	stream.linear.gather [hbm4b:s11+s9], $0x2710, $0x38;
	[tilespmem:$0x1DF00] =	vst v63  }
0x6a: {  	_ =	swait.ge [sflag:s20], $0x2710  }
0x6b: {  	[sflag:s20] =	ssyncset.done $0x0  }
0x6c: {  	s11 =	rddreg [dreg:$0x8];
	[sflag:s20] =	ssyncadd.s32 $0xFFFFD8F0  }
0x6d: {  	[tilespmem:s22], [sflag:$0x5] =	stream.linear.gather [hbm4b:s11+s9], $0x2710, $0x38;
	[tilespmem:$0x1DF00] =	vst v63  }
0x6e: {  	_ =	swait.ge [sflag:s20], $0x2710  }
0x6f: {  	[sflag:s20] =	ssyncset.done $0x0  }
0x70: {  	[sflag:s20] =	ssyncadd.s32 $0xFFFFD8F0  }
0x71: {  	[bflag:$0x0] =	sbarrier.arrive $0xFFFF  }
0x72: {  	[tilespmem:s24], [sflag:$0x1] =	stream.indirect.gather [hbm4b:s12+s23], $0x80, s21, s23, $0xb8;
	[tilespmem:$0x1DF00] =	vst v63  }
0x73: {  	_ = 	snop  }
0x74: {  	[tilespmem:s26], [sflag:$0x2] =	stream.indirect.gather [hbm4b:s12+s23], $0x80, s25, s23, $0xb8;
	[tilespmem:$0x1DF00] =	vst v63  }
0x75: {  	_ =	swait.ge [sflag:s28], $0x2800  }
0x76: {  	[sflag:s28] =	ssyncset.done $0x0  }
0x77: {  	s11 =	simm.s32 $0x1B780;
	[sflag:s28] =	ssyncadd.s32 $0xFFFFD800  }
0x78: {  	[spmem:s2] =	stream.indirect.scatter.add.f32 [tilespmem:s24], [sflag:$0x3], $0x80, s11, s23, $0xb8;
	[tilespmem:$0x1DF00] =	vst v63  }
0x79: {  	_ =	swait.ge [sflag:s29], $0x2800  }
0x7a: {  	[sflag:s29] =	ssyncset.done $0x0  }
0x7b: {  	s10 =	simm.s32 $0x1B7D0;
	[sflag:s29] =	ssyncadd.s32 $0xFFFFD800  }
0x7c: {  	[spmem:s2] =	stream.indirect.scatter.add.f32 [tilespmem:s26], [sflag:$0x4], $0x80, s10, s23, $0xb8;
	[tilespmem:$0x1DF00] =	vst v63  }
0x7d: {  	_ =	swait.ge [sflag:s30], $0x2800  }
0x7e: {  	[sflag:s30] =	ssyncset.done $0x0  }
0x7f: {  	s11 =	simm.s32 $0x190A0;
	[sflag:s30] =	ssyncadd.s32 $0xFFFFD800  }
0x80: {  	[tilespmem:s24], [sflag:$0x1] =	stream.indirect.gather [hbm4b:s12+s23], $0x80, s11, s23, $0xb8;
	[tilespmem:$0x1DF00] =	vst v63  }
0x81: {  	_ =	swait.ge [sflag:s31], $0x2800  }
0x82: {  	[sflag:s31] =	ssyncset.done $0x0  }
0x83: {  	s9 =	simm.s32 $0x280;
	s10 =	simm.s32 $0x190F0;
	[sflag:s31] =	ssyncadd.s32 $0xFFFFD800  }
.LBB2_4:
0x84: {  	[tilespmem:s26], [sflag:$0x2] =	stream.indirect.gather [hbm4b:s12+s23], $0x80, s10, s23, $0xb8;
	[tilespmem:$0x1DF00] =	vst v63  }
0x85: {  	s10 =	smov.u32 s9  }
0x86: {  	p0 =	sne.s32 s9, $0x9600;
	s9 =	sadd.s32 $0x280, s9;
	_ =	swait.ge [sflag:s28], $0x2800  }
0x87: {  	s10 =	sshra.s32 s10, $0x2;
	[sflag:s28] =	ssyncset.done $0x0  }
0x88: {  	s11 =	sadd.s32 $0x1B780, s10;
	[sflag:s28] =	ssyncadd.s32 $0xFFFFD800  }
0x89: {  	[spmem:s2] =	stream.indirect.scatter.add.f32 [tilespmem:s24], [sflag:$0x3], $0x80, s11, s23, $0xb8;
	[tilespmem:$0x1DF00] =	vst v63  }
0x8a: {  	_ =	swait.ge [sflag:s29], $0x2800  }
0x8b: {  	[sflag:s29] =	ssyncset.done $0x0  }
0x8c: {  	s11 =	sadd.s32 $0x1B7D0, s10;
	[sflag:s29] =	ssyncadd.s32 $0xFFFFD800  }
0x8d: {  	[spmem:s2] =	stream.indirect.scatter.add.f32 [tilespmem:s26], [sflag:$0x4], $0x80, s11, s23, $0xb8;
	[tilespmem:$0x1DF00] =	vst v63  }
0x8e: {  	_ =	swait.ge [sflag:s30], $0x2800  }
0x8f: {  	[sflag:s30] =	ssyncset.done $0x0  }
.Ltmp1:
0x90: {  	s11 =	sadd.s32 $0x190A0, s10;
	[sflag:s30] =	ssyncadd.s32 $0xFFFFD800;
	(pc) =	sbr.rel @p0 .LBB2_4-.Ltmp1, $4  }
0x91: {  	[tilespmem:s24], [sflag:$0x1] =	stream.indirect.gather [hbm4b:s12+s23], $0x80, s11, s23, $0xb8;
	[tilespmem:$0x1DF00] =	vst v63  }
0x92: {  	_ =	swait.ge [sflag:s31], $0x2800  }
0x93: {  	[sflag:s31] =	ssyncset.done $0x0  }
0x94: {  	s10 =	sadd.s32 $0x190F0, s10;
	[sflag:s31] =	ssyncadd.s32 $0xFFFFD800  }
0x95: {  	[tilespmem:s26], [sflag:$0x2] =	stream.indirect.gather [hbm4b:s12+s23], $0x80, s10, s23, $0xb8;
	[tilespmem:$0x1DF00] =	vst v63  }
0x96: {  	_ =	swait.ge [sflag:s28], $0x2800  }
0x97: {  	[sflag:s28] =	ssyncset.done $0x0  }
0x98: {  	[sflag:s28] =	ssyncadd.s32 $0xFFFFD800  }
0x99: {  	[spmem:s2] =	stream.indirect.scatter.add.f32 [tilespmem:s24], [sflag:$0x3], $0x80, s1, s23, $0xb8;
	[tilespmem:$0x1DF00] =	vst v63  }
0x9a: {  	_ =	swait.ge [sflag:s29], $0x2800  }
0x9b: {  	[sflag:s29] =	ssyncset.done $0x0  }
0x9c: {  	[sflag:s29] =	ssyncadd.s32 $0xFFFFD800  }
0x9d: {  	[spmem:s2] =	stream.indirect.scatter.add.f32 [tilespmem:s26], [sflag:$0x4], $0x80, s0, s23, $0xb8;
	[tilespmem:$0x1DF00] =	vst v63  }
0x9e: {  	_ =	swait.ge [sflag:s30], $0x2800  }
0x9f: {  	[sflag:s30] =	ssyncset.done $0x0  }
0xa0: {  	[sflag:s30] =	ssyncadd.s32 $0xFFFFD800  }
0xa1: {  	[tilespmem:s24], [sflag:$0x1] =	stream.indirect.gather [hbm4b:s12+s23], $0x80, s3, s23, $0xb8;
	[tilespmem:$0x1DF00] =	vst v63  }
0xa2: {  	_ =	swait.ge [sflag:s31], $0x2800  }
0xa3: {  	[sflag:s31] =	ssyncset.done $0x0  }
0xa4: {  	[sflag:s31] =	ssyncadd.s32 $0xFFFFD800  }
0xa5: {  	_ =	swait.ge [sflag:s28], $0x2800  }
0xa6: {  	[sflag:s28] =	ssyncset.done $0x0  }
0xa7: {  	[sflag:s28] =	ssyncadd.s32 $0xFFFFD800  }
0xa8: {  	[spmem:s2] =	stream.indirect.scatter.add.f32 [tilespmem:s24], [sflag:$0x3], $0x80, s7, s23, $0xb8;
	[tilespmem:$0x1DF00] =	vst v63  }
0xa9: {  	_ =	swait.ge [sflag:s30], $0x2800  }
0xaa: {  	[sflag:s30] =	ssyncset.done $0x0  }
0xab: {  	[sflag:s30] =	ssyncadd.s32 $0xFFFFD800  }
0xac: {  	[bflag:$0x0] =	sbarrier.arrive $0xFFFF  }
0xad: {  	[hbm:s13], [sflag:s6] =	dma.local [spmem:s19], $0x2800  }
0xae: {  	_ =	swait.ge [sflag:s20], $0x2800  }
0xaf: {  	[sflag:s20] =	ssyncset.done $0x0  }
0xb0: {  	[sflag:s20] =	ssyncadd.s32 $0xFFFFD800  }
0xb1: {  	[bflag:$0x0] =	sbarrier.arrive $0xFFFF  }
0xb2: {  	[spmem:s19], [sflag:s6] =	dma.local [hbm:s5], $0x2800  }
0xb3: {  	_ =	swait.ge [sflag:s20], $0x2800  }
0xb4: {  	[sflag:s20] =	ssyncset.done $0x0  }
0xb5: {  	s9 =	simm.s32 $0x0;
	[sflag:s20] =	ssyncadd.s32 $0xFFFFD800  }
0xb6: {  	[tilespmem:s21], [sflag:$0x5] =	stream.linear.gather [hbm4b:s14+s9], $0x2710, $0x38;
	[tilespmem:$0x1DF00] =	vst v63  }
0xb7: {  	_ =	swait.ge [sflag:s20], $0x2710  }
0xb8: {  	[sflag:s20] =	ssyncset.done $0x0  }
0xb9: {  	[sflag:s20] =	ssyncadd.s32 $0xFFFFD8F0  }
0xba: {  	[tilespmem:s22], [sflag:$0x5] =	stream.linear.gather [hbm4b:s15+s9], $0x2710, $0x38;
	[tilespmem:$0x1DF00] =	vst v63  }
0xbb: {  	_ =	swait.ge [sflag:s20], $0x2710  }
0xbc: {  	[sflag:s20] =	ssyncset.done $0x0  }
0xbd: {  	[sflag:s20] =	ssyncadd.s32 $0xFFFFD8F0  }
0xbe: {  	[bflag:$0x0] =	sbarrier.arrive $0xFFFF  }
0xbf: {  	[tilespmem:s24], [sflag:$0x1] =	stream.indirect.gather [hbm4b:s16+s23], $0x80, s21, s23, $0xb8;
	[tilespmem:$0x1DF00] =	vst v63  }
0xc0: {  	_ = 	snop  }
0xc1: {  	[tilespmem:s26], [sflag:$0x2] =	stream.indirect.gather [hbm4b:s16+s23], $0x80, s25, s23, $0xb8;
	[tilespmem:$0x1DF00] =	vst v63  }
0xc2: {  	_ =	swait.ge [sflag:s28], $0x2800  }
0xc3: {  	[sflag:s28] =	ssyncset.done $0x0  }
0xc4: {  	s11 =	simm.s32 $0x1B780;
	[sflag:s28] =	ssyncadd.s32 $0xFFFFD800  }
0xc5: {  	[spmem:s2] =	stream.indirect.scatter.add.f32 [tilespmem:s24], [sflag:$0x3], $0x80, s11, s23, $0xb8;
	[tilespmem:$0x1DF00] =	vst v63  }
0xc6: {  	_ =	swait.ge [sflag:s29], $0x2800  }
0xc7: {  	[sflag:s29] =	ssyncset.done $0x0  }
0xc8: {  	s10 =	simm.s32 $0x1B7D0;
	[sflag:s29] =	ssyncadd.s32 $0xFFFFD800  }
0xc9: {  	[spmem:s2] =	stream.indirect.scatter.add.f32 [tilespmem:s26], [sflag:$0x4], $0x80, s10, s23, $0xb8;
	[tilespmem:$0x1DF00] =	vst v63  }
0xca: {  	_ =	swait.ge [sflag:s30], $0x2800  }
0xcb: {  	[sflag:s30] =	ssyncset.done $0x0  }
0xcc: {  	s11 =	simm.s32 $0x190A0;
	[sflag:s30] =	ssyncadd.s32 $0xFFFFD800  }
0xcd: {  	[tilespmem:s24], [sflag:$0x1] =	stream.indirect.gather [hbm4b:s16+s23], $0x80, s11, s23, $0xb8;
	[tilespmem:$0x1DF00] =	vst v63  }
0xce: {  	_ =	swait.ge [sflag:s31], $0x2800  }
0xcf: {  	[sflag:s31] =	ssyncset.done $0x0  }
0xd0: {  	s9 =	simm.s32 $0x280;
	s10 =	simm.s32 $0x190F0;
	[sflag:s31] =	ssyncadd.s32 $0xFFFFD800  }
.LBB2_6:
0xd1: {  	[tilespmem:s26], [sflag:$0x2] =	stream.indirect.gather [hbm4b:s16+s23], $0x80, s10, s23, $0xb8;
	[tilespmem:$0x1DF00] =	vst v63  }
0xd2: {  	s10 =	smov.u32 s9  }
0xd3: {  	p0 =	sne.s32 s9, $0x9600;
	s9 =	sadd.s32 $0x280, s9;
	_ =	swait.ge [sflag:s28], $0x2800  }
0xd4: {  	s10 =	sshra.s32 s10, $0x2;
	[sflag:s28] =	ssyncset.done $0x0  }
0xd5: {  	s11 =	sadd.s32 $0x1B780, s10;
	[sflag:s28] =	ssyncadd.s32 $0xFFFFD800  }
0xd6: {  	[spmem:s2] =	stream.indirect.scatter.add.f32 [tilespmem:s24], [sflag:$0x3], $0x80, s11, s23, $0xb8;
	[tilespmem:$0x1DF00] =	vst v63  }
0xd7: {  	_ =	swait.ge [sflag:s29], $0x2800  }
0xd8: {  	[sflag:s29] =	ssyncset.done $0x0  }
0xd9: {  	s11 =	sadd.s32 $0x1B7D0, s10;
	[sflag:s29] =	ssyncadd.s32 $0xFFFFD800  }
0xda: {  	[spmem:s2] =	stream.indirect.scatter.add.f32 [tilespmem:s26], [sflag:$0x4], $0x80, s11, s23, $0xb8;
	[tilespmem:$0x1DF00] =	vst v63  }
0xdb: {  	_ =	swait.ge [sflag:s30], $0x2800  }
0xdc: {  	[sflag:s30] =	ssyncset.done $0x0  }
.Ltmp2:
0xdd: {  	s11 =	sadd.s32 $0x190A0, s10;
	[sflag:s30] =	ssyncadd.s32 $0xFFFFD800;
	(pc) =	sbr.rel @p0 .LBB2_6-.Ltmp2, $4  }
0xde: {  	[tilespmem:s24], [sflag:$0x1] =	stream.indirect.gather [hbm4b:s16+s23], $0x80, s11, s23, $0xb8;
	[tilespmem:$0x1DF00] =	vst v63  }
0xdf: {  	_ =	swait.ge [sflag:s31], $0x2800  }
0xe0: {  	[sflag:s31] =	ssyncset.done $0x0  }
0xe1: {  	s10 =	sadd.s32 $0x190F0, s10;
	[sflag:s31] =	ssyncadd.s32 $0xFFFFD800  }
0xe2: {  	[tilespmem:s26], [sflag:$0x2] =	stream.indirect.gather [hbm4b:s16+s23], $0x80, s10, s23, $0xb8;
	[tilespmem:$0x1DF00] =	vst v63  }
0xe3: {  	_ =	swait.ge [sflag:s28], $0x2800  }
0xe4: {  	[sflag:s28] =	ssyncset.done $0x0  }
0xe5: {  	[sflag:s28] =	ssyncadd.s32 $0xFFFFD800  }
0xe6: {  	[spmem:s2] =	stream.indirect.scatter.add.f32 [tilespmem:s24], [sflag:$0x3], $0x80, s1, s23, $0xb8;
	[tilespmem:$0x1DF00] =	vst v63  }
0xe7: {  	_ =	swait.ge [sflag:s29], $0x2800  }
0xe8: {  	[sflag:s29] =	ssyncset.done $0x0  }
0xe9: {  	[sflag:s29] =	ssyncadd.s32 $0xFFFFD800  }
0xea: {  	[spmem:s2] =	stream.indirect.scatter.add.f32 [tilespmem:s26], [sflag:$0x4], $0x80, s0, s23, $0xb8;
	[tilespmem:$0x1DF00] =	vst v63  }
0xeb: {  	_ =	swait.ge [sflag:s30], $0x2800  }
0xec: {  	[sflag:s30] =	ssyncset.done $0x0  }
0xed: {  	[sflag:s30] =	ssyncadd.s32 $0xFFFFD800  }
0xee: {  	[tilespmem:s24], [sflag:$0x1] =	stream.indirect.gather [hbm4b:s16+s23], $0x80, s3, s23, $0xb8;
	[tilespmem:$0x1DF00] =	vst v63  }
0xef: {  	_ =	swait.ge [sflag:s31], $0x2800  }
0xf0: {  	[sflag:s31] =	ssyncset.done $0x0  }
0xf1: {  	[sflag:s31] =	ssyncadd.s32 $0xFFFFD800  }
0xf2: {  	_ =	swait.ge [sflag:s28], $0x2800  }
0xf3: {  	[sflag:s28] =	ssyncset.done $0x0  }
0xf4: {  	[sflag:s28] =	ssyncadd.s32 $0xFFFFD800  }
0xf5: {  	[spmem:s2] =	stream.indirect.scatter.add.f32 [tilespmem:s24], [sflag:$0x3], $0x80, s7, s23, $0xb8;
	[tilespmem:$0x1DF00] =	vst v63  }
0xf6: {  	_ =	swait.ge [sflag:s30], $0x2800  }
0xf7: {  	[sflag:s30] =	ssyncset.done $0x0  }
0xf8: {  	s8 =	sadd.s32 $0x1, s8;
	[sflag:s30] =	ssyncadd.s32 $0xFFFFD800  }
0xf9: {  	p0 =	sne.s32 s8, s18;
	[bflag:$0x0] =	sbarrier.arrive $0xFFFF  }
0xfa: {  	[hbm:s17], [sflag:s6] =	dma.local [spmem:s19], $0x2800  }
.Ltmp3:
0xfb: {  	_ =	swait.ge [sflag:s20], $0x2800;
	(pc) =	sbr.rel @p0 .LBB2_1-.Ltmp3, $3  }
0xfc: {  	[sflag:s20] =	ssyncset.done $0x0  }
0xfd: {  	[sflag:s20] =	ssyncadd.s32 $0xFFFFD800  }
0xfe: {  	[bflag:$0x0] =	sbarrier.arrive $0xFFFF;
	_ =	sdelay $0x1  }
0xff: {  	_ =	sfence.sel $0x180000  }
0x100: {  	[bflag:$0x0] =	sbarrier.arrive $0xFFFF  }
0x101: {  	_ =	strace $0x9000004A  }
0x102: {  	s0 =	stileid.u32;
	[bflag:$0x2] =	sbarrier.arrive $0xFFFF  }
0x103: {  	p0 =	sne.s32 s0, $0x0;
	s0 =	rddreg [dreg:$0x3]  }
0x104: {  	s0 =	sadd.s32 @!p0 $0x100000, s0  }
0x105: {  	[sflag:s0] =	ssyncadd.tile.s32 @!p0 $0x1;
	_ =	shalt  }
.Lfunc_end2:
_tile_overlayer_lowered:
.L_overlay_start_2:
0x106: {  	(tag) =	ssettag $0x2  }
0x107: {  	s0 =	rddreg [dreg:$0x0];
	s2 =	stileid.u32  }
0x108: {  	s1 =	rddreg [dreg:$0x1];
	p0 =	sne.s32 s2, $0x0  }
0x109: {  	s3 =	rddreg [dreg:$0x2];
	[bflag:$0x3] =	sbarrier.arrive $0xFFFF;
	s2 =	simm.s32 @!p0 $0x1C05  }
0x10a: {  	[timem:s3], [sflag:s2] =	dma.local @!p0 [hbm:s0], s1  }
0x10b: {  	s0 =	simm.s32 @!p0 $0x5  }
0x10c: {  	_ =	swait.ge @!p0 [sflag:s0], s1  }
0x10d: {  	s1 =	ssub.s32 @!p0 $0x0, s1;
	[sflag:s0] =	ssyncset.done @!p0 $0x0  }
0x10e: {  	[sflag:s0] =	ssyncadd.s32 @!p0 s1  }
0x10f: {  	[bflag:$0x3] =	sbarrier.arrive $0xFFFF  }
0x110: {  	_ =	shalt  }

// kernel: kernel.18.cloned.1.call-start
scs
__scs_entry_jumppad:
0x0: {  	(pc) =	sbr.rel $0x88, $3  }
0x1: {  	(tag) =	ssettag $0x0;
	lr =	simm.s32 $0x1  }
0x2: {  	[smem:$0x3F89] =	sst lr;
	_ =	strace $0xD0000000  }
0x3: {  	_ = 	snop  }
0x4: {  	_ = 	snop  }
0x5: {  	_ = 	snop  }
0x6: {  	_ = 	snop  }
0x7: {  	_ = 	snop  }
__scs_overlays_trampoline_lowered:
0x8: {  	[smem:$0x3F98] =	sst s0  }
0x9: {  	[smem:$0x3F99] =	sst s1  }
0xa: {  	[smem:$0x3F9A] =	sst s2  }
0xb: {  	[smem:$0x3F9B] =	sst s3  }
0xc: {  	[smem:$0x3F9C] =	sst s4  }
0xd: {  	[smem:$0x3F9D] =	sst s5  }
0xe: {  	[smem:$0x3F9E] =	sst s6  }
0xf: {  	[smem:$0x3F9F] =	sst s7  }
0x10: {  	[smem:$0x3FA0] =	sst s8  }
0x11: {  	[smem:$0x3FA1] =	sst s9;
	s0 =	simm.s32 @!p0 $0x0  }
0x12: {  	s1 =	sld [smem:$0x3F87];
	s0 =	simm.s32 @p0 $0x1  }
0x13: {  	[smem:$0x3FA2] =	sst s0;
	s0 =	simm.s32 @!p1 $0x0  }
0x14: {  	s2 =	sld [smem:$0x3F86];
	s0 =	simm.s32 @p1 $0x1  }
0x15: {  	[smem:$0x3FA3] =	sst s0;
	s0 =	simm.s32 @!p2 $0x0  }
0x16: {  	s3 =	sld [smem:$0x3FDB];
	s0 =	simm.s32 @p2 $0x1  }
0x17: {  	s4 =	simm.s32 $0x1BF5;
	[smem:$0x3FA5] =	sst s0  }
0x18: {  	s0 =	sld [smem:$0x3F88];
	_ =	swait.ge [sflag:s4], $0x0  }
0x19: {  	s7 =	sld [smem:$0x3F89]  }
0x1a: {  	s8 =	sadd.s32 $0xFFFFE003, lr  }
0x1b: {  	s9 =	sadd.s32 $0xFFFFFEF7, lr;
	s5 =	simm.s32 $0xFFFFFFFF;
	p2 =	slt.u32 s8, $0xFFFFF086  }
0x1c: {  	p1 =	slt.u32 s9, $0xF7A;
	s5 =	simm.s32 @!p2 $0x0  }
0x1d: {  	s5 =	simm.s32 @p1 $0x1;
	p0 =	seq.s32 s7, s2  }
0x1e: {  	s7 =	smul.u32 @!p0 $0xF7A, s2;
	p2 =	seq.s32 @!p0 s5, $0x0  }
0x1f: {  	s9 =	smul.u32 $0xF7A, s1;
	s8 =	simm.s32 @!p0 $0x1BF5;
	p2 =	por !p2, p0  }
0x20: {  	[sflag:s8] =	ssyncset.s32 @!p0 $0xFFFFF086;
	s6 =	sadd.s32 @!p0 s3, s7;
	s7 =	simm.s32 @!p0 $0x108  }
0x21: {  	s3 =	sadd.s32 s3, s9;
	s6 =	sadd.s32 @!p0 $0x88, s6;
	s7 =	simm.s32 @p2 $0x1082  }
0x22: {  	[simem:s7], [sflag:s8] =	dma.local @!p0 [hbm:s6], $0xF7A  }
0x23: {  	s9 =	sor.u32 $0xD0000000, s2;
	s6 =	simm.s32 $0x108;
	_ =	swait.ge @!p0 [sflag:s8], $0x0  }
0x24: {  	s3 =	sadd.s32 $0x88, s3;
	s6 =	simm.s32 @!p1 $0x1082;
	[sflag:s4] =	ssyncset.s32 $0xFFFFF086  }
0x25: {  	[simem:s6], [sflag:s4] =	dma.local [hbm:s3], $0xF7A  }
0x26: {  	[smem:$0x3F89] =	sst s1;
	(tag) =	ssettag s2;
	_ =	strace s9  }
0x27: {  	s1 =	sld [smem:$0x3F99]  }
0x28: {  	s2 =	sld [smem:$0x3F9A]  }
0x29: {  	s4 =	sld [smem:$0x3F9C]  }
0x2a: {  	p0 =	seq.s32 s5, $0x0;
	s5 =	sld [smem:$0x3F9D]  }
0x2b: {  	s6 =	sld [smem:$0x3F9E]  }
0x2c: {  	s7 =	sld [smem:$0x3F9F]  }
0x2d: {  	s3 =	simm.s32 $0x108;
	s8 =	sld [smem:$0x3FA0]  }
0x2e: {  	s3 =	simm.s32 @!p0 $0x1082;
	s9 =	sld [smem:$0x3FA1]  }
0x2f: {  	lr =	sadd.s32 s0, s3;
	s0 =	sld [smem:$0x3F98]  }
0x30: {  	s3 =	sld [smem:$0x3F9B]  }
0x31: {  	[smem:$0x3FA4] =	sst s10  }
0x32: {  	s10 =	sld [smem:$0x3FA2];
	_ =	sdelay $0x3  }
0x33: {  	p0 =	seq.s32 s10, $0x1;
	s10 =	sld [smem:$0x3FA4];
	_ =	sdelay $0x3  }
0x34: {  	[smem:$0x3FA4] =	sst s10  }
0x35: {  	s10 =	sld [smem:$0x3FA3];
	_ =	sdelay $0x3  }
0x36: {  	p1 =	seq.s32 s10, $0x1;
	s10 =	sld [smem:$0x3FA4];
	_ =	sdelay $0x3  }
0x37: {  	[smem:$0x3FA4] =	sst s10  }
0x38: {  	s10 =	sld [smem:$0x3FA5]  }
0x39: {  	_ = 	snop;
	(pc) =	sbr.ind lr, $3  }
0x3a: {  	_ = 	snop  }
0x3b: {  	_ = 	snop  }
0x3c: {  	p2 =	seq.s32 s10, $0x1;
	s10 =	sld [smem:$0x3FA4]  }
0x3d: {  	_ =	shalt  }
0x3e: {  	_ =	shalt  }
0x3f: {  	_ =	shalt  }
0x40: {  	_ =	shalt  }
0x41: {  	_ =	shalt  }
0x42: {  	_ =	shalt  }
0x43: {  	_ =	shalt  }
0x44: {  	_ =	shalt  }
0x45: {  	_ =	shalt  }
0x46: {  	_ =	shalt  }
0x47: {  	_ =	shalt  }
0x48: {  	_ =	shalt  }
0x49: {  	_ =	shalt  }
0x4a: {  	_ =	shalt  }
0x4b: {  	_ =	shalt  }
0x4c: {  	_ =	shalt  }
0x4d: {  	_ =	shalt  }
0x4e: {  	_ =	shalt  }
0x4f: {  	_ =	shalt  }
0x50: {  	_ =	shalt  }
0x51: {  	_ =	shalt  }
0x52: {  	_ =	shalt  }
0x53: {  	_ =	shalt  }
0x54: {  	_ =	shalt  }
0x55: {  	_ =	shalt  }
0x56: {  	_ =	shalt  }
0x57: {  	_ =	shalt  }
0x58: {  	_ =	shalt  }
0x59: {  	_ =	shalt  }
0x5a: {  	_ =	shalt  }
0x5b: {  	_ =	shalt  }
0x5c: {  	_ =	shalt  }
0x5d: {  	_ =	shalt  }
0x5e: {  	_ =	shalt  }
0x5f: {  	_ =	shalt  }
0x60: {  	_ =	shalt  }
0x61: {  	_ =	shalt  }
0x62: {  	_ =	shalt  }
0x63: {  	_ =	shalt  }
0x64: {  	_ =	shalt  }
0x65: {  	_ =	shalt  }
0x66: {  	_ =	shalt  }
0x67: {  	_ =	shalt  }
0x68: {  	_ =	shalt  }
0x69: {  	_ =	shalt  }
0x6a: {  	_ =	shalt  }
0x6b: {  	_ =	shalt  }
0x6c: {  	_ =	shalt  }
0x6d: {  	_ =	shalt  }
0x6e: {  	_ =	shalt  }
0x6f: {  	_ =	shalt  }
0x70: {  	_ =	shalt  }
0x71: {  	_ =	shalt  }
0x72: {  	_ =	shalt  }
0x73: {  	_ =	shalt  }
0x74: {  	_ =	shalt  }
0x75: {  	_ =	shalt  }
0x76: {  	_ =	shalt  }
0x77: {  	_ =	shalt  }
0x78: {  	_ =	shalt  }
0x79: {  	_ =	shalt  }
0x7a: {  	_ =	shalt  }
0x7b: {  	_ =	shalt  }
0x7c: {  	_ =	shalt  }
0x7d: {  	_ =	shalt  }
0x7e: {  	_ =	shalt  }
0x7f: {  	_ =	shalt  }
0x80: {  	_ =	shalt  }
0x81: {  	_ =	shalt  }
0x82: {  	_ =	shalt  }
0x83: {  	_ =	shalt  }
0x84: {  	_ =	shalt  }
0x85: {  	_ =	shalt  }
0x86: {  	_ =	shalt  }
0x87: {  	_ =	shalt  }
.Lfunc_end0:
.L_simem_size_0:
called_computation.2_lowered:
.L_overlay_start_0:
0x88: {  	s2 =	sld [smem:$0x3FD9]  }
0x89: {  	s3 =	sld [smem:$0x3FFE];
	_ =	sdelay $0x1  }
0x8a: {  	s1 =	srdreg.scid  }
0x8b: {  	s0 =	sand.u32 $0x1, s1  }
0x8c: {  	s17 =	sshll.u32 s0, $0xA;
	s2 =	sadd.s32 s3, s2  }
0x8d: {  	s2 =	sadd.s32 s2, s17  }
0x8e: {  	[smem:$0x3FB0] =	sst s2  }
0x8f: {  	_ = 	snop  }
0x90: {  	s2 =	sld [smem:$0x3FD0];
	(tm) =	ssettm $0x1  }
0x91: {  	s18 =	sld [smem:$0x3FFB];
	_ =	sdelay $0x3  }
0x92: {  	_ =	strace s18  }
0x93: {  	s3 =	sld [smem:$0x3FFC];
	_ =	sdelay $0x3  }
0x94: {  	_ =	strace s3  }
0x95: {  	s3 =	sld [smem:$0x3FFD];
	_ =	sdelay $0x3  }
0x96: {  	_ =	strace s3  }
0x97: {  	_ =	strace $0x8FFFFFFF  }
0x98: {  	s19 =	sld [smem:$0x3FDB];
	_ =	sdelay $0x1  }
0x99: {  	s4 =	simm.s32 $_scs_section_size  }
0x9a: {  	s5 =	simm.s32 $_size__tile_overlayer_lowered;
	s6 =	simm.s32 $_tile_overlayer_lowered  }
0x9b: {  	s22 =	simm.s32 $0x1BFF;
	s21 =	sshll.u32 s6, $0x1;
	s3 =	sadd.s32 s4, s19  }
0x9c: {  	s7 =	simm.s32 $0x0;
	s20 =	sshll.u32 s5, $0x1;
	s5 =	sadd.s32 s21, s3  }
0x9d: {  	[timem:s7], [sflag:s22] =	dma.local [hbm:s5], s20  }
0x9e: {  	_ =	swait.ge [sflag:s22], s20  }
0x9f: {  	s4 =	ssub.s32 $0x0, s20;
	[sflag:s22] =	ssyncset.done $0x0  }
0xa0: {  	[sflag:s22] =	ssyncadd.s32 s4;
	_ =	sdelay $0x1  }
0xa1: {  	s23 =	simm.s32 $0x1B8B  }
0xa2: {  	_ =	swait.ge [sflag:s23], $0x1  }
0xa3: {  	[sflag:s23] =	ssyncset.done $0x0  }
0xa4: {  	s25 =	simm.s32 $0x1B8E;
	s24 =	sld [smem:$0x3FFE];
	[sflag:s23] =	ssyncadd.s32 $0xFFFFFFFF  }
0xa5: {  	s26 =	simm.s32 $execute0_lowered;
	[smem:$0x3FD2] =	sst s25  }
0xa6: {  	s5 =	sshll.u32 s26, $0x1;
	_ =	strace $0x8000004C;
	[dreg:$0x1] =	wrdreg $0xFFFFFFFF  }
0xa7: {  	s28 =	simm.s32 $_size_execute0_lowered;
	s3 =	sadd.s32 s3, s5;
	[dreg:$0x0] =	wrdreg $0x0  }
0xa8: {  	s5 =	sshll.u32 s28, $0x1;
	[dreg:$0x2] =	wrdreg s3  }
0xa9: {  	[dreg:$0x3] =	wrdreg s5  }
0xaa: {  	[dreg:$0x4] =	wrdreg $0xC0  }
0xab: {  	_ =	task [dreg:s7], $0x5FFFF  }
0xac: {  	[dreg:$0x1] =	wrdreg $0xFFFFFFFF  }
0xad: {  	[dreg:$0x0] =	wrdreg $0x60  }
0xae: {  	[dreg:$0x2] =	wrdreg s24  }
0xaf: {  	[dreg:$0x3] =	wrdreg s2  }
0xb0: {  	[dreg:$0x4] =	wrdreg $0x0  }
0xb1: {  	[dreg:$0x5] =	wrdreg $0x9  }
0xb2: {  	_ =	task.clear_ibuf [dreg:s7], $0x6FFFF;
	_ =	strace $0x9000004C  }
0xb3: {  	s29 =	simm.s32 $0x9;
	_ =	strace $0x8000004E  }
0xb4: {  	_ =	swait.ge [sflag:s29], $0x1  }
0xb5: {  	[sflag:s29] =	ssyncadd.s32 $0xFFFFFFFF  }
0xb6: {  	_ =	strace $0x9000004E  }
0xb7: {  	_ =	sfence  }
0xb8: {  	s30 =	sld [smem:$0x0];
	_ =	sdelay $0x2  }
0xb9: {  	s31 =	sshll.u32 s1, $0xD;
	s1 =	sshrl.u32 s1, $0x2  }
0xba: {  	s3 =	sand.u32 $0x4000, s31;
	s1 =	sadd.s32 s1, s30  }
0xbb: {  	s0 =	sor.u32 s3, s0;
	s1 =	sshll.u32 s1, $0x11  }
0xbc: {  	s0 =	sor.u32 s1, s0  }
0xbd: {  	s0 =	sadd.s32 $0x8F2B, s0  }
0xbe: {  	[sflag:s0] =	ssyncadd.remote.s32 $0x1  }
0xbf: {  	_ =	sfence.sel $0xFFFF  }
0xc0: {  	[dreg:$0x0] =	wrdreg $0xFFFFFFFF;
	(pc) =	sbr.abs _section_cstart, $3  }
0xc1: {  	[dreg:$0x1] =	wrdreg $0xFFFFFFFF  }
0xc2: {  	_ =	task.clear_ibuf [dreg:s7], $0x2FFFF;
	_ =	strace $0x9FFFFFFF  }
0xc3: {  	(tm) =	ssettm $0x7FFFFFFF  }
tec
execute0_lowered:
.L_overlay_start_1:
0x0: {  	(tag) =	ssettag $0x1  }
0x1: {  	s0 =	rddreg [dreg:$0x0]  }
0x2: {  	s1 =	srdreg.scid;
	s3 =	rddreg [dreg:$0x1]  }
0x3: {  	s11 =	stileid.u32;
	s2 =	rddreg [dreg:$0x2];
	s7 =	simm.s32 $0x0  }
0x4: {  	s28 =	simm.s32 $0x1;
	s29 =	simm.s32 $0x2;
	s5 =	smul.u32 $0x2710, s11  }
0x5: {  	s30 =	simm.s32 $0x3;
	s31 =	simm.s32 $0x4;
	s19 =	smul.u32 $0x14000, s11  }
0x6: {  	s1 =	sand.u32 $0x1, s1;
	[smem:$0x7FF] =	sst s7;
	s20 =	smul.u32 $0x50000, s11  }
0x7: {  	s22 =	sshll.u32 s11, $0x6;
	s12 =	sadd.s32 $0x5AF00, s0;
	s4 =	smul.u32 $0x27100, s1  }
0x8: {  	s16 =	sadd.s32 $0x82000, s0;
	s6 =	smul.u32 $0x3C0000, s1;
	s1 =	ssub.s32 $0x2, s1  }
0x9: {  	_ =	strace $0x8000004D;
	s21 =	sshrl.u32 s1, $0x1;
	s7 =	sshrl.u32 s20, $0x2  }
0xa: {  	s20 =	simm.s32 $0x5;
	s5 =	sadd.s32 s5, s4;
	s4 =	sadd.s32 $0x33E00, s0  }
0xb: {  	s6 =	sadd.s32 s19, s6;
	s1 =	ssub.s32 s1, s21;
	s7 =	sadd.s32 s7, s2  }
0xc: {  	s21 =	simm.s32 $0x19000;
	s8 =	sshrl.u32 s5, $0x3;
	s5 =	sadd.s32 $0xA9200, s0  }
0xd: {  	s6 =	sshrl.u32 s6, $0x3;
	s18 =	smax.u32 s1, $0x1;
	s19 =	sshrl.u32 s7, $0x3  }
0xe: {  	s1 =	simm.s32 $0x1DDA0;
	s7 =	simm.s32 $0x1DE40;
	s9 =	sadd.s32 s8, s0  }
0xf: {  	s10 =	sadd.s32 s6, s0;
	s6 =	sor.u32 $0x1C05, s22;
	s3 =	sadd.s32 s3, s8  }
0x10: {  	s22 =	simm.s32 $0x1B780;
	s0 =	simm.s32 $0x1DDF0;
	s8 =	simm.s32 $0x0  }
0x11: {  	s23 =	sadd.s32 $0x2800, s9;
	[dreg:$0x5] =	wrdreg s3;
	s24 =	sadd.s32 $0xABA00, s10  }
0x12: {  	s25 =	sadd.s32 $0x20200, s9;
	s26 =	sadd.s32 $0x2A000, s9;
	[dreg:$0x4] =	wrdreg s23  }
0x13: {  	s13 =	sadd.s32 $0xD3A00, s10;
	s14 =	sadd.s32 $0x16400, s9;
	[dreg:$0x6] =	wrdreg s24  }
0x14: {  	s15 =	sadd.s32 $0xC600, s9;
	s17 =	sadd.s32 $0xFBA00, s10;
	[dreg:$0x7] =	wrdreg s25  }
0x15: {  	s3 =	simm.s32 $0x1B6C0;
	[dreg:$0x8] =	wrdreg s26;
	s23 =	simm.s32 $0x50  }
0x16: {  	s24 =	simm.s32 $0x14000;
	s25 =	simm.s32 $0x19050;
	s26 =	simm.s32 $0x16800  }
.LBB2_1:
0x17: {  	[spmem:s19], [sflag:s6] =	dma.local [hbm:s5], $0x2800  }
0x18: {  	_ =	swait.ge [sflag:s20], $0x2800  }
0x19: {  	[sflag:s20] =	ssyncset.done $0x0  }
0x1a: {  	s9 =	simm.s32 $0x0;
	s10 =	rddreg [dreg:$0x4];
	[sflag:s20] =	ssyncadd.s32 $0xFFFFD800  }
0x1b: {  	[tilespmem:s21], [sflag:$0x5] =	stream.linear.gather [hbm4b:s10+s9], $0x2710, $0x38;
	[tilespmem:$0x1DF00] =	vst v63  }
0x1c: {  	_ =	swait.ge [sflag:s20], $0x2710  }
0x1d: {  	[sflag:s20] =	ssyncset.done $0x0  }
0x1e: {  	s11 =	rddreg [dreg:$0x5];
	[sflag:s20] =	ssyncadd.s32 $0xFFFFD8F0  }
0x1f: {  	[tilespmem:s22], [sflag:$0x5] =	stream.linear.gather [hbm4b:s11+s9], $0x2710, $0x38;
	[tilespmem:$0x1DF00] =	vst v63  }
0x20: {  	_ =	swait.ge [sflag:s20], $0x2710  }
0x21: {  	[sflag:s20] =	ssyncset.done $0x0  }
0x22: {  	[sflag:s20] =	ssyncadd.s32 $0xFFFFD8F0  }
0x23: {  	[bflag:$0x0] =	sbarrier.arrive $0xFFFF  }
0x24: {  	[tilespmem:s24], [sflag:$0x1] =	stream.indirect.gather [hbm4b:s4+s23], $0x80, s21, s23, $0xb8;
	[tilespmem:$0x1DF00] =	vst v63  }
0x25: {  	_ = 	snop  }
0x26: {  	[tilespmem:s26], [sflag:$0x2] =	stream.indirect.gather [hbm4b:s4+s23], $0x80, s25, s23, $0xb8;
	[tilespmem:$0x1DF00] =	vst v63  }
0x27: {  	_ =	swait.ge [sflag:s28], $0x2800  }
0x28: {  	[sflag:s28] =	ssyncset.done $0x0  }
0x29: {  	s11 =	simm.s32 $0x1B780;
	[sflag:s28] =	ssyncadd.s32 $0xFFFFD800  }
0x2a: {  	[spmem:s2] =	stream.indirect.scatter.add.f32 [tilespmem:s24], [sflag:$0x3], $0x80, s11, s23, $0xb8;
	[tilespmem:$0x1DF00] =	vst v63  }
0x2b: {  	_ =	swait.ge [sflag:s29], $0x2800  }
0x2c: {  	[sflag:s29] =	ssyncset.done $0x0  }
0x2d: {  	s10 =	simm.s32 $0x1B7D0;
	[sflag:s29] =	ssyncadd.s32 $0xFFFFD800  }
0x2e: {  	[spmem:s2] =	stream.indirect.scatter.add.f32 [tilespmem:s26], [sflag:$0x4], $0x80, s10, s23, $0xb8;
	[tilespmem:$0x1DF00] =	vst v63  }
0x2f: {  	_ =	swait.ge [sflag:s30], $0x2800  }
0x30: {  	[sflag:s30] =	ssyncset.done $0x0  }
0x31: {  	s11 =	simm.s32 $0x190A0;
	[sflag:s30] =	ssyncadd.s32 $0xFFFFD800  }
0x32: {  	[tilespmem:s24], [sflag:$0x1] =	stream.indirect.gather [hbm4b:s4+s23], $0x80, s11, s23, $0xb8;
	[tilespmem:$0x1DF00] =	vst v63  }
0x33: {  	_ =	swait.ge [sflag:s31], $0x2800  }
0x34: {  	[sflag:s31] =	ssyncset.done $0x0  }
0x35: {  	s9 =	simm.s32 $0x280;
	s10 =	simm.s32 $0x190F0;
	[sflag:s31] =	ssyncadd.s32 $0xFFFFD800  }
.LBB2_2:
0x36: {  	[tilespmem:s26], [sflag:$0x2] =	stream.indirect.gather [hbm4b:s4+s23], $0x80, s10, s23, $0xb8;
	[tilespmem:$0x1DF00] =	vst v63  }
0x37: {  	s10 =	smov.u32 s9  }
0x38: {  	p0 =	sne.s32 s9, $0x9600;
	s9 =	sadd.s32 $0x280, s9;
	_ =	swait.ge [sflag:s28], $0x2800  }
0x39: {  	s10 =	sshra.s32 s10, $0x2;
	[sflag:s28] =	ssyncset.done $0x0  }
0x3a: {  	s11 =	sadd.s32 $0x1B780, s10;
	[sflag:s28] =	ssyncadd.s32 $0xFFFFD800  }
0x3b: {  	[spmem:s2] =	stream.indirect.scatter.add.f32 [tilespmem:s24], [sflag:$0x3], $0x80, s11, s23, $0xb8;
	[tilespmem:$0x1DF00] =	vst v63  }
0x3c: {  	_ =	swait.ge [sflag:s29], $0x2800  }
0x3d: {  	[sflag:s29] =	ssyncset.done $0x0  }
0x3e: {  	s11 =	sadd.s32 $0x1B7D0, s10;
	[sflag:s29] =	ssyncadd.s32 $0xFFFFD800  }
0x3f: {  	[spmem:s2] =	stream.indirect.scatter.add.f32 [tilespmem:s26], [sflag:$0x4], $0x80, s11, s23, $0xb8;
	[tilespmem:$0x1DF00] =	vst v63  }
0x40: {  	_ =	swait.ge [sflag:s30], $0x2800  }
0x41: {  	[sflag:s30] =	ssyncset.done $0x0  }
.Ltmp0:
0x42: {  	s11 =	sadd.s32 $0x190A0, s10;
	[sflag:s30] =	ssyncadd.s32 $0xFFFFD800;
	(pc) =	sbr.rel @p0 .LBB2_2-.Ltmp0, $4  }
0x43: {  	[tilespmem:s24], [sflag:$0x1] =	stream.indirect.gather [hbm4b:s4+s23], $0x80, s11, s23, $0xb8;
	[tilespmem:$0x1DF00] =	vst v63  }
0x44: {  	_ =	swait.ge [sflag:s31], $0x2800  }
0x45: {  	[sflag:s31] =	ssyncset.done $0x0  }
0x46: {  	s10 =	sadd.s32 $0x190F0, s10;
	[sflag:s31] =	ssyncadd.s32 $0xFFFFD800  }
0x47: {  	[tilespmem:s26], [sflag:$0x2] =	stream.indirect.gather [hbm4b:s4+s23], $0x80, s10, s23, $0xb8;
	[tilespmem:$0x1DF00] =	vst v63  }
0x48: {  	_ =	swait.ge [sflag:s28], $0x2800  }
0x49: {  	[sflag:s28] =	ssyncset.done $0x0  }
0x4a: {  	[sflag:s28] =	ssyncadd.s32 $0xFFFFD800  }
0x4b: {  	[spmem:s2] =	stream.indirect.scatter.add.f32 [tilespmem:s24], [sflag:$0x3], $0x80, s1, s23, $0xb8;
	[tilespmem:$0x1DF00] =	vst v63  }
0x4c: {  	_ =	swait.ge [sflag:s29], $0x2800  }
0x4d: {  	[sflag:s29] =	ssyncset.done $0x0  }
0x4e: {  	[sflag:s29] =	ssyncadd.s32 $0xFFFFD800  }
0x4f: {  	[spmem:s2] =	stream.indirect.scatter.add.f32 [tilespmem:s26], [sflag:$0x4], $0x80, s0, s23, $0xb8;
	[tilespmem:$0x1DF00] =	vst v63  }
0x50: {  	_ =	swait.ge [sflag:s30], $0x2800  }
0x51: {  	[sflag:s30] =	ssyncset.done $0x0  }
0x52: {  	[sflag:s30] =	ssyncadd.s32 $0xFFFFD800  }
0x53: {  	[tilespmem:s24], [sflag:$0x1] =	stream.indirect.gather [hbm4b:s4+s23], $0x80, s3, s23, $0xb8;
	[tilespmem:$0x1DF00] =	vst v63  }
0x54: {  	_ =	swait.ge [sflag:s31], $0x2800  }
0x55: {  	[sflag:s31] =	ssyncset.done $0x0  }
0x56: {  	[sflag:s31] =	ssyncadd.s32 $0xFFFFD800  }
0x57: {  	_ =	swait.ge [sflag:s28], $0x2800  }
0x58: {  	[sflag:s28] =	ssyncset.done $0x0  }
0x59: {  	[sflag:s28] =	ssyncadd.s32 $0xFFFFD800  }
0x5a: {  	[spmem:s2] =	stream.indirect.scatter.add.f32 [tilespmem:s24], [sflag:$0x3], $0x80, s7, s23, $0xb8;
	[tilespmem:$0x1DF00] =	vst v63  }
0x5b: {  	_ =	swait.ge [sflag:s30], $0x2800  }
0x5c: {  	[sflag:s30] =	ssyncset.done $0x0  }
0x5d: {  	[sflag:s30] =	ssyncadd.s32 $0xFFFFD800  }
0x5e: {  	[bflag:$0x0] =	sbarrier.arrive $0xFFFF  }
0x5f: {  	s9 =	rddreg [dreg:$0x6]  }
0x60: {  	[hbm:s9], [sflag:s6] =	dma.local [spmem:s19], $0x2800  }
0x61: {  	_ =	swait.ge [sflag:s20], $0x2800  }
0x62: {  	[sflag:s20] =	ssyncset.done $0x0  }
0x63: {  	[sflag:s20] =	ssyncadd.s32 $0xFFFFD800  }
0x64: {  	[bflag:$0x0] =	sbarrier.arrive $0xFFFF  }
0x65: {  	[spmem:s19], [sflag:s6] =	dma.local [hbm:s5], $0x2800  }
0x66: {  	_ =	swait.ge [sflag:s20], $0x2800  }
0x67: {  	[sflag:s20] =	ssyncset.done $0x0  }
0x68: {  	s9 =	simm.s32 $0x0;
	s11 =	rddreg [dreg:$0x7];
	[sflag:s20] =	ssyncadd.s32 $0xFFFFD800  }
0x69: {  	[tilespmem:s21], [sflag:$0x5] =	stream.linear.gather [hbm4b:s11+s9], $0x2710, $0x38;
	[tilespmem:$0x1DF00] =	vst v63  }
0x6a: {  	_ =	swait.ge [sflag:s20], $0x2710  }
0x6b: {  	[sflag:s20] =	ssyncset.done $0x0  }
0x6c: {  	s11 =	rddreg [dreg:$0x8];
	[sflag:s20] =	ssyncadd.s32 $0xFFFFD8F0  }
0x6d: {  	[tilespmem:s22], [sflag:$0x5] =	stream.linear.gather [hbm4b:s11+s9], $0x2710, $0x38;
	[tilespmem:$0x1DF00] =	vst v63  }
0x6e: {  	_ =	swait.ge [sflag:s20], $0x2710  }
0x6f: {  	[sflag:s20] =	ssyncset.done $0x0  }
0x70: {  	[sflag:s20] =	ssyncadd.s32 $0xFFFFD8F0  }
0x71: {  	[bflag:$0x0] =	sbarrier.arrive $0xFFFF  }
0x72: {  	[tilespmem:s24], [sflag:$0x1] =	stream.indirect.gather [hbm4b:s12+s23], $0x80, s21, s23, $0xb8;
	[tilespmem:$0x1DF00] =	vst v63  }
0x73: {  	_ = 	snop  }
0x74: {  	[tilespmem:s26], [sflag:$0x2] =	stream.indirect.gather [hbm4b:s12+s23], $0x80, s25, s23, $0xb8;
	[tilespmem:$0x1DF00] =	vst v63  }
0x75: {  	_ =	swait.ge [sflag:s28], $0x2800  }
0x76: {  	[sflag:s28] =	ssyncset.done $0x0  }
0x77: {  	s11 =	simm.s32 $0x1B780;
	[sflag:s28] =	ssyncadd.s32 $0xFFFFD800  }
0x78: {  	[spmem:s2] =	stream.indirect.scatter.add.f32 [tilespmem:s24], [sflag:$0x3], $0x80, s11, s23, $0xb8;
	[tilespmem:$0x1DF00] =	vst v63  }
0x79: {  	_ =	swait.ge [sflag:s29], $0x2800  }
0x7a: {  	[sflag:s29] =	ssyncset.done $0x0  }
0x7b: {  	s10 =	simm.s32 $0x1B7D0;
	[sflag:s29] =	ssyncadd.s32 $0xFFFFD800  }
0x7c: {  	[spmem:s2] =	stream.indirect.scatter.add.f32 [tilespmem:s26], [sflag:$0x4], $0x80, s10, s23, $0xb8;
	[tilespmem:$0x1DF00] =	vst v63  }
0x7d: {  	_ =	swait.ge [sflag:s30], $0x2800  }
0x7e: {  	[sflag:s30] =	ssyncset.done $0x0  }
0x7f: {  	s11 =	simm.s32 $0x190A0;
	[sflag:s30] =	ssyncadd.s32 $0xFFFFD800  }
0x80: {  	[tilespmem:s24], [sflag:$0x1] =	stream.indirect.gather [hbm4b:s12+s23], $0x80, s11, s23, $0xb8;
	[tilespmem:$0x1DF00] =	vst v63  }
0x81: {  	_ =	swait.ge [sflag:s31], $0x2800  }
0x82: {  	[sflag:s31] =	ssyncset.done $0x0  }
0x83: {  	s9 =	simm.s32 $0x280;
	s10 =	simm.s32 $0x190F0;
	[sflag:s31] =	ssyncadd.s32 $0xFFFFD800  }
.LBB2_4:
0x84: {  	[tilespmem:s26], [sflag:$0x2] =	stream.indirect.gather [hbm4b:s12+s23], $0x80, s10, s23, $0xb8;
	[tilespmem:$0x1DF00] =	vst v63  }
0x85: {  	s10 =	smov.u32 s9  }
0x86: {  	p0 =	sne.s32 s9, $0x9600;
	s9 =	sadd.s32 $0x280, s9;
	_ =	swait.ge [sflag:s28], $0x2800  }
0x87: {  	s10 =	sshra.s32 s10, $0x2;
	[sflag:s28] =	ssyncset.done $0x0  }
0x88: {  	s11 =	sadd.s32 $0x1B780, s10;
	[sflag:s28] =	ssyncadd.s32 $0xFFFFD800  }
0x89: {  	[spmem:s2] =	stream.indirect.scatter.add.f32 [tilespmem:s24], [sflag:$0x3], $0x80, s11, s23, $0xb8;
	[tilespmem:$0x1DF00] =	vst v63  }
0x8a: {  	_ =	swait.ge [sflag:s29], $0x2800  }
0x8b: {  	[sflag:s29] =	ssyncset.done $0x0  }
0x8c: {  	s11 =	sadd.s32 $0x1B7D0, s10;
	[sflag:s29] =	ssyncadd.s32 $0xFFFFD800  }
0x8d: {  	[spmem:s2] =	stream.indirect.scatter.add.f32 [tilespmem:s26], [sflag:$0x4], $0x80, s11, s23, $0xb8;
	[tilespmem:$0x1DF00] =	vst v63  }
0x8e: {  	_ =	swait.ge [sflag:s30], $0x2800  }
0x8f: {  	[sflag:s30] =	ssyncset.done $0x0  }
.Ltmp1:
0x90: {  	s11 =	sadd.s32 $0x190A0, s10;
	[sflag:s30] =	ssyncadd.s32 $0xFFFFD800;
	(pc) =	sbr.rel @p0 .LBB2_4-.Ltmp1, $4  }
0x91: {  	[tilespmem:s24], [sflag:$0x1] =	stream.indirect.gather [hbm4b:s12+s23], $0x80, s11, s23, $0xb8;
	[tilespmem:$0x1DF00] =	vst v63  }
0x92: {  	_ =	swait.ge [sflag:s31], $0x2800  }
0x93: {  	[sflag:s31] =	ssyncset.done $0x0  }
0x94: {  	s10 =	sadd.s32 $0x190F0, s10;
	[sflag:s31] =	ssyncadd.s32 $0xFFFFD800  }
0x95: {  	[tilespmem:s26], [sflag:$0x2] =	stream.indirect.gather [hbm4b:s12+s23], $0x80, s10, s23, $0xb8;
	[tilespmem:$0x1DF00] =	vst v63  }
0x96: {  	_ =	swait.ge [sflag:s28], $0x2800  }
0x97: {  	[sflag:s28] =	ssyncset.done $0x0  }
0x98: {  	[sflag:s28] =	ssyncadd.s32 $0xFFFFD800  }
0x99: {  	[spmem:s2] =	stream.indirect.scatter.add.f32 [tilespmem:s24], [sflag:$0x3], $0x80, s1, s23, $0xb8;
	[tilespmem:$0x1DF00] =	vst v63  }
0x9a: {  	_ =	swait.ge [sflag:s29], $0x2800  }
0x9b: {  	[sflag:s29] =	ssyncset.done $0x0  }
0x9c: {  	[sflag:s29] =	ssyncadd.s32 $0xFFFFD800  }
0x9d: {  	[spmem:s2] =	stream.indirect.scatter.add.f32 [tilespmem:s26], [sflag:$0x4], $0x80, s0, s23, $0xb8;
	[tilespmem:$0x1DF00] =	vst v63  }
0x9e: {  	_ =	swait.ge [sflag:s30], $0x2800  }
0x9f: {  	[sflag:s30] =	ssyncset.done $0x0  }
0xa0: {  	[sflag:s30] =	ssyncadd.s32 $0xFFFFD800  }
0xa1: {  	[tilespmem:s24], [sflag:$0x1] =	stream.indirect.gather [hbm4b:s12+s23], $0x80, s3, s23, $0xb8;
	[tilespmem:$0x1DF00] =	vst v63  }
0xa2: {  	_ =	swait.ge [sflag:s31], $0x2800  }
0xa3: {  	[sflag:s31] =	ssyncset.done $0x0  }
0xa4: {  	[sflag:s31] =	ssyncadd.s32 $0xFFFFD800  }
0xa5: {  	_ =	swait.ge [sflag:s28], $0x2800  }
0xa6: {  	[sflag:s28] =	ssyncset.done $0x0  }
0xa7: {  	[sflag:s28] =	ssyncadd.s32 $0xFFFFD800  }
0xa8: {  	[spmem:s2] =	stream.indirect.scatter.add.f32 [tilespmem:s24], [sflag:$0x3], $0x80, s7, s23, $0xb8;
	[tilespmem:$0x1DF00] =	vst v63  }
0xa9: {  	_ =	swait.ge [sflag:s30], $0x2800  }
0xaa: {  	[sflag:s30] =	ssyncset.done $0x0  }
0xab: {  	[sflag:s30] =	ssyncadd.s32 $0xFFFFD800  }
0xac: {  	[bflag:$0x0] =	sbarrier.arrive $0xFFFF  }
0xad: {  	[hbm:s13], [sflag:s6] =	dma.local [spmem:s19], $0x2800  }
0xae: {  	_ =	swait.ge [sflag:s20], $0x2800  }
0xaf: {  	[sflag:s20] =	ssyncset.done $0x0  }
0xb0: {  	[sflag:s20] =	ssyncadd.s32 $0xFFFFD800  }
0xb1: {  	[bflag:$0x0] =	sbarrier.arrive $0xFFFF  }
0xb2: {  	[spmem:s19], [sflag:s6] =	dma.local [hbm:s5], $0x2800  }
0xb3: {  	_ =	swait.ge [sflag:s20], $0x2800  }
0xb4: {  	[sflag:s20] =	ssyncset.done $0x0  }
0xb5: {  	s9 =	simm.s32 $0x0;
	[sflag:s20] =	ssyncadd.s32 $0xFFFFD800  }
0xb6: {  	[tilespmem:s21], [sflag:$0x5] =	stream.linear.gather [hbm4b:s14+s9], $0x2710, $0x38;
	[tilespmem:$0x1DF00] =	vst v63  }
0xb7: {  	_ =	swait.ge [sflag:s20], $0x2710  }
0xb8: {  	[sflag:s20] =	ssyncset.done $0x0  }
0xb9: {  	[sflag:s20] =	ssyncadd.s32 $0xFFFFD8F0  }
0xba: {  	[tilespmem:s22], [sflag:$0x5] =	stream.linear.gather [hbm4b:s15+s9], $0x2710, $0x38;
	[tilespmem:$0x1DF00] =	vst v63  }
0xbb: {  	_ =	swait.ge [sflag:s20], $0x2710  }
0xbc: {  	[sflag:s20] =	ssyncset.done $0x0  }
0xbd: {  	[sflag:s20] =	ssyncadd.s32 $0xFFFFD8F0  }
0xbe: {  	[bflag:$0x0] =	sbarrier.arrive $0xFFFF  }
0xbf: {  	[tilespmem:s24], [sflag:$0x1] =	stream.indirect.gather [hbm4b:s16+s23], $0x80, s21, s23, $0xb8;
	[tilespmem:$0x1DF00] =	vst v63  }
0xc0: {  	_ = 	snop  }
0xc1: {  	[tilespmem:s26], [sflag:$0x2] =	stream.indirect.gather [hbm4b:s16+s23], $0x80, s25, s23, $0xb8;
	[tilespmem:$0x1DF00] =	vst v63  }
0xc2: {  	_ =	swait.ge [sflag:s28], $0x2800  }
0xc3: {  	[sflag:s28] =	ssyncset.done $0x0  }
0xc4: {  	s11 =	simm.s32 $0x1B780;
	[sflag:s28] =	ssyncadd.s32 $0xFFFFD800  }
0xc5: {  	[spmem:s2] =	stream.indirect.scatter.add.f32 [tilespmem:s24], [sflag:$0x3], $0x80, s11, s23, $0xb8;
	[tilespmem:$0x1DF00] =	vst v63  }
0xc6: {  	_ =	swait.ge [sflag:s29], $0x2800  }
0xc7: {  	[sflag:s29] =	ssyncset.done $0x0  }
0xc8: {  	s10 =	simm.s32 $0x1B7D0;
	[sflag:s29] =	ssyncadd.s32 $0xFFFFD800  }
0xc9: {  	[spmem:s2] =	stream.indirect.scatter.add.f32 [tilespmem:s26], [sflag:$0x4], $0x80, s10, s23, $0xb8;
	[tilespmem:$0x1DF00] =	vst v63  }
0xca: {  	_ =	swait.ge [sflag:s30], $0x2800  }
0xcb: {  	[sflag:s30] =	ssyncset.done $0x0  }
0xcc: {  	s11 =	simm.s32 $0x190A0;
	[sflag:s30] =	ssyncadd.s32 $0xFFFFD800  }
0xcd: {  	[tilespmem:s24], [sflag:$0x1] =	stream.indirect.gather [hbm4b:s16+s23], $0x80, s11, s23, $0xb8;
	[tilespmem:$0x1DF00] =	vst v63  }
0xce: {  	_ =	swait.ge [sflag:s31], $0x2800  }
0xcf: {  	[sflag:s31] =	ssyncset.done $0x0  }
0xd0: {  	s9 =	simm.s32 $0x280;
	s10 =	simm.s32 $0x190F0;
	[sflag:s31] =	ssyncadd.s32 $0xFFFFD800  }
.LBB2_6:
0xd1: {  	[tilespmem:s26], [sflag:$0x2] =	stream.indirect.gather [hbm4b:s16+s23], $0x80, s10, s23, $0xb8;
	[tilespmem:$0x1DF00] =	vst v63  }
0xd2: {  	s10 =	smov.u32 s9  }
0xd3: {  	p0 =	sne.s32 s9, $0x9600;
	s9 =	sadd.s32 $0x280, s9;
	_ =	swait.ge [sflag:s28], $0x2800  }
0xd4: {  	s10 =	sshra.s32 s10, $0x2;
	[sflag:s28] =	ssyncset.done $0x0  }
0xd5: {  	s11 =	sadd.s32 $0x1B780, s10;
	[sflag:s28] =	ssyncadd.s32 $0xFFFFD800  }
0xd6: {  	[spmem:s2] =	stream.indirect.scatter.add.f32 [tilespmem:s24], [sflag:$0x3], $0x80, s11, s23, $0xb8;
	[tilespmem:$0x1DF00] =	vst v63  }
0xd7: {  	_ =	swait.ge [sflag:s29], $0x2800  }
0xd8: {  	[sflag:s29] =	ssyncset.done $0x0  }
0xd9: {  	s11 =	sadd.s32 $0x1B7D0, s10;
	[sflag:s29] =	ssyncadd.s32 $0xFFFFD800  }
0xda: {  	[spmem:s2] =	stream.indirect.scatter.add.f32 [tilespmem:s26], [sflag:$0x4], $0x80, s11, s23, $0xb8;
	[tilespmem:$0x1DF00] =	vst v63  }
0xdb: {  	_ =	swait.ge [sflag:s30], $0x2800  }
0xdc: {  	[sflag:s30] =	ssyncset.done $0x0  }
.Ltmp2:
0xdd: {  	s11 =	sadd.s32 $0x190A0, s10;
	[sflag:s30] =	ssyncadd.s32 $0xFFFFD800;
	(pc) =	sbr.rel @p0 .LBB2_6-.Ltmp2, $4  }
0xde: {  	[tilespmem:s24], [sflag:$0x1] =	stream.indirect.gather [hbm4b:s16+s23], $0x80, s11, s23, $0xb8;
	[tilespmem:$0x1DF00] =	vst v63  }
0xdf: {  	_ =	swait.ge [sflag:s31], $0x2800  }
0xe0: {  	[sflag:s31] =	ssyncset.done $0x0  }
0xe1: {  	s10 =	sadd.s32 $0x190F0, s10;
	[sflag:s31] =	ssyncadd.s32 $0xFFFFD800  }
0xe2: {  	[tilespmem:s26], [sflag:$0x2] =	stream.indirect.gather [hbm4b:s16+s23], $0x80, s10, s23, $0xb8;
	[tilespmem:$0x1DF00] =	vst v63  }
0xe3: {  	_ =	swait.ge [sflag:s28], $0x2800  }
0xe4: {  	[sflag:s28] =	ssyncset.done $0x0  }
0xe5: {  	[sflag:s28] =	ssyncadd.s32 $0xFFFFD800  }
0xe6: {  	[spmem:s2] =	stream.indirect.scatter.add.f32 [tilespmem:s24], [sflag:$0x3], $0x80, s1, s23, $0xb8;
	[tilespmem:$0x1DF00] =	vst v63  }
0xe7: {  	_ =	swait.ge [sflag:s29], $0x2800  }
0xe8: {  	[sflag:s29] =	ssyncset.done $0x0  }
0xe9: {  	[sflag:s29] =	ssyncadd.s32 $0xFFFFD800  }
0xea: {  	[spmem:s2] =	stream.indirect.scatter.add.f32 [tilespmem:s26], [sflag:$0x4], $0x80, s0, s23, $0xb8;
	[tilespmem:$0x1DF00] =	vst v63  }
0xeb: {  	_ =	swait.ge [sflag:s30], $0x2800  }
0xec: {  	[sflag:s30] =	ssyncset.done $0x0  }
0xed: {  	[sflag:s30] =	ssyncadd.s32 $0xFFFFD800  }
0xee: {  	[tilespmem:s24], [sflag:$0x1] =	stream.indirect.gather [hbm4b:s16+s23], $0x80, s3, s23, $0xb8;
	[tilespmem:$0x1DF00] =	vst v63  }
0xef: {  	_ =	swait.ge [sflag:s31], $0x2800  }
0xf0: {  	[sflag:s31] =	ssyncset.done $0x0  }
0xf1: {  	[sflag:s31] =	ssyncadd.s32 $0xFFFFD800  }
0xf2: {  	_ =	swait.ge [sflag:s28], $0x2800  }
0xf3: {  	[sflag:s28] =	ssyncset.done $0x0  }
0xf4: {  	[sflag:s28] =	ssyncadd.s32 $0xFFFFD800  }
0xf5: {  	[spmem:s2] =	stream.indirect.scatter.add.f32 [tilespmem:s24], [sflag:$0x3], $0x80, s7, s23, $0xb8;
	[tilespmem:$0x1DF00] =	vst v63  }
0xf6: {  	_ =	swait.ge [sflag:s30], $0x2800  }
0xf7: {  	[sflag:s30] =	ssyncset.done $0x0  }
0xf8: {  	s8 =	sadd.s32 $0x1, s8;
	[sflag:s30] =	ssyncadd.s32 $0xFFFFD800  }
0xf9: {  	p0 =	sne.s32 s8, s18;
	[bflag:$0x0] =	sbarrier.arrive $0xFFFF  }
0xfa: {  	[hbm:s17], [sflag:s6] =	dma.local [spmem:s19], $0x2800  }
.Ltmp3:
0xfb: {  	_ =	swait.ge [sflag:s20], $0x2800;
	(pc) =	sbr.rel @p0 .LBB2_1-.Ltmp3, $3  }
0xfc: {  	[sflag:s20] =	ssyncset.done $0x0  }
0xfd: {  	[sflag:s20] =	ssyncadd.s32 $0xFFFFD800  }
0xfe: {  	[bflag:$0x0] =	sbarrier.arrive $0xFFFF;
	_ =	sdelay $0x1  }
0xff: {  	_ =	sfence.sel $0x180000  }
0x100: {  	[bflag:$0x0] =	sbarrier.arrive $0xFFFF  }
0x101: {  	_ =	strace $0x9000004D  }
0x102: {  	s0 =	stileid.u32;
	[bflag:$0x2] =	sbarrier.arrive $0xFFFF  }
0x103: {  	p0 =	sne.s32 s0, $0x0;
	s0 =	rddreg [dreg:$0x3]  }
0x104: {  	s0 =	sadd.s32 @!p0 $0x100000, s0  }
0x105: {  	[sflag:s0] =	ssyncadd.tile.s32 @!p0 $0x1;
	_ =	shalt  }
.Lfunc_end2:
_tile_overlayer_lowered:
.L_overlay_start_2:
0x106: {  	(tag) =	ssettag $0x2  }
0x107: {  	s0 =	rddreg [dreg:$0x0];
	s2 =	stileid.u32  }
0x108: {  	s1 =	rddreg [dreg:$0x1];
	p0 =	sne.s32 s2, $0x0  }
0x109: {  	s3 =	rddreg [dreg:$0x2];
	[bflag:$0x3] =	sbarrier.arrive $0xFFFF;
	s2 =	simm.s32 @!p0 $0x1C05  }
0x10a: {  	[timem:s3], [sflag:s2] =	dma.local @!p0 [hbm:s0], s1  }
0x10b: {  	s0 =	simm.s32 @!p0 $0x5  }
0x10c: {  	_ =	swait.ge @!p0 [sflag:s0], s1  }
0x10d: {  	s1 =	ssub.s32 @!p0 $0x0, s1;
	[sflag:s0] =	ssyncset.done @!p0 $0x0  }
0x10e: {  	[sflag:s0] =	ssyncadd.s32 @!p0 s1  }
0x10f: {  	[bflag:$0x3] =	sbarrier.arrive $0xFFFF  }
0x110: {  	_ =	shalt  }

</sc_bundles>
